<compile_context>
chip_gen: v7x
topology: tpu7x:2x2x1
jax: 0.10.2.dev20260603
libtpu: 0.0.44.dev20260713+nightly
codegen_flags: <defaults>
</compile_context>

<pallas_src>
import jax
import jax.numpy as jnp
from jax import lax
from jax.experimental import pallas as pl
from jax.experimental.pallas import tpu as pltpu
from jax.experimental.pallas import tpu_sc as plsc

NUM_MODELS = 1000000
D = 64
BATCH = 16384

NUM_CORES = 2
NUM_SUBCORES = 16
NUM_WORKERS = NUM_CORES * NUM_SUBCORES
B_PER_W = BATCH // NUM_WORKERS
HALF = B_PER_W // 2
IDX_CHUNK = 128
LL_ROWS = (NUM_MODELS + 127) // 128


def _btd_kernel(i_hbm, j_hbm, k_hbm, up_hbm, vp_hbm, llp_hbm,
                o0_hbm, o1_hbm, o2_hbm,
                i_v, j_v, k_v, pi_v, pj_v, pk_v, li_v,
                u_rows, vj_rows, vk_rows,
                t0_v, t1_v, t2_v, idx_sem, gat_sem):
    wid = lax.axis_index("s") * NUM_CORES + lax.axis_index("c")
    base = wid * B_PER_W

    idx_copies = [
        pltpu.async_copy(i_hbm.at[pl.ds(base, B_PER_W)], i_v, idx_sem),
        pltpu.async_copy(j_hbm.at[pl.ds(base, B_PER_W)], j_v, idx_sem),
        pltpu.async_copy(k_hbm.at[pl.ds(base, B_PER_W)], k_v, idx_sem),
    ]
    for cp in idx_copies:
        cp.wait()

    def shift_body(it, carry):
        sl = pl.ds(it * 16, 16)
        pi_v[sl] = lax.shift_right_logical(i_v[sl], 1)
        pj_v[sl] = lax.shift_right_logical(j_v[sl], 1)
        pk_v[sl] = lax.shift_right_logical(k_v[sl], 1)
        li_v[sl] = lax.shift_right_logical(i_v[sl], 7)
        return carry

    lax.fori_loop(0, B_PER_W // 16, shift_body, 0)

    lane = lax.iota(jnp.int32, 16)

    for h in range(2):
        hb = h * HALF
        copies = []
        for c in range(HALF // IDX_CHUNK):
            src = pl.ds(hb + c * IDX_CHUNK, IDX_CHUNK)
            dst = pl.ds(c * IDX_CHUNK, IDX_CHUNK)
            copies.append(pltpu.async_copy(
                up_hbm.at[pi_v.at[src]], u_rows.at[dst], gat_sem))
            copies.append(pltpu.async_copy(
                vp_hbm.at[pj_v.at[src]], vj_rows.at[dst], gat_sem))
            copies.append(pltpu.async_copy(
                vp_hbm.at[pk_v.at[src]], vk_rows.at[dst], gat_sem))
        for cp in copies:
            cp.wait()

        def dot_body(g, carry):
            rows = g * 16 + lane
            mu = i_v[pl.ds(hb + g * 16, 16)]
            mj = j_v[pl.ds(hb + g * 16, 16)]
            mk = k_v[pl.ds(hb + g * 16, 16)]
            cbu = (mu & 1) * D
            cbj = (mj & 1) * D
            cbk = (mk & 1) * D
            sjv = jnp.zeros((16,), jnp.float32)
            skv = jnp.zeros((16,), jnp.float32)
            for d in range(D):
                u_d = plsc.load_gather(u_rows, [rows, cbu + d])
                sjv = sjv + u_d * plsc.load_gather(vj_rows, [rows, cbj + d])
                skv = skv + u_d * plsc.load_gather(vk_rows, [rows, cbk + d])
            t1_v[pl.ds(hb + g * 16, 16)] = sjv
            t2_v[pl.ds(hb + g * 16, 16)] = skv
            return carry

        lax.fori_loop(0, HALF // 16, dot_body, 0)

        ll_copies = []
        for c in range(HALF // IDX_CHUNK):
            src = pl.ds(hb + c * IDX_CHUNK, IDX_CHUNK)
            dst = pl.ds(c * IDX_CHUNK, IDX_CHUNK)
            ll_copies.append(pltpu.async_copy(
                llp_hbm.at[li_v.at[src]], vj_rows.at[dst], gat_sem))
        for cp in ll_copies:
            cp.wait()

        def tie_body(g, carry):
            rows = g * 16 + lane
            sl = pl.ds(hb + g * 16, 16)
            mu = i_v[sl]
            llv = plsc.load_gather(vj_rows, [rows, mu & 127])
            t0_v[sl] = llv + 0.5 * (t1_v[sl] + t2_v[sl])
            return carry

        lax.fori_loop(0, HALF // 16, tie_body, 0)

    pltpu.sync_copy(t0_v, o0_hbm.at[pl.ds(base, B_PER_W)])
    pltpu.sync_copy(t1_v, o1_hbm.at[pl.ds(base, B_PER_W)])
    pltpu.sync_copy(t2_v, o2_hbm.at[pl.ds(base, B_PER_W)])


@jax.jit
def kernel(i, j, k, u_weight, v_weight, log_lambda_weight):
    mesh = plsc.VectorSubcoreMesh(
        core_axis_name="c", subcore_axis_name="s",
        num_cores=NUM_CORES, num_subcores=NUM_SUBCORES)
    out1d = jax.ShapeDtypeStruct((BATCH,), jnp.float32)
    run = pl.kernel(
        _btd_kernel,
        out_type=(out1d, out1d, out1d),
        mesh=mesh,
        compiler_params=pltpu.CompilerParams(
            needs_layout_passes=False, use_tc_tiling_on_sc=True),
        scratch_types=[
            pltpu.VMEM((B_PER_W,), jnp.int32),
            pltpu.VMEM((B_PER_W,), jnp.int32),
            pltpu.VMEM((B_PER_W,), jnp.int32),
            pltpu.VMEM((B_PER_W,), jnp.int32),
            pltpu.VMEM((B_PER_W,), jnp.int32),
            pltpu.VMEM((B_PER_W,), jnp.int32),
            pltpu.VMEM((B_PER_W,), jnp.int32),
            pltpu.VMEM((HALF, 2 * D), jnp.float32),
            pltpu.VMEM((HALF, 2 * D), jnp.float32),
            pltpu.VMEM((HALF, 2 * D), jnp.float32),
            pltpu.VMEM((B_PER_W,), jnp.float32),
            pltpu.VMEM((B_PER_W,), jnp.float32),
            pltpu.VMEM((B_PER_W,), jnp.float32),
            pltpu.SemaphoreType.DMA,
            pltpu.SemaphoreType.DMA,
        ],
    )
    up = u_weight.reshape(NUM_MODELS // 2, 2 * D)
    vp = v_weight.reshape(NUM_MODELS // 2, 2 * D)
    llp = jnp.pad(log_lambda_weight.reshape(-1),
                  (0, LL_ROWS * 128 - NUM_MODELS)).reshape(LL_ROWS, 128)
    t0, t1, t2 = run(i, j, k, up, vp, llp)
    return jnp.stack([t0, t1, t2], axis=1)

# --- scband reference (transcript-rebuilt; emitter-appended) ---
"""Pipeline reference for scband-vector-btd-8538394984996 (READ-ONLY COPY).

The authoritative reference and input builder live on the scoring server;
editing this copy changes nothing except your own understanding.
"""

import jax, jax.numpy as jnp
import numpy as np

NUM_MODELS = 1000000
D = 64
BATCH = 16384

def setup_inputs(seed: int = 0) -> dict:
    key = jax.random.key(seed)
    k_i, k_j, k_k, k_u, k_v = jax.random.split(key, 5)
    i = jax.random.randint(k_i, (BATCH,), 0, NUM_MODELS, dtype=jnp.int64 if jax.config.jax_enable_x64 else jnp.int32)
    j = jax.random.randint(k_j, (BATCH,), 0, NUM_MODELS, dtype=jnp.int64 if jax.config.jax_enable_x64 else jnp.int32)
    k = jax.random.randint(k_k, (BATCH,), 0, NUM_MODELS, dtype=jnp.int64 if jax.config.jax_enable_x64 else jnp.int32)
    u_weight = jax.random.normal(k_u, (NUM_MODELS, D), dtype=jnp.float32) * 0.1
    v_weight = jax.random.normal(k_v, (NUM_MODELS, D), dtype=jnp.float32) * 0.1
    log_lambda_weight = jnp.zeros((NUM_MODELS, 1), dtype=jnp.float32)
    return {"i": i, "j": j, "k": k, "u_weight": u_weight, "v_weight": v_weight, "log_lambda_weight": log_lambda_weight}

def reference(i, j, k, u_weight, v_weight, log_lambda_weight):
    u_i = jnp.take(u_weight, i, axis=0)
    v_j = jnp.take(v_weight, j, axis=0)
    v_k = jnp.take(v_weight, k, axis=0)
    score_j = jnp.sum(u_i * v_j, axis=-1)
    score_k = jnp.sum(u_i * v_k, axis=-1)
    log_lambda_i = jnp.take(log_lambda_weight, i, axis=0)[..., 0]
    tie_logit = log_lambda_i + 0.5 * (score_j + score_k)
    logits = jnp.stack([tie_logit, score_j, score_k], axis=1)
    return logits

if __name__ == "__main__":
    import jax
    _d = setup_inputs()
    print(jax.jit(kernel)(*tuple(_d.values())))

</pallas_src>

<mosaic_0001>
#map = affine_map<(d0, d1) -> (0)>
#map1 = affine_map<(d0, d1) -> (0, 0)>
module attributes {stable_mosaic.version = 14 : i64} {
  func.func @_btd_kernel(%arg0: i32, %arg1: i32, %arg2: memref<16384xi32, #tpu.memory_space<hbm>>, %arg3: memref<16384xi32, #tpu.memory_space<hbm>>, %arg4: memref<16384xi32, #tpu.memory_space<hbm>>, %arg5: memref<500000x128xf32, #tpu.memory_space<hbm>>, %arg6: memref<500000x128xf32, #tpu.memory_space<hbm>>, %arg7: memref<7813x128xf32, #tpu.memory_space<hbm>>, %arg8: memref<16384xf32, #tpu.memory_space<hbm>>, %arg9: memref<16384xf32, #tpu.memory_space<hbm>>, %arg10: memref<16384xf32, #tpu.memory_space<hbm>>, %arg11: memref<512xi32, #tpu.memory_space<vmem>>, %arg12: memref<512xi32, #tpu.memory_space<vmem>>, %arg13: memref<512xi32, #tpu.memory_space<vmem>>, %arg14: memref<512xi32, #tpu.memory_space<vmem>>, %arg15: memref<512xi32, #tpu.memory_space<vmem>>, %arg16: memref<512xi32, #tpu.memory_space<vmem>>, %arg17: memref<512xi32, #tpu.memory_space<vmem>>, %arg18: memref<256x128xf32, #tpu.memory_space<vmem>>, %arg19: memref<256x128xf32, #tpu.memory_space<vmem>>, %arg20: memref<256x128xf32, #tpu.memory_space<vmem>>, %arg21: memref<512xf32, #tpu.memory_space<vmem>>, %arg22: memref<512xf32, #tpu.memory_space<vmem>>, %arg23: memref<512xf32, #tpu.memory_space<vmem>>, %arg24: memref<!tpu.dma_semaphore, #tpu.memory_space<semaphore_mem>>, %arg25: memref<!tpu.dma_semaphore, #tpu.memory_space<semaphore_mem>>) attributes {dimension_semantics = [#tpu.dimension_semantics<core_parallel>, #tpu.dimension_semantics<subcore_parallel>], iteration_bounds = array<i64: 2, 16>, scalar_prefetch = 0 : i64, scratch_operands = 15 : i64, tpu.core_type = #tpu.core_type<sc_vector_subcore>, window_params = [{transform_indices = #map}, {transform_indices = #map}, {transform_indices = #map}, {transform_indices = #map1}, {transform_indices = #map1}, {transform_indices = #map1}, {transform_indices = #map}, {transform_indices = #map}, {transform_indices = #map}]} {
    %mul3A = arith.constant 2 : i32
    %mul3A_0 = arith.muli %arg1, %mul3A : i32
    %add3A = arith.addi %mul3A_0, %arg0 : i32
    %mul3A_1 = arith.constant 512 : i32
    %mul3A_2 = arith.muli %add3A, %mul3A_1 : i32
    %dma_start3A = tpu.memref_slice %arg2[%mul3A_2] : memref<16384xi32, #tpu.memory_space<hbm>> -> memref<512xi32, #tpu.memory_space<hbm>>
    %dma_start3A_3 = tpu.memref_slice %arg2[%mul3A_2] : memref<16384xi32, #tpu.memory_space<hbm>> -> memref<512xi32, #tpu.memory_space<hbm>>
    tpu.enqueue_dma source(%dma_start3A_3 : memref<512xi32, #tpu.memory_space<hbm>>) target(%arg11 : memref<512xi32, #tpu.memory_space<vmem>>) target_semaphore(%arg24 : memref<!tpu.dma_semaphore, #tpu.memory_space<semaphore_mem>>)
    %dma_start3A_4 = tpu.memref_slice %arg3[%mul3A_2] : memref<16384xi32, #tpu.memory_space<hbm>> -> memref<512xi32, #tpu.memory_space<hbm>>
    %dma_start3A_5 = tpu.memref_slice %arg3[%mul3A_2] : memref<16384xi32, #tpu.memory_space<hbm>> -> memref<512xi32, #tpu.memory_space<hbm>>
    tpu.enqueue_dma source(%dma_start3A_5 : memref<512xi32, #tpu.memory_space<hbm>>) target(%arg12 : memref<512xi32, #tpu.memory_space<vmem>>) target_semaphore(%arg24 : memref<!tpu.dma_semaphore, #tpu.memory_space<semaphore_mem>>)
    %dma_start3A_6 = tpu.memref_slice %arg4[%mul3A_2] : memref<16384xi32, #tpu.memory_space<hbm>> -> memref<512xi32, #tpu.memory_space<hbm>>
    %dma_start3A_7 = tpu.memref_slice %arg4[%mul3A_2] : memref<16384xi32, #tpu.memory_space<hbm>> -> memref<512xi32, #tpu.memory_space<hbm>>
    tpu.enqueue_dma source(%dma_start3A_7 : memref<512xi32, #tpu.memory_space<hbm>>) target(%arg13 : memref<512xi32, #tpu.memory_space<vmem>>) target_semaphore(%arg24 : memref<!tpu.dma_semaphore, #tpu.memory_space<semaphore_mem>>)
    %dma_wait3A = tpu.memref_slice %arg2[%mul3A_2] : memref<16384xi32, #tpu.memory_space<hbm>> -> memref<512xi32, #tpu.memory_space<hbm>>
    %dma_wait3A_8 = tpu.memref_slice %arg2[%mul3A_2] : memref<16384xi32, #tpu.memory_space<hbm>> -> memref<512xi32, #tpu.memory_space<hbm>>
    tpu.wait_dma2 semaphore(%arg24 : memref<!tpu.dma_semaphore, #tpu.memory_space<semaphore_mem>>) src(%dma_wait3A_8 : memref<512xi32, #tpu.memory_space<hbm>>) dst(%arg11 : memref<512xi32, #tpu.memory_space<vmem>>)
    %dma_wait3A_9 = tpu.memref_slice %arg3[%mul3A_2] : memref<16384xi32, #tpu.memory_space<hbm>> -> memref<512xi32, #tpu.memory_space<hbm>>
    %dma_wait3A_10 = tpu.memref_slice %arg3[%mul3A_2] : memref<16384xi32, #tpu.memory_space<hbm>> -> memref<512xi32, #tpu.memory_space<hbm>>
    tpu.wait_dma2 semaphore(%arg24 : memref<!tpu.dma_semaphore, #tpu.memory_space<semaphore_mem>>) src(%dma_wait3A_10 : memref<512xi32, #tpu.memory_space<hbm>>) dst(%arg12 : memref<512xi32, #tpu.memory_space<vmem>>)
    %dma_wait3A_11 = tpu.memref_slice %arg4[%mul3A_2] : memref<16384xi32, #tpu.memory_space<hbm>> -> memref<512xi32, #tpu.memory_space<hbm>>
    %dma_wait3A_12 = tpu.memref_slice %arg4[%mul3A_2] : memref<16384xi32, #tpu.memory_space<hbm>> -> memref<512xi32, #tpu.memory_space<hbm>>
    tpu.wait_dma2 semaphore(%arg24 : memref<!tpu.dma_semaphore, #tpu.memory_space<semaphore_mem>>) src(%dma_wait3A_12 : memref<512xi32, #tpu.memory_space<hbm>>) dst(%arg13 : memref<512xi32, #tpu.memory_space<vmem>>)
    %scan3A = arith.constant 0 : i32
    %scan3A_13 = arith.constant 0 : i32
    %scan3A_14 = arith.constant 32 : i32
    %scan3A_15 = arith.addi %scan3A_13, %scan3A_14 : i32
    %scan3A_16 = arith.constant 1 : i32
    scf.for %scan3A_298 = %scan3A_13 to %scan3A_15 step %scan3A_16  : i32 {
      %mul3A_299 = arith.constant 16 : i32
      %mul3A_300 = arith.muli %scan3A_298, %mul3A_299 : i32
      %get3A = arith.index_cast %mul3A_300 : i32 to index
      %get3A_301 = tpu.vector_load %arg11[%get3A] {strides = array<i32>} : memref<512xi32, #tpu.memory_space<vmem>>, vector<16xi32>,
      %shift_right_logical3A = arith.constant 1 : i32
      %shift_right_logical3A_302 = vector.broadcast %shift_right_logical3A : i32 to vector<16xi32>
      %shift_right_logical3A_303 = arith.shrui %get3A_301, %shift_right_logical3A_302 : vector<16xi32>
      %swap3A = arith.index_cast %mul3A_300 : i32 to index
      %swap3A_304 = tpu.vector_load %arg14[%swap3A] {strides = array<i32>} : memref<512xi32, #tpu.memory_space<vmem>>, vector<16xi32>,
      tpu.vector_store %arg14[%swap3A], %shift_right_logical3A_303 {strides = array<i32>} : memref<512xi32, #tpu.memory_space<vmem>>, vector<16xi32>,
      %get3A_305 = arith.index_cast %mul3A_300 : i32 to index
      %get3A_306 = tpu.vector_load %arg12[%get3A_305] {strides = array<i32>} : memref<512xi32, #tpu.memory_space<vmem>>, vector<16xi32>,
      %shift_right_logical3A_307 = arith.constant 1 : i32
      %shift_right_logical3A_308 = vector.broadcast %shift_right_logical3A_307 : i32 to vector<16xi32>
      %shift_right_logical3A_309 = arith.shrui %get3A_306, %shift_right_logical3A_308 : vector<16xi32>
      %swap3A_310 = arith.index_cast %mul3A_300 : i32 to index
      %swap3A_311 = tpu.vector_load %arg15[%swap3A_310] {strides = array<i32>} : memref<512xi32, #tpu.memory_space<vmem>>, vector<16xi32>,
      tpu.vector_store %arg15[%swap3A_310], %shift_right_logical3A_309 {strides = array<i32>} : memref<512xi32, #tpu.memory_space<vmem>>, vector<16xi32>,
      %get3A_312 = arith.index_cast %mul3A_300 : i32 to index
      %get3A_313 = tpu.vector_load %arg13[%get3A_312] {strides = array<i32>} : memref<512xi32, #tpu.memory_space<vmem>>, vector<16xi32>,
      %shift_right_logical3A_314 = arith.constant 1 : i32
      %shift_right_logical3A_315 = vector.broadcast %shift_right_logical3A_314 : i32 to vector<16xi32>
      %shift_right_logical3A_316 = arith.shrui %get3A_313, %shift_right_logical3A_315 : vector<16xi32>
      %swap3A_317 = arith.index_cast %mul3A_300 : i32 to index
      %swap3A_318 = tpu.vector_load %arg16[%swap3A_317] {strides = array<i32>} : memref<512xi32, #tpu.memory_space<vmem>>, vector<16xi32>,
      tpu.vector_store %arg16[%swap3A_317], %shift_right_logical3A_316 {strides = array<i32>} : memref<512xi32, #tpu.memory_space<vmem>>, vector<16xi32>,
      %get3A_319 = arith.index_cast %mul3A_300 : i32 to index
      %get3A_320 = tpu.vector_load %arg11[%get3A_319] {strides = array<i32>} : memref<512xi32, #tpu.memory_space<vmem>>, vector<16xi32>,
      %shift_right_logical3A_321 = arith.constant 7 : i32
      %shift_right_logical3A_322 = vector.broadcast %shift_right_logical3A_321 : i32 to vector<16xi32>
      %shift_right_logical3A_323 = arith.shrui %get3A_320, %shift_right_logical3A_322 : vector<16xi32>
      %swap3A_324 = arith.index_cast %mul3A_300 : i32 to index
      %swap3A_325 = tpu.vector_load %arg17[%swap3A_324] {strides = array<i32>} : memref<512xi32, #tpu.memory_space<vmem>>, vector<16xi32>,
      tpu.vector_store %arg17[%swap3A_324], %shift_right_logical3A_323 {strides = array<i32>} : memref<512xi32, #tpu.memory_space<vmem>>, vector<16xi32>,
    }
    %scan3A_17 = arith.constant 32 : i32
    %iota3A = tpu.iota {dimensions = array<i32: 0>} : vector<16xi32>
    %dma_start3A_18 = arith.constant 0 : i32
    %dma_start3A_19 = arith.constant 0 : i32
    %dma_start3A_20 = tpu.memref_slice %arg18[%dma_start3A_18, %dma_start3A_19] : memref<256x128xf32, #tpu.memory_space<vmem>> -> memref<128x128xf32, #tpu.memory_space<vmem>>
    %dma_start3A_21 = arith.constant 0 : i32
    %dma_start3A_22 = tpu.memref_slice %arg14[%dma_start3A_21] : memref<512xi32, #tpu.memory_space<vmem>> -> memref<128xi32, #tpu.memory_space<vmem>>
    %dma_start3A_23 = arith.constant 0 : i32
    %dma_start3A_24 = arith.constant 0 : i32
    %dma_start3A_25 = tpu.memref_slice %arg5[%dma_start3A_23, %dma_start3A_24] : memref<500000x128xf32, #tpu.memory_space<hbm>> -> memref<500000x128xf32, #tpu.memory_space<hbm>>
    tpu.enqueue_indirect_dma source(%dma_start3A_25 : memref<500000x128xf32, #tpu.memory_space<hbm>>) target(%dma_start3A_20 : memref<128x128xf32, #tpu.memory_space<vmem>>) offsets(%dma_start3A_22 : memref<128xi32, #tpu.memory_space<vmem>>) semaphore(%arg25 : memref<!tpu.dma_semaphore, #tpu.memory_space<semaphore_mem>>)
    %dma_start3A_26 = arith.constant 0 : i32
    %dma_start3A_27 = arith.constant 0 : i32
    %dma_start3A_28 = tpu.memref_slice %arg19[%dma_start3A_26, %dma_start3A_27] : memref<256x128xf32, #tpu.memory_space<vmem>> -> memref<128x128xf32, #tpu.memory_space<vmem>>
    %dma_start3A_29 = arith.constant 0 : i32
    %dma_start3A_30 = tpu.memref_slice %arg15[%dma_start3A_29] : memref<512xi32, #tpu.memory_space<vmem>> -> memref<128xi32, #tpu.memory_space<vmem>>
    %dma_start3A_31 = arith.constant 0 : i32
    %dma_start3A_32 = arith.constant 0 : i32
    %dma_start3A_33 = tpu.memref_slice %arg6[%dma_start3A_31, %dma_start3A_32] : memref<500000x128xf32, #tpu.memory_space<hbm>> -> memref<500000x128xf32, #tpu.memory_space<hbm>>
    tpu.enqueue_indirect_dma source(%dma_start3A_33 : memref<500000x128xf32, #tpu.memory_space<hbm>>) target(%dma_start3A_28 : memref<128x128xf32, #tpu.memory_space<vmem>>) offsets(%dma_start3A_30 : memref<128xi32, #tpu.memory_space<vmem>>) semaphore(%arg25 : memref<!tpu.dma_semaphore, #tpu.memory_space<semaphore_mem>>)
    %dma_start3A_34 = arith.constant 0 : i32
    %dma_start3A_35 = arith.constant 0 : i32
    %dma_start3A_36 = tpu.memref_slice %arg20[%dma_start3A_34, %dma_start3A_35] : memref<256x128xf32, #tpu.memory_space<vmem>> -> memref<128x128xf32, #tpu.memory_space<vmem>>
    %dma_start3A_37 = arith.constant 0 : i32
    %dma_start3A_38 = tpu.memref_slice %arg16[%dma_start3A_37] : memref<512xi32, #tpu.memory_space<vmem>> -> memref<128xi32, #tpu.memory_space<vmem>>
    %dma_start3A_39 = arith.constant 0 : i32
    %dma_start3A_40 = arith.constant 0 : i32
    %dma_start3A_41 = tpu.memref_slice %arg6[%dma_start3A_39, %dma_start3A_40] : memref<500000x128xf32, #tpu.memory_space<hbm>> -> memref<500000x128xf32, #tpu.memory_space<hbm>>
    tpu.enqueue_indirect_dma source(%dma_start3A_41 : memref<500000x128xf32, #tpu.memory_space<hbm>>) target(%dma_start3A_36 : memref<128x128xf32, #tpu.memory_space<vmem>>) offsets(%dma_start3A_38 : memref<128xi32, #tpu.memory_space<vmem>>) semaphore(%arg25 : memref<!tpu.dma_semaphore, #tpu.memory_space<semaphore_mem>>)
    %dma_start3A_42 = arith.constant 128 : i32
    %dma_start3A_43 = arith.constant 0 : i32
    %dma_start3A_44 = tpu.memref_slice %arg18[%dma_start3A_42, %dma_start3A_43] : memref<256x128xf32, #tpu.memory_space<vmem>> -> memref<128x128xf32, #tpu.memory_space<vmem>>
    %dma_start3A_45 = arith.constant 128 : i32
    %dma_start3A_46 = tpu.memref_slice %arg14[%dma_start3A_45] : memref<512xi32, #tpu.memory_space<vmem>> -> memref<128xi32, #tpu.memory_space<vmem>>
    %dma_start3A_47 = arith.constant 0 : i32
    %dma_start3A_48 = arith.constant 0 : i32
    %dma_start3A_49 = tpu.memref_slice %arg5[%dma_start3A_47, %dma_start3A_48] : memref<500000x128xf32, #tpu.memory_space<hbm>> -> memref<500000x128xf32, #tpu.memory_space<hbm>>
    tpu.enqueue_indirect_dma source(%dma_start3A_49 : memref<500000x128xf32, #tpu.memory_space<hbm>>) target(%dma_start3A_44 : memref<128x128xf32, #tpu.memory_space<vmem>>) offsets(%dma_start3A_46 : memref<128xi32, #tpu.memory_space<vmem>>) semaphore(%arg25 : memref<!tpu.dma_semaphore, #tpu.memory_space<semaphore_mem>>)
    %dma_start3A_50 = arith.constant 128 : i32
    %dma_start3A_51 = arith.constant 0 : i32
    %dma_start3A_52 = tpu.memref_slice %arg19[%dma_start3A_50, %dma_start3A_51] : memref<256x128xf32, #tpu.memory_space<vmem>> -> memref<128x128xf32, #tpu.memory_space<vmem>>
    %dma_start3A_53 = arith.constant 128 : i32
    %dma_start3A_54 = tpu.memref_slice %arg15[%dma_start3A_53] : memref<512xi32, #tpu.memory_space<vmem>> -> memref<128xi32, #tpu.memory_space<vmem>>
    %dma_start3A_55 = arith.constant 0 : i32
    %dma_start3A_56 = arith.constant 0 : i32
    %dma_start3A_57 = tpu.memref_slice %arg6[%dma_start3A_55, %dma_start3A_56] : memref<500000x128xf32, #tpu.memory_space<hbm>> -> memref<500000x128xf32, #tpu.memory_space<hbm>>
    tpu.enqueue_indirect_dma source(%dma_start3A_57 : memref<500000x128xf32, #tpu.memory_space<hbm>>) target(%dma_start3A_52 : memref<128x128xf32, #tpu.memory_space<vmem>>) offsets(%dma_start3A_54 : memref<128xi32, #tpu.memory_space<vmem>>) semaphore(%arg25 : memref<!tpu.dma_semaphore, #tpu.memory_space<semaphore_mem>>)
    %dma_start3A_58 = arith.constant 128 : i32
    %dma_start3A_59 = arith.constant 0 : i32
    %dma_start3A_60 = tpu.memref_slice %arg20[%dma_start3A_58, %dma_start3A_59] : memref<256x128xf32, #tpu.memory_space<vmem>> -> memref<128x128xf32, #tpu.memory_space<vmem>>
    %dma_start3A_61 = arith.constant 128 : i32
    %dma_start3A_62 = tpu.memref_slice %arg16[%dma_start3A_61] : memref<512xi32, #tpu.memory_space<vmem>> -> memref<128xi32, #tpu.memory_space<vmem>>
    %dma_start3A_63 = arith.constant 0 : i32
    %dma_start3A_64 = arith.constant 0 : i32
    %dma_start3A_65 = tpu.memref_slice %arg6[%dma_start3A_63, %dma_start3A_64] : memref<500000x128xf32, #tpu.memory_space<hbm>> -> memref<500000x128xf32, #tpu.memory_space<hbm>>
    tpu.enqueue_indirect_dma source(%dma_start3A_65 : memref<500000x128xf32, #tpu.memory_space<hbm>>) target(%dma_start3A_60 : memref<128x128xf32, #tpu.memory_space<vmem>>) offsets(%dma_start3A_62 : memref<128xi32, #tpu.memory_space<vmem>>) semaphore(%arg25 : memref<!tpu.dma_semaphore, #tpu.memory_space<semaphore_mem>>)
    %dma_wait3A_66 = arith.constant 0 : i32
    %dma_wait3A_67 = arith.constant 0 : i32
    %dma_wait3A_68 = tpu.memref_slice %arg18[%dma_wait3A_66, %dma_wait3A_67] : memref<256x128xf32, #tpu.memory_space<vmem>> -> memref<128x128xf32, #tpu.memory_space<vmem>>
    %dma_wait3A_69 = arith.constant 0 : i32
    %dma_wait3A_70 = tpu.memref_slice %arg14[%dma_wait3A_69] : memref<512xi32, #tpu.memory_space<vmem>> -> memref<128xi32, #tpu.memory_space<vmem>>
    %dma_wait3A_71 = arith.constant 0 : i32
    %dma_wait3A_72 = arith.constant 0 : i32
    %dma_wait3A_73 = tpu.memref_slice %arg5[%dma_wait3A_71, %dma_wait3A_72] : memref<500000x128xf32, #tpu.memory_space<hbm>> -> memref<500000x128xf32, #tpu.memory_space<hbm>>
    tpu.wait_indirect_dma semaphore(%arg25 : memref<!tpu.dma_semaphore, #tpu.memory_space<semaphore_mem>>) src(%dma_wait3A_73 : memref<500000x128xf32, #tpu.memory_space<hbm>>) dst(%dma_wait3A_68 : memref<128x128xf32, #tpu.memory_space<vmem>>)
    %dma_wait3A_74 = arith.constant 0 : i32
    %dma_wait3A_75 = arith.constant 0 : i32
    %dma_wait3A_76 = tpu.memref_slice %arg19[%dma_wait3A_74, %dma_wait3A_75] : memref<256x128xf32, #tpu.memory_space<vmem>> -> memref<128x128xf32, #tpu.memory_space<vmem>>
    %dma_wait3A_77 = arith.constant 0 : i32
    %dma_wait3A_78 = tpu.memref_slice %arg15[%dma_wait3A_77] : memref<512xi32, #tpu.memory_space<vmem>> -> memref<128xi32, #tpu.memory_space<vmem>>
    %dma_wait3A_79 = arith.constant 0 : i32
    %dma_wait3A_80 = arith.constant 0 : i32
    %dma_wait3A_81 = tpu.memref_slice %arg6[%dma_wait3A_79, %dma_wait3A_80] : memref<500000x128xf32, #tpu.memory_space<hbm>> -> memref<500000x128xf32, #tpu.memory_space<hbm>>
    tpu.wait_indirect_dma semaphore(%arg25 : memref<!tpu.dma_semaphore, #tpu.memory_space<semaphore_mem>>) src(%dma_wait3A_81 : memref<500000x128xf32, #tpu.memory_space<hbm>>) dst(%dma_wait3A_76 : memref<128x128xf32, #tpu.memory_space<vmem>>)
    %dma_wait3A_82 = arith.constant 0 : i32
    %dma_wait3A_83 = arith.constant 0 : i32
    %dma_wait3A_84 = tpu.memref_slice %arg20[%dma_wait3A_82, %dma_wait3A_83] : memref<256x128xf32, #tpu.memory_space<vmem>> -> memref<128x128xf32, #tpu.memory_space<vmem>>
    %dma_wait3A_85 = arith.constant 0 : i32
    %dma_wait3A_86 = tpu.memref_slice %arg16[%dma_wait3A_85] : memref<512xi32, #tpu.memory_space<vmem>> -> memref<128xi32, #tpu.memory_space<vmem>>
    %dma_wait3A_87 = arith.constant 0 : i32
    %dma_wait3A_88 = arith.constant 0 : i32
    %dma_wait3A_89 = tpu.memref_slice %arg6[%dma_wait3A_87, %dma_wait3A_88] : memref<500000x128xf32, #tpu.memory_space<hbm>> -> memref<500000x128xf32, #tpu.memory_space<hbm>>
    tpu.wait_indirect_dma semaphore(%arg25 : memref<!tpu.dma_semaphore, #tpu.memory_space<semaphore_mem>>) src(%dma_wait3A_89 : memref<500000x128xf32, #tpu.memory_space<hbm>>) dst(%dma_wait3A_84 : memref<128x128xf32, #tpu.memory_space<vmem>>)
    %dma_wait3A_90 = arith.constant 128 : i32
    %dma_wait3A_91 = arith.constant 0 : i32
    %dma_wait3A_92 = tpu.memref_slice %arg18[%dma_wait3A_90, %dma_wait3A_91] : memref<256x128xf32, #tpu.memory_space<vmem>> -> memref<128x128xf32, #tpu.memory_space<vmem>>
    %dma_wait3A_93 = arith.constant 128 : i32
    %dma_wait3A_94 = tpu.memref_slice %arg14[%dma_wait3A_93] : memref<512xi32, #tpu.memory_space<vmem>> -> memref<128xi32, #tpu.memory_space<vmem>>
    %dma_wait3A_95 = arith.constant 0 : i32
    %dma_wait3A_96 = arith.constant 0 : i32
    %dma_wait3A_97 = tpu.memref_slice %arg5[%dma_wait3A_95, %dma_wait3A_96] : memref<500000x128xf32, #tpu.memory_space<hbm>> -> memref<500000x128xf32, #tpu.memory_space<hbm>>
    tpu.wait_indirect_dma semaphore(%arg25 : memref<!tpu.dma_semaphore, #tpu.memory_space<semaphore_mem>>) src(%dma_wait3A_97 : memref<500000x128xf32, #tpu.memory_space<hbm>>) dst(%dma_wait3A_92 : memref<128x128xf32, #tpu.memory_space<vmem>>)
    %dma_wait3A_98 = arith.constant 128 : i32
    %dma_wait3A_99 = arith.constant 0 : i32
    %dma_wait3A_100 = tpu.memref_slice %arg19[%dma_wait3A_98, %dma_wait3A_99] : memref<256x128xf32, #tpu.memory_space<vmem>> -> memref<128x128xf32, #tpu.memory_space<vmem>>
    %dma_wait3A_101 = arith.constant 128 : i32
    %dma_wait3A_102 = tpu.memref_slice %arg15[%dma_wait3A_101] : memref<512xi32, #tpu.memory_space<vmem>> -> memref<128xi32, #tpu.memory_space<vmem>>
    %dma_wait3A_103 = arith.constant 0 : i32
    %dma_wait3A_104 = arith.constant 0 : i32
    %dma_wait3A_105 = tpu.memref_slice %arg6[%dma_wait3A_103, %dma_wait3A_104] : memref<500000x128xf32, #tpu.memory_space<hbm>> -> memref<500000x128xf32, #tpu.memory_space<hbm>>
    tpu.wait_indirect_dma semaphore(%arg25 : memref<!tpu.dma_semaphore, #tpu.memory_space<semaphore_mem>>) src(%dma_wait3A_105 : memref<500000x128xf32, #tpu.memory_space<hbm>>) dst(%dma_wait3A_100 : memref<128x128xf32, #tpu.memory_space<vmem>>)
    %dma_wait3A_106 = arith.constant 128 : i32
    %dma_wait3A_107 = arith.constant 0 : i32
    %dma_wait3A_108 = tpu.memref_slice %arg20[%dma_wait3A_106, %dma_wait3A_107] : memref<256x128xf32, #tpu.memory_space<vmem>> -> memref<128x128xf32, #tpu.memory_space<vmem>>
    %dma_wait3A_109 = arith.constant 128 : i32
    %dma_wait3A_110 = tpu.memref_slice %arg16[%dma_wait3A_109] : memref<512xi32, #tpu.memory_space<vmem>> -> memref<128xi32, #tpu.memory_space<vmem>>
    %dma_wait3A_111 = arith.constant 0 : i32
    %dma_wait3A_112 = arith.constant 0 : i32
    %dma_wait3A_113 = tpu.memref_slice %arg6[%dma_wait3A_111, %dma_wait3A_112] : memref<500000x128xf32, #tpu.memory_space<hbm>> -> memref<500000x128xf32, #tpu.memory_space<hbm>>
    tpu.wait_indirect_dma semaphore(%arg25 : memref<!tpu.dma_semaphore, #tpu.memory_space<semaphore_mem>>) src(%dma_wait3A_113 : memref<500000x128xf32, #tpu.memory_space<hbm>>) dst(%dma_wait3A_108 : memref<128x128xf32, #tpu.memory_space<vmem>>)
    %scan3A_114 = arith.constant 0 : i32
    %scan3A_115 = arith.constant 0 : i32
    %scan3A_116 = arith.constant 16 : i32
    %scan3A_117 = arith.addi %scan3A_115, %scan3A_116 : i32
    %scan3A_118 = arith.constant 1 : i32
    scf.for %scan3A_298 = %scan3A_115 to %scan3A_117 step %scan3A_118  : i32 {
      %mul3A_299 = arith.constant 16 : i32
      %mul3A_300 = arith.muli %scan3A_298, %mul3A_299 : i32
      %add3A_301 = vector.broadcast %mul3A_300 : i32 to vector<16xi32>
      %add3A_302 = arith.addi %add3A_301, %iota3A : vector<16xi32>
      %mul3A_303 = arith.constant 16 : i32
      %mul3A_304 = arith.muli %scan3A_298, %mul3A_303 : i32
      %add3A_305 = arith.constant 0 : i32
      %add3A_306 = arith.addi %add3A_305, %mul3A_304 : i32
      %get3A = arith.index_cast %add3A_306 : i32 to index
      %get3A_307 = tpu.vector_load %arg11[%get3A] {strides = array<i32>} : memref<512xi32, #tpu.memory_space<vmem>>, vector<16xi32>,
      %mul3A_308 = arith.constant 16 : i32
      %mul3A_309 = arith.muli %scan3A_298, %mul3A_308 : i32
      %add3A_310 = arith.constant 0 : i32
      %add3A_311 = arith.addi %add3A_310, %mul3A_309 : i32
      %get3A_312 = arith.index_cast %add3A_311 : i32 to index
      %get3A_313 = tpu.vector_load %arg12[%get3A_312] {strides = array<i32>} : memref<512xi32, #tpu.memory_space<vmem>>, vector<16xi32>,
      %mul3A_314 = arith.constant 16 : i32
      %mul3A_315 = arith.muli %scan3A_298, %mul3A_314 : i32
      %add3A_316 = arith.constant 0 : i32
      %add3A_317 = arith.addi %add3A_316, %mul3A_315 : i32
      %get3A_318 = arith.index_cast %add3A_317 : i32 to index
      %get3A_319 = tpu.vector_load %arg13[%get3A_318] {strides = array<i32>} : memref<512xi32, #tpu.memory_space<vmem>>, vector<16xi32>,
      %and3A = arith.constant 1 : i32
      %and3A_320 = vector.broadcast %and3A : i32 to vector<16xi32>
      %and3A_321 = arith.andi %get3A_307, %and3A_320 : vector<16xi32>
      %mul3A_322 = arith.constant 64 : i32
      %mul3A_323 = vector.broadcast %mul3A_322 : i32 to vector<16xi32>
      %mul3A_324 = arith.muli %and3A_321, %mul3A_323 : vector<16xi32>
      %and3A_325 = arith.constant 1 : i32
      %and3A_326 = vector.broadcast %and3A_325 : i32 to vector<16xi32>
      %and3A_327 = arith.andi %get3A_313, %and3A_326 : vector<16xi32>
      %mul3A_328 = arith.constant 64 : i32
      %mul3A_329 = vector.broadcast %mul3A_328 : i32 to vector<16xi32>
      %mul3A_330 = arith.muli %and3A_327, %mul3A_329 : vector<16xi32>
      %and3A_331 = arith.constant 1 : i32
      %and3A_332 = vector.broadcast %and3A_331 : i32 to vector<16xi32>
      %and3A_333 = arith.andi %get3A_319, %and3A_332 : vector<16xi32>
      %mul3A_334 = arith.constant 64 : i32
      %mul3A_335 = vector.broadcast %mul3A_334 : i32 to vector<16xi32>
      %mul3A_336 = arith.muli %and3A_333, %mul3A_335 : vector<16xi32>
      %broadcast_in_dim3A = arith.constant 0.000000e+00 : f32
      %broadcast_in_dim3A_337 = vector.broadcast %broadcast_in_dim3A : f32 to vector<16xf32>
      %broadcast_in_dim3A_338 = arith.constant 0.000000e+00 : f32
      %broadcast_in_dim3A_339 = vector.broadcast %broadcast_in_dim3A_338 : f32 to vector<16xf32>
      %add3A_340 = arith.constant 0 : i32
      %add3A_341 = vector.broadcast %add3A_340 : i32 to vector<16xi32>
      %add3A_342 = arith.addi %mul3A_324, %add3A_341 : vector<16xi32>
      %gather3A = tpu.vector_load_idx %arg18[%add3A_302, %add3A_342] : memref<256x128xf32, #tpu.memory_space<vmem>>[vector<16xi32>, vector<16xi32>], vector<16xf32>,
      %add3A_343 = arith.constant 0 : i32
      %add3A_344 = vector.broadcast %add3A_343 : i32 to vector<16xi32>
      %add3A_345 = arith.addi %mul3A_330, %add3A_344 : vector<16xi32>
      %gather3A_346 = tpu.vector_load_idx %arg19[%add3A_302, %add3A_345] : memref<256x128xf32, #tpu.memory_space<vmem>>[vector<16xi32>, vector<16xi32>], vector<16xf32>,
      %mul3A_347 = arith.mulf %gather3A, %gather3A_346 : vector<16xf32>
      %add3A_348 = arith.addf %broadcast_in_dim3A_337, %mul3A_347 : vector<16xf32>
      %add3A_349 = arith.constant 0 : i32
      %add3A_350 = vector.broadcast %add3A_349 : i32 to vector<16xi32>
      %add3A_351 = arith.addi %mul3A_336, %add3A_350 : vector<16xi32>
      %gather3A_352 = tpu.vector_load_idx %arg20[%add3A_302, %add3A_351] : memref<256x128xf32, #tpu.memory_space<vmem>>[vector<16xi32>, vector<16xi32>], vector<16xf32>,
      %mul3A_353 = arith.mulf %gather3A, %gather3A_352 : vector<16xf32>
      %add3A_354 = arith.addf %broadcast_in_dim3A_339, %mul3A_353 : vector<16xf32>
      %add3A_355 = arith.constant 1 : i32
      %add3A_356 = vector.broadcast %add3A_355 : i32 to vector<16xi32>
      %add3A_357 = arith.addi %mul3A_324, %add3A_356 : vector<16xi32>
      %gather3A_358 = tpu.vector_load_idx %arg18[%add3A_302, %add3A_357] : memref<256x128xf32, #tpu.memory_space<vmem>>[vector<16xi32>, vector<16xi32>], vector<16xf32>,
      %add3A_359 = arith.constant 1 : i32
      %add3A_360 = vector.broadcast %add3A_359 : i32 to vector<16xi32>
      %add3A_361 = arith.addi %mul3A_330, %add3A_360 : vector<16xi32>
      %gather3A_362 = tpu.vector_load_idx %arg19[%add3A_302, %add3A_361] : memref<256x128xf32, #tpu.memory_space<vmem>>[vector<16xi32>, vector<16xi32>], vector<16xf32>,
      %mul3A_363 = arith.mulf %gather3A_358, %gather3A_362 : vector<16xf32>
      %add3A_364 = arith.addf %add3A_348, %mul3A_363 : vector<16xf32>
      %add3A_365 = arith.constant 1 : i32
      %add3A_366 = vector.broadcast %add3A_365 : i32 to vector<16xi32>
      %add3A_367 = arith.addi %mul3A_336, %add3A_366 : vector<16xi32>
      %gather3A_368 = tpu.vector_load_idx %arg20[%add3A_302, %add3A_367] : memref<256x128xf32, #tpu.memory_space<vmem>>[vector<16xi32>, vector<16xi32>], vector<16xf32>,
      %mul3A_369 = arith.mulf %gather3A_358, %gather3A_368 : vector<16xf32>
      %add3A_370 = arith.addf %add3A_354, %mul3A_369 : vector<16xf32>
      %add3A_371 = arith.constant 2 : i32
      %add3A_372 = vector.broadcast %add3A_371 : i32 to vector<16xi32>
      %add3A_373 = arith.addi %mul3A_324, %add3A_372 : vector<16xi32>
      %gather3A_374 = tpu.vector_load_idx %arg18[%add3A_302, %add3A_373] : memref<256x128xf32, #tpu.memory_space<vmem>>[vector<16xi32>, vector<16xi32>], vector<16xf32>,
      %add3A_375 = arith.constant 2 : i32
      %add3A_376 = vector.broadcast %add3A_375 : i32 to vector<16xi32>
      %add3A_377 = arith.addi %mul3A_330, %add3A_376 : vector<16xi32>
      %gather3A_378 = tpu.vector_load_idx %arg19[%add3A_302, %add3A_377] : memref<256x128xf32, #tpu.memory_space<vmem>>[vector<16xi32>, vector<16xi32>], vector<16xf32>,
      %mul3A_379 = arith.mulf %gather3A_374, %gather3A_378 : vector<16xf32>
      %add3A_380 = arith.addf %add3A_364, %mul3A_379 : vector<16xf32>
      %add3A_381 = arith.constant 2 : i32
      %add3A_382 = vector.broadcast %add3A_381 : i32 to vector<16xi32>
      %add3A_383 = arith.addi %mul3A_336, %add3A_382 : vector<16xi32>
      %gather3A_384 = tpu.vector_load_idx %arg20[%add3A_302, %add3A_383] : memref<256x128xf32, #tpu.memory_space<vmem>>[vector<16xi32>, vector<16xi32>], vector<16xf32>,
      %mul3A_385 = arith.mulf %gather3A_374, %gather3A_384 : vector<16xf32>
      %add3A_386 = arith.addf %add3A_370, %mul3A_385 : vector<16xf32>
      %add3A_387 = arith.constant 3 : i32
      %add3A_388 = vector.broadcast %add3A_387 : i32 to vector<16xi32>
      %add3A_389 = arith.addi %mul3A_324, %add3A_388 : vector<16xi32>
      %gather3A_390 = tpu.vector_load_idx %arg18[%add3A_302, %add3A_389] : memref<256x128xf32, #tpu.memory_space<vmem>>[vector<16xi32>, vector<16xi32>], vector<16xf32>,
      %add3A_391 = arith.constant 3 : i32
      %add3A_392 = vector.broadcast %add3A_391 : i32 to vector<16xi32>
      %add3A_393 = arith.addi %mul3A_330, %add3A_392 : vector<16xi32>
      %gather3A_394 = tpu.vector_load_idx %arg19[%add3A_302, %add3A_393] : memref<256x128xf32, #tpu.memory_space<vmem>>[vector<16xi32>, vector<16xi32>], vector<16xf32>,
      %mul3A_395 = arith.mulf %gather3A_390, %gather3A_394 : vector<16xf32>
      %add3A_396 = arith.addf %add3A_380, %mul3A_395 : vector<16xf32>
      %add3A_397 = arith.constant 3 : i32
      %add3A_398 = vector.broadcast %add3A_397 : i32 to vector<16xi32>
      %add3A_399 = arith.addi %mul3A_336, %add3A_398 : vector<16xi32>
      %gather3A_400 = tpu.vector_load_idx %arg20[%add3A_302, %add3A_399] : memref<256x128xf32, #tpu.memory_space<vmem>>[vector<16xi32>, vector<16xi32>], vector<16xf32>,
      %mul3A_401 = arith.mulf %gather3A_390, %gather3A_400 : vector<16xf32>
      %add3A_402 = arith.addf %add3A_386, %mul3A_401 : vector<16xf32>
      %add3A_403 = arith.constant 4 : i32
      %add3A_404 = vector.broadcast %add3A_403 : i32 to vector<16xi32>
      %add3A_405 = arith.addi %mul3A_324, %add3A_404 : vector<16xi32>
      %gather3A_406 = tpu.vector_load_idx %arg18[%add3A_302, %add3A_405] : memref<256x128xf32, #tpu.memory_space<vmem>>[vector<16xi32>, vector<16xi32>], vector<16xf32>,
      %add3A_407 = arith.constant 4 : i32
      %add3A_408 = vector.broadcast %add3A_407 : i32 to vector<16xi32>
      %add3A_409 = arith.addi %mul3A_330, %add3A_408 : vector<16xi32>
      %gather3A_410 = tpu.vector_load_idx %arg19[%add3A_302, %add3A_409] : memref<256x128xf32, #tpu.memory_space<vmem>>[vector<16xi32>, vector<16xi32>], vector<16xf32>,
      %mul3A_411 = arith.mulf %gather3A_406, %gather3A_410 : vector<16xf32>
      %add3A_412 = arith.addf %add3A_396, %mul3A_411 : vector<16xf32>
      %add3A_413 = arith.constant 4 : i32
      %add3A_414 = vector.broadcast %add3A_413 : i32 to vector<16xi32>
      %add3A_415 = arith.addi %mul3A_336, %add3A_414 : vector<16xi32>
      %gather3A_416 = tpu.vector_load_idx %arg20[%add3A_302, %add3A_415] : memref<256x128xf32, #tpu.memory_space<vmem>>[vector<16xi32>, vector<16xi32>], vector<16xf32>,
      %mul3A_417 = arith.mulf %gather3A_406, %gather3A_416 : vector<16xf32>
      %add3A_418 = arith.addf %add3A_402, %mul3A_417 : vector<16xf32>
      %add3A_419 = arith.constant 5 : i32
      %add3A_420 = vector.broadcast %add3A_419 : i32 to vector<16xi32>
      %add3A_421 = arith.addi %mul3A_324, %add3A_420 : vector<16xi32>
      %gather3A_422 = tpu.vector_load_idx %arg18[%add3A_302, %add3A_421] : memref<256x128xf32, #tpu.memory_space<vmem>>[vector<16xi32>, vector<16xi32>], vector<16xf32>,
      %add3A_423 = arith.constant 5 : i32
      %add3A_424 = vector.broadcast %add3A_423 : i32 to vector<16xi32>
      %add3A_425 = arith.addi %mul3A_330, %add3A_424 : vector<16xi32>
      %gather3A_426 = tpu.vector_load_idx %arg19[%add3A_302, %add3A_425] : memref<256x128xf32, #tpu.memory_space<vmem>>[vector<16xi32>, vector<16xi32>], vector<16xf32>,
      %mul3A_427 = arith.mulf %gather3A_422, %gather3A_426 : vector<16xf32>
      %add3A_428 = arith.addf %add3A_412, %mul3A_427 : vector<16xf32>
      %add3A_429 = arith.constant 5 : i32
      %add3A_430 = vector.broadcast %add3A_429 : i32 to vector<16xi32>
      %add3A_431 = arith.addi %mul3A_336, %add3A_430 : vector<16xi32>
      %gather3A_432 = tpu.vector_load_idx %arg20[%add3A_302, %add3A_431] : memref<256x128xf32, #tpu.memory_space<vmem>>[vector<16xi32>, vector<16xi32>], vector<16xf32>,
      %mul3A_433 = arith.mulf %gather3A_422, %gather3A_432 : vector<16xf32>
      %add3A_434 = arith.addf %add3A_418, %mul3A_433 : vector<16xf32>
      %add3A_435 = arith.constant 6 : i32
      %add3A_436 = vector.broadcast %add3A_435 : i32 to vector<16xi32>
      %add3A_437 = arith.addi %mul3A_324, %add3A_436 : vector<16xi32>
      %gather3A_438 = tpu.vector_load_idx %arg18[%add3A_302, %add3A_437] : memref<256x128xf32, #tpu.memory_space<vmem>>[vector<16xi32>, vector<16xi32>], vector<16xf32>,
      %add3A_439 = arith.constant 6 : i32
      %add3A_440 = vector.broadcast %add3A_439 : i32 to vector<16xi32>
      %add3A_441 = arith.addi %mul3A_330, %add3A_440 : vector<16xi32>
      %gather3A_442 = tpu.vector_load_idx %arg19[%add3A_302, %add3A_441] : memref<256x128xf32, #tpu.memory_space<vmem>>[vector<16xi32>, vector<16xi32>], vector<16xf32>,
      %mul3A_443 = arith.mulf %gather3A_438, %gather3A_442 : vector<16xf32>
      %add3A_444 = arith.addf %add3A_428, %mul3A_443 : vector<16xf32>
      %add3A_445 = arith.constant 6 : i32
      %add3A_446 = vector.broadcast %add3A_445 : i32 to vector<16xi32>
      %add3A_447 = arith.addi %mul3A_336, %add3A_446 : vector<16xi32>
      %gather3A_448 = tpu.vector_load_idx %arg20[%add3A_302, %add3A_447] : memref<256x128xf32, #tpu.memory_space<vmem>>[vector<16xi32>, vector<16xi32>], vector<16xf32>,
      %mul3A_449 = arith.mulf %gather3A_438, %gather3A_448 : vector<16xf32>
      %add3A_450 = arith.addf %add3A_434, %mul3A_449 : vector<16xf32>
      %add3A_451 = arith.constant 7 : i32
      %add3A_452 = vector.broadcast %add3A_451 : i32 to vector<16xi32>
      %add3A_453 = arith.addi %mul3A_324, %add3A_452 : vector<16xi32>
      %gather3A_454 = tpu.vector_load_idx %arg18[%add3A_302, %add3A_453] : memref<256x128xf32, #tpu.memory_space<vmem>>[vector<16xi32>, vector<16xi32>], vector<16xf32>,
      %add3A_455 = arith.constant 7 : i32
      %add3A_456 = vector.broadcast %add3A_455 : i32 to vector<16xi32>
      %add3A_457 = arith.addi %mul3A_330, %add3A_456 : vector<16xi32>
      %gather3A_458 = tpu.vector_load_idx %arg19[%add3A_302, %add3A_457] : memref<256x128xf32, #tpu.memory_space<vmem>>[vector<16xi32>, vector<16xi32>], vector<16xf32>,
      %mul3A_459 = arith.mulf %gather3A_454, %gather3A_458 : vector<16xf32>
      %add3A_460 = arith.addf %add3A_444, %mul3A_459 : vector<16xf32>
      %add3A_461 = arith.constant 7 : i32
      %add3A_462 = vector.broadcast %add3A_461 : i32 to vector<16xi32>
      %add3A_463 = arith.addi %mul3A_336, %add3A_462 : vector<16xi32>
      %gather3A_464 = tpu.vector_load_idx %arg20[%add3A_302, %add3A_463] : memref<256x128xf32, #tpu.memory_space<vmem>>[vector<16xi32>, vector<16xi32>], vector<16xf32>,
      %mul3A_465 = arith.mulf %gather3A_454, %gather3A_464 : vector<16xf32>
      %add3A_466 = arith.addf %add3A_450, %mul3A_465 : vector<16xf32>
      %add3A_467 = arith.constant 8 : i32
      %add3A_468 = vector.broadcast %add3A_467 : i32 to vector<16xi32>
      %add3A_469 = arith.addi %mul3A_324, %add3A_468 : vector<16xi32>
      %gather3A_470 = tpu.vector_load_idx %arg18[%add3A_302, %add3A_469] : memref<256x128xf32, #tpu.memory_space<vmem>>[vector<16xi32>, vector<16xi32>], vector<16xf32>,
      %add3A_471 = arith.constant 8 : i32
      %add3A_472 = vector.broadcast %add3A_471 : i32 to vector<16xi32>
      %add3A_473 = arith.addi %mul3A_330, %add3A_472 : vector<16xi32>
      %gather3A_474 = tpu.vector_load_idx %arg19[%add3A_302, %add3A_473] : memref<256x128xf32, #tpu.memory_space<vmem>>[vector<16xi32>, vector<16xi32>], vector<16xf32>,
      %mul3A_475 = arith.mulf %gather3A_470, %gather3A_474 : vector<16xf32>
      %add3A_476 = arith.addf %add3A_460, %mul3A_475 : vector<16xf32>
      %add3A_477 = arith.constant 8 : i32
      %add3A_478 = vector.broadcast %add3A_477 : i32 to vector<16xi32>
      %add3A_479 = arith.addi %mul3A_336, %add3A_478 : vector<16xi32>
      %gather3A_480 = tpu.vector_load_idx %arg20[%add3A_302, %add3A_479] : memref<256x128xf32, #tpu.memory_space<vmem>>[vector<16xi32>, vector<16xi32>], vector<16xf32>,
      %mul3A_481 = arith.mulf %gather3A_470, %gather3A_480 : vector<16xf32>
      %add3A_482 = arith.addf %add3A_466, %mul3A_481 : vector<16xf32>
      %add3A_483 = arith.constant 9 : i32
      %add3A_484 = vector.broadcast %add3A_483 : i32 to vector<16xi32>
      %add3A_485 = arith.addi %mul3A_324, %add3A_484 : vector<16xi32>
      %gather3A_486 = tpu.vector_load_idx %arg18[%add3A_302, %add3A_485] : memref<256x128xf32, #tpu.memory_space<vmem>>[vector<16xi32>, vector<16xi32>], vector<16xf32>,
      %add3A_487 = arith.constant 9 : i32
      %add3A_488 = vector.broadcast %add3A_487 : i32 to vector<16xi32>
      %add3A_489 = arith.addi %mul3A_330, %add3A_488 : vector<16xi32>
      %gather3A_490 = tpu.vector_load_idx %arg19[%add3A_302, %add3A_489] : memref<256x128xf32, #tpu.memory_space<vmem>>[vector<16xi32>, vector<16xi32>], vector<16xf32>,
      %mul3A_491 = arith.mulf %gather3A_486, %gather3A_490 : vector<16xf32>
      %add3A_492 = arith.addf %add3A_476, %mul3A_491 : vector<16xf32>
      %add3A_493 = arith.constant 9 : i32
      %add3A_494 = vector.broadcast %add3A_493 : i32 to vector<16xi32>
      %add3A_495 = arith.addi %mul3A_336, %add3A_494 : vector<16xi32>
      %gather3A_496 = tpu.vector_load_idx %arg20[%add3A_302, %add3A_495] : memref<256x128xf32, #tpu.memory_space<vmem>>[vector<16xi32>, vector<16xi32>], vector<16xf32>,
      %mul3A_497 = arith.mulf %gather3A_486, %gather3A_496 : vector<16xf32>
      %add3A_498 = arith.addf %add3A_482, %mul3A_497 : vector<16xf32>
      %add3A_499 = arith.constant 10 : i32
      %add3A_500 = vector.broadcast %add3A_499 : i32 to vector<16xi32>
      %add3A_501 = arith.addi %mul3A_324, %add3A_500 : vector<16xi32>
      %gather3A_502 = tpu.vector_load_idx %arg18[%add3A_302, %add3A_501] : memref<256x128xf32, #tpu.memory_space<vmem>>[vector<16xi32>, vector<16xi32>], vector<16xf32>,
      %add3A_503 = arith.constant 10 : i32
      %add3A_504 = vector.broadcast %add3A_503 : i32 to vector<16xi32>
      %add3A_505 = arith.addi %mul3A_330, %add3A_504 : vector<16xi32>
      %gather3A_506 = tpu.vector_load_idx %arg19[%add3A_302, %add3A_505] : memref<256x128xf32, #tpu.memory_space<vmem>>[vector<16xi32>, vector<16xi32>], vector<16xf32>,
      %mul3A_507 = arith.mulf %gather3A_502, %gather3A_506 : vector<16xf32>
      %add3A_508 = arith.addf %add3A_492, %mul3A_507 : vector<16xf32>
      %add3A_509 = arith.constant 10 : i32
      %add3A_510 = vector.broadcast %add3A_509 : i32 to vector<16xi32>
      %add3A_511 = arith.addi %mul3A_336, %add3A_510 : vector<16xi32>
      %gather3A_512 = tpu.vector_load_idx %arg20[%add3A_302, %add3A_511] : memref<256x128xf32, #tpu.memory_space<vmem>>[vector<16xi32>, vector<16xi32>], vector<16xf32>,
      %mul3A_513 = arith.mulf %gather3A_502, %gather3A_512 : vector<16xf32>
      %add3A_514 = arith.addf %add3A_498, %mul3A_513 : vector<16xf32>
      %add3A_515 = arith.constant 11 : i32
      %add3A_516 = vector.broadcast %add3A_515 : i32 to vector<16xi32>
      %add3A_517 = arith.addi %mul3A_324, %add3A_516 : vector<16xi32>
      %gather3A_518 = tpu.vector_load_idx %arg18[%add3A_302, %add3A_517] : memref<256x128xf32, #tpu.memory_space<vmem>>[vector<16xi32>, vector<16xi32>], vector<16xf32>,
      %add3A_519 = arith.constant 11 : i32
      %add3A_520 = vector.broadcast %add3A_519 : i32 to vector<16xi32>
      %add3A_521 = arith.addi %mul3A_330, %add3A_520 : vector<16xi32>
      %gather3A_522 = tpu.vector_load_idx %arg19[%add3A_302, %add3A_521] : memref<256x128xf32, #tpu.memory_space<vmem>>[vector<16xi32>, vector<16xi32>], vector<16xf32>,
      %mul3A_523 = arith.mulf %gather3A_518, %gather3A_522 : vector<16xf32>
      %add3A_524 = arith.addf %add3A_508, %mul3A_523 : vector<16xf32>
      %add3A_525 = arith.constant 11 : i32
      %add3A_526 = vector.broadcast %add3A_525 : i32 to vector<16xi32>
      %add3A_527 = arith.addi %mul3A_336, %add3A_526 : vector<16xi32>
      %gather3A_528 = tpu.vector_load_idx %arg20[%add3A_302, %add3A_527] : memref<256x128xf32, #tpu.memory_space<vmem>>[vector<16xi32>, vector<16xi32>], vector<16xf32>,
      %mul3A_529 = arith.mulf %gather3A_518, %gather3A_528 : vector<16xf32>
      %add3A_530 = arith.addf %add3A_514, %mul3A_529 : vector<16xf32>
      %add3A_531 = arith.constant 12 : i32
      %add3A_532 = vector.broadcast %add3A_531 : i32 to vector<16xi32>
      %add3A_533 = arith.addi %mul3A_324, %add3A_532 : vector<16xi32>
      %gather3A_534 = tpu.vector_load_idx %arg18[%add3A_302, %add3A_533] : memref<256x128xf32, #tpu.memory_space<vmem>>[vector<16xi32>, vector<16xi32>], vector<16xf32>,
      %add3A_535 = arith.constant 12 : i32
      %add3A_536 = vector.broadcast %add3A_535 : i32 to vector<16xi32>
      %add3A_537 = arith.addi %mul3A_330, %add3A_536 : vector<16xi32>
      %gather3A_538 = tpu.vector_load_idx %arg19[%add3A_302, %add3A_537] : memref<256x128xf32, #tpu.memory_space<vmem>>[vector<16xi32>, vector<16xi32>], vector<16xf32>,
      %mul3A_539 = arith.mulf %gather3A_534, %gather3A_538 : vector<16xf32>
      %add3A_540 = arith.addf %add3A_524, %mul3A_539 : vector<16xf32>
      %add3A_541 = arith.constant 12 : i32
      %add3A_542 = vector.broadcast %add3A_541 : i32 to vector<16xi32>
      %add3A_543 = arith.addi %mul3A_336, %add3A_542 : vector<16xi32>
      %gather3A_544 = tpu.vector_load_idx %arg20[%add3A_302, %add3A_543] : memref<256x128xf32, #tpu.memory_space<vmem>>[vector<16xi32>, vector<16xi32>], vector<16xf32>,
      %mul3A_545 = arith.mulf %gather3A_534, %gather3A_544 : vector<16xf32>
      %add3A_546 = arith.addf %add3A_530, %mul3A_545 : vector<16xf32>
      %add3A_547 = arith.constant 13 : i32
      %add3A_548 = vector.broadcast %add3A_547 : i32 to vector<16xi32>
      %add3A_549 = arith.addi %mul3A_324, %add3A_548 : vector<16xi32>
      %gather3A_550 = tpu.vector_load_idx %arg18[%add3A_302, %add3A_549] : memref<256x128xf32, #tpu.memory_space<vmem>>[vector<16xi32>, vector<16xi32>], vector<16xf32>,
      %add3A_551 = arith.constant 13 : i32
      %add3A_552 = vector.broadcast %add3A_551 : i32 to vector<16xi32>
      %add3A_553 = arith.addi %mul3A_330, %add3A_552 : vector<16xi32>
      %gather3A_554 = tpu.vector_load_idx %arg19[%add3A_302, %add3A_553] : memref<256x128xf32, #tpu.memory_space<vmem>>[vector<16xi32>, vector<16xi32>], vector<16xf32>,
      %mul3A_555 = arith.mulf %gather3A_550, %gather3A_554 : vector<16xf32>
      %add3A_556 = arith.addf %add3A_540, %mul3A_555 : vector<16xf32>
      %add3A_557 = arith.constant 13 : i32
      %add3A_558 = vector.broadcast %add3A_557 : i32 to vector<16xi32>
      %add3A_559 = arith.addi %mul3A_336, %add3A_558 : vector<16xi32>
      %gather3A_560 = tpu.vector_load_idx %arg20[%add3A_302, %add3A_559] : memref<256x128xf32, #tpu.memory_space<vmem>>[vector<16xi32>, vector<16xi32>], vector<16xf32>,
      %mul3A_561 = arith.mulf %gather3A_550, %gather3A_560 : vector<16xf32>
      %add3A_562 = arith.addf %add3A_546, %mul3A_561 : vector<16xf32>
      %add3A_563 = arith.constant 14 : i32
      %add3A_564 = vector.broadcast %add3A_563 : i32 to vector<16xi32>
      %add3A_565 = arith.addi %mul3A_324, %add3A_564 : vector<16xi32>
      %gather3A_566 = tpu.vector_load_idx %arg18[%add3A_302, %add3A_565] : memref<256x128xf32, #tpu.memory_space<vmem>>[vector<16xi32>, vector<16xi32>], vector<16xf32>,
      %add3A_567 = arith.constant 14 : i32
      %add3A_568 = vector.broadcast %add3A_567 : i32 to vector<16xi32>
      %add3A_569 = arith.addi %mul3A_330, %add3A_568 : vector<16xi32>
      %gather3A_570 = tpu.vector_load_idx %arg19[%add3A_302, %add3A_569] : memref<256x128xf32, #tpu.memory_space<vmem>>[vector<16xi32>, vector<16xi32>], vector<16xf32>,
      %mul3A_571 = arith.mulf %gather3A_566, %gather3A_570 : vector<16xf32>
      %add3A_572 = arith.addf %add3A_556, %mul3A_571 : vector<16xf32>
      %add3A_573 = arith.constant 14 : i32
      %add3A_574 = vector.broadcast %add3A_573 : i32 to vector<16xi32>
      %add3A_575 = arith.addi %mul3A_336, %add3A_574 : vector<16xi32>
      %gather3A_576 = tpu.vector_load_idx %arg20[%add3A_302, %add3A_575] : memref<256x128xf32, #tpu.memory_space<vmem>>[vector<16xi32>, vector<16xi32>], vector<16xf32>,
      %mul3A_577 = arith.mulf %gather3A_566, %gather3A_576 : vector<16xf32>
      %add3A_578 = arith.addf %add3A_562, %mul3A_577 : vector<16xf32>
      %add3A_579 = arith.constant 15 : i32
      %add3A_580 = vector.broadcast %add3A_579 : i32 to vector<16xi32>
      %add3A_581 = arith.addi %mul3A_324, %add3A_580 : vector<16xi32>
      %gather3A_582 = tpu.vector_load_idx %arg18[%add3A_302, %add3A_581] : memref<256x128xf32, #tpu.memory_space<vmem>>[vector<16xi32>, vector<16xi32>], vector<16xf32>,
      %add3A_583 = arith.constant 15 : i32
      %add3A_584 = vector.broadcast %add3A_583 : i32 to vector<16xi32>
      %add3A_585 = arith.addi %mul3A_330, %add3A_584 : vector<16xi32>
      %gather3A_586 = tpu.vector_load_idx %arg19[%add3A_302, %add3A_585] : memref<256x128xf32, #tpu.memory_space<vmem>>[vector<16xi32>, vector<16xi32>], vector<16xf32>,
      %mul3A_587 = arith.mulf %gather3A_582, %gather3A_586 : vector<16xf32>
      %add3A_588 = arith.addf %add3A_572, %mul3A_587 : vector<16xf32>
      %add3A_589 = arith.constant 15 : i32
      %add3A_590 = vector.broadcast %add3A_589 : i32 to vector<16xi32>
      %add3A_591 = arith.addi %mul3A_336, %add3A_590 : vector<16xi32>
      %gather3A_592 = tpu.vector_load_idx %arg20[%add3A_302, %add3A_591] : memref<256x128xf32, #tpu.memory_space<vmem>>[vector<16xi32>, vector<16xi32>], vector<16xf32>,
      %mul3A_593 = arith.mulf %gather3A_582, %gather3A_592 : vector<16xf32>
      %add3A_594 = arith.addf %add3A_578, %mul3A_593 : vector<16xf32>
      %add3A_595 = arith.constant 16 : i32
      %add3A_596 = vector.broadcast %add3A_595 : i32 to vector<16xi32>
      %add3A_597 = arith.addi %mul3A_324, %add3A_596 : vector<16xi32>
      %gather3A_598 = tpu.vector_load_idx %arg18[%add3A_302, %add3A_597] : memref<256x128xf32, #tpu.memory_space<vmem>>[vector<16xi32>, vector<16xi32>], vector<16xf32>,
      %add3A_599 = arith.constant 16 : i32
      %add3A_600 = vector.broadcast %add3A_599 : i32 to vector<16xi32>
      %add3A_601 = arith.addi %mul3A_330, %add3A_600 : vector<16xi32>
      %gather3A_602 = tpu.vector_load_idx %arg19[%add3A_302, %add3A_601] : memref<256x128xf32, #tpu.memory_space<vmem>>[vector<16xi32>, vector<16xi32>], vector<16xf32>,
      %mul3A_603 = arith.mulf %gather3A_598, %gather3A_602 : vector<16xf32>
      %add3A_604 = arith.addf %add3A_588, %mul3A_603 : vector<16xf32>
      %add3A_605 = arith.constant 16 : i32
      %add3A_606 = vector.broadcast %add3A_605 : i32 to vector<16xi32>
      %add3A_607 = arith.addi %mul3A_336, %add3A_606 : vector<16xi32>
      %gather3A_608 = tpu.vector_load_idx %arg20[%add3A_302, %add3A_607] : memref<256x128xf32, #tpu.memory_space<vmem>>[vector<16xi32>, vector<16xi32>], vector<16xf32>,
      %mul3A_609 = arith.mulf %gather3A_598, %gather3A_608 : vector<16xf32>
      %add3A_610 = arith.addf %add3A_594, %mul3A_609 : vector<16xf32>
      %add3A_611 = arith.constant 17 : i32
      %add3A_612 = vector.broadcast %add3A_611 : i32 to vector<16xi32>
      %add3A_613 = arith.addi %mul3A_324, %add3A_612 : vector<16xi32>
      %gather3A_614 = tpu.vector_load_idx %arg18[%add3A_302, %add3A_613] : memref<256x128xf32, #tpu.memory_space<vmem>>[vector<16xi32>, vector<16xi32>], vector<16xf32>,
      %add3A_615 = arith.constant 17 : i32
      %add3A_616 = vector.broadcast %add3A_615 : i32 to vector<16xi32>
      %add3A_617 = arith.addi %mul3A_330, %add3A_616 : vector<16xi32>
      %gather3A_618 = tpu.vector_load_idx %arg19[%add3A_302, %add3A_617] : memref<256x128xf32, #tpu.memory_space<vmem>>[vector<16xi32>, vector<16xi32>], vector<16xf32>,
      %mul3A_619 = arith.mulf %gather3A_614, %gather3A_618 : vector<16xf32>
      %add3A_620 = arith.addf %add3A_604, %mul3A_619 : vector<16xf32>
      %add3A_621 = arith.constant 17 : i32
      %add3A_622 = vector.broadcast %add3A_621 : i32 to vector<16xi32>
      %add3A_623 = arith.addi %mul3A_336, %add3A_622 : vector<16xi32>
      %gather3A_624 = tpu.vector_load_idx %arg20[%add3A_302, %add3A_623] : memref<256x128xf32, #tpu.memory_space<vmem>>[vector<16xi32>, vector<16xi32>], vector<16xf32>,
      %mul3A_625 = arith.mulf %gather3A_614, %gather3A_624 : vector<16xf32>
      %add3A_626 = arith.addf %add3A_610, %mul3A_625 : vector<16xf32>
      %add3A_627 = arith.constant 18 : i32
      %add3A_628 = vector.broadcast %add3A_627 : i32 to vector<16xi32>
      %add3A_629 = arith.addi %mul3A_324, %add3A_628 : vector<16xi32>
      %gather3A_630 = tpu.vector_load_idx %arg18[%add3A_302, %add3A_629] : memref<256x128xf32, #tpu.memory_space<vmem>>[vector<16xi32>, vector<16xi32>], vector<16xf32>,
      %add3A_631 = arith.constant 18 : i32
      %add3A_632 = vector.broadcast %add3A_631 : i32 to vector<16xi32>
      %add3A_633 = arith.addi %mul3A_330, %add3A_632 : vector<16xi32>
      %gather3A_634 = tpu.vector_load_idx %arg19[%add3A_302, %add3A_633] : memref<256x128xf32, #tpu.memory_space<vmem>>[vector<16xi32>, vector<16xi32>], vector<16xf32>,
      %mul3A_635 = arith.mulf %gather3A_630, %gather3A_634 : vector<16xf32>
      %add3A_636 = arith.addf %add3A_620, %mul3A_635 : vector<16xf32>
      %add3A_637 = arith.constant 18 : i32
      %add3A_638 = vector.broadcast %add3A_637 : i32 to vector<16xi32>
      %add3A_639 = arith.addi %mul3A_336, %add3A_638 : vector<16xi32>
      %gather3A_640 = tpu.vector_load_idx %arg20[%add3A_302, %add3A_639] : memref<256x128xf32, #tpu.memory_space<vmem>>[vector<16xi32>, vector<16xi32>], vector<16xf32>,
      %mul3A_641 = arith.mulf %gather3A_630, %gather3A_640 : vector<16xf32>
      %add3A_642 = arith.addf %add3A_626, %mul3A_641 : vector<16xf32>
      %add3A_643 = arith.constant 19 : i32
      %add3A_644 = vector.broadcast %add3A_643 : i32 to vector<16xi32>
      %add3A_645 = arith.addi %mul3A_324, %add3A_644 : vector<16xi32>
      %gather3A_646 = tpu.vector_load_idx %arg18[%add3A_302, %add3A_645] : memref<256x128xf32, #tpu.memory_space<vmem>>[vector<16xi32>, vector<16xi32>], vector<16xf32>,
      %add3A_647 = arith.constant 19 : i32
      %add3A_648 = vector.broadcast %add3A_647 : i32 to vector<16xi32>
      %add3A_649 = arith.addi %mul3A_330, %add3A_648 : vector<16xi32>
      %gather3A_650 = tpu.vector_load_idx %arg19[%add3A_302, %add3A_649] : memref<256x128xf32, #tpu.memory_space<vmem>>[vector<16xi32>, vector<16xi32>], vector<16xf32>,
      %mul3A_651 = arith.mulf %gather3A_646, %gather3A_650 : vector<16xf32>
      %add3A_652 = arith.addf %add3A_636, %mul3A_651 : vector<16xf32>
      %add3A_653 = arith.constant 19 : i32
      %add3A_654 = vector.broadcast %add3A_653 : i32 to vector<16xi32>
      %add3A_655 = arith.addi %mul3A_336, %add3A_654 : vector<16xi32>
      %gather3A_656 = tpu.vector_load_idx %arg20[%add3A_302, %add3A_655] : memref<256x128xf32, #tpu.memory_space<vmem>>[vector<16xi32>, vector<16xi32>], vector<16xf32>,
      %mul3A_657 = arith.mulf %gather3A_646, %gather3A_656 : vector<16xf32>
      %add3A_658 = arith.addf %add3A_642, %mul3A_657 : vector<16xf32>
      %add3A_659 = arith.constant 20 : i32
      %add3A_660 = vector.broadcast %add3A_659 : i32 to vector<16xi32>
      %add3A_661 = arith.addi %mul3A_324, %add3A_660 : vector<16xi32>
      %gather3A_662 = tpu.vector_load_idx %arg18[%add3A_302, %add3A_661] : memref<256x128xf32, #tpu.memory_space<vmem>>[vector<16xi32>, vector<16xi32>], vector<16xf32>,
      %add3A_663 = arith.constant 20 : i32
      %add3A_664 = vector.broadcast %add3A_663 : i32 to vector<16xi32>
      %add3A_665 = arith.addi %mul3A_330, %add3A_664 : vector<16xi32>
      %gather3A_666 = tpu.vector_load_idx %arg19[%add3A_302, %add3A_665] : memref<256x128xf32, #tpu.memory_space<vmem>>[vector<16xi32>, vector<16xi32>], vector<16xf32>,
      %mul3A_667 = arith.mulf %gather3A_662, %gather3A_666 : vector<16xf32>
      %add3A_668 = arith.addf %add3A_652, %mul3A_667 : vector<16xf32>
      %add3A_669 = arith.constant 20 : i32
      %add3A_670 = vector.broadcast %add3A_669 : i32 to vector<16xi32>
      %add3A_671 = arith.addi %mul3A_336, %add3A_670 : vector<16xi32>
      %gather3A_672 = tpu.vector_load_idx %arg20[%add3A_302, %add3A_671] : memref<256x128xf32, #tpu.memory_space<vmem>>[vector<16xi32>, vector<16xi32>], vector<16xf32>,
      %mul3A_673 = arith.mulf %gather3A_662, %gather3A_672 : vector<16xf32>
      %add3A_674 = arith.addf %add3A_658, %mul3A_673 : vector<16xf32>
      %add3A_675 = arith.constant 21 : i32
      %add3A_676 = vector.broadcast %add3A_675 : i32 to vector<16xi32>
      %add3A_677 = arith.addi %mul3A_324, %add3A_676 : vector<16xi32>
      %gather3A_678 = tpu.vector_load_idx %arg18[%add3A_302, %add3A_677] : memref<256x128xf32, #tpu.memory_space<vmem>>[vector<16xi32>, vector<16xi32>], vector<16xf32>,
      %add3A_679 = arith.constant 21 : i32
      %add3A_680 = vector.broadcast %add3A_679 : i32 to vector<16xi32>
      %add3A_681 = arith.addi %mul3A_330, %add3A_680 : vector<16xi32>
      %gather3A_682 = tpu.vector_load_idx %arg19[%add3A_302, %add3A_681] : memref<256x128xf32, #tpu.memory_space<vmem>>[vector<16xi32>, vector<16xi32>], vector<16xf32>,
      %mul3A_683 = arith.mulf %gather3A_678, %gather3A_682 : vector<16xf32>
      %add3A_684 = arith.addf %add3A_668, %mul3A_683 : vector<16xf32>
      %add3A_685 = arith.constant 21 : i32
      %add3A_686 = vector.broadcast %add3A_685 : i32 to vector<16xi32>
      %add3A_687 = arith.addi %mul3A_336, %add3A_686 : vector<16xi32>
      %gather3A_688 = tpu.vector_load_idx %arg20[%add3A_302, %add3A_687] : memref<256x128xf32, #tpu.memory_space<vmem>>[vector<16xi32>, vector<16xi32>], vector<16xf32>,
      %mul3A_689 = arith.mulf %gather3A_678, %gather3A_688 : vector<16xf32>
      %add3A_690 = arith.addf %add3A_674, %mul3A_689 : vector<16xf32>
      %add3A_691 = arith.constant 22 : i32
      %add3A_692 = vector.broadcast %add3A_691 : i32 to vector<16xi32>
      %add3A_693 = arith.addi %mul3A_324, %add3A_692 : vector<16xi32>
      %gather3A_694 = tpu.vector_load_idx %arg18[%add3A_302, %add3A_693] : memref<256x128xf32, #tpu.memory_space<vmem>>[vector<16xi32>, vector<16xi32>], vector<16xf32>,
      %add3A_695 = arith.constant 22 : i32
      %add3A_696 = vector.broadcast %add3A_695 : i32 to vector<16xi32>
      %add3A_697 = arith.addi %mul3A_330, %add3A_696 : vector<16xi32>
      %gather3A_698 = tpu.vector_load_idx %arg19[%add3A_302, %add3A_697] : memref<256x128xf32, #tpu.memory_space<vmem>>[vector<16xi32>, vector<16xi32>], vector<16xf32>,
      %mul3A_699 = arith.mulf %gather3A_694, %gather3A_698 : vector<16xf32>
      %add3A_700 = arith.addf %add3A_684, %mul3A_699 : vector<16xf32>
      %add3A_701 = arith.constant 22 : i32
      %add3A_702 = vector.broadcast %add3A_701 : i32 to vector<16xi32>
      %add3A_703 = arith.addi %mul3A_336, %add3A_702 : vector<16xi32>
      %gather3A_704 = tpu.vector_load_idx %arg20[%add3A_302, %add3A_703] : memref<256x128xf32, #tpu.memory_space<vmem>>[vector<16xi32>, vector<16xi32>], vector<16xf32>,
      %mul3A_705 = arith.mulf %gather3A_694, %gather3A_704 : vector<16xf32>
      %add3A_706 = arith.addf %add3A_690, %mul3A_705 : vector<16xf32>
      %add3A_707 = arith.constant 23 : i32
      %add3A_708 = vector.broadcast %add3A_707 : i32 to vector<16xi32>
      %add3A_709 = arith.addi %mul3A_324, %add3A_708 : vector<16xi32>
      %gather3A_710 = tpu.vector_load_idx %arg18[%add3A_302, %add3A_709] : memref<256x128xf32, #tpu.memory_space<vmem>>[vector<16xi32>, vector<16xi32>], vector<16xf32>,
      %add3A_711 = arith.constant 23 : i32
      %add3A_712 = vector.broadcast %add3A_711 : i32 to vector<16xi32>
      %add3A_713 = arith.addi %mul3A_330, %add3A_712 : vector<16xi32>
      %gather3A_714 = tpu.vector_load_idx %arg19[%add3A_302, %add3A_713] : memref<256x128xf32, #tpu.memory_space<vmem>>[vector<16xi32>, vector<16xi32>], vector<16xf32>,
      %mul3A_715 = arith.mulf %gather3A_710, %gather3A_714 : vector<16xf32>
      %add3A_716 = arith.addf %add3A_700, %mul3A_715 : vector<16xf32>
      %add3A_717 = arith.constant 23 : i32
      %add3A_718 = vector.broadcast %add3A_717 : i32 to vector<16xi32>
      %add3A_719 = arith.addi %mul3A_336, %add3A_718 : vector<16xi32>
      %gather3A_720 = tpu.vector_load_idx %arg20[%add3A_302, %add3A_719] : memref<256x128xf32, #tpu.memory_space<vmem>>[vector<16xi32>, vector<16xi32>], vector<16xf32>,
      %mul3A_721 = arith.mulf %gather3A_710, %gather3A_720 : vector<16xf32>
      %add3A_722 = arith.addf %add3A_706, %mul3A_721 : vector<16xf32>
      %add3A_723 = arith.constant 24 : i32
      %add3A_724 = vector.broadcast %add3A_723 : i32 to vector<16xi32>
      %add3A_725 = arith.addi %mul3A_324, %add3A_724 : vector<16xi32>
      %gather3A_726 = tpu.vector_load_idx %arg18[%add3A_302, %add3A_725] : memref<256x128xf32, #tpu.memory_space<vmem>>[vector<16xi32>, vector<16xi32>], vector<16xf32>,
      %add3A_727 = arith.constant 24 : i32
      %add3A_728 = vector.broadcast %add3A_727 : i32 to vector<16xi32>
      %add3A_729 = arith.addi %mul3A_330, %add3A_728 : vector<16xi32>
      %gather3A_730 = tpu.vector_load_idx %arg19[%add3A_302, %add3A_729] : memref<256x128xf32, #tpu.memory_space<vmem>>[vector<16xi32>, vector<16xi32>], vector<16xf32>,
      %mul3A_731 = arith.mulf %gather3A_726, %gather3A_730 : vector<16xf32>
      %add3A_732 = arith.addf %add3A_716, %mul3A_731 : vector<16xf32>
      %add3A_733 = arith.constant 24 : i32
      %add3A_734 = vector.broadcast %add3A_733 : i32 to vector<16xi32>
      %add3A_735 = arith.addi %mul3A_336, %add3A_734 : vector<16xi32>
      %gather3A_736 = tpu.vector_load_idx %arg20[%add3A_302, %add3A_735] : memref<256x128xf32, #tpu.memory_space<vmem>>[vector<16xi32>, vector<16xi32>], vector<16xf32>,
      %mul3A_737 = arith.mulf %gather3A_726, %gather3A_736 : vector<16xf32>
      %add3A_738 = arith.addf %add3A_722, %mul3A_737 : vector<16xf32>
      %add3A_739 = arith.constant 25 : i32
      %add3A_740 = vector.broadcast %add3A_739 : i32 to vector<16xi32>
      %add3A_741 = arith.addi %mul3A_324, %add3A_740 : vector<16xi32>
      %gather3A_742 = tpu.vector_load_idx %arg18[%add3A_302, %add3A_741] : memref<256x128xf32, #tpu.memory_space<vmem>>[vector<16xi32>, vector<16xi32>], vector<16xf32>,
      %add3A_743 = arith.constant 25 : i32
      %add3A_744 = vector.broadcast %add3A_743 : i32 to vector<16xi32>
      %add3A_745 = arith.addi %mul3A_330, %add3A_744 : vector<16xi32>
      %gather3A_746 = tpu.vector_load_idx %arg19[%add3A_302, %add3A_745] : memref<256x128xf32, #tpu.memory_space<vmem>>[vector<16xi32>, vector<16xi32>], vector<16xf32>,
      %mul3A_747 = arith.mulf %gather3A_742, %gather3A_746 : vector<16xf32>
      %add3A_748 = arith.addf %add3A_732, %mul3A_747 : vector<16xf32>
      %add3A_749 = arith.constant 25 : i32
      %add3A_750 = vector.broadcast %add3A_749 : i32 to vector<16xi32>
      %add3A_751 = arith.addi %mul3A_336, %add3A_750 : vector<16xi32>
      %gather3A_752 = tpu.vector_load_idx %arg20[%add3A_302, %add3A_751] : memref<256x128xf32, #tpu.memory_space<vmem>>[vector<16xi32>, vector<16xi32>], vector<16xf32>,
      %mul3A_753 = arith.mulf %gather3A_742, %gather3A_752 : vector<16xf32>
      %add3A_754 = arith.addf %add3A_738, %mul3A_753 : vector<16xf32>
      %add3A_755 = arith.constant 26 : i32
      %add3A_756 = vector.broadcast %add3A_755 : i32 to vector<16xi32>
      %add3A_757 = arith.addi %mul3A_324, %add3A_756 : vector<16xi32>
      %gather3A_758 = tpu.vector_load_idx %arg18[%add3A_302, %add3A_757] : memref<256x128xf32, #tpu.memory_space<vmem>>[vector<16xi32>, vector<16xi32>], vector<16xf32>,
      %add3A_759 = arith.constant 26 : i32
      %add3A_760 = vector.broadcast %add3A_759 : i32 to vector<16xi32>
      %add3A_761 = arith.addi %mul3A_330, %add3A_760 : vector<16xi32>
      %gather3A_762 = tpu.vector_load_idx %arg19[%add3A_302, %add3A_761] : memref<256x128xf32, #tpu.memory_space<vmem>>[vector<16xi32>, vector<16xi32>], vector<16xf32>,
      %mul3A_763 = arith.mulf %gather3A_758, %gather3A_762 : vector<16xf32>
      %add3A_764 = arith.addf %add3A_748, %mul3A_763 : vector<16xf32>
      %add3A_765 = arith.constant 26 : i32
      %add3A_766 = vector.broadcast %add3A_765 : i32 to vector<16xi32>
      %add3A_767 = arith.addi %mul3A_336, %add3A_766 : vector<16xi32>
      %gather3A_768 = tpu.vector_load_idx %arg20[%add3A_302, %add3A_767] : memref<256x128xf32, #tpu.memory_space<vmem>>[vector<16xi32>, vector<16xi32>], vector<16xf32>,
      %mul3A_769 = arith.mulf %gather3A_758, %gather3A_768 : vector<16xf32>
      %add3A_770 = arith.addf %add3A_754, %mul3A_769 : vector<16xf32>
      %add3A_771 = arith.constant 27 : i32
      %add3A_772 = vector.broadcast %add3A_771 : i32 to vector<16xi32>
      %add3A_773 = arith.addi %mul3A_324, %add3A_772 : vector<16xi32>
      %gather3A_774 = tpu.vector_load_idx %arg18[%add3A_302, %add3A_773] : memref<256x128xf32, #tpu.memory_space<vmem>>[vector<16xi32>, vector<16xi32>], vector<16xf32>,
      %add3A_775 = arith.constant 27 : i32
      %add3A_776 = vector.broadcast %add3A_775 : i32 to vector<16xi32>
      %add3A_777 = arith.addi %mul3A_330, %add3A_776 : vector<16xi32>
      %gather3A_778 = tpu.vector_load_idx %arg19[%add3A_302, %add3A_777] : memref<256x128xf32, #tpu.memory_space<vmem>>[vector<16xi32>, vector<16xi32>], vector<16xf32>,
      %mul3A_779 = arith.mulf %gather3A_774, %gather3A_778 : vector<16xf32>
      %add3A_780 = arith.addf %add3A_764, %mul3A_779 : vector<16xf32>
      %add3A_781 = arith.constant 27 : i32
      %add3A_782 = vector.broadcast %add3A_781 : i32 to vector<16xi32>
      %add3A_783 = arith.addi %mul3A_336, %add3A_782 : vector<16xi32>
      %gather3A_784 = tpu.vector_load_idx %arg20[%add3A_302, %add3A_783] : memref<256x128xf32, #tpu.memory_space<vmem>>[vector<16xi32>, vector<16xi32>], vector<16xf32>,
      %mul3A_785 = arith.mulf %gather3A_774, %gather3A_784 : vector<16xf32>
      %add3A_786 = arith.addf %add3A_770, %mul3A_785 : vector<16xf32>
      %add3A_787 = arith.constant 28 : i32
      %add3A_788 = vector.broadcast %add3A_787 : i32 to vector<16xi32>
      %add3A_789 = arith.addi %mul3A_324, %add3A_788 : vector<16xi32>
      %gather3A_790 = tpu.vector_load_idx %arg18[%add3A_302, %add3A_789] : memref<256x128xf32, #tpu.memory_space<vmem>>[vector<16xi32>, vector<16xi32>], vector<16xf32>,
      %add3A_791 = arith.constant 28 : i32
      %add3A_792 = vector.broadcast %add3A_791 : i32 to vector<16xi32>
      %add3A_793 = arith.addi %mul3A_330, %add3A_792 : vector<16xi32>
      %gather3A_794 = tpu.vector_load_idx %arg19[%add3A_302, %add3A_793] : memref<256x128xf32, #tpu.memory_space<vmem>>[vector<16xi32>, vector<16xi32>], vector<16xf32>,
      %mul3A_795 = arith.mulf %gather3A_790, %gather3A_794 : vector<16xf32>
      %add3A_796 = arith.addf %add3A_780, %mul3A_795 : vector<16xf32>
      %add3A_797 = arith.constant 28 : i32
      %add3A_798 = vector.broadcast %add3A_797 : i32 to vector<16xi32>
      %add3A_799 = arith.addi %mul3A_336, %add3A_798 : vector<16xi32>
      %gather3A_800 = tpu.vector_load_idx %arg20[%add3A_302, %add3A_799] : memref<256x128xf32, #tpu.memory_space<vmem>>[vector<16xi32>, vector<16xi32>], vector<16xf32>,
      %mul3A_801 = arith.mulf %gather3A_790, %gather3A_800 : vector<16xf32>
      %add3A_802 = arith.addf %add3A_786, %mul3A_801 : vector<16xf32>
      %add3A_803 = arith.constant 29 : i32
      %add3A_804 = vector.broadcast %add3A_803 : i32 to vector<16xi32>
      %add3A_805 = arith.addi %mul3A_324, %add3A_804 : vector<16xi32>
      %gather3A_806 = tpu.vector_load_idx %arg18[%add3A_302, %add3A_805] : memref<256x128xf32, #tpu.memory_space<vmem>>[vector<16xi32>, vector<16xi32>], vector<16xf32>,
      %add3A_807 = arith.constant 29 : i32
      %add3A_808 = vector.broadcast %add3A_807 : i32 to vector<16xi32>
      %add3A_809 = arith.addi %mul3A_330, %add3A_808 : vector<16xi32>
      %gather3A_810 = tpu.vector_load_idx %arg19[%add3A_302, %add3A_809] : memref<256x128xf32, #tpu.memory_space<vmem>>[vector<16xi32>, vector<16xi32>], vector<16xf32>,
      %mul3A_811 = arith.mulf %gather3A_806, %gather3A_810 : vector<16xf32>
      %add3A_812 = arith.addf %add3A_796, %mul3A_811 : vector<16xf32>
      %add3A_813 = arith.constant 29 : i32
      %add3A_814 = vector.broadcast %add3A_813 : i32 to vector<16xi32>
      %add3A_815 = arith.addi %mul3A_336, %add3A_814 : vector<16xi32>
      %gather3A_816 = tpu.vector_load_idx %arg20[%add3A_302, %add3A_815] : memref<256x128xf32, #tpu.memory_space<vmem>>[vector<16xi32>, vector<16xi32>], vector<16xf32>,
      %mul3A_817 = arith.mulf %gather3A_806, %gather3A_816 : vector<16xf32>
      %add3A_818 = arith.addf %add3A_802, %mul3A_817 : vector<16xf32>
      %add3A_819 = arith.constant 30 : i32
      %add3A_820 = vector.broadcast %add3A_819 : i32 to vector<16xi32>
      %add3A_821 = arith.addi %mul3A_324, %add3A_820 : vector<16xi32>
      %gather3A_822 = tpu.vector_load_idx %arg18[%add3A_302, %add3A_821] : memref<256x128xf32, #tpu.memory_space<vmem>>[vector<16xi32>, vector<16xi32>], vector<16xf32>,
      %add3A_823 = arith.constant 30 : i32
      %add3A_824 = vector.broadcast %add3A_823 : i32 to vector<16xi32>
      %add3A_825 = arith.addi %mul3A_330, %add3A_824 : vector<16xi32>
      %gather3A_826 = tpu.vector_load_idx %arg19[%add3A_302, %add3A_825] : memref<256x128xf32, #tpu.memory_space<vmem>>[vector<16xi32>, vector<16xi32>], vector<16xf32>,
      %mul3A_827 = arith.mulf %gather3A_822, %gather3A_826 : vector<16xf32>
      %add3A_828 = arith.addf %add3A_812, %mul3A_827 : vector<16xf32>
      %add3A_829 = arith.constant 30 : i32
      %add3A_830 = vector.broadcast %add3A_829 : i32 to vector<16xi32>
      %add3A_831 = arith.addi %mul3A_336, %add3A_830 : vector<16xi32>
      %gather3A_832 = tpu.vector_load_idx %arg20[%add3A_302, %add3A_831] : memref<256x128xf32, #tpu.memory_space<vmem>>[vector<16xi32>, vector<16xi32>], vector<16xf32>,
      %mul3A_833 = arith.mulf %gather3A_822, %gather3A_832 : vector<16xf32>
      %add3A_834 = arith.addf %add3A_818, %mul3A_833 : vector<16xf32>
      %add3A_835 = arith.constant 31 : i32
      %add3A_836 = vector.broadcast %add3A_835 : i32 to vector<16xi32>
      %add3A_837 = arith.addi %mul3A_324, %add3A_836 : vector<16xi32>
      %gather3A_838 = tpu.vector_load_idx %arg18[%add3A_302, %add3A_837] : memref<256x128xf32, #tpu.memory_space<vmem>>[vector<16xi32>, vector<16xi32>], vector<16xf32>,
      %add3A_839 = arith.constant 31 : i32
      %add3A_840 = vector.broadcast %add3A_839 : i32 to vector<16xi32>
      %add3A_841 = arith.addi %mul3A_330, %add3A_840 : vector<16xi32>
      %gather3A_842 = tpu.vector_load_idx %arg19[%add3A_302, %add3A_841] : memref<256x128xf32, #tpu.memory_space<vmem>>[vector<16xi32>, vector<16xi32>], vector<16xf32>,
      %mul3A_843 = arith.mulf %gather3A_838, %gather3A_842 : vector<16xf32>
      %add3A_844 = arith.addf %add3A_828, %mul3A_843 : vector<16xf32>
      %add3A_845 = arith.constant 31 : i32
      %add3A_846 = vector.broadcast %add3A_845 : i32 to vector<16xi32>
      %add3A_847 = arith.addi %mul3A_336, %add3A_846 : vector<16xi32>
      %gather3A_848 = tpu.vector_load_idx %arg20[%add3A_302, %add3A_847] : memref<256x128xf32, #tpu.memory_space<vmem>>[vector<16xi32>, vector<16xi32>], vector<16xf32>,
      %mul3A_849 = arith.mulf %gather3A_838, %gather3A_848 : vector<16xf32>
      %add3A_850 = arith.addf %add3A_834, %mul3A_849 : vector<16xf32>
      %add3A_851 = arith.constant 32 : i32
      %add3A_852 = vector.broadcast %add3A_851 : i32 to vector<16xi32>
      %add3A_853 = arith.addi %mul3A_324, %add3A_852 : vector<16xi32>
      %gather3A_854 = tpu.vector_load_idx %arg18[%add3A_302, %add3A_853] : memref<256x128xf32, #tpu.memory_space<vmem>>[vector<16xi32>, vector<16xi32>], vector<16xf32>,
      %add3A_855 = arith.constant 32 : i32
      %add3A_856 = vector.broadcast %add3A_855 : i32 to vector<16xi32>
      %add3A_857 = arith.addi %mul3A_330, %add3A_856 : vector<16xi32>
      %gather3A_858 = tpu.vector_load_idx %arg19[%add3A_302, %add3A_857] : memref<256x128xf32, #tpu.memory_space<vmem>>[vector<16xi32>, vector<16xi32>], vector<16xf32>,
      %mul3A_859 = arith.mulf %gather3A_854, %gather3A_858 : vector<16xf32>
      %add3A_860 = arith.addf %add3A_844, %mul3A_859 : vector<16xf32>
      %add3A_861 = arith.constant 32 : i32
      %add3A_862 = vector.broadcast %add3A_861 : i32 to vector<16xi32>
      %add3A_863 = arith.addi %mul3A_336, %add3A_862 : vector<16xi32>
      %gather3A_864 = tpu.vector_load_idx %arg20[%add3A_302, %add3A_863] : memref<256x128xf32, #tpu.memory_space<vmem>>[vector<16xi32>, vector<16xi32>], vector<16xf32>,
      %mul3A_865 = arith.mulf %gather3A_854, %gather3A_864 : vector<16xf32>
      %add3A_866 = arith.addf %add3A_850, %mul3A_865 : vector<16xf32>
      %add3A_867 = arith.constant 33 : i32
      %add3A_868 = vector.broadcast %add3A_867 : i32 to vector<16xi32>
      %add3A_869 = arith.addi %mul3A_324, %add3A_868 : vector<16xi32>
      %gather3A_870 = tpu.vector_load_idx %arg18[%add3A_302, %add3A_869] : memref<256x128xf32, #tpu.memory_space<vmem>>[vector<16xi32>, vector<16xi32>], vector<16xf32>,
      %add3A_871 = arith.constant 33 : i32
      %add3A_872 = vector.broadcast %add3A_871 : i32 to vector<16xi32>
      %add3A_873 = arith.addi %mul3A_330, %add3A_872 : vector<16xi32>
      %gather3A_874 = tpu.vector_load_idx %arg19[%add3A_302, %add3A_873] : memref<256x128xf32, #tpu.memory_space<vmem>>[vector<16xi32>, vector<16xi32>], vector<16xf32>,
      %mul3A_875 = arith.mulf %gather3A_870, %gather3A_874 : vector<16xf32>
      %add3A_876 = arith.addf %add3A_860, %mul3A_875 : vector<16xf32>
      %add3A_877 = arith.constant 33 : i32
      %add3A_878 = vector.broadcast %add3A_877 : i32 to vector<16xi32>
      %add3A_879 = arith.addi %mul3A_336, %add3A_878 : vector<16xi32>
      %gather3A_880 = tpu.vector_load_idx %arg20[%add3A_302, %add3A_879] : memref<256x128xf32, #tpu.memory_space<vmem>>[vector<16xi32>, vector<16xi32>], vector<16xf32>,
      %mul3A_881 = arith.mulf %gather3A_870, %gather3A_880 : vector<16xf32>
      %add3A_882 = arith.addf %add3A_866, %mul3A_881 : vector<16xf32>
      %add3A_883 = arith.constant 34 : i32
      %add3A_884 = vector.broadcast %add3A_883 : i32 to vector<16xi32>
      %add3A_885 = arith.addi %mul3A_324, %add3A_884 : vector<16xi32>
      %gather3A_886 = tpu.vector_load_idx %arg18[%add3A_302, %add3A_885] : memref<256x128xf32, #tpu.memory_space<vmem>>[vector<16xi32>, vector<16xi32>], vector<16xf32>,
      %add3A_887 = arith.constant 34 : i32
      %add3A_888 = vector.broadcast %add3A_887 : i32 to vector<16xi32>
      %add3A_889 = arith.addi %mul3A_330, %add3A_888 : vector<16xi32>
      %gather3A_890 = tpu.vector_load_idx %arg19[%add3A_302, %add3A_889] : memref<256x128xf32, #tpu.memory_space<vmem>>[vector<16xi32>, vector<16xi32>], vector<16xf32>,
      %mul3A_891 = arith.mulf %gather3A_886, %gather3A_890 : vector<16xf32>
      %add3A_892 = arith.addf %add3A_876, %mul3A_891 : vector<16xf32>
      %add3A_893 = arith.constant 34 : i32
      %add3A_894 = vector.broadcast %add3A_893 : i32 to vector<16xi32>
      %add3A_895 = arith.addi %mul3A_336, %add3A_894 : vector<16xi32>
      %gather3A_896 = tpu.vector_load_idx %arg20[%add3A_302, %add3A_895] : memref<256x128xf32, #tpu.memory_space<vmem>>[vector<16xi32>, vector<16xi32>], vector<16xf32>,
      %mul3A_897 = arith.mulf %gather3A_886, %gather3A_896 : vector<16xf32>
      %add3A_898 = arith.addf %add3A_882, %mul3A_897 : vector<16xf32>
      %add3A_899 = arith.constant 35 : i32
      %add3A_900 = vector.broadcast %add3A_899 : i32 to vector<16xi32>
      %add3A_901 = arith.addi %mul3A_324, %add3A_900 : vector<16xi32>
      %gather3A_902 = tpu.vector_load_idx %arg18[%add3A_302, %add3A_901] : memref<256x128xf32, #tpu.memory_space<vmem>>[vector<16xi32>, vector<16xi32>], vector<16xf32>,
      %add3A_903 = arith.constant 35 : i32
      %add3A_904 = vector.broadcast %add3A_903 : i32 to vector<16xi32>
      %add3A_905 = arith.addi %mul3A_330, %add3A_904 : vector<16xi32>
      %gather3A_906 = tpu.vector_load_idx %arg19[%add3A_302, %add3A_905] : memref<256x128xf32, #tpu.memory_space<vmem>>[vector<16xi32>, vector<16xi32>], vector<16xf32>,
      %mul3A_907 = arith.mulf %gather3A_902, %gather3A_906 : vector<16xf32>
      %add3A_908 = arith.addf %add3A_892, %mul3A_907 : vector<16xf32>
      %add3A_909 = arith.constant 35 : i32
      %add3A_910 = vector.broadcast %add3A_909 : i32 to vector<16xi32>
      %add3A_911 = arith.addi %mul3A_336, %add3A_910 : vector<16xi32>
      %gather3A_912 = tpu.vector_load_idx %arg20[%add3A_302, %add3A_911] : memref<256x128xf32, #tpu.memory_space<vmem>>[vector<16xi32>, vector<16xi32>], vector<16xf32>,
      %mul3A_913 = arith.mulf %gather3A_902, %gather3A_912 : vector<16xf32>
      %add3A_914 = arith.addf %add3A_898, %mul3A_913 : vector<16xf32>
      %add3A_915 = arith.constant 36 : i32
      %add3A_916 = vector.broadcast %add3A_915 : i32 to vector<16xi32>
      %add3A_917 = arith.addi %mul3A_324, %add3A_916 : vector<16xi32>
      %gather3A_918 = tpu.vector_load_idx %arg18[%add3A_302, %add3A_917] : memref<256x128xf32, #tpu.memory_space<vmem>>[vector<16xi32>, vector<16xi32>], vector<16xf32>,
      %add3A_919 = arith.constant 36 : i32
      %add3A_920 = vector.broadcast %add3A_919 : i32 to vector<16xi32>
      %add3A_921 = arith.addi %mul3A_330, %add3A_920 : vector<16xi32>
      %gather3A_922 = tpu.vector_load_idx %arg19[%add3A_302, %add3A_921] : memref<256x128xf32, #tpu.memory_space<vmem>>[vector<16xi32>, vector<16xi32>], vector<16xf32>,
      %mul3A_923 = arith.mulf %gather3A_918, %gather3A_922 : vector<16xf32>
      %add3A_924 = arith.addf %add3A_908, %mul3A_923 : vector<16xf32>
      %add3A_925 = arith.constant 36 : i32
      %add3A_926 = vector.broadcast %add3A_925 : i32 to vector<16xi32>
      %add3A_927 = arith.addi %mul3A_336, %add3A_926 : vector<16xi32>
      %gather3A_928 = tpu.vector_load_idx %arg20[%add3A_302, %add3A_927] : memref<256x128xf32, #tpu.memory_space<vmem>>[vector<16xi32>, vector<16xi32>], vector<16xf32>,
      %mul3A_929 = arith.mulf %gather3A_918, %gather3A_928 : vector<16xf32>
      %add3A_930 = arith.addf %add3A_914, %mul3A_929 : vector<16xf32>
      %add3A_931 = arith.constant 37 : i32
      %add3A_932 = vector.broadcast %add3A_931 : i32 to vector<16xi32>
      %add3A_933 = arith.addi %mul3A_324, %add3A_932 : vector<16xi32>
      %gather3A_934 = tpu.vector_load_idx %arg18[%add3A_302, %add3A_933] : memref<256x128xf32, #tpu.memory_space<vmem>>[vector<16xi32>, vector<16xi32>], vector<16xf32>,
      %add3A_935 = arith.constant 37 : i32
      %add3A_936 = vector.broadcast %add3A_935 : i32 to vector<16xi32>
      %add3A_937 = arith.addi %mul3A_330, %add3A_936 : vector<16xi32>
      %gather3A_938 = tpu.vector_load_idx %arg19[%add3A_302, %add3A_937] : memref<256x128xf32, #tpu.memory_space<vmem>>[vector<16xi32>, vector<16xi32>], vector<16xf32>,
      %mul3A_939 = arith.mulf %gather3A_934, %gather3A_938 : vector<16xf32>
      %add3A_940 = arith.addf %add3A_924, %mul3A_939 : vector<16xf32>
      %add3A_941 = arith.constant 37 : i32
      %add3A_942 = vector.broadcast %add3A_941 : i32 to vector<16xi32>
      %add3A_943 = arith.addi %mul3A_336, %add3A_942 : vector<16xi32>
      %gather3A_944 = tpu.vector_load_idx %arg20[%add3A_302, %add3A_943] : memref<256x128xf32, #tpu.memory_space<vmem>>[vector<16xi32>, vector<16xi32>], vector<16xf32>,
      %mul3A_945 = arith.mulf %gather3A_934, %gather3A_944 : vector<16xf32>
      %add3A_946 = arith.addf %add3A_930, %mul3A_945 : vector<16xf32>
      %add3A_947 = arith.constant 38 : i32
      %add3A_948 = vector.broadcast %add3A_947 : i32 to vector<16xi32>
      %add3A_949 = arith.addi %mul3A_324, %add3A_948 : vector<16xi32>
      %gather3A_950 = tpu.vector_load_idx %arg18[%add3A_302, %add3A_949] : memref<256x128xf32, #tpu.memory_space<vmem>>[vector<16xi32>, vector<16xi32>], vector<16xf32>,
      %add3A_951 = arith.constant 38 : i32
      %add3A_952 = vector.broadcast %add3A_951 : i32 to vector<16xi32>
      %add3A_953 = arith.addi %mul3A_330, %add3A_952 : vector<16xi32>
      %gather3A_954 = tpu.vector_load_idx %arg19[%add3A_302, %add3A_953] : memref<256x128xf32, #tpu.memory_space<vmem>>[vector<16xi32>, vector<16xi32>], vector<16xf32>,
      %mul3A_955 = arith.mulf %gather3A_950, %gather3A_954 : vector<16xf32>
      %add3A_956 = arith.addf %add3A_940, %mul3A_955 : vector<16xf32>
      %add3A_957 = arith.constant 38 : i32
      %add3A_958 = vector.broadcast %add3A_957 : i32 to vector<16xi32>
      %add3A_959 = arith.addi %mul3A_336, %add3A_958 : vector<16xi32>
      %gather3A_960 = tpu.vector_load_idx %arg20[%add3A_302, %add3A_959] : memref<256x128xf32, #tpu.memory_space<vmem>>[vector<16xi32>, vector<16xi32>], vector<16xf32>,
      %mul3A_961 = arith.mulf %gather3A_950, %gather3A_960 : vector<16xf32>
      %add3A_962 = arith.addf %add3A_946, %mul3A_961 : vector<16xf32>
      %add3A_963 = arith.constant 39 : i32
      %add3A_964 = vector.broadcast %add3A_963 : i32 to vector<16xi32>
      %add3A_965 = arith.addi %mul3A_324, %add3A_964 : vector<16xi32>
      %gather3A_966 = tpu.vector_load_idx %arg18[%add3A_302, %add3A_965] : memref<256x128xf32, #tpu.memory_space<vmem>>[vector<16xi32>, vector<16xi32>], vector<16xf32>,
      %add3A_967 = arith.constant 39 : i32
      %add3A_968 = vector.broadcast %add3A_967 : i32 to vector<16xi32>
      %add3A_969 = arith.addi %mul3A_330, %add3A_968 : vector<16xi32>
      %gather3A_970 = tpu.vector_load_idx %arg19[%add3A_302, %add3A_969] : memref<256x128xf32, #tpu.memory_space<vmem>>[vector<16xi32>, vector<16xi32>], vector<16xf32>,
      %mul3A_971 = arith.mulf %gather3A_966, %gather3A_970 : vector<16xf32>
      %add3A_972 = arith.addf %add3A_956, %mul3A_971 : vector<16xf32>
      %add3A_973 = arith.constant 39 : i32
      %add3A_974 = vector.broadcast %add3A_973 : i32 to vector<16xi32>
      %add3A_975 = arith.addi %mul3A_336, %add3A_974 : vector<16xi32>
      %gather3A_976 = tpu.vector_load_idx %arg20[%add3A_302, %add3A_975] : memref<256x128xf32, #tpu.memory_space<vmem>>[vector<16xi32>, vector<16xi32>], vector<16xf32>,
      %mul3A_977 = arith.mulf %gather3A_966, %gather3A_976 : vector<16xf32>
      %add3A_978 = arith.addf %add3A_962, %mul3A_977 : vector<16xf32>
      %add3A_979 = arith.constant 40 : i32
      %add3A_980 = vector.broadcast %add3A_979 : i32 to vector<16xi32>
      %add3A_981 = arith.addi %mul3A_324, %add3A_980 : vector<16xi32>
      %gather3A_982 = tpu.vector_load_idx %arg18[%add3A_302, %add3A_981] : memref<256x128xf32, #tpu.memory_space<vmem>>[vector<16xi32>, vector<16xi32>], vector<16xf32>,
      %add3A_983 = arith.constant 40 : i32
      %add3A_984 = vector.broadcast %add3A_983 : i32 to vector<16xi32>
      %add3A_985 = arith.addi %mul3A_330, %add3A_984 : vector<16xi32>
      %gather3A_986 = tpu.vector_load_idx %arg19[%add3A_302, %add3A_985] : memref<256x128xf32, #tpu.memory_space<vmem>>[vector<16xi32>, vector<16xi32>], vector<16xf32>,
      %mul3A_987 = arith.mulf %gather3A_982, %gather3A_986 : vector<16xf32>
      %add3A_988 = arith.addf %add3A_972, %mul3A_987 : vector<16xf32>
      %add3A_989 = arith.constant 40 : i32
      %add3A_990 = vector.broadcast %add3A_989 : i32 to vector<16xi32>
      %add3A_991 = arith.addi %mul3A_336, %add3A_990 : vector<16xi32>
      %gather3A_992 = tpu.vector_load_idx %arg20[%add3A_302, %add3A_991] : memref<256x128xf32, #tpu.memory_space<vmem>>[vector<16xi32>, vector<16xi32>], vector<16xf32>,
      %mul3A_993 = arith.mulf %gather3A_982, %gather3A_992 : vector<16xf32>
      %add3A_994 = arith.addf %add3A_978, %mul3A_993 : vector<16xf32>
      %add3A_995 = arith.constant 41 : i32
      %add3A_996 = vector.broadcast %add3A_995 : i32 to vector<16xi32>
      %add3A_997 = arith.addi %mul3A_324, %add3A_996 : vector<16xi32>
      %gather3A_998 = tpu.vector_load_idx %arg18[%add3A_302, %add3A_997] : memref<256x128xf32, #tpu.memory_space<vmem>>[vector<16xi32>, vector<16xi32>], vector<16xf32>,
      %add3A_999 = arith.constant 41 : i32
      %add3A_1000 = vector.broadcast %add3A_999 : i32 to vector<16xi32>
      %add3A_1001 = arith.addi %mul3A_330, %add3A_1000 : vector<16xi32>
      %gather3A_1002 = tpu.vector_load_idx %arg19[%add3A_302, %add3A_1001] : memref<256x128xf32, #tpu.memory_space<vmem>>[vector<16xi32>, vector<16xi32>], vector<16xf32>,
      %mul3A_1003 = arith.mulf %gather3A_998, %gather3A_1002 : vector<16xf32>
      %add3A_1004 = arith.addf %add3A_988, %mul3A_1003 : vector<16xf32>
      %add3A_1005 = arith.constant 41 : i32
      %add3A_1006 = vector.broadcast %add3A_1005 : i32 to vector<16xi32>
      %add3A_1007 = arith.addi %mul3A_336, %add3A_1006 : vector<16xi32>
      %gather3A_1008 = tpu.vector_load_idx %arg20[%add3A_302, %add3A_1007] : memref<256x128xf32, #tpu.memory_space<vmem>>[vector<16xi32>, vector<16xi32>], vector<16xf32>,
      %mul3A_1009 = arith.mulf %gather3A_998, %gather3A_1008 : vector<16xf32>
      %add3A_1010 = arith.addf %add3A_994, %mul3A_1009 : vector<16xf32>
      %add3A_1011 = arith.constant 42 : i32
      %add3A_1012 = vector.broadcast %add3A_1011 : i32 to vector<16xi32>
      %add3A_1013 = arith.addi %mul3A_324, %add3A_1012 : vector<16xi32>
      %gather3A_1014 = tpu.vector_load_idx %arg18[%add3A_302, %add3A_1013] : memref<256x128xf32, #tpu.memory_space<vmem>>[vector<16xi32>, vector<16xi32>], vector<16xf32>,
      %add3A_1015 = arith.constant 42 : i32
      %add3A_1016 = vector.broadcast %add3A_1015 : i32 to vector<16xi32>
      %add3A_1017 = arith.addi %mul3A_330, %add3A_1016 : vector<16xi32>
      %gather3A_1018 = tpu.vector_load_idx %arg19[%add3A_302, %add3A_1017] : memref<256x128xf32, #tpu.memory_space<vmem>>[vector<16xi32>, vector<16xi32>], vector<16xf32>,
      %mul3A_1019 = arith.mulf %gather3A_1014, %gather3A_1018 : vector<16xf32>
      %add3A_1020 = arith.addf %add3A_1004, %mul3A_1019 : vector<16xf32>
      %add3A_1021 = arith.constant 42 : i32
      %add3A_1022 = vector.broadcast %add3A_1021 : i32 to vector<16xi32>
      %add3A_1023 = arith.addi %mul3A_336, %add3A_1022 : vector<16xi32>
      %gather3A_1024 = tpu.vector_load_idx %arg20[%add3A_302, %add3A_1023] : memref<256x128xf32, #tpu.memory_space<vmem>>[vector<16xi32>, vector<16xi32>], vector<16xf32>,
      %mul3A_1025 = arith.mulf %gather3A_1014, %gather3A_1024 : vector<16xf32>
      %add3A_1026 = arith.addf %add3A_1010, %mul3A_1025 : vector<16xf32>
      %add3A_1027 = arith.constant 43 : i32
      %add3A_1028 = vector.broadcast %add3A_1027 : i32 to vector<16xi32>
      %add3A_1029 = arith.addi %mul3A_324, %add3A_1028 : vector<16xi32>
      %gather3A_1030 = tpu.vector_load_idx %arg18[%add3A_302, %add3A_1029] : memref<256x128xf32, #tpu.memory_space<vmem>>[vector<16xi32>, vector<16xi32>], vector<16xf32>,
      %add3A_1031 = arith.constant 43 : i32
      %add3A_1032 = vector.broadcast %add3A_1031 : i32 to vector<16xi32>
      %add3A_1033 = arith.addi %mul3A_330, %add3A_1032 : vector<16xi32>
      %gather3A_1034 = tpu.vector_load_idx %arg19[%add3A_302, %add3A_1033] : memref<256x128xf32, #tpu.memory_space<vmem>>[vector<16xi32>, vector<16xi32>], vector<16xf32>,
      %mul3A_1035 = arith.mulf %gather3A_1030, %gather3A_1034 : vector<16xf32>
      %add3A_1036 = arith.addf %add3A_1020, %mul3A_1035 : vector<16xf32>
      %add3A_1037 = arith.constant 43 : i32
      %add3A_1038 = vector.broadcast %add3A_1037 : i32 to vector<16xi32>
      %add3A_1039 = arith.addi %mul3A_336, %add3A_1038 : vector<16xi32>
      %gather3A_1040 = tpu.vector_load_idx %arg20[%add3A_302, %add3A_1039] : memref<256x128xf32, #tpu.memory_space<vmem>>[vector<16xi32>, vector<16xi32>], vector<16xf32>,
      %mul3A_1041 = arith.mulf %gather3A_1030, %gather3A_1040 : vector<16xf32>
      %add3A_1042 = arith.addf %add3A_1026, %mul3A_1041 : vector<16xf32>
      %add3A_1043 = arith.constant 44 : i32
      %add3A_1044 = vector.broadcast %add3A_1043 : i32 to vector<16xi32>
      %add3A_1045 = arith.addi %mul3A_324, %add3A_1044 : vector<16xi32>
      %gather3A_1046 = tpu.vector_load_idx %arg18[%add3A_302, %add3A_1045] : memref<256x128xf32, #tpu.memory_space<vmem>>[vector<16xi32>, vector<16xi32>], vector<16xf32>,
      %add3A_1047 = arith.constant 44 : i32
      %add3A_1048 = vector.broadcast %add3A_1047 : i32 to vector<16xi32>
      %add3A_1049 = arith.addi %mul3A_330, %add3A_1048 : vector<16xi32>
      %gather3A_1050 = tpu.vector_load_idx %arg19[%add3A_302, %add3A_1049] : memref<256x128xf32, #tpu.memory_space<vmem>>[vector<16xi32>, vector<16xi32>], vector<16xf32>,
      %mul3A_1051 = arith.mulf %gather3A_1046, %gather3A_1050 : vector<16xf32>
      %add3A_1052 = arith.addf %add3A_1036, %mul3A_1051 : vector<16xf32>
      %add3A_1053 = arith.constant 44 : i32
      %add3A_1054 = vector.broadcast %add3A_1053 : i32 to vector<16xi32>
      %add3A_1055 = arith.addi %mul3A_336, %add3A_1054 : vector<16xi32>
      %gather3A_1056 = tpu.vector_load_idx %arg20[%add3A_302, %add3A_1055] : memref<256x128xf32, #tpu.memory_space<vmem>>[vector<16xi32>, vector<16xi32>], vector<16xf32>,
      %mul3A_1057 = arith.mulf %gather3A_1046, %gather3A_1056 : vector<16xf32>
      %add3A_1058 = arith.addf %add3A_1042, %mul3A_1057 : vector<16xf32>
      %add3A_1059 = arith.constant 45 : i32
      %add3A_1060 = vector.broadcast %add3A_1059 : i32 to vector<16xi32>
      %add3A_1061 = arith.addi %mul3A_324, %add3A_1060 : vector<16xi32>
      %gather3A_1062 = tpu.vector_load_idx %arg18[%add3A_302, %add3A_1061] : memref<256x128xf32, #tpu.memory_space<vmem>>[vector<16xi32>, vector<16xi32>], vector<16xf32>,
      %add3A_1063 = arith.constant 45 : i32
      %add3A_1064 = vector.broadcast %add3A_1063 : i32 to vector<16xi32>
      %add3A_1065 = arith.addi %mul3A_330, %add3A_1064 : vector<16xi32>
      %gather3A_1066 = tpu.vector_load_idx %arg19[%add3A_302, %add3A_1065] : memref<256x128xf32, #tpu.memory_space<vmem>>[vector<16xi32>, vector<16xi32>], vector<16xf32>,
      %mul3A_1067 = arith.mulf %gather3A_1062, %gather3A_1066 : vector<16xf32>
      %add3A_1068 = arith.addf %add3A_1052, %mul3A_1067 : vector<16xf32>
      %add3A_1069 = arith.constant 45 : i32
      %add3A_1070 = vector.broadcast %add3A_1069 : i32 to vector<16xi32>
      %add3A_1071 = arith.addi %mul3A_336, %add3A_1070 : vector<16xi32>
      %gather3A_1072 = tpu.vector_load_idx %arg20[%add3A_302, %add3A_1071] : memref<256x128xf32, #tpu.memory_space<vmem>>[vector<16xi32>, vector<16xi32>], vector<16xf32>,
      %mul3A_1073 = arith.mulf %gather3A_1062, %gather3A_1072 : vector<16xf32>
      %add3A_1074 = arith.addf %add3A_1058, %mul3A_1073 : vector<16xf32>
      %add3A_1075 = arith.constant 46 : i32
      %add3A_1076 = vector.broadcast %add3A_1075 : i32 to vector<16xi32>
      %add3A_1077 = arith.addi %mul3A_324, %add3A_1076 : vector<16xi32>
      %gather3A_1078 = tpu.vector_load_idx %arg18[%add3A_302, %add3A_1077] : memref<256x128xf32, #tpu.memory_space<vmem>>[vector<16xi32>, vector<16xi32>], vector<16xf32>,
      %add3A_1079 = arith.constant 46 : i32
      %add3A_1080 = vector.broadcast %add3A_1079 : i32 to vector<16xi32>
      %add3A_1081 = arith.addi %mul3A_330, %add3A_1080 : vector<16xi32>
      %gather3A_1082 = tpu.vector_load_idx %arg19[%add3A_302, %add3A_1081] : memref<256x128xf32, #tpu.memory_space<vmem>>[vector<16xi32>, vector<16xi32>], vector<16xf32>,
      %mul3A_1083 = arith.mulf %gather3A_1078, %gather3A_1082 : vector<16xf32>
      %add3A_1084 = arith.addf %add3A_1068, %mul3A_1083 : vector<16xf32>
      %add3A_1085 = arith.constant 46 : i32
      %add3A_1086 = vector.broadcast %add3A_1085 : i32 to vector<16xi32>
      %add3A_1087 = arith.addi %mul3A_336, %add3A_1086 : vector<16xi32>
      %gather3A_1088 = tpu.vector_load_idx %arg20[%add3A_302, %add3A_1087] : memref<256x128xf32, #tpu.memory_space<vmem>>[vector<16xi32>, vector<16xi32>], vector<16xf32>,
      %mul3A_1089 = arith.mulf %gather3A_1078, %gather3A_1088 : vector<16xf32>
      %add3A_1090 = arith.addf %add3A_1074, %mul3A_1089 : vector<16xf32>
      %add3A_1091 = arith.constant 47 : i32
      %add3A_1092 = vector.broadcast %add3A_1091 : i32 to vector<16xi32>
      %add3A_1093 = arith.addi %mul3A_324, %add3A_1092 : vector<16xi32>
      %gather3A_1094 = tpu.vector_load_idx %arg18[%add3A_302, %add3A_1093] : memref<256x128xf32, #tpu.memory_space<vmem>>[vector<16xi32>, vector<16xi32>], vector<16xf32>,
      %add3A_1095 = arith.constant 47 : i32
      %add3A_1096 = vector.broadcast %add3A_1095 : i32 to vector<16xi32>
      %add3A_1097 = arith.addi %mul3A_330, %add3A_1096 : vector<16xi32>
      %gather3A_1098 = tpu.vector_load_idx %arg19[%add3A_302, %add3A_1097] : memref<256x128xf32, #tpu.memory_space<vmem>>[vector<16xi32>, vector<16xi32>], vector<16xf32>,
      %mul3A_1099 = arith.mulf %gather3A_1094, %gather3A_1098 : vector<16xf32>
      %add3A_1100 = arith.addf %add3A_1084, %mul3A_1099 : vector<16xf32>
      %add3A_1101 = arith.constant 47 : i32
      %add3A_1102 = vector.broadcast %add3A_1101 : i32 to vector<16xi32>
      %add3A_1103 = arith.addi %mul3A_336, %add3A_1102 : vector<16xi32>
      %gather3A_1104 = tpu.vector_load_idx %arg20[%add3A_302, %add3A_1103] : memref<256x128xf32, #tpu.memory_space<vmem>>[vector<16xi32>, vector<16xi32>], vector<16xf32>,
      %mul3A_1105 = arith.mulf %gather3A_1094, %gather3A_1104 : vector<16xf32>
      %add3A_1106 = arith.addf %add3A_1090, %mul3A_1105 : vector<16xf32>
      %add3A_1107 = arith.constant 48 : i32
      %add3A_1108 = vector.broadcast %add3A_1107 : i32 to vector<16xi32>
      %add3A_1109 = arith.addi %mul3A_324, %add3A_1108 : vector<16xi32>
      %gather3A_1110 = tpu.vector_load_idx %arg18[%add3A_302, %add3A_1109] : memref<256x128xf32, #tpu.memory_space<vmem>>[vector<16xi32>, vector<16xi32>], vector<16xf32>,
      %add3A_1111 = arith.constant 48 : i32
      %add3A_1112 = vector.broadcast %add3A_1111 : i32 to vector<16xi32>
      %add3A_1113 = arith.addi %mul3A_330, %add3A_1112 : vector<16xi32>
      %gather3A_1114 = tpu.vector_load_idx %arg19[%add3A_302, %add3A_1113] : memref<256x128xf32, #tpu.memory_space<vmem>>[vector<16xi32>, vector<16xi32>], vector<16xf32>,
      %mul3A_1115 = arith.mulf %gather3A_1110, %gather3A_1114 : vector<16xf32>
      %add3A_1116 = arith.addf %add3A_1100, %mul3A_1115 : vector<16xf32>
      %add3A_1117 = arith.constant 48 : i32
      %add3A_1118 = vector.broadcast %add3A_1117 : i32 to vector<16xi32>
      %add3A_1119 = arith.addi %mul3A_336, %add3A_1118 : vector<16xi32>
      %gather3A_1120 = tpu.vector_load_idx %arg20[%add3A_302, %add3A_1119] : memref<256x128xf32, #tpu.memory_space<vmem>>[vector<16xi32>, vector<16xi32>], vector<16xf32>,
      %mul3A_1121 = arith.mulf %gather3A_1110, %gather3A_1120 : vector<16xf32>
      %add3A_1122 = arith.addf %add3A_1106, %mul3A_1121 : vector<16xf32>
      %add3A_1123 = arith.constant 49 : i32
      %add3A_1124 = vector.broadcast %add3A_1123 : i32 to vector<16xi32>
      %add3A_1125 = arith.addi %mul3A_324, %add3A_1124 : vector<16xi32>
      %gather3A_1126 = tpu.vector_load_idx %arg18[%add3A_302, %add3A_1125] : memref<256x128xf32, #tpu.memory_space<vmem>>[vector<16xi32>, vector<16xi32>], vector<16xf32>,
      %add3A_1127 = arith.constant 49 : i32
      %add3A_1128 = vector.broadcast %add3A_1127 : i32 to vector<16xi32>
      %add3A_1129 = arith.addi %mul3A_330, %add3A_1128 : vector<16xi32>
      %gather3A_1130 = tpu.vector_load_idx %arg19[%add3A_302, %add3A_1129] : memref<256x128xf32, #tpu.memory_space<vmem>>[vector<16xi32>, vector<16xi32>], vector<16xf32>,
      %mul3A_1131 = arith.mulf %gather3A_1126, %gather3A_1130 : vector<16xf32>
      %add3A_1132 = arith.addf %add3A_1116, %mul3A_1131 : vector<16xf32>
      %add3A_1133 = arith.constant 49 : i32
      %add3A_1134 = vector.broadcast %add3A_1133 : i32 to vector<16xi32>
      %add3A_1135 = arith.addi %mul3A_336, %add3A_1134 : vector<16xi32>
      %gather3A_1136 = tpu.vector_load_idx %arg20[%add3A_302, %add3A_1135] : memref<256x128xf32, #tpu.memory_space<vmem>>[vector<16xi32>, vector<16xi32>], vector<16xf32>,
      %mul3A_1137 = arith.mulf %gather3A_1126, %gather3A_1136 : vector<16xf32>
      %add3A_1138 = arith.addf %add3A_1122, %mul3A_1137 : vector<16xf32>
      %add3A_1139 = arith.constant 50 : i32
      %add3A_1140 = vector.broadcast %add3A_1139 : i32 to vector<16xi32>
      %add3A_1141 = arith.addi %mul3A_324, %add3A_1140 : vector<16xi32>
      %gather3A_1142 = tpu.vector_load_idx %arg18[%add3A_302, %add3A_1141] : memref<256x128xf32, #tpu.memory_space<vmem>>[vector<16xi32>, vector<16xi32>], vector<16xf32>,
      %add3A_1143 = arith.constant 50 : i32
      %add3A_1144 = vector.broadcast %add3A_1143 : i32 to vector<16xi32>
      %add3A_1145 = arith.addi %mul3A_330, %add3A_1144 : vector<16xi32>
      %gather3A_1146 = tpu.vector_load_idx %arg19[%add3A_302, %add3A_1145] : memref<256x128xf32, #tpu.memory_space<vmem>>[vector<16xi32>, vector<16xi32>], vector<16xf32>,
      %mul3A_1147 = arith.mulf %gather3A_1142, %gather3A_1146 : vector<16xf32>
      %add3A_1148 = arith.addf %add3A_1132, %mul3A_1147 : vector<16xf32>
      %add3A_1149 = arith.constant 50 : i32
      %add3A_1150 = vector.broadcast %add3A_1149 : i32 to vector<16xi32>
      %add3A_1151 = arith.addi %mul3A_336, %add3A_1150 : vector<16xi32>
      %gather3A_1152 = tpu.vector_load_idx %arg20[%add3A_302, %add3A_1151] : memref<256x128xf32, #tpu.memory_space<vmem>>[vector<16xi32>, vector<16xi32>], vector<16xf32>,
      %mul3A_1153 = arith.mulf %gather3A_1142, %gather3A_1152 : vector<16xf32>
      %add3A_1154 = arith.addf %add3A_1138, %mul3A_1153 : vector<16xf32>
      %add3A_1155 = arith.constant 51 : i32
      %add3A_1156 = vector.broadcast %add3A_1155 : i32 to vector<16xi32>
      %add3A_1157 = arith.addi %mul3A_324, %add3A_1156 : vector<16xi32>
      %gather3A_1158 = tpu.vector_load_idx %arg18[%add3A_302, %add3A_1157] : memref<256x128xf32, #tpu.memory_space<vmem>>[vector<16xi32>, vector<16xi32>], vector<16xf32>,
      %add3A_1159 = arith.constant 51 : i32
      %add3A_1160 = vector.broadcast %add3A_1159 : i32 to vector<16xi32>
      %add3A_1161 = arith.addi %mul3A_330, %add3A_1160 : vector<16xi32>
      %gather3A_1162 = tpu.vector_load_idx %arg19[%add3A_302, %add3A_1161] : memref<256x128xf32, #tpu.memory_space<vmem>>[vector<16xi32>, vector<16xi32>], vector<16xf32>,
      %mul3A_1163 = arith.mulf %gather3A_1158, %gather3A_1162 : vector<16xf32>
      %add3A_1164 = arith.addf %add3A_1148, %mul3A_1163 : vector<16xf32>
      %add3A_1165 = arith.constant 51 : i32
      %add3A_1166 = vector.broadcast %add3A_1165 : i32 to vector<16xi32>
      %add3A_1167 = arith.addi %mul3A_336, %add3A_1166 : vector<16xi32>
      %gather3A_1168 = tpu.vector_load_idx %arg20[%add3A_302, %add3A_1167] : memref<256x128xf32, #tpu.memory_space<vmem>>[vector<16xi32>, vector<16xi32>], vector<16xf32>,
      %mul3A_1169 = arith.mulf %gather3A_1158, %gather3A_1168 : vector<16xf32>
      %add3A_1170 = arith.addf %add3A_1154, %mul3A_1169 : vector<16xf32>
      %add3A_1171 = arith.constant 52 : i32
      %add3A_1172 = vector.broadcast %add3A_1171 : i32 to vector<16xi32>
      %add3A_1173 = arith.addi %mul3A_324, %add3A_1172 : vector<16xi32>
      %gather3A_1174 = tpu.vector_load_idx %arg18[%add3A_302, %add3A_1173] : memref<256x128xf32, #tpu.memory_space<vmem>>[vector<16xi32>, vector<16xi32>], vector<16xf32>,
      %add3A_1175 = arith.constant 52 : i32
      %add3A_1176 = vector.broadcast %add3A_1175 : i32 to vector<16xi32>
      %add3A_1177 = arith.addi %mul3A_330, %add3A_1176 : vector<16xi32>
      %gather3A_1178 = tpu.vector_load_idx %arg19[%add3A_302, %add3A_1177] : memref<256x128xf32, #tpu.memory_space<vmem>>[vector<16xi32>, vector<16xi32>], vector<16xf32>,
      %mul3A_1179 = arith.mulf %gather3A_1174, %gather3A_1178 : vector<16xf32>
      %add3A_1180 = arith.addf %add3A_1164, %mul3A_1179 : vector<16xf32>
      %add3A_1181 = arith.constant 52 : i32
      %add3A_1182 = vector.broadcast %add3A_1181 : i32 to vector<16xi32>
      %add3A_1183 = arith.addi %mul3A_336, %add3A_1182 : vector<16xi32>
      %gather3A_1184 = tpu.vector_load_idx %arg20[%add3A_302, %add3A_1183] : memref<256x128xf32, #tpu.memory_space<vmem>>[vector<16xi32>, vector<16xi32>], vector<16xf32>,
      %mul3A_1185 = arith.mulf %gather3A_1174, %gather3A_1184 : vector<16xf32>
      %add3A_1186 = arith.addf %add3A_1170, %mul3A_1185 : vector<16xf32>
      %add3A_1187 = arith.constant 53 : i32
      %add3A_1188 = vector.broadcast %add3A_1187 : i32 to vector<16xi32>
      %add3A_1189 = arith.addi %mul3A_324, %add3A_1188 : vector<16xi32>
      %gather3A_1190 = tpu.vector_load_idx %arg18[%add3A_302, %add3A_1189] : memref<256x128xf32, #tpu.memory_space<vmem>>[vector<16xi32>, vector<16xi32>], vector<16xf32>,
      %add3A_1191 = arith.constant 53 : i32
      %add3A_1192 = vector.broadcast %add3A_1191 : i32 to vector<16xi32>
      %add3A_1193 = arith.addi %mul3A_330, %add3A_1192 : vector<16xi32>
      %gather3A_1194 = tpu.vector_load_idx %arg19[%add3A_302, %add3A_1193] : memref<256x128xf32, #tpu.memory_space<vmem>>[vector<16xi32>, vector<16xi32>], vector<16xf32>,
      %mul3A_1195 = arith.mulf %gather3A_1190, %gather3A_1194 : vector<16xf32>
      %add3A_1196 = arith.addf %add3A_1180, %mul3A_1195 : vector<16xf32>
      %add3A_1197 = arith.constant 53 : i32
      %add3A_1198 = vector.broadcast %add3A_1197 : i32 to vector<16xi32>
      %add3A_1199 = arith.addi %mul3A_336, %add3A_1198 : vector<16xi32>
      %gather3A_1200 = tpu.vector_load_idx %arg20[%add3A_302, %add3A_1199] : memref<256x128xf32, #tpu.memory_space<vmem>>[vector<16xi32>, vector<16xi32>], vector<16xf32>,
      %mul3A_1201 = arith.mulf %gather3A_1190, %gather3A_1200 : vector<16xf32>
      %add3A_1202 = arith.addf %add3A_1186, %mul3A_1201 : vector<16xf32>
      %add3A_1203 = arith.constant 54 : i32
      %add3A_1204 = vector.broadcast %add3A_1203 : i32 to vector<16xi32>
      %add3A_1205 = arith.addi %mul3A_324, %add3A_1204 : vector<16xi32>
      %gather3A_1206 = tpu.vector_load_idx %arg18[%add3A_302, %add3A_1205] : memref<256x128xf32, #tpu.memory_space<vmem>>[vector<16xi32>, vector<16xi32>], vector<16xf32>,
      %add3A_1207 = arith.constant 54 : i32
      %add3A_1208 = vector.broadcast %add3A_1207 : i32 to vector<16xi32>
      %add3A_1209 = arith.addi %mul3A_330, %add3A_1208 : vector<16xi32>
      %gather3A_1210 = tpu.vector_load_idx %arg19[%add3A_302, %add3A_1209] : memref<256x128xf32, #tpu.memory_space<vmem>>[vector<16xi32>, vector<16xi32>], vector<16xf32>,
      %mul3A_1211 = arith.mulf %gather3A_1206, %gather3A_1210 : vector<16xf32>
      %add3A_1212 = arith.addf %add3A_1196, %mul3A_1211 : vector<16xf32>
      %add3A_1213 = arith.constant 54 : i32
      %add3A_1214 = vector.broadcast %add3A_1213 : i32 to vector<16xi32>
      %add3A_1215 = arith.addi %mul3A_336, %add3A_1214 : vector<16xi32>
      %gather3A_1216 = tpu.vector_load_idx %arg20[%add3A_302, %add3A_1215] : memref<256x128xf32, #tpu.memory_space<vmem>>[vector<16xi32>, vector<16xi32>], vector<16xf32>,
      %mul3A_1217 = arith.mulf %gather3A_1206, %gather3A_1216 : vector<16xf32>
      %add3A_1218 = arith.addf %add3A_1202, %mul3A_1217 : vector<16xf32>
      %add3A_1219 = arith.constant 55 : i32
      %add3A_1220 = vector.broadcast %add3A_1219 : i32 to vector<16xi32>
      %add3A_1221 = arith.addi %mul3A_324, %add3A_1220 : vector<16xi32>
      %gather3A_1222 = tpu.vector_load_idx %arg18[%add3A_302, %add3A_1221] : memref<256x128xf32, #tpu.memory_space<vmem>>[vector<16xi32>, vector<16xi32>], vector<16xf32>,
      %add3A_1223 = arith.constant 55 : i32
      %add3A_1224 = vector.broadcast %add3A_1223 : i32 to vector<16xi32>
      %add3A_1225 = arith.addi %mul3A_330, %add3A_1224 : vector<16xi32>
      %gather3A_1226 = tpu.vector_load_idx %arg19[%add3A_302, %add3A_1225] : memref<256x128xf32, #tpu.memory_space<vmem>>[vector<16xi32>, vector<16xi32>], vector<16xf32>,
      %mul3A_1227 = arith.mulf %gather3A_1222, %gather3A_1226 : vector<16xf32>
      %add3A_1228 = arith.addf %add3A_1212, %mul3A_1227 : vector<16xf32>
      %add3A_1229 = arith.constant 55 : i32
      %add3A_1230 = vector.broadcast %add3A_1229 : i32 to vector<16xi32>
      %add3A_1231 = arith.addi %mul3A_336, %add3A_1230 : vector<16xi32>
      %gather3A_1232 = tpu.vector_load_idx %arg20[%add3A_302, %add3A_1231] : memref<256x128xf32, #tpu.memory_space<vmem>>[vector<16xi32>, vector<16xi32>], vector<16xf32>,
      %mul3A_1233 = arith.mulf %gather3A_1222, %gather3A_1232 : vector<16xf32>
      %add3A_1234 = arith.addf %add3A_1218, %mul3A_1233 : vector<16xf32>
      %add3A_1235 = arith.constant 56 : i32
      %add3A_1236 = vector.broadcast %add3A_1235 : i32 to vector<16xi32>
      %add3A_1237 = arith.addi %mul3A_324, %add3A_1236 : vector<16xi32>
      %gather3A_1238 = tpu.vector_load_idx %arg18[%add3A_302, %add3A_1237] : memref<256x128xf32, #tpu.memory_space<vmem>>[vector<16xi32>, vector<16xi32>], vector<16xf32>,
      %add3A_1239 = arith.constant 56 : i32
      %add3A_1240 = vector.broadcast %add3A_1239 : i32 to vector<16xi32>
      %add3A_1241 = arith.addi %mul3A_330, %add3A_1240 : vector<16xi32>
      %gather3A_1242 = tpu.vector_load_idx %arg19[%add3A_302, %add3A_1241] : memref<256x128xf32, #tpu.memory_space<vmem>>[vector<16xi32>, vector<16xi32>], vector<16xf32>,
      %mul3A_1243 = arith.mulf %gather3A_1238, %gather3A_1242 : vector<16xf32>
      %add3A_1244 = arith.addf %add3A_1228, %mul3A_1243 : vector<16xf32>
      %add3A_1245 = arith.constant 56 : i32
      %add3A_1246 = vector.broadcast %add3A_1245 : i32 to vector<16xi32>
      %add3A_1247 = arith.addi %mul3A_336, %add3A_1246 : vector<16xi32>
      %gather3A_1248 = tpu.vector_load_idx %arg20[%add3A_302, %add3A_1247] : memref<256x128xf32, #tpu.memory_space<vmem>>[vector<16xi32>, vector<16xi32>], vector<16xf32>,
      %mul3A_1249 = arith.mulf %gather3A_1238, %gather3A_1248 : vector<16xf32>
      %add3A_1250 = arith.addf %add3A_1234, %mul3A_1249 : vector<16xf32>
      %add3A_1251 = arith.constant 57 : i32
      %add3A_1252 = vector.broadcast %add3A_1251 : i32 to vector<16xi32>
      %add3A_1253 = arith.addi %mul3A_324, %add3A_1252 : vector<16xi32>
      %gather3A_1254 = tpu.vector_load_idx %arg18[%add3A_302, %add3A_1253] : memref<256x128xf32, #tpu.memory_space<vmem>>[vector<16xi32>, vector<16xi32>], vector<16xf32>,
      %add3A_1255 = arith.constant 57 : i32
      %add3A_1256 = vector.broadcast %add3A_1255 : i32 to vector<16xi32>
      %add3A_1257 = arith.addi %mul3A_330, %add3A_1256 : vector<16xi32>
      %gather3A_1258 = tpu.vector_load_idx %arg19[%add3A_302, %add3A_1257] : memref<256x128xf32, #tpu.memory_space<vmem>>[vector<16xi32>, vector<16xi32>], vector<16xf32>,
      %mul3A_1259 = arith.mulf %gather3A_1254, %gather3A_1258 : vector<16xf32>
      %add3A_1260 = arith.addf %add3A_1244, %mul3A_1259 : vector<16xf32>
      %add3A_1261 = arith.constant 57 : i32
      %add3A_1262 = vector.broadcast %add3A_1261 : i32 to vector<16xi32>
      %add3A_1263 = arith.addi %mul3A_336, %add3A_1262 : vector<16xi32>
      %gather3A_1264 = tpu.vector_load_idx %arg20[%add3A_302, %add3A_1263] : memref<256x128xf32, #tpu.memory_space<vmem>>[vector<16xi32>, vector<16xi32>], vector<16xf32>,
      %mul3A_1265 = arith.mulf %gather3A_1254, %gather3A_1264 : vector<16xf32>
      %add3A_1266 = arith.addf %add3A_1250, %mul3A_1265 : vector<16xf32>
      %add3A_1267 = arith.constant 58 : i32
      %add3A_1268 = vector.broadcast %add3A_1267 : i32 to vector<16xi32>
      %add3A_1269 = arith.addi %mul3A_324, %add3A_1268 : vector<16xi32>
      %gather3A_1270 = tpu.vector_load_idx %arg18[%add3A_302, %add3A_1269] : memref<256x128xf32, #tpu.memory_space<vmem>>[vector<16xi32>, vector<16xi32>], vector<16xf32>,
      %add3A_1271 = arith.constant 58 : i32
      %add3A_1272 = vector.broadcast %add3A_1271 : i32 to vector<16xi32>
      %add3A_1273 = arith.addi %mul3A_330, %add3A_1272 : vector<16xi32>
      %gather3A_1274 = tpu.vector_load_idx %arg19[%add3A_302, %add3A_1273] : memref<256x128xf32, #tpu.memory_space<vmem>>[vector<16xi32>, vector<16xi32>], vector<16xf32>,
      %mul3A_1275 = arith.mulf %gather3A_1270, %gather3A_1274 : vector<16xf32>
      %add3A_1276 = arith.addf %add3A_1260, %mul3A_1275 : vector<16xf32>
      %add3A_1277 = arith.constant 58 : i32
      %add3A_1278 = vector.broadcast %add3A_1277 : i32 to vector<16xi32>
      %add3A_1279 = arith.addi %mul3A_336, %add3A_1278 : vector<16xi32>
      %gather3A_1280 = tpu.vector_load_idx %arg20[%add3A_302, %add3A_1279] : memref<256x128xf32, #tpu.memory_space<vmem>>[vector<16xi32>, vector<16xi32>], vector<16xf32>,
      %mul3A_1281 = arith.mulf %gather3A_1270, %gather3A_1280 : vector<16xf32>
      %add3A_1282 = arith.addf %add3A_1266, %mul3A_1281 : vector<16xf32>
      %add3A_1283 = arith.constant 59 : i32
      %add3A_1284 = vector.broadcast %add3A_1283 : i32 to vector<16xi32>
      %add3A_1285 = arith.addi %mul3A_324, %add3A_1284 : vector<16xi32>
      %gather3A_1286 = tpu.vector_load_idx %arg18[%add3A_302, %add3A_1285] : memref<256x128xf32, #tpu.memory_space<vmem>>[vector<16xi32>, vector<16xi32>], vector<16xf32>,
      %add3A_1287 = arith.constant 59 : i32
      %add3A_1288 = vector.broadcast %add3A_1287 : i32 to vector<16xi32>
      %add3A_1289 = arith.addi %mul3A_330, %add3A_1288 : vector<16xi32>
      %gather3A_1290 = tpu.vector_load_idx %arg19[%add3A_302, %add3A_1289] : memref<256x128xf32, #tpu.memory_space<vmem>>[vector<16xi32>, vector<16xi32>], vector<16xf32>,
      %mul3A_1291 = arith.mulf %gather3A_1286, %gather3A_1290 : vector<16xf32>
      %add3A_1292 = arith.addf %add3A_1276, %mul3A_1291 : vector<16xf32>
      %add3A_1293 = arith.constant 59 : i32
      %add3A_1294 = vector.broadcast %add3A_1293 : i32 to vector<16xi32>
      %add3A_1295 = arith.addi %mul3A_336, %add3A_1294 : vector<16xi32>
      %gather3A_1296 = tpu.vector_load_idx %arg20[%add3A_302, %add3A_1295] : memref<256x128xf32, #tpu.memory_space<vmem>>[vector<16xi32>, vector<16xi32>], vector<16xf32>,
      %mul3A_1297 = arith.mulf %gather3A_1286, %gather3A_1296 : vector<16xf32>
      %add3A_1298 = arith.addf %add3A_1282, %mul3A_1297 : vector<16xf32>
      %add3A_1299 = arith.constant 60 : i32
      %add3A_1300 = vector.broadcast %add3A_1299 : i32 to vector<16xi32>
      %add3A_1301 = arith.addi %mul3A_324, %add3A_1300 : vector<16xi32>
      %gather3A_1302 = tpu.vector_load_idx %arg18[%add3A_302, %add3A_1301] : memref<256x128xf32, #tpu.memory_space<vmem>>[vector<16xi32>, vector<16xi32>], vector<16xf32>,
      %add3A_1303 = arith.constant 60 : i32
      %add3A_1304 = vector.broadcast %add3A_1303 : i32 to vector<16xi32>
      %add3A_1305 = arith.addi %mul3A_330, %add3A_1304 : vector<16xi32>
      %gather3A_1306 = tpu.vector_load_idx %arg19[%add3A_302, %add3A_1305] : memref<256x128xf32, #tpu.memory_space<vmem>>[vector<16xi32>, vector<16xi32>], vector<16xf32>,
      %mul3A_1307 = arith.mulf %gather3A_1302, %gather3A_1306 : vector<16xf32>
      %add3A_1308 = arith.addf %add3A_1292, %mul3A_1307 : vector<16xf32>
      %add3A_1309 = arith.constant 60 : i32
      %add3A_1310 = vector.broadcast %add3A_1309 : i32 to vector<16xi32>
      %add3A_1311 = arith.addi %mul3A_336, %add3A_1310 : vector<16xi32>
      %gather3A_1312 = tpu.vector_load_idx %arg20[%add3A_302, %add3A_1311] : memref<256x128xf32, #tpu.memory_space<vmem>>[vector<16xi32>, vector<16xi32>], vector<16xf32>,
      %mul3A_1313 = arith.mulf %gather3A_1302, %gather3A_1312 : vector<16xf32>
      %add3A_1314 = arith.addf %add3A_1298, %mul3A_1313 : vector<16xf32>
      %add3A_1315 = arith.constant 61 : i32
      %add3A_1316 = vector.broadcast %add3A_1315 : i32 to vector<16xi32>
      %add3A_1317 = arith.addi %mul3A_324, %add3A_1316 : vector<16xi32>
      %gather3A_1318 = tpu.vector_load_idx %arg18[%add3A_302, %add3A_1317] : memref<256x128xf32, #tpu.memory_space<vmem>>[vector<16xi32>, vector<16xi32>], vector<16xf32>,
      %add3A_1319 = arith.constant 61 : i32
      %add3A_1320 = vector.broadcast %add3A_1319 : i32 to vector<16xi32>
      %add3A_1321 = arith.addi %mul3A_330, %add3A_1320 : vector<16xi32>
      %gather3A_1322 = tpu.vector_load_idx %arg19[%add3A_302, %add3A_1321] : memref<256x128xf32, #tpu.memory_space<vmem>>[vector<16xi32>, vector<16xi32>], vector<16xf32>,
      %mul3A_1323 = arith.mulf %gather3A_1318, %gather3A_1322 : vector<16xf32>
      %add3A_1324 = arith.addf %add3A_1308, %mul3A_1323 : vector<16xf32>
      %add3A_1325 = arith.constant 61 : i32
      %add3A_1326 = vector.broadcast %add3A_1325 : i32 to vector<16xi32>
      %add3A_1327 = arith.addi %mul3A_336, %add3A_1326 : vector<16xi32>
      %gather3A_1328 = tpu.vector_load_idx %arg20[%add3A_302, %add3A_1327] : memref<256x128xf32, #tpu.memory_space<vmem>>[vector<16xi32>, vector<16xi32>], vector<16xf32>,
      %mul3A_1329 = arith.mulf %gather3A_1318, %gather3A_1328 : vector<16xf32>
      %add3A_1330 = arith.addf %add3A_1314, %mul3A_1329 : vector<16xf32>
      %add3A_1331 = arith.constant 62 : i32
      %add3A_1332 = vector.broadcast %add3A_1331 : i32 to vector<16xi32>
      %add3A_1333 = arith.addi %mul3A_324, %add3A_1332 : vector<16xi32>
      %gather3A_1334 = tpu.vector_load_idx %arg18[%add3A_302, %add3A_1333] : memref<256x128xf32, #tpu.memory_space<vmem>>[vector<16xi32>, vector<16xi32>], vector<16xf32>,
      %add3A_1335 = arith.constant 62 : i32
      %add3A_1336 = vector.broadcast %add3A_1335 : i32 to vector<16xi32>
      %add3A_1337 = arith.addi %mul3A_330, %add3A_1336 : vector<16xi32>
      %gather3A_1338 = tpu.vector_load_idx %arg19[%add3A_302, %add3A_1337] : memref<256x128xf32, #tpu.memory_space<vmem>>[vector<16xi32>, vector<16xi32>], vector<16xf32>,
      %mul3A_1339 = arith.mulf %gather3A_1334, %gather3A_1338 : vector<16xf32>
      %add3A_1340 = arith.addf %add3A_1324, %mul3A_1339 : vector<16xf32>
      %add3A_1341 = arith.constant 62 : i32
      %add3A_1342 = vector.broadcast %add3A_1341 : i32 to vector<16xi32>
      %add3A_1343 = arith.addi %mul3A_336, %add3A_1342 : vector<16xi32>
      %gather3A_1344 = tpu.vector_load_idx %arg20[%add3A_302, %add3A_1343] : memref<256x128xf32, #tpu.memory_space<vmem>>[vector<16xi32>, vector<16xi32>], vector<16xf32>,
      %mul3A_1345 = arith.mulf %gather3A_1334, %gather3A_1344 : vector<16xf32>
      %add3A_1346 = arith.addf %add3A_1330, %mul3A_1345 : vector<16xf32>
      %add3A_1347 = arith.constant 63 : i32
      %add3A_1348 = vector.broadcast %add3A_1347 : i32 to vector<16xi32>
      %add3A_1349 = arith.addi %mul3A_324, %add3A_1348 : vector<16xi32>
      %gather3A_1350 = tpu.vector_load_idx %arg18[%add3A_302, %add3A_1349] : memref<256x128xf32, #tpu.memory_space<vmem>>[vector<16xi32>, vector<16xi32>], vector<16xf32>,
      %add3A_1351 = arith.constant 63 : i32
      %add3A_1352 = vector.broadcast %add3A_1351 : i32 to vector<16xi32>
      %add3A_1353 = arith.addi %mul3A_330, %add3A_1352 : vector<16xi32>
      %gather3A_1354 = tpu.vector_load_idx %arg19[%add3A_302, %add3A_1353] : memref<256x128xf32, #tpu.memory_space<vmem>>[vector<16xi32>, vector<16xi32>], vector<16xf32>,
      %mul3A_1355 = arith.mulf %gather3A_1350, %gather3A_1354 : vector<16xf32>
      %add3A_1356 = arith.addf %add3A_1340, %mul3A_1355 : vector<16xf32>
      %add3A_1357 = arith.constant 63 : i32
      %add3A_1358 = vector.broadcast %add3A_1357 : i32 to vector<16xi32>
      %add3A_1359 = arith.addi %mul3A_336, %add3A_1358 : vector<16xi32>
      %gather3A_1360 = tpu.vector_load_idx %arg20[%add3A_302, %add3A_1359] : memref<256x128xf32, #tpu.memory_space<vmem>>[vector<16xi32>, vector<16xi32>], vector<16xf32>,
      %mul3A_1361 = arith.mulf %gather3A_1350, %gather3A_1360 : vector<16xf32>
      %add3A_1362 = arith.addf %add3A_1346, %mul3A_1361 : vector<16xf32>
      %mul3A_1363 = arith.constant 16 : i32
      %mul3A_1364 = arith.muli %scan3A_298, %mul3A_1363 : i32
      %add3A_1365 = arith.constant 0 : i32
      %add3A_1366 = arith.addi %add3A_1365, %mul3A_1364 : i32
      %swap3A = arith.index_cast %add3A_1366 : i32 to index
      %swap3A_1367 = tpu.vector_load %arg22[%swap3A] {strides = array<i32>} : memref<512xf32, #tpu.memory_space<vmem>>, vector<16xf32>,
      tpu.vector_store %arg22[%swap3A], %add3A_1356 {strides = array<i32>} : memref<512xf32, #tpu.memory_space<vmem>>, vector<16xf32>,
      %mul3A_1368 = arith.constant 16 : i32
      %mul3A_1369 = arith.muli %scan3A_298, %mul3A_1368 : i32
      %add3A_1370 = arith.constant 0 : i32
      %add3A_1371 = arith.addi %add3A_1370, %mul3A_1369 : i32
      %swap3A_1372 = arith.index_cast %add3A_1371 : i32 to index
      %swap3A_1373 = tpu.vector_load %arg23[%swap3A_1372] {strides = array<i32>} : memref<512xf32, #tpu.memory_space<vmem>>, vector<16xf32>,
      tpu.vector_store %arg23[%swap3A_1372], %add3A_1362 {strides = array<i32>} : memref<512xf32, #tpu.memory_space<vmem>>, vector<16xf32>,
    }
    %scan3A_119 = arith.constant 16 : i32
    %dma_start3A_120 = arith.constant 0 : i32
    %dma_start3A_121 = arith.constant 0 : i32
    %dma_start3A_122 = tpu.memref_slice %arg19[%dma_start3A_120, %dma_start3A_121] : memref<256x128xf32, #tpu.memory_space<vmem>> -> memref<128x128xf32, #tpu.memory_space<vmem>>
    %dma_start3A_123 = arith.constant 0 : i32
    %dma_start3A_124 = tpu.memref_slice %arg17[%dma_start3A_123] : memref<512xi32, #tpu.memory_space<vmem>> -> memref<128xi32, #tpu.memory_space<vmem>>
    %dma_start3A_125 = arith.constant 0 : i32
    %dma_start3A_126 = arith.constant 0 : i32
    %dma_start3A_127 = tpu.memref_slice %arg7[%dma_start3A_125, %dma_start3A_126] : memref<7813x128xf32, #tpu.memory_space<hbm>> -> memref<7813x128xf32, #tpu.memory_space<hbm>>
    tpu.enqueue_indirect_dma source(%dma_start3A_127 : memref<7813x128xf32, #tpu.memory_space<hbm>>) target(%dma_start3A_122 : memref<128x128xf32, #tpu.memory_space<vmem>>) offsets(%dma_start3A_124 : memref<128xi32, #tpu.memory_space<vmem>>) semaphore(%arg25 : memref<!tpu.dma_semaphore, #tpu.memory_space<semaphore_mem>>)
    %dma_start3A_128 = arith.constant 128 : i32
    %dma_start3A_129 = arith.constant 0 : i32
    %dma_start3A_130 = tpu.memref_slice %arg19[%dma_start3A_128, %dma_start3A_129] : memref<256x128xf32, #tpu.memory_space<vmem>> -> memref<128x128xf32, #tpu.memory_space<vmem>>
    %dma_start3A_131 = arith.constant 128 : i32
    %dma_start3A_132 = tpu.memref_slice %arg17[%dma_start3A_131] : memref<512xi32, #tpu.memory_space<vmem>> -> memref<128xi32, #tpu.memory_space<vmem>>
    %dma_start3A_133 = arith.constant 0 : i32
    %dma_start3A_134 = arith.constant 0 : i32
    %dma_start3A_135 = tpu.memref_slice %arg7[%dma_start3A_133, %dma_start3A_134] : memref<7813x128xf32, #tpu.memory_space<hbm>> -> memref<7813x128xf32, #tpu.memory_space<hbm>>
    tpu.enqueue_indirect_dma source(%dma_start3A_135 : memref<7813x128xf32, #tpu.memory_space<hbm>>) target(%dma_start3A_130 : memref<128x128xf32, #tpu.memory_space<vmem>>) offsets(%dma_start3A_132 : memref<128xi32, #tpu.memory_space<vmem>>) semaphore(%arg25 : memref<!tpu.dma_semaphore, #tpu.memory_space<semaphore_mem>>)
    %dma_wait3A_136 = arith.constant 0 : i32
    %dma_wait3A_137 = arith.constant 0 : i32
    %dma_wait3A_138 = tpu.memref_slice %arg19[%dma_wait3A_136, %dma_wait3A_137] : memref<256x128xf32, #tpu.memory_space<vmem>> -> memref<128x128xf32, #tpu.memory_space<vmem>>
    %dma_wait3A_139 = arith.constant 0 : i32
    %dma_wait3A_140 = tpu.memref_slice %arg17[%dma_wait3A_139] : memref<512xi32, #tpu.memory_space<vmem>> -> memref<128xi32, #tpu.memory_space<vmem>>
    %dma_wait3A_141 = arith.constant 0 : i32
    %dma_wait3A_142 = arith.constant 0 : i32
    %dma_wait3A_143 = tpu.memref_slice %arg7[%dma_wait3A_141, %dma_wait3A_142] : memref<7813x128xf32, #tpu.memory_space<hbm>> -> memref<7813x128xf32, #tpu.memory_space<hbm>>
    tpu.wait_indirect_dma semaphore(%arg25 : memref<!tpu.dma_semaphore, #tpu.memory_space<semaphore_mem>>) src(%dma_wait3A_143 : memref<7813x128xf32, #tpu.memory_space<hbm>>) dst(%dma_wait3A_138 : memref<128x128xf32, #tpu.memory_space<vmem>>)
    %dma_wait3A_144 = arith.constant 128 : i32
    %dma_wait3A_145 = arith.constant 0 : i32
    %dma_wait3A_146 = tpu.memref_slice %arg19[%dma_wait3A_144, %dma_wait3A_145] : memref<256x128xf32, #tpu.memory_space<vmem>> -> memref<128x128xf32, #tpu.memory_space<vmem>>
    %dma_wait3A_147 = arith.constant 128 : i32
    %dma_wait3A_148 = tpu.memref_slice %arg17[%dma_wait3A_147] : memref<512xi32, #tpu.memory_space<vmem>> -> memref<128xi32, #tpu.memory_space<vmem>>
    %dma_wait3A_149 = arith.constant 0 : i32
    %dma_wait3A_150 = arith.constant 0 : i32
    %dma_wait3A_151 = tpu.memref_slice %arg7[%dma_wait3A_149, %dma_wait3A_150] : memref<7813x128xf32, #tpu.memory_space<hbm>> -> memref<7813x128xf32, #tpu.memory_space<hbm>>
    tpu.wait_indirect_dma semaphore(%arg25 : memref<!tpu.dma_semaphore, #tpu.memory_space<semaphore_mem>>) src(%dma_wait3A_151 : memref<7813x128xf32, #tpu.memory_space<hbm>>) dst(%dma_wait3A_146 : memref<128x128xf32, #tpu.memory_space<vmem>>)
    %scan3A_152 = arith.constant 0 : i32
    %scan3A_153 = arith.constant 0 : i32
    %scan3A_154 = arith.constant 16 : i32
    %scan3A_155 = arith.addi %scan3A_153, %scan3A_154 : i32
    %scan3A_156 = arith.constant 1 : i32
    scf.for %scan3A_298 = %scan3A_153 to %scan3A_155 step %scan3A_156  : i32 {
      %mul3A_299 = arith.constant 16 : i32
      %mul3A_300 = arith.muli %scan3A_298, %mul3A_299 : i32
      %add3A_301 = vector.broadcast %mul3A_300 : i32 to vector<16xi32>
      %add3A_302 = arith.addi %add3A_301, %iota3A : vector<16xi32>
      %mul3A_303 = arith.constant 16 : i32
      %mul3A_304 = arith.muli %scan3A_298, %mul3A_303 : i32
      %add3A_305 = arith.constant 0 : i32
      %add3A_306 = arith.addi %add3A_305, %mul3A_304 : i32
      %get3A = arith.index_cast %add3A_306 : i32 to index
      %get3A_307 = tpu.vector_load %arg11[%get3A] {strides = array<i32>} : memref<512xi32, #tpu.memory_space<vmem>>, vector<16xi32>,
      %and3A = arith.constant 127 : i32
      %and3A_308 = vector.broadcast %and3A : i32 to vector<16xi32>
      %and3A_309 = arith.andi %get3A_307, %and3A_308 : vector<16xi32>
      %gather3A = tpu.vector_load_idx %arg19[%add3A_302, %and3A_309] : memref<256x128xf32, #tpu.memory_space<vmem>>[vector<16xi32>, vector<16xi32>], vector<16xf32>,
      %get3A_310 = arith.index_cast %add3A_306 : i32 to index
      %get3A_311 = tpu.vector_load %arg22[%get3A_310] {strides = array<i32>} : memref<512xf32, #tpu.memory_space<vmem>>, vector<16xf32>,
      %get3A_312 = arith.index_cast %add3A_306 : i32 to index
      %get3A_313 = tpu.vector_load %arg23[%get3A_312] {strides = array<i32>} : memref<512xf32, #tpu.memory_space<vmem>>, vector<16xf32>,
      %add3A_314 = arith.addf %get3A_311, %get3A_313 : vector<16xf32>
      %mul3A_315 = arith.constant 5.000000e-01 : f32
      %mul3A_316 = vector.broadcast %mul3A_315 : f32 to vector<16xf32>
      %mul3A_317 = arith.mulf %mul3A_316, %add3A_314 : vector<16xf32>
      %add3A_318 = arith.addf %gather3A, %mul3A_317 : vector<16xf32>
      %swap3A = arith.index_cast %add3A_306 : i32 to index
      %swap3A_319 = tpu.vector_load %arg21[%swap3A] {strides = array<i32>} : memref<512xf32, #tpu.memory_space<vmem>>, vector<16xf32>,
      tpu.vector_store %arg21[%swap3A], %add3A_318 {strides = array<i32>} : memref<512xf32, #tpu.memory_space<vmem>>, vector<16xf32>,
    }
    %scan3A_157 = arith.constant 16 : i32
    %dma_start3A_158 = arith.constant 0 : i32
    %dma_start3A_159 = arith.constant 0 : i32
    %dma_start3A_160 = tpu.memref_slice %arg18[%dma_start3A_158, %dma_start3A_159] : memref<256x128xf32, #tpu.memory_space<vmem>> -> memref<128x128xf32, #tpu.memory_space<vmem>>
    %dma_start3A_161 = arith.constant 256 : i32
    %dma_start3A_162 = tpu.memref_slice %arg14[%dma_start3A_161] : memref<512xi32, #tpu.memory_space<vmem>> -> memref<128xi32, #tpu.memory_space<vmem>>
    %dma_start3A_163 = arith.constant 0 : i32
    %dma_start3A_164 = arith.constant 0 : i32
    %dma_start3A_165 = tpu.memref_slice %arg5[%dma_start3A_163, %dma_start3A_164] : memref<500000x128xf32, #tpu.memory_space<hbm>> -> memref<500000x128xf32, #tpu.memory_space<hbm>>
    tpu.enqueue_indirect_dma source(%dma_start3A_165 : memref<500000x128xf32, #tpu.memory_space<hbm>>) target(%dma_start3A_160 : memref<128x128xf32, #tpu.memory_space<vmem>>) offsets(%dma_start3A_162 : memref<128xi32, #tpu.memory_space<vmem>>) semaphore(%arg25 : memref<!tpu.dma_semaphore, #tpu.memory_space<semaphore_mem>>)
    %dma_start3A_166 = arith.constant 0 : i32
    %dma_start3A_167 = arith.constant 0 : i32
    %dma_start3A_168 = tpu.memref_slice %arg19[%dma_start3A_166, %dma_start3A_167] : memref<256x128xf32, #tpu.memory_space<vmem>> -> memref<128x128xf32, #tpu.memory_space<vmem>>
    %dma_start3A_169 = arith.constant 256 : i32
    %dma_start3A_170 = tpu.memref_slice %arg15[%dma_start3A_169] : memref<512xi32, #tpu.memory_space<vmem>> -> memref<128xi32, #tpu.memory_space<vmem>>
    %dma_start3A_171 = arith.constant 0 : i32
    %dma_start3A_172 = arith.constant 0 : i32
    %dma_start3A_173 = tpu.memref_slice %arg6[%dma_start3A_171, %dma_start3A_172] : memref<500000x128xf32, #tpu.memory_space<hbm>> -> memref<500000x128xf32, #tpu.memory_space<hbm>>
    tpu.enqueue_indirect_dma source(%dma_start3A_173 : memref<500000x128xf32, #tpu.memory_space<hbm>>) target(%dma_start3A_168 : memref<128x128xf32, #tpu.memory_space<vmem>>) offsets(%dma_start3A_170 : memref<128xi32, #tpu.memory_space<vmem>>) semaphore(%arg25 : memref<!tpu.dma_semaphore, #tpu.memory_space<semaphore_mem>>)
    %dma_start3A_174 = arith.constant 0 : i32
    %dma_start3A_175 = arith.constant 0 : i32
    %dma_start3A_176 = tpu.memref_slice %arg20[%dma_start3A_174, %dma_start3A_175] : memref<256x128xf32, #tpu.memory_space<vmem>> -> memref<128x128xf32, #tpu.memory_space<vmem>>
    %dma_start3A_177 = arith.constant 256 : i32
    %dma_start3A_178 = tpu.memref_slice %arg16[%dma_start3A_177] : memref<512xi32, #tpu.memory_space<vmem>> -> memref<128xi32, #tpu.memory_space<vmem>>
    %dma_start3A_179 = arith.constant 0 : i32
    %dma_start3A_180 = arith.constant 0 : i32
    %dma_start3A_181 = tpu.memref_slice %arg6[%dma_start3A_179, %dma_start3A_180] : memref<500000x128xf32, #tpu.memory_space<hbm>> -> memref<500000x128xf32, #tpu.memory_space<hbm>>
    tpu.enqueue_indirect_dma source(%dma_start3A_181 : memref<500000x128xf32, #tpu.memory_space<hbm>>) target(%dma_start3A_176 : memref<128x128xf32, #tpu.memory_space<vmem>>) offsets(%dma_start3A_178 : memref<128xi32, #tpu.memory_space<vmem>>) semaphore(%arg25 : memref<!tpu.dma_semaphore, #tpu.memory_space<semaphore_mem>>)
    %dma_start3A_182 = arith.constant 128 : i32
    %dma_start3A_183 = arith.constant 0 : i32
    %dma_start3A_184 = tpu.memref_slice %arg18[%dma_start3A_182, %dma_start3A_183] : memref<256x128xf32, #tpu.memory_space<vmem>> -> memref<128x128xf32, #tpu.memory_space<vmem>>
    %dma_start3A_185 = arith.constant 384 : i32
    %dma_start3A_186 = tpu.memref_slice %arg14[%dma_start3A_185] : memref<512xi32, #tpu.memory_space<vmem>> -> memref<128xi32, #tpu.memory_space<vmem>>
    %dma_start3A_187 = arith.constant 0 : i32
    %dma_start3A_188 = arith.constant 0 : i32
    %dma_start3A_189 = tpu.memref_slice %arg5[%dma_start3A_187, %dma_start3A_188] : memref<500000x128xf32, #tpu.memory_space<hbm>> -> memref<500000x128xf32, #tpu.memory_space<hbm>>
    tpu.enqueue_indirect_dma source(%dma_start3A_189 : memref<500000x128xf32, #tpu.memory_space<hbm>>) target(%dma_start3A_184 : memref<128x128xf32, #tpu.memory_space<vmem>>) offsets(%dma_start3A_186 : memref<128xi32, #tpu.memory_space<vmem>>) semaphore(%arg25 : memref<!tpu.dma_semaphore, #tpu.memory_space<semaphore_mem>>)
    %dma_start3A_190 = arith.constant 128 : i32
    %dma_start3A_191 = arith.constant 0 : i32
    %dma_start3A_192 = tpu.memref_slice %arg19[%dma_start3A_190, %dma_start3A_191] : memref<256x128xf32, #tpu.memory_space<vmem>> -> memref<128x128xf32, #tpu.memory_space<vmem>>
    %dma_start3A_193 = arith.constant 384 : i32
    %dma_start3A_194 = tpu.memref_slice %arg15[%dma_start3A_193] : memref<512xi32, #tpu.memory_space<vmem>> -> memref<128xi32, #tpu.memory_space<vmem>>
    %dma_start3A_195 = arith.constant 0 : i32
    %dma_start3A_196 = arith.constant 0 : i32
    %dma_start3A_197 = tpu.memref_slice %arg6[%dma_start3A_195, %dma_start3A_196] : memref<500000x128xf32, #tpu.memory_space<hbm>> -> memref<500000x128xf32, #tpu.memory_space<hbm>>
    tpu.enqueue_indirect_dma source(%dma_start3A_197 : memref<500000x128xf32, #tpu.memory_space<hbm>>) target(%dma_start3A_192 : memref<128x128xf32, #tpu.memory_space<vmem>>) offsets(%dma_start3A_194 : memref<128xi32, #tpu.memory_space<vmem>>) semaphore(%arg25 : memref<!tpu.dma_semaphore, #tpu.memory_space<semaphore_mem>>)
    %dma_start3A_198 = arith.constant 128 : i32
    %dma_start3A_199 = arith.constant 0 : i32
    %dma_start3A_200 = tpu.memref_slice %arg20[%dma_start3A_198, %dma_start3A_199] : memref<256x128xf32, #tpu.memory_space<vmem>> -> memref<128x128xf32, #tpu.memory_space<vmem>>
    %dma_start3A_201 = arith.constant 384 : i32
    %dma_start3A_202 = tpu.memref_slice %arg16[%dma_start3A_201] : memref<512xi32, #tpu.memory_space<vmem>> -> memref<128xi32, #tpu.memory_space<vmem>>
    %dma_start3A_203 = arith.constant 0 : i32
    %dma_start3A_204 = arith.constant 0 : i32
    %dma_start3A_205 = tpu.memref_slice %arg6[%dma_start3A_203, %dma_start3A_204] : memref<500000x128xf32, #tpu.memory_space<hbm>> -> memref<500000x128xf32, #tpu.memory_space<hbm>>
    tpu.enqueue_indirect_dma source(%dma_start3A_205 : memref<500000x128xf32, #tpu.memory_space<hbm>>) target(%dma_start3A_200 : memref<128x128xf32, #tpu.memory_space<vmem>>) offsets(%dma_start3A_202 : memref<128xi32, #tpu.memory_space<vmem>>) semaphore(%arg25 : memref<!tpu.dma_semaphore, #tpu.memory_space<semaphore_mem>>)
    %dma_wait3A_206 = arith.constant 0 : i32
    %dma_wait3A_207 = arith.constant 0 : i32
    %dma_wait3A_208 = tpu.memref_slice %arg18[%dma_wait3A_206, %dma_wait3A_207] : memref<256x128xf32, #tpu.memory_space<vmem>> -> memref<128x128xf32, #tpu.memory_space<vmem>>
    %dma_wait3A_209 = arith.constant 256 : i32
    %dma_wait3A_210 = tpu.memref_slice %arg14[%dma_wait3A_209] : memref<512xi32, #tpu.memory_space<vmem>> -> memref<128xi32, #tpu.memory_space<vmem>>
    %dma_wait3A_211 = arith.constant 0 : i32
    %dma_wait3A_212 = arith.constant 0 : i32
    %dma_wait3A_213 = tpu.memref_slice %arg5[%dma_wait3A_211, %dma_wait3A_212] : memref<500000x128xf32, #tpu.memory_space<hbm>> -> memref<500000x128xf32, #tpu.memory_space<hbm>>
    tpu.wait_indirect_dma semaphore(%arg25 : memref<!tpu.dma_semaphore, #tpu.memory_space<semaphore_mem>>) src(%dma_wait3A_213 : memref<500000x128xf32, #tpu.memory_space<hbm>>) dst(%dma_wait3A_208 : memref<128x128xf32, #tpu.memory_space<vmem>>)
    %dma_wait3A_214 = arith.constant 0 : i32
    %dma_wait3A_215 = arith.constant 0 : i32
    %dma_wait3A_216 = tpu.memref_slice %arg19[%dma_wait3A_214, %dma_wait3A_215] : memref<256x128xf32, #tpu.memory_space<vmem>> -> memref<128x128xf32, #tpu.memory_space<vmem>>
    %dma_wait3A_217 = arith.constant 256 : i32
    %dma_wait3A_218 = tpu.memref_slice %arg15[%dma_wait3A_217] : memref<512xi32, #tpu.memory_space<vmem>> -> memref<128xi32, #tpu.memory_space<vmem>>
    %dma_wait3A_219 = arith.constant 0 : i32
    %dma_wait3A_220 = arith.constant 0 : i32
    %dma_wait3A_221 = tpu.memref_slice %arg6[%dma_wait3A_219, %dma_wait3A_220] : memref<500000x128xf32, #tpu.memory_space<hbm>> -> memref<500000x128xf32, #tpu.memory_space<hbm>>
    tpu.wait_indirect_dma semaphore(%arg25 : memref<!tpu.dma_semaphore, #tpu.memory_space<semaphore_mem>>) src(%dma_wait3A_221 : memref<500000x128xf32, #tpu.memory_space<hbm>>) dst(%dma_wait3A_216 : memref<128x128xf32, #tpu.memory_space<vmem>>)
    %dma_wait3A_222 = arith.constant 0 : i32
    %dma_wait3A_223 = arith.constant 0 : i32
    %dma_wait3A_224 = tpu.memref_slice %arg20[%dma_wait3A_222, %dma_wait3A_223] : memref<256x128xf32, #tpu.memory_space<vmem>> -> memref<128x128xf32, #tpu.memory_space<vmem>>
    %dma_wait3A_225 = arith.constant 256 : i32
    %dma_wait3A_226 = tpu.memref_slice %arg16[%dma_wait3A_225] : memref<512xi32, #tpu.memory_space<vmem>> -> memref<128xi32, #tpu.memory_space<vmem>>
    %dma_wait3A_227 = arith.constant 0 : i32
    %dma_wait3A_228 = arith.constant 0 : i32
    %dma_wait3A_229 = tpu.memref_slice %arg6[%dma_wait3A_227, %dma_wait3A_228] : memref<500000x128xf32, #tpu.memory_space<hbm>> -> memref<500000x128xf32, #tpu.memory_space<hbm>>
    tpu.wait_indirect_dma semaphore(%arg25 : memref<!tpu.dma_semaphore, #tpu.memory_space<semaphore_mem>>) src(%dma_wait3A_229 : memref<500000x128xf32, #tpu.memory_space<hbm>>) dst(%dma_wait3A_224 : memref<128x128xf32, #tpu.memory_space<vmem>>)
    %dma_wait3A_230 = arith.constant 128 : i32
    %dma_wait3A_231 = arith.constant 0 : i32
    %dma_wait3A_232 = tpu.memref_slice %arg18[%dma_wait3A_230, %dma_wait3A_231] : memref<256x128xf32, #tpu.memory_space<vmem>> -> memref<128x128xf32, #tpu.memory_space<vmem>>
    %dma_wait3A_233 = arith.constant 384 : i32
    %dma_wait3A_234 = tpu.memref_slice %arg14[%dma_wait3A_233] : memref<512xi32, #tpu.memory_space<vmem>> -> memref<128xi32, #tpu.memory_space<vmem>>
    %dma_wait3A_235 = arith.constant 0 : i32
    %dma_wait3A_236 = arith.constant 0 : i32
    %dma_wait3A_237 = tpu.memref_slice %arg5[%dma_wait3A_235, %dma_wait3A_236] : memref<500000x128xf32, #tpu.memory_space<hbm>> -> memref<500000x128xf32, #tpu.memory_space<hbm>>
    tpu.wait_indirect_dma semaphore(%arg25 : memref<!tpu.dma_semaphore, #tpu.memory_space<semaphore_mem>>) src(%dma_wait3A_237 : memref<500000x128xf32, #tpu.memory_space<hbm>>) dst(%dma_wait3A_232 : memref<128x128xf32, #tpu.memory_space<vmem>>)
    %dma_wait3A_238 = arith.constant 128 : i32
    %dma_wait3A_239 = arith.constant 0 : i32
    %dma_wait3A_240 = tpu.memref_slice %arg19[%dma_wait3A_238, %dma_wait3A_239] : memref<256x128xf32, #tpu.memory_space<vmem>> -> memref<128x128xf32, #tpu.memory_space<vmem>>
    %dma_wait3A_241 = arith.constant 384 : i32
    %dma_wait3A_242 = tpu.memref_slice %arg15[%dma_wait3A_241] : memref<512xi32, #tpu.memory_space<vmem>> -> memref<128xi32, #tpu.memory_space<vmem>>
    %dma_wait3A_243 = arith.constant 0 : i32
    %dma_wait3A_244 = arith.constant 0 : i32
    %dma_wait3A_245 = tpu.memref_slice %arg6[%dma_wait3A_243, %dma_wait3A_244] : memref<500000x128xf32, #tpu.memory_space<hbm>> -> memref<500000x128xf32, #tpu.memory_space<hbm>>
    tpu.wait_indirect_dma semaphore(%arg25 : memref<!tpu.dma_semaphore, #tpu.memory_space<semaphore_mem>>) src(%dma_wait3A_245 : memref<500000x128xf32, #tpu.memory_space<hbm>>) dst(%dma_wait3A_240 : memref<128x128xf32, #tpu.memory_space<vmem>>)
    %dma_wait3A_246 = arith.constant 128 : i32
    %dma_wait3A_247 = arith.constant 0 : i32
    %dma_wait3A_248 = tpu.memref_slice %arg20[%dma_wait3A_246, %dma_wait3A_247] : memref<256x128xf32, #tpu.memory_space<vmem>> -> memref<128x128xf32, #tpu.memory_space<vmem>>
    %dma_wait3A_249 = arith.constant 384 : i32
    %dma_wait3A_250 = tpu.memref_slice %arg16[%dma_wait3A_249] : memref<512xi32, #tpu.memory_space<vmem>> -> memref<128xi32, #tpu.memory_space<vmem>>
    %dma_wait3A_251 = arith.constant 0 : i32
    %dma_wait3A_252 = arith.constant 0 : i32
    %dma_wait3A_253 = tpu.memref_slice %arg6[%dma_wait3A_251, %dma_wait3A_252] : memref<500000x128xf32, #tpu.memory_space<hbm>> -> memref<500000x128xf32, #tpu.memory_space<hbm>>
    tpu.wait_indirect_dma semaphore(%arg25 : memref<!tpu.dma_semaphore, #tpu.memory_space<semaphore_mem>>) src(%dma_wait3A_253 : memref<500000x128xf32, #tpu.memory_space<hbm>>) dst(%dma_wait3A_248 : memref<128x128xf32, #tpu.memory_space<vmem>>)
    %scan3A_254 = arith.constant 0 : i32
    %scan3A_255 = arith.constant 0 : i32
    %scan3A_256 = arith.constant 16 : i32
    %scan3A_257 = arith.addi %scan3A_255, %scan3A_256 : i32
    %scan3A_258 = arith.constant 1 : i32
    scf.for %scan3A_298 = %scan3A_255 to %scan3A_257 step %scan3A_258  : i32 {
      %mul3A_299 = arith.constant 16 : i32
      %mul3A_300 = arith.muli %scan3A_298, %mul3A_299 : i32
      %add3A_301 = vector.broadcast %mul3A_300 : i32 to vector<16xi32>
      %add3A_302 = arith.addi %add3A_301, %iota3A : vector<16xi32>
      %mul3A_303 = arith.constant 16 : i32
      %mul3A_304 = arith.muli %scan3A_298, %mul3A_303 : i32
      %add3A_305 = arith.constant 256 : i32
      %add3A_306 = arith.addi %add3A_305, %mul3A_304 : i32
      %get3A = arith.index_cast %add3A_306 : i32 to index
      %get3A_307 = tpu.vector_load %arg11[%get3A] {strides = array<i32>} : memref<512xi32, #tpu.memory_space<vmem>>, vector<16xi32>,
      %mul3A_308 = arith.constant 16 : i32
      %mul3A_309 = arith.muli %scan3A_298, %mul3A_308 : i32
      %add3A_310 = arith.constant 256 : i32
      %add3A_311 = arith.addi %add3A_310, %mul3A_309 : i32
      %get3A_312 = arith.index_cast %add3A_311 : i32 to index
      %get3A_313 = tpu.vector_load %arg12[%get3A_312] {strides = array<i32>} : memref<512xi32, #tpu.memory_space<vmem>>, vector<16xi32>,
      %mul3A_314 = arith.constant 16 : i32
      %mul3A_315 = arith.muli %scan3A_298, %mul3A_314 : i32
      %add3A_316 = arith.constant 256 : i32
      %add3A_317 = arith.addi %add3A_316, %mul3A_315 : i32
      %get3A_318 = arith.index_cast %add3A_317 : i32 to index
      %get3A_319 = tpu.vector_load %arg13[%get3A_318] {strides = array<i32>} : memref<512xi32, #tpu.memory_space<vmem>>, vector<16xi32>,
      %and3A = arith.constant 1 : i32
      %and3A_320 = vector.broadcast %and3A : i32 to vector<16xi32>
      %and3A_321 = arith.andi %get3A_307, %and3A_320 : vector<16xi32>
      %mul3A_322 = arith.constant 64 : i32
      %mul3A_323 = vector.broadcast %mul3A_322 : i32 to vector<16xi32>
      %mul3A_324 = arith.muli %and3A_321, %mul3A_323 : vector<16xi32>
      %and3A_325 = arith.constant 1 : i32
      %and3A_326 = vector.broadcast %and3A_325 : i32 to vector<16xi32>
      %and3A_327 = arith.andi %get3A_313, %and3A_326 : vector<16xi32>
      %mul3A_328 = arith.constant 64 : i32
      %mul3A_329 = vector.broadcast %mul3A_328 : i32 to vector<16xi32>
      %mul3A_330 = arith.muli %and3A_327, %mul3A_329 : vector<16xi32>
      %and3A_331 = arith.constant 1 : i32
      %and3A_332 = vector.broadcast %and3A_331 : i32 to vector<16xi32>
      %and3A_333 = arith.andi %get3A_319, %and3A_332 : vector<16xi32>
      %mul3A_334 = arith.constant 64 : i32
      %mul3A_335 = vector.broadcast %mul3A_334 : i32 to vector<16xi32>
      %mul3A_336 = arith.muli %and3A_333, %mul3A_335 : vector<16xi32>
      %broadcast_in_dim3A = arith.constant 0.000000e+00 : f32
      %broadcast_in_dim3A_337 = vector.broadcast %broadcast_in_dim3A : f32 to vector<16xf32>
      %broadcast_in_dim3A_338 = arith.constant 0.000000e+00 : f32
      %broadcast_in_dim3A_339 = vector.broadcast %broadcast_in_dim3A_338 : f32 to vector<16xf32>
      %add3A_340 = arith.constant 0 : i32
      %add3A_341 = vector.broadcast %add3A_340 : i32 to vector<16xi32>
      %add3A_342 = arith.addi %mul3A_324, %add3A_341 : vector<16xi32>
      %gather3A = tpu.vector_load_idx %arg18[%add3A_302, %add3A_342] : memref<256x128xf32, #tpu.memory_space<vmem>>[vector<16xi32>, vector<16xi32>], vector<16xf32>,
      %add3A_343 = arith.constant 0 : i32
      %add3A_344 = vector.broadcast %add3A_343 : i32 to vector<16xi32>
      %add3A_345 = arith.addi %mul3A_330, %add3A_344 : vector<16xi32>
      %gather3A_346 = tpu.vector_load_idx %arg19[%add3A_302, %add3A_345] : memref<256x128xf32, #tpu.memory_space<vmem>>[vector<16xi32>, vector<16xi32>], vector<16xf32>,
      %mul3A_347 = arith.mulf %gather3A, %gather3A_346 : vector<16xf32>
      %add3A_348 = arith.addf %broadcast_in_dim3A_337, %mul3A_347 : vector<16xf32>
      %add3A_349 = arith.constant 0 : i32
      %add3A_350 = vector.broadcast %add3A_349 : i32 to vector<16xi32>
      %add3A_351 = arith.addi %mul3A_336, %add3A_350 : vector<16xi32>
      %gather3A_352 = tpu.vector_load_idx %arg20[%add3A_302, %add3A_351] : memref<256x128xf32, #tpu.memory_space<vmem>>[vector<16xi32>, vector<16xi32>], vector<16xf32>,
      %mul3A_353 = arith.mulf %gather3A, %gather3A_352 : vector<16xf32>
      %add3A_354 = arith.addf %broadcast_in_dim3A_339, %mul3A_353 : vector<16xf32>
      %add3A_355 = arith.constant 1 : i32
      %add3A_356 = vector.broadcast %add3A_355 : i32 to vector<16xi32>
      %add3A_357 = arith.addi %mul3A_324, %add3A_356 : vector<16xi32>
      %gather3A_358 = tpu.vector_load_idx %arg18[%add3A_302, %add3A_357] : memref<256x128xf32, #tpu.memory_space<vmem>>[vector<16xi32>, vector<16xi32>], vector<16xf32>,
      %add3A_359 = arith.constant 1 : i32
      %add3A_360 = vector.broadcast %add3A_359 : i32 to vector<16xi32>
      %add3A_361 = arith.addi %mul3A_330, %add3A_360 : vector<16xi32>
      %gather3A_362 = tpu.vector_load_idx %arg19[%add3A_302, %add3A_361] : memref<256x128xf32, #tpu.memory_space<vmem>>[vector<16xi32>, vector<16xi32>], vector<16xf32>,
      %mul3A_363 = arith.mulf %gather3A_358, %gather3A_362 : vector<16xf32>
      %add3A_364 = arith.addf %add3A_348, %mul3A_363 : vector<16xf32>
      %add3A_365 = arith.constant 1 : i32
      %add3A_366 = vector.broadcast %add3A_365 : i32 to vector<16xi32>
      %add3A_367 = arith.addi %mul3A_336, %add3A_366 : vector<16xi32>
      %gather3A_368 = tpu.vector_load_idx %arg20[%add3A_302, %add3A_367] : memref<256x128xf32, #tpu.memory_space<vmem>>[vector<16xi32>, vector<16xi32>], vector<16xf32>,
      %mul3A_369 = arith.mulf %gather3A_358, %gather3A_368 : vector<16xf32>
      %add3A_370 = arith.addf %add3A_354, %mul3A_369 : vector<16xf32>
      %add3A_371 = arith.constant 2 : i32
      %add3A_372 = vector.broadcast %add3A_371 : i32 to vector<16xi32>
      %add3A_373 = arith.addi %mul3A_324, %add3A_372 : vector<16xi32>
      %gather3A_374 = tpu.vector_load_idx %arg18[%add3A_302, %add3A_373] : memref<256x128xf32, #tpu.memory_space<vmem>>[vector<16xi32>, vector<16xi32>], vector<16xf32>,
      %add3A_375 = arith.constant 2 : i32
      %add3A_376 = vector.broadcast %add3A_375 : i32 to vector<16xi32>
      %add3A_377 = arith.addi %mul3A_330, %add3A_376 : vector<16xi32>
      %gather3A_378 = tpu.vector_load_idx %arg19[%add3A_302, %add3A_377] : memref<256x128xf32, #tpu.memory_space<vmem>>[vector<16xi32>, vector<16xi32>], vector<16xf32>,
      %mul3A_379 = arith.mulf %gather3A_374, %gather3A_378 : vector<16xf32>
      %add3A_380 = arith.addf %add3A_364, %mul3A_379 : vector<16xf32>
      %add3A_381 = arith.constant 2 : i32
      %add3A_382 = vector.broadcast %add3A_381 : i32 to vector<16xi32>
      %add3A_383 = arith.addi %mul3A_336, %add3A_382 : vector<16xi32>
      %gather3A_384 = tpu.vector_load_idx %arg20[%add3A_302, %add3A_383] : memref<256x128xf32, #tpu.memory_space<vmem>>[vector<16xi32>, vector<16xi32>], vector<16xf32>,
      %mul3A_385 = arith.mulf %gather3A_374, %gather3A_384 : vector<16xf32>
      %add3A_386 = arith.addf %add3A_370, %mul3A_385 : vector<16xf32>
      %add3A_387 = arith.constant 3 : i32
      %add3A_388 = vector.broadcast %add3A_387 : i32 to vector<16xi32>
      %add3A_389 = arith.addi %mul3A_324, %add3A_388 : vector<16xi32>
      %gather3A_390 = tpu.vector_load_idx %arg18[%add3A_302, %add3A_389] : memref<256x128xf32, #tpu.memory_space<vmem>>[vector<16xi32>, vector<16xi32>], vector<16xf32>,
      %add3A_391 = arith.constant 3 : i32
      %add3A_392 = vector.broadcast %add3A_391 : i32 to vector<16xi32>
      %add3A_393 = arith.addi %mul3A_330, %add3A_392 : vector<16xi32>
      %gather3A_394 = tpu.vector_load_idx %arg19[%add3A_302, %add3A_393] : memref<256x128xf32, #tpu.memory_space<vmem>>[vector<16xi32>, vector<16xi32>], vector<16xf32>,
      %mul3A_395 = arith.mulf %gather3A_390, %gather3A_394 : vector<16xf32>
      %add3A_396 = arith.addf %add3A_380, %mul3A_395 : vector<16xf32>
      %add3A_397 = arith.constant 3 : i32
      %add3A_398 = vector.broadcast %add3A_397 : i32 to vector<16xi32>
      %add3A_399 = arith.addi %mul3A_336, %add3A_398 : vector<16xi32>
      %gather3A_400 = tpu.vector_load_idx %arg20[%add3A_302, %add3A_399] : memref<256x128xf32, #tpu.memory_space<vmem>>[vector<16xi32>, vector<16xi32>], vector<16xf32>,
      %mul3A_401 = arith.mulf %gather3A_390, %gather3A_400 : vector<16xf32>
      %add3A_402 = arith.addf %add3A_386, %mul3A_401 : vector<16xf32>
      %add3A_403 = arith.constant 4 : i32
      %add3A_404 = vector.broadcast %add3A_403 : i32 to vector<16xi32>
      %add3A_405 = arith.addi %mul3A_324, %add3A_404 : vector<16xi32>
      %gather3A_406 = tpu.vector_load_idx %arg18[%add3A_302, %add3A_405] : memref<256x128xf32, #tpu.memory_space<vmem>>[vector<16xi32>, vector<16xi32>], vector<16xf32>,
      %add3A_407 = arith.constant 4 : i32
      %add3A_408 = vector.broadcast %add3A_407 : i32 to vector<16xi32>
      %add3A_409 = arith.addi %mul3A_330, %add3A_408 : vector<16xi32>
      %gather3A_410 = tpu.vector_load_idx %arg19[%add3A_302, %add3A_409] : memref<256x128xf32, #tpu.memory_space<vmem>>[vector<16xi32>, vector<16xi32>], vector<16xf32>,
      %mul3A_411 = arith.mulf %gather3A_406, %gather3A_410 : vector<16xf32>
      %add3A_412 = arith.addf %add3A_396, %mul3A_411 : vector<16xf32>
      %add3A_413 = arith.constant 4 : i32
      %add3A_414 = vector.broadcast %add3A_413 : i32 to vector<16xi32>
      %add3A_415 = arith.addi %mul3A_336, %add3A_414 : vector<16xi32>
      %gather3A_416 = tpu.vector_load_idx %arg20[%add3A_302, %add3A_415] : memref<256x128xf32, #tpu.memory_space<vmem>>[vector<16xi32>, vector<16xi32>], vector<16xf32>,
      %mul3A_417 = arith.mulf %gather3A_406, %gather3A_416 : vector<16xf32>
      %add3A_418 = arith.addf %add3A_402, %mul3A_417 : vector<16xf32>
      %add3A_419 = arith.constant 5 : i32
      %add3A_420 = vector.broadcast %add3A_419 : i32 to vector<16xi32>
      %add3A_421 = arith.addi %mul3A_324, %add3A_420 : vector<16xi32>
      %gather3A_422 = tpu.vector_load_idx %arg18[%add3A_302, %add3A_421] : memref<256x128xf32, #tpu.memory_space<vmem>>[vector<16xi32>, vector<16xi32>], vector<16xf32>,
      %add3A_423 = arith.constant 5 : i32
      %add3A_424 = vector.broadcast %add3A_423 : i32 to vector<16xi32>
      %add3A_425 = arith.addi %mul3A_330, %add3A_424 : vector<16xi32>
      %gather3A_426 = tpu.vector_load_idx %arg19[%add3A_302, %add3A_425] : memref<256x128xf32, #tpu.memory_space<vmem>>[vector<16xi32>, vector<16xi32>], vector<16xf32>,
      %mul3A_427 = arith.mulf %gather3A_422, %gather3A_426 : vector<16xf32>
      %add3A_428 = arith.addf %add3A_412, %mul3A_427 : vector<16xf32>
      %add3A_429 = arith.constant 5 : i32
      %add3A_430 = vector.broadcast %add3A_429 : i32 to vector<16xi32>
      %add3A_431 = arith.addi %mul3A_336, %add3A_430 : vector<16xi32>
      %gather3A_432 = tpu.vector_load_idx %arg20[%add3A_302, %add3A_431] : memref<256x128xf32, #tpu.memory_space<vmem>>[vector<16xi32>, vector<16xi32>], vector<16xf32>,
      %mul3A_433 = arith.mulf %gather3A_422, %gather3A_432 : vector<16xf32>
      %add3A_434 = arith.addf %add3A_418, %mul3A_433 : vector<16xf32>
      %add3A_435 = arith.constant 6 : i32
      %add3A_436 = vector.broadcast %add3A_435 : i32 to vector<16xi32>
      %add3A_437 = arith.addi %mul3A_324, %add3A_436 : vector<16xi32>
      %gather3A_438 = tpu.vector_load_idx %arg18[%add3A_302, %add3A_437] : memref<256x128xf32, #tpu.memory_space<vmem>>[vector<16xi32>, vector<16xi32>], vector<16xf32>,
      %add3A_439 = arith.constant 6 : i32
      %add3A_440 = vector.broadcast %add3A_439 : i32 to vector<16xi32>
      %add3A_441 = arith.addi %mul3A_330, %add3A_440 : vector<16xi32>
      %gather3A_442 = tpu.vector_load_idx %arg19[%add3A_302, %add3A_441] : memref<256x128xf32, #tpu.memory_space<vmem>>[vector<16xi32>, vector<16xi32>], vector<16xf32>,
      %mul3A_443 = arith.mulf %gather3A_438, %gather3A_442 : vector<16xf32>
      %add3A_444 = arith.addf %add3A_428, %mul3A_443 : vector<16xf32>
      %add3A_445 = arith.constant 6 : i32
      %add3A_446 = vector.broadcast %add3A_445 : i32 to vector<16xi32>
      %add3A_447 = arith.addi %mul3A_336, %add3A_446 : vector<16xi32>
      %gather3A_448 = tpu.vector_load_idx %arg20[%add3A_302, %add3A_447] : memref<256x128xf32, #tpu.memory_space<vmem>>[vector<16xi32>, vector<16xi32>], vector<16xf32>,
      %mul3A_449 = arith.mulf %gather3A_438, %gather3A_448 : vector<16xf32>
      %add3A_450 = arith.addf %add3A_434, %mul3A_449 : vector<16xf32>
      %add3A_451 = arith.constant 7 : i32
      %add3A_452 = vector.broadcast %add3A_451 : i32 to vector<16xi32>
      %add3A_453 = arith.addi %mul3A_324, %add3A_452 : vector<16xi32>
      %gather3A_454 = tpu.vector_load_idx %arg18[%add3A_302, %add3A_453] : memref<256x128xf32, #tpu.memory_space<vmem>>[vector<16xi32>, vector<16xi32>], vector<16xf32>,
      %add3A_455 = arith.constant 7 : i32
      %add3A_456 = vector.broadcast %add3A_455 : i32 to vector<16xi32>
      %add3A_457 = arith.addi %mul3A_330, %add3A_456 : vector<16xi32>
      %gather3A_458 = tpu.vector_load_idx %arg19[%add3A_302, %add3A_457] : memref<256x128xf32, #tpu.memory_space<vmem>>[vector<16xi32>, vector<16xi32>], vector<16xf32>,
      %mul3A_459 = arith.mulf %gather3A_454, %gather3A_458 : vector<16xf32>
      %add3A_460 = arith.addf %add3A_444, %mul3A_459 : vector<16xf32>
      %add3A_461 = arith.constant 7 : i32
      %add3A_462 = vector.broadcast %add3A_461 : i32 to vector<16xi32>
      %add3A_463 = arith.addi %mul3A_336, %add3A_462 : vector<16xi32>
      %gather3A_464 = tpu.vector_load_idx %arg20[%add3A_302, %add3A_463] : memref<256x128xf32, #tpu.memory_space<vmem>>[vector<16xi32>, vector<16xi32>], vector<16xf32>,
      %mul3A_465 = arith.mulf %gather3A_454, %gather3A_464 : vector<16xf32>
      %add3A_466 = arith.addf %add3A_450, %mul3A_465 : vector<16xf32>
      %add3A_467 = arith.constant 8 : i32
      %add3A_468 = vector.broadcast %add3A_467 : i32 to vector<16xi32>
      %add3A_469 = arith.addi %mul3A_324, %add3A_468 : vector<16xi32>
      %gather3A_470 = tpu.vector_load_idx %arg18[%add3A_302, %add3A_469] : memref<256x128xf32, #tpu.memory_space<vmem>>[vector<16xi32>, vector<16xi32>], vector<16xf32>,
      %add3A_471 = arith.constant 8 : i32
      %add3A_472 = vector.broadcast %add3A_471 : i32 to vector<16xi32>
      %add3A_473 = arith.addi %mul3A_330, %add3A_472 : vector<16xi32>
      %gather3A_474 = tpu.vector_load_idx %arg19[%add3A_302, %add3A_473] : memref<256x128xf32, #tpu.memory_space<vmem>>[vector<16xi32>, vector<16xi32>], vector<16xf32>,
      %mul3A_475 = arith.mulf %gather3A_470, %gather3A_474 : vector<16xf32>
      %add3A_476 = arith.addf %add3A_460, %mul3A_475 : vector<16xf32>
      %add3A_477 = arith.constant 8 : i32
      %add3A_478 = vector.broadcast %add3A_477 : i32 to vector<16xi32>
      %add3A_479 = arith.addi %mul3A_336, %add3A_478 : vector<16xi32>
      %gather3A_480 = tpu.vector_load_idx %arg20[%add3A_302, %add3A_479] : memref<256x128xf32, #tpu.memory_space<vmem>>[vector<16xi32>, vector<16xi32>], vector<16xf32>,
      %mul3A_481 = arith.mulf %gather3A_470, %gather3A_480 : vector<16xf32>
      %add3A_482 = arith.addf %add3A_466, %mul3A_481 : vector<16xf32>
      %add3A_483 = arith.constant 9 : i32
      %add3A_484 = vector.broadcast %add3A_483 : i32 to vector<16xi32>
      %add3A_485 = arith.addi %mul3A_324, %add3A_484 : vector<16xi32>
      %gather3A_486 = tpu.vector_load_idx %arg18[%add3A_302, %add3A_485] : memref<256x128xf32, #tpu.memory_space<vmem>>[vector<16xi32>, vector<16xi32>], vector<16xf32>,
      %add3A_487 = arith.constant 9 : i32
      %add3A_488 = vector.broadcast %add3A_487 : i32 to vector<16xi32>
      %add3A_489 = arith.addi %mul3A_330, %add3A_488 : vector<16xi32>
      %gather3A_490 = tpu.vector_load_idx %arg19[%add3A_302, %add3A_489] : memref<256x128xf32, #tpu.memory_space<vmem>>[vector<16xi32>, vector<16xi32>], vector<16xf32>,
      %mul3A_491 = arith.mulf %gather3A_486, %gather3A_490 : vector<16xf32>
      %add3A_492 = arith.addf %add3A_476, %mul3A_491 : vector<16xf32>
      %add3A_493 = arith.constant 9 : i32
      %add3A_494 = vector.broadcast %add3A_493 : i32 to vector<16xi32>
      %add3A_495 = arith.addi %mul3A_336, %add3A_494 : vector<16xi32>
      %gather3A_496 = tpu.vector_load_idx %arg20[%add3A_302, %add3A_495] : memref<256x128xf32, #tpu.memory_space<vmem>>[vector<16xi32>, vector<16xi32>], vector<16xf32>,
      %mul3A_497 = arith.mulf %gather3A_486, %gather3A_496 : vector<16xf32>
      %add3A_498 = arith.addf %add3A_482, %mul3A_497 : vector<16xf32>
      %add3A_499 = arith.constant 10 : i32
      %add3A_500 = vector.broadcast %add3A_499 : i32 to vector<16xi32>
      %add3A_501 = arith.addi %mul3A_324, %add3A_500 : vector<16xi32>
      %gather3A_502 = tpu.vector_load_idx %arg18[%add3A_302, %add3A_501] : memref<256x128xf32, #tpu.memory_space<vmem>>[vector<16xi32>, vector<16xi32>], vector<16xf32>,
      %add3A_503 = arith.constant 10 : i32
      %add3A_504 = vector.broadcast %add3A_503 : i32 to vector<16xi32>
      %add3A_505 = arith.addi %mul3A_330, %add3A_504 : vector<16xi32>
      %gather3A_506 = tpu.vector_load_idx %arg19[%add3A_302, %add3A_505] : memref<256x128xf32, #tpu.memory_space<vmem>>[vector<16xi32>, vector<16xi32>], vector<16xf32>,
      %mul3A_507 = arith.mulf %gather3A_502, %gather3A_506 : vector<16xf32>
      %add3A_508 = arith.addf %add3A_492, %mul3A_507 : vector<16xf32>
      %add3A_509 = arith.constant 10 : i32
      %add3A_510 = vector.broadcast %add3A_509 : i32 to vector<16xi32>
      %add3A_511 = arith.addi %mul3A_336, %add3A_510 : vector<16xi32>
      %gather3A_512 = tpu.vector_load_idx %arg20[%add3A_302, %add3A_511] : memref<256x128xf32, #tpu.memory_space<vmem>>[vector<16xi32>, vector<16xi32>], vector<16xf32>,
      %mul3A_513 = arith.mulf %gather3A_502, %gather3A_512 : vector<16xf32>
      %add3A_514 = arith.addf %add3A_498, %mul3A_513 : vector<16xf32>
      %add3A_515 = arith.constant 11 : i32
      %add3A_516 = vector.broadcast %add3A_515 : i32 to vector<16xi32>
      %add3A_517 = arith.addi %mul3A_324, %add3A_516 : vector<16xi32>
      %gather3A_518 = tpu.vector_load_idx %arg18[%add3A_302, %add3A_517] : memref<256x128xf32, #tpu.memory_space<vmem>>[vector<16xi32>, vector<16xi32>], vector<16xf32>,
      %add3A_519 = arith.constant 11 : i32
      %add3A_520 = vector.broadcast %add3A_519 : i32 to vector<16xi32>
      %add3A_521 = arith.addi %mul3A_330, %add3A_520 : vector<16xi32>
      %gather3A_522 = tpu.vector_load_idx %arg19[%add3A_302, %add3A_521] : memref<256x128xf32, #tpu.memory_space<vmem>>[vector<16xi32>, vector<16xi32>], vector<16xf32>,
      %mul3A_523 = arith.mulf %gather3A_518, %gather3A_522 : vector<16xf32>
      %add3A_524 = arith.addf %add3A_508, %mul3A_523 : vector<16xf32>
      %add3A_525 = arith.constant 11 : i32
      %add3A_526 = vector.broadcast %add3A_525 : i32 to vector<16xi32>
      %add3A_527 = arith.addi %mul3A_336, %add3A_526 : vector<16xi32>
      %gather3A_528 = tpu.vector_load_idx %arg20[%add3A_302, %add3A_527] : memref<256x128xf32, #tpu.memory_space<vmem>>[vector<16xi32>, vector<16xi32>], vector<16xf32>,
      %mul3A_529 = arith.mulf %gather3A_518, %gather3A_528 : vector<16xf32>
      %add3A_530 = arith.addf %add3A_514, %mul3A_529 : vector<16xf32>
      %add3A_531 = arith.constant 12 : i32
      %add3A_532 = vector.broadcast %add3A_531 : i32 to vector<16xi32>
      %add3A_533 = arith.addi %mul3A_324, %add3A_532 : vector<16xi32>
      %gather3A_534 = tpu.vector_load_idx %arg18[%add3A_302, %add3A_533] : memref<256x128xf32, #tpu.memory_space<vmem>>[vector<16xi32>, vector<16xi32>], vector<16xf32>,
      %add3A_535 = arith.constant 12 : i32
      %add3A_536 = vector.broadcast %add3A_535 : i32 to vector<16xi32>
      %add3A_537 = arith.addi %mul3A_330, %add3A_536 : vector<16xi32>
      %gather3A_538 = tpu.vector_load_idx %arg19[%add3A_302, %add3A_537] : memref<256x128xf32, #tpu.memory_space<vmem>>[vector<16xi32>, vector<16xi32>], vector<16xf32>,
      %mul3A_539 = arith.mulf %gather3A_534, %gather3A_538 : vector<16xf32>
      %add3A_540 = arith.addf %add3A_524, %mul3A_539 : vector<16xf32>
      %add3A_541 = arith.constant 12 : i32
      %add3A_542 = vector.broadcast %add3A_541 : i32 to vector<16xi32>
      %add3A_543 = arith.addi %mul3A_336, %add3A_542 : vector<16xi32>
      %gather3A_544 = tpu.vector_load_idx %arg20[%add3A_302, %add3A_543] : memref<256x128xf32, #tpu.memory_space<vmem>>[vector<16xi32>, vector<16xi32>], vector<16xf32>,
      %mul3A_545 = arith.mulf %gather3A_534, %gather3A_544 : vector<16xf32>
      %add3A_546 = arith.addf %add3A_530, %mul3A_545 : vector<16xf32>
      %add3A_547 = arith.constant 13 : i32
      %add3A_548 = vector.broadcast %add3A_547 : i32 to vector<16xi32>
      %add3A_549 = arith.addi %mul3A_324, %add3A_548 : vector<16xi32>
      %gather3A_550 = tpu.vector_load_idx %arg18[%add3A_302, %add3A_549] : memref<256x128xf32, #tpu.memory_space<vmem>>[vector<16xi32>, vector<16xi32>], vector<16xf32>,
      %add3A_551 = arith.constant 13 : i32
      %add3A_552 = vector.broadcast %add3A_551 : i32 to vector<16xi32>
      %add3A_553 = arith.addi %mul3A_330, %add3A_552 : vector<16xi32>
      %gather3A_554 = tpu.vector_load_idx %arg19[%add3A_302, %add3A_553] : memref<256x128xf32, #tpu.memory_space<vmem>>[vector<16xi32>, vector<16xi32>], vector<16xf32>,
      %mul3A_555 = arith.mulf %gather3A_550, %gather3A_554 : vector<16xf32>
      %add3A_556 = arith.addf %add3A_540, %mul3A_555 : vector<16xf32>
      %add3A_557 = arith.constant 13 : i32
      %add3A_558 = vector.broadcast %add3A_557 : i32 to vector<16xi32>
      %add3A_559 = arith.addi %mul3A_336, %add3A_558 : vector<16xi32>
      %gather3A_560 = tpu.vector_load_idx %arg20[%add3A_302, %add3A_559] : memref<256x128xf32, #tpu.memory_space<vmem>>[vector<16xi32>, vector<16xi32>], vector<16xf32>,
      %mul3A_561 = arith.mulf %gather3A_550, %gather3A_560 : vector<16xf32>
      %add3A_562 = arith.addf %add3A_546, %mul3A_561 : vector<16xf32>
      %add3A_563 = arith.constant 14 : i32
      %add3A_564 = vector.broadcast %add3A_563 : i32 to vector<16xi32>
      %add3A_565 = arith.addi %mul3A_324, %add3A_564 : vector<16xi32>
      %gather3A_566 = tpu.vector_load_idx %arg18[%add3A_302, %add3A_565] : memref<256x128xf32, #tpu.memory_space<vmem>>[vector<16xi32>, vector<16xi32>], vector<16xf32>,
      %add3A_567 = arith.constant 14 : i32
      %add3A_568 = vector.broadcast %add3A_567 : i32 to vector<16xi32>
      %add3A_569 = arith.addi %mul3A_330, %add3A_568 : vector<16xi32>
      %gather3A_570 = tpu.vector_load_idx %arg19[%add3A_302, %add3A_569] : memref<256x128xf32, #tpu.memory_space<vmem>>[vector<16xi32>, vector<16xi32>], vector<16xf32>,
      %mul3A_571 = arith.mulf %gather3A_566, %gather3A_570 : vector<16xf32>
      %add3A_572 = arith.addf %add3A_556, %mul3A_571 : vector<16xf32>
      %add3A_573 = arith.constant 14 : i32
      %add3A_574 = vector.broadcast %add3A_573 : i32 to vector<16xi32>
      %add3A_575 = arith.addi %mul3A_336, %add3A_574 : vector<16xi32>
      %gather3A_576 = tpu.vector_load_idx %arg20[%add3A_302, %add3A_575] : memref<256x128xf32, #tpu.memory_space<vmem>>[vector<16xi32>, vector<16xi32>], vector<16xf32>,
      %mul3A_577 = arith.mulf %gather3A_566, %gather3A_576 : vector<16xf32>
      %add3A_578 = arith.addf %add3A_562, %mul3A_577 : vector<16xf32>
      %add3A_579 = arith.constant 15 : i32
      %add3A_580 = vector.broadcast %add3A_579 : i32 to vector<16xi32>
      %add3A_581 = arith.addi %mul3A_324, %add3A_580 : vector<16xi32>
      %gather3A_582 = tpu.vector_load_idx %arg18[%add3A_302, %add3A_581] : memref<256x128xf32, #tpu.memory_space<vmem>>[vector<16xi32>, vector<16xi32>], vector<16xf32>,
      %add3A_583 = arith.constant 15 : i32
      %add3A_584 = vector.broadcast %add3A_583 : i32 to vector<16xi32>
      %add3A_585 = arith.addi %mul3A_330, %add3A_584 : vector<16xi32>
      %gather3A_586 = tpu.vector_load_idx %arg19[%add3A_302, %add3A_585] : memref<256x128xf32, #tpu.memory_space<vmem>>[vector<16xi32>, vector<16xi32>], vector<16xf32>,
      %mul3A_587 = arith.mulf %gather3A_582, %gather3A_586 : vector<16xf32>
      %add3A_588 = arith.addf %add3A_572, %mul3A_587 : vector<16xf32>
      %add3A_589 = arith.constant 15 : i32
      %add3A_590 = vector.broadcast %add3A_589 : i32 to vector<16xi32>
      %add3A_591 = arith.addi %mul3A_336, %add3A_590 : vector<16xi32>
      %gather3A_592 = tpu.vector_load_idx %arg20[%add3A_302, %add3A_591] : memref<256x128xf32, #tpu.memory_space<vmem>>[vector<16xi32>, vector<16xi32>], vector<16xf32>,
      %mul3A_593 = arith.mulf %gather3A_582, %gather3A_592 : vector<16xf32>
      %add3A_594 = arith.addf %add3A_578, %mul3A_593 : vector<16xf32>
      %add3A_595 = arith.constant 16 : i32
      %add3A_596 = vector.broadcast %add3A_595 : i32 to vector<16xi32>
      %add3A_597 = arith.addi %mul3A_324, %add3A_596 : vector<16xi32>
      %gather3A_598 = tpu.vector_load_idx %arg18[%add3A_302, %add3A_597] : memref<256x128xf32, #tpu.memory_space<vmem>>[vector<16xi32>, vector<16xi32>], vector<16xf32>,
      %add3A_599 = arith.constant 16 : i32
      %add3A_600 = vector.broadcast %add3A_599 : i32 to vector<16xi32>
      %add3A_601 = arith.addi %mul3A_330, %add3A_600 : vector<16xi32>
      %gather3A_602 = tpu.vector_load_idx %arg19[%add3A_302, %add3A_601] : memref<256x128xf32, #tpu.memory_space<vmem>>[vector<16xi32>, vector<16xi32>], vector<16xf32>,
      %mul3A_603 = arith.mulf %gather3A_598, %gather3A_602 : vector<16xf32>
      %add3A_604 = arith.addf %add3A_588, %mul3A_603 : vector<16xf32>
      %add3A_605 = arith.constant 16 : i32
      %add3A_606 = vector.broadcast %add3A_605 : i32 to vector<16xi32>
      %add3A_607 = arith.addi %mul3A_336, %add3A_606 : vector<16xi32>
      %gather3A_608 = tpu.vector_load_idx %arg20[%add3A_302, %add3A_607] : memref<256x128xf32, #tpu.memory_space<vmem>>[vector<16xi32>, vector<16xi32>], vector<16xf32>,
      %mul3A_609 = arith.mulf %gather3A_598, %gather3A_608 : vector<16xf32>
      %add3A_610 = arith.addf %add3A_594, %mul3A_609 : vector<16xf32>
      %add3A_611 = arith.constant 17 : i32
      %add3A_612 = vector.broadcast %add3A_611 : i32 to vector<16xi32>
      %add3A_613 = arith.addi %mul3A_324, %add3A_612 : vector<16xi32>
      %gather3A_614 = tpu.vector_load_idx %arg18[%add3A_302, %add3A_613] : memref<256x128xf32, #tpu.memory_space<vmem>>[vector<16xi32>, vector<16xi32>], vector<16xf32>,
      %add3A_615 = arith.constant 17 : i32
      %add3A_616 = vector.broadcast %add3A_615 : i32 to vector<16xi32>
      %add3A_617 = arith.addi %mul3A_330, %add3A_616 : vector<16xi32>
      %gather3A_618 = tpu.vector_load_idx %arg19[%add3A_302, %add3A_617] : memref<256x128xf32, #tpu.memory_space<vmem>>[vector<16xi32>, vector<16xi32>], vector<16xf32>,
      %mul3A_619 = arith.mulf %gather3A_614, %gather3A_618 : vector<16xf32>
      %add3A_620 = arith.addf %add3A_604, %mul3A_619 : vector<16xf32>
      %add3A_621 = arith.constant 17 : i32
      %add3A_622 = vector.broadcast %add3A_621 : i32 to vector<16xi32>
      %add3A_623 = arith.addi %mul3A_336, %add3A_622 : vector<16xi32>
      %gather3A_624 = tpu.vector_load_idx %arg20[%add3A_302, %add3A_623] : memref<256x128xf32, #tpu.memory_space<vmem>>[vector<16xi32>, vector<16xi32>], vector<16xf32>,
      %mul3A_625 = arith.mulf %gather3A_614, %gather3A_624 : vector<16xf32>
      %add3A_626 = arith.addf %add3A_610, %mul3A_625 : vector<16xf32>
      %add3A_627 = arith.constant 18 : i32
      %add3A_628 = vector.broadcast %add3A_627 : i32 to vector<16xi32>
      %add3A_629 = arith.addi %mul3A_324, %add3A_628 : vector<16xi32>
      %gather3A_630 = tpu.vector_load_idx %arg18[%add3A_302, %add3A_629] : memref<256x128xf32, #tpu.memory_space<vmem>>[vector<16xi32>, vector<16xi32>], vector<16xf32>,
      %add3A_631 = arith.constant 18 : i32
      %add3A_632 = vector.broadcast %add3A_631 : i32 to vector<16xi32>
      %add3A_633 = arith.addi %mul3A_330, %add3A_632 : vector<16xi32>
      %gather3A_634 = tpu.vector_load_idx %arg19[%add3A_302, %add3A_633] : memref<256x128xf32, #tpu.memory_space<vmem>>[vector<16xi32>, vector<16xi32>], vector<16xf32>,
      %mul3A_635 = arith.mulf %gather3A_630, %gather3A_634 : vector<16xf32>
      %add3A_636 = arith.addf %add3A_620, %mul3A_635 : vector<16xf32>
      %add3A_637 = arith.constant 18 : i32
      %add3A_638 = vector.broadcast %add3A_637 : i32 to vector<16xi32>
      %add3A_639 = arith.addi %mul3A_336, %add3A_638 : vector<16xi32>
      %gather3A_640 = tpu.vector_load_idx %arg20[%add3A_302, %add3A_639] : memref<256x128xf32, #tpu.memory_space<vmem>>[vector<16xi32>, vector<16xi32>], vector<16xf32>,
      %mul3A_641 = arith.mulf %gather3A_630, %gather3A_640 : vector<16xf32>
      %add3A_642 = arith.addf %add3A_626, %mul3A_641 : vector<16xf32>
      %add3A_643 = arith.constant 19 : i32
      %add3A_644 = vector.broadcast %add3A_643 : i32 to vector<16xi32>
      %add3A_645 = arith.addi %mul3A_324, %add3A_644 : vector<16xi32>
      %gather3A_646 = tpu.vector_load_idx %arg18[%add3A_302, %add3A_645] : memref<256x128xf32, #tpu.memory_space<vmem>>[vector<16xi32>, vector<16xi32>], vector<16xf32>,
      %add3A_647 = arith.constant 19 : i32
      %add3A_648 = vector.broadcast %add3A_647 : i32 to vector<16xi32>
      %add3A_649 = arith.addi %mul3A_330, %add3A_648 : vector<16xi32>
      %gather3A_650 = tpu.vector_load_idx %arg19[%add3A_302, %add3A_649] : memref<256x128xf32, #tpu.memory_space<vmem>>[vector<16xi32>, vector<16xi32>], vector<16xf32>,
      %mul3A_651 = arith.mulf %gather3A_646, %gather3A_650 : vector<16xf32>
      %add3A_652 = arith.addf %add3A_636, %mul3A_651 : vector<16xf32>
      %add3A_653 = arith.constant 19 : i32
      %add3A_654 = vector.broadcast %add3A_653 : i32 to vector<16xi32>
      %add3A_655 = arith.addi %mul3A_336, %add3A_654 : vector<16xi32>
      %gather3A_656 = tpu.vector_load_idx %arg20[%add3A_302, %add3A_655] : memref<256x128xf32, #tpu.memory_space<vmem>>[vector<16xi32>, vector<16xi32>], vector<16xf32>,
      %mul3A_657 = arith.mulf %gather3A_646, %gather3A_656 : vector<16xf32>
      %add3A_658 = arith.addf %add3A_642, %mul3A_657 : vector<16xf32>
      %add3A_659 = arith.constant 20 : i32
      %add3A_660 = vector.broadcast %add3A_659 : i32 to vector<16xi32>
      %add3A_661 = arith.addi %mul3A_324, %add3A_660 : vector<16xi32>
      %gather3A_662 = tpu.vector_load_idx %arg18[%add3A_302, %add3A_661] : memref<256x128xf32, #tpu.memory_space<vmem>>[vector<16xi32>, vector<16xi32>], vector<16xf32>,
      %add3A_663 = arith.constant 20 : i32
      %add3A_664 = vector.broadcast %add3A_663 : i32 to vector<16xi32>
      %add3A_665 = arith.addi %mul3A_330, %add3A_664 : vector<16xi32>
      %gather3A_666 = tpu.vector_load_idx %arg19[%add3A_302, %add3A_665] : memref<256x128xf32, #tpu.memory_space<vmem>>[vector<16xi32>, vector<16xi32>], vector<16xf32>,
      %mul3A_667 = arith.mulf %gather3A_662, %gather3A_666 : vector<16xf32>
      %add3A_668 = arith.addf %add3A_652, %mul3A_667 : vector<16xf32>
      %add3A_669 = arith.constant 20 : i32
      %add3A_670 = vector.broadcast %add3A_669 : i32 to vector<16xi32>
      %add3A_671 = arith.addi %mul3A_336, %add3A_670 : vector<16xi32>
      %gather3A_672 = tpu.vector_load_idx %arg20[%add3A_302, %add3A_671] : memref<256x128xf32, #tpu.memory_space<vmem>>[vector<16xi32>, vector<16xi32>], vector<16xf32>,
      %mul3A_673 = arith.mulf %gather3A_662, %gather3A_672 : vector<16xf32>
      %add3A_674 = arith.addf %add3A_658, %mul3A_673 : vector<16xf32>
      %add3A_675 = arith.constant 21 : i32
      %add3A_676 = vector.broadcast %add3A_675 : i32 to vector<16xi32>
      %add3A_677 = arith.addi %mul3A_324, %add3A_676 : vector<16xi32>
      %gather3A_678 = tpu.vector_load_idx %arg18[%add3A_302, %add3A_677] : memref<256x128xf32, #tpu.memory_space<vmem>>[vector<16xi32>, vector<16xi32>], vector<16xf32>,
      %add3A_679 = arith.constant 21 : i32
      %add3A_680 = vector.broadcast %add3A_679 : i32 to vector<16xi32>
      %add3A_681 = arith.addi %mul3A_330, %add3A_680 : vector<16xi32>
      %gather3A_682 = tpu.vector_load_idx %arg19[%add3A_302, %add3A_681] : memref<256x128xf32, #tpu.memory_space<vmem>>[vector<16xi32>, vector<16xi32>], vector<16xf32>,
      %mul3A_683 = arith.mulf %gather3A_678, %gather3A_682 : vector<16xf32>
      %add3A_684 = arith.addf %add3A_668, %mul3A_683 : vector<16xf32>
      %add3A_685 = arith.constant 21 : i32
      %add3A_686 = vector.broadcast %add3A_685 : i32 to vector<16xi32>
      %add3A_687 = arith.addi %mul3A_336, %add3A_686 : vector<16xi32>
      %gather3A_688 = tpu.vector_load_idx %arg20[%add3A_302, %add3A_687] : memref<256x128xf32, #tpu.memory_space<vmem>>[vector<16xi32>, vector<16xi32>], vector<16xf32>,
      %mul3A_689 = arith.mulf %gather3A_678, %gather3A_688 : vector<16xf32>
      %add3A_690 = arith.addf %add3A_674, %mul3A_689 : vector<16xf32>
      %add3A_691 = arith.constant 22 : i32
      %add3A_692 = vector.broadcast %add3A_691 : i32 to vector<16xi32>
      %add3A_693 = arith.addi %mul3A_324, %add3A_692 : vector<16xi32>
      %gather3A_694 = tpu.vector_load_idx %arg18[%add3A_302, %add3A_693] : memref<256x128xf32, #tpu.memory_space<vmem>>[vector<16xi32>, vector<16xi32>], vector<16xf32>,
      %add3A_695 = arith.constant 22 : i32
      %add3A_696 = vector.broadcast %add3A_695 : i32 to vector<16xi32>
      %add3A_697 = arith.addi %mul3A_330, %add3A_696 : vector<16xi32>
      %gather3A_698 = tpu.vector_load_idx %arg19[%add3A_302, %add3A_697] : memref<256x128xf32, #tpu.memory_space<vmem>>[vector<16xi32>, vector<16xi32>], vector<16xf32>,
      %mul3A_699 = arith.mulf %gather3A_694, %gather3A_698 : vector<16xf32>
      %add3A_700 = arith.addf %add3A_684, %mul3A_699 : vector<16xf32>
      %add3A_701 = arith.constant 22 : i32
      %add3A_702 = vector.broadcast %add3A_701 : i32 to vector<16xi32>
      %add3A_703 = arith.addi %mul3A_336, %add3A_702 : vector<16xi32>
      %gather3A_704 = tpu.vector_load_idx %arg20[%add3A_302, %add3A_703] : memref<256x128xf32, #tpu.memory_space<vmem>>[vector<16xi32>, vector<16xi32>], vector<16xf32>,
      %mul3A_705 = arith.mulf %gather3A_694, %gather3A_704 : vector<16xf32>
      %add3A_706 = arith.addf %add3A_690, %mul3A_705 : vector<16xf32>
      %add3A_707 = arith.constant 23 : i32
      %add3A_708 = vector.broadcast %add3A_707 : i32 to vector<16xi32>
      %add3A_709 = arith.addi %mul3A_324, %add3A_708 : vector<16xi32>
      %gather3A_710 = tpu.vector_load_idx %arg18[%add3A_302, %add3A_709] : memref<256x128xf32, #tpu.memory_space<vmem>>[vector<16xi32>, vector<16xi32>], vector<16xf32>,
      %add3A_711 = arith.constant 23 : i32
      %add3A_712 = vector.broadcast %add3A_711 : i32 to vector<16xi32>
      %add3A_713 = arith.addi %mul3A_330, %add3A_712 : vector<16xi32>
      %gather3A_714 = tpu.vector_load_idx %arg19[%add3A_302, %add3A_713] : memref<256x128xf32, #tpu.memory_space<vmem>>[vector<16xi32>, vector<16xi32>], vector<16xf32>,
      %mul3A_715 = arith.mulf %gather3A_710, %gather3A_714 : vector<16xf32>
      %add3A_716 = arith.addf %add3A_700, %mul3A_715 : vector<16xf32>
      %add3A_717 = arith.constant 23 : i32
      %add3A_718 = vector.broadcast %add3A_717 : i32 to vector<16xi32>
      %add3A_719 = arith.addi %mul3A_336, %add3A_718 : vector<16xi32>
      %gather3A_720 = tpu.vector_load_idx %arg20[%add3A_302, %add3A_719] : memref<256x128xf32, #tpu.memory_space<vmem>>[vector<16xi32>, vector<16xi32>], vector<16xf32>,
      %mul3A_721 = arith.mulf %gather3A_710, %gather3A_720 : vector<16xf32>
      %add3A_722 = arith.addf %add3A_706, %mul3A_721 : vector<16xf32>
      %add3A_723 = arith.constant 24 : i32
      %add3A_724 = vector.broadcast %add3A_723 : i32 to vector<16xi32>
      %add3A_725 = arith.addi %mul3A_324, %add3A_724 : vector<16xi32>
      %gather3A_726 = tpu.vector_load_idx %arg18[%add3A_302, %add3A_725] : memref<256x128xf32, #tpu.memory_space<vmem>>[vector<16xi32>, vector<16xi32>], vector<16xf32>,
      %add3A_727 = arith.constant 24 : i32
      %add3A_728 = vector.broadcast %add3A_727 : i32 to vector<16xi32>
      %add3A_729 = arith.addi %mul3A_330, %add3A_728 : vector<16xi32>
      %gather3A_730 = tpu.vector_load_idx %arg19[%add3A_302, %add3A_729] : memref<256x128xf32, #tpu.memory_space<vmem>>[vector<16xi32>, vector<16xi32>], vector<16xf32>,
      %mul3A_731 = arith.mulf %gather3A_726, %gather3A_730 : vector<16xf32>
      %add3A_732 = arith.addf %add3A_716, %mul3A_731 : vector<16xf32>
      %add3A_733 = arith.constant 24 : i32
      %add3A_734 = vector.broadcast %add3A_733 : i32 to vector<16xi32>
      %add3A_735 = arith.addi %mul3A_336, %add3A_734 : vector<16xi32>
      %gather3A_736 = tpu.vector_load_idx %arg20[%add3A_302, %add3A_735] : memref<256x128xf32, #tpu.memory_space<vmem>>[vector<16xi32>, vector<16xi32>], vector<16xf32>,
      %mul3A_737 = arith.mulf %gather3A_726, %gather3A_736 : vector<16xf32>
      %add3A_738 = arith.addf %add3A_722, %mul3A_737 : vector<16xf32>
      %add3A_739 = arith.constant 25 : i32
      %add3A_740 = vector.broadcast %add3A_739 : i32 to vector<16xi32>
      %add3A_741 = arith.addi %mul3A_324, %add3A_740 : vector<16xi32>
      %gather3A_742 = tpu.vector_load_idx %arg18[%add3A_302, %add3A_741] : memref<256x128xf32, #tpu.memory_space<vmem>>[vector<16xi32>, vector<16xi32>], vector<16xf32>,
      %add3A_743 = arith.constant 25 : i32
      %add3A_744 = vector.broadcast %add3A_743 : i32 to vector<16xi32>
      %add3A_745 = arith.addi %mul3A_330, %add3A_744 : vector<16xi32>
      %gather3A_746 = tpu.vector_load_idx %arg19[%add3A_302, %add3A_745] : memref<256x128xf32, #tpu.memory_space<vmem>>[vector<16xi32>, vector<16xi32>], vector<16xf32>,
      %mul3A_747 = arith.mulf %gather3A_742, %gather3A_746 : vector<16xf32>
      %add3A_748 = arith.addf %add3A_732, %mul3A_747 : vector<16xf32>
      %add3A_749 = arith.constant 25 : i32
      %add3A_750 = vector.broadcast %add3A_749 : i32 to vector<16xi32>
      %add3A_751 = arith.addi %mul3A_336, %add3A_750 : vector<16xi32>
      %gather3A_752 = tpu.vector_load_idx %arg20[%add3A_302, %add3A_751] : memref<256x128xf32, #tpu.memory_space<vmem>>[vector<16xi32>, vector<16xi32>], vector<16xf32>,
      %mul3A_753 = arith.mulf %gather3A_742, %gather3A_752 : vector<16xf32>
      %add3A_754 = arith.addf %add3A_738, %mul3A_753 : vector<16xf32>
      %add3A_755 = arith.constant 26 : i32
      %add3A_756 = vector.broadcast %add3A_755 : i32 to vector<16xi32>
      %add3A_757 = arith.addi %mul3A_324, %add3A_756 : vector<16xi32>
      %gather3A_758 = tpu.vector_load_idx %arg18[%add3A_302, %add3A_757] : memref<256x128xf32, #tpu.memory_space<vmem>>[vector<16xi32>, vector<16xi32>], vector<16xf32>,
      %add3A_759 = arith.constant 26 : i32
      %add3A_760 = vector.broadcast %add3A_759 : i32 to vector<16xi32>
      %add3A_761 = arith.addi %mul3A_330, %add3A_760 : vector<16xi32>
      %gather3A_762 = tpu.vector_load_idx %arg19[%add3A_302, %add3A_761] : memref<256x128xf32, #tpu.memory_space<vmem>>[vector<16xi32>, vector<16xi32>], vector<16xf32>,
      %mul3A_763 = arith.mulf %gather3A_758, %gather3A_762 : vector<16xf32>
      %add3A_764 = arith.addf %add3A_748, %mul3A_763 : vector<16xf32>
      %add3A_765 = arith.constant 26 : i32
      %add3A_766 = vector.broadcast %add3A_765 : i32 to vector<16xi32>
      %add3A_767 = arith.addi %mul3A_336, %add3A_766 : vector<16xi32>
      %gather3A_768 = tpu.vector_load_idx %arg20[%add3A_302, %add3A_767] : memref<256x128xf32, #tpu.memory_space<vmem>>[vector<16xi32>, vector<16xi32>], vector<16xf32>,
      %mul3A_769 = arith.mulf %gather3A_758, %gather3A_768 : vector<16xf32>
      %add3A_770 = arith.addf %add3A_754, %mul3A_769 : vector<16xf32>
      %add3A_771 = arith.constant 27 : i32
      %add3A_772 = vector.broadcast %add3A_771 : i32 to vector<16xi32>
      %add3A_773 = arith.addi %mul3A_324, %add3A_772 : vector<16xi32>
      %gather3A_774 = tpu.vector_load_idx %arg18[%add3A_302, %add3A_773] : memref<256x128xf32, #tpu.memory_space<vmem>>[vector<16xi32>, vector<16xi32>], vector<16xf32>,
      %add3A_775 = arith.constant 27 : i32
      %add3A_776 = vector.broadcast %add3A_775 : i32 to vector<16xi32>
      %add3A_777 = arith.addi %mul3A_330, %add3A_776 : vector<16xi32>
      %gather3A_778 = tpu.vector_load_idx %arg19[%add3A_302, %add3A_777] : memref<256x128xf32, #tpu.memory_space<vmem>>[vector<16xi32>, vector<16xi32>], vector<16xf32>,
      %mul3A_779 = arith.mulf %gather3A_774, %gather3A_778 : vector<16xf32>
      %add3A_780 = arith.addf %add3A_764, %mul3A_779 : vector<16xf32>
      %add3A_781 = arith.constant 27 : i32
      %add3A_782 = vector.broadcast %add3A_781 : i32 to vector<16xi32>
      %add3A_783 = arith.addi %mul3A_336, %add3A_782 : vector<16xi32>
      %gather3A_784 = tpu.vector_load_idx %arg20[%add3A_302, %add3A_783] : memref<256x128xf32, #tpu.memory_space<vmem>>[vector<16xi32>, vector<16xi32>], vector<16xf32>,
      %mul3A_785 = arith.mulf %gather3A_774, %gather3A_784 : vector<16xf32>
      %add3A_786 = arith.addf %add3A_770, %mul3A_785 : vector<16xf32>
      %add3A_787 = arith.constant 28 : i32
      %add3A_788 = vector.broadcast %add3A_787 : i32 to vector<16xi32>
      %add3A_789 = arith.addi %mul3A_324, %add3A_788 : vector<16xi32>
      %gather3A_790 = tpu.vector_load_idx %arg18[%add3A_302, %add3A_789] : memref<256x128xf32, #tpu.memory_space<vmem>>[vector<16xi32>, vector<16xi32>], vector<16xf32>,
      %add3A_791 = arith.constant 28 : i32
      %add3A_792 = vector.broadcast %add3A_791 : i32 to vector<16xi32>
      %add3A_793 = arith.addi %mul3A_330, %add3A_792 : vector<16xi32>
      %gather3A_794 = tpu.vector_load_idx %arg19[%add3A_302, %add3A_793] : memref<256x128xf32, #tpu.memory_space<vmem>>[vector<16xi32>, vector<16xi32>], vector<16xf32>,
      %mul3A_795 = arith.mulf %gather3A_790, %gather3A_794 : vector<16xf32>
      %add3A_796 = arith.addf %add3A_780, %mul3A_795 : vector<16xf32>
      %add3A_797 = arith.constant 28 : i32
      %add3A_798 = vector.broadcast %add3A_797 : i32 to vector<16xi32>
      %add3A_799 = arith.addi %mul3A_336, %add3A_798 : vector<16xi32>
      %gather3A_800 = tpu.vector_load_idx %arg20[%add3A_302, %add3A_799] : memref<256x128xf32, #tpu.memory_space<vmem>>[vector<16xi32>, vector<16xi32>], vector<16xf32>,
      %mul3A_801 = arith.mulf %gather3A_790, %gather3A_800 : vector<16xf32>
      %add3A_802 = arith.addf %add3A_786, %mul3A_801 : vector<16xf32>
      %add3A_803 = arith.constant 29 : i32
      %add3A_804 = vector.broadcast %add3A_803 : i32 to vector<16xi32>
      %add3A_805 = arith.addi %mul3A_324, %add3A_804 : vector<16xi32>
      %gather3A_806 = tpu.vector_load_idx %arg18[%add3A_302, %add3A_805] : memref<256x128xf32, #tpu.memory_space<vmem>>[vector<16xi32>, vector<16xi32>], vector<16xf32>,
      %add3A_807 = arith.constant 29 : i32
      %add3A_808 = vector.broadcast %add3A_807 : i32 to vector<16xi32>
      %add3A_809 = arith.addi %mul3A_330, %add3A_808 : vector<16xi32>
      %gather3A_810 = tpu.vector_load_idx %arg19[%add3A_302, %add3A_809] : memref<256x128xf32, #tpu.memory_space<vmem>>[vector<16xi32>, vector<16xi32>], vector<16xf32>,
      %mul3A_811 = arith.mulf %gather3A_806, %gather3A_810 : vector<16xf32>
      %add3A_812 = arith.addf %add3A_796, %mul3A_811 : vector<16xf32>
      %add3A_813 = arith.constant 29 : i32
      %add3A_814 = vector.broadcast %add3A_813 : i32 to vector<16xi32>
      %add3A_815 = arith.addi %mul3A_336, %add3A_814 : vector<16xi32>
      %gather3A_816 = tpu.vector_load_idx %arg20[%add3A_302, %add3A_815] : memref<256x128xf32, #tpu.memory_space<vmem>>[vector<16xi32>, vector<16xi32>], vector<16xf32>,
      %mul3A_817 = arith.mulf %gather3A_806, %gather3A_816 : vector<16xf32>
      %add3A_818 = arith.addf %add3A_802, %mul3A_817 : vector<16xf32>
      %add3A_819 = arith.constant 30 : i32
      %add3A_820 = vector.broadcast %add3A_819 : i32 to vector<16xi32>
      %add3A_821 = arith.addi %mul3A_324, %add3A_820 : vector<16xi32>
      %gather3A_822 = tpu.vector_load_idx %arg18[%add3A_302, %add3A_821] : memref<256x128xf32, #tpu.memory_space<vmem>>[vector<16xi32>, vector<16xi32>], vector<16xf32>,
      %add3A_823 = arith.constant 30 : i32
      %add3A_824 = vector.broadcast %add3A_823 : i32 to vector<16xi32>
      %add3A_825 = arith.addi %mul3A_330, %add3A_824 : vector<16xi32>
      %gather3A_826 = tpu.vector_load_idx %arg19[%add3A_302, %add3A_825] : memref<256x128xf32, #tpu.memory_space<vmem>>[vector<16xi32>, vector<16xi32>], vector<16xf32>,
      %mul3A_827 = arith.mulf %gather3A_822, %gather3A_826 : vector<16xf32>
      %add3A_828 = arith.addf %add3A_812, %mul3A_827 : vector<16xf32>
      %add3A_829 = arith.constant 30 : i32
      %add3A_830 = vector.broadcast %add3A_829 : i32 to vector<16xi32>
      %add3A_831 = arith.addi %mul3A_336, %add3A_830 : vector<16xi32>
      %gather3A_832 = tpu.vector_load_idx %arg20[%add3A_302, %add3A_831] : memref<256x128xf32, #tpu.memory_space<vmem>>[vector<16xi32>, vector<16xi32>], vector<16xf32>,
      %mul3A_833 = arith.mulf %gather3A_822, %gather3A_832 : vector<16xf32>
      %add3A_834 = arith.addf %add3A_818, %mul3A_833 : vector<16xf32>
      %add3A_835 = arith.constant 31 : i32
      %add3A_836 = vector.broadcast %add3A_835 : i32 to vector<16xi32>
      %add3A_837 = arith.addi %mul3A_324, %add3A_836 : vector<16xi32>
      %gather3A_838 = tpu.vector_load_idx %arg18[%add3A_302, %add3A_837] : memref<256x128xf32, #tpu.memory_space<vmem>>[vector<16xi32>, vector<16xi32>], vector<16xf32>,
      %add3A_839 = arith.constant 31 : i32
      %add3A_840 = vector.broadcast %add3A_839 : i32 to vector<16xi32>
      %add3A_841 = arith.addi %mul3A_330, %add3A_840 : vector<16xi32>
      %gather3A_842 = tpu.vector_load_idx %arg19[%add3A_302, %add3A_841] : memref<256x128xf32, #tpu.memory_space<vmem>>[vector<16xi32>, vector<16xi32>], vector<16xf32>,
      %mul3A_843 = arith.mulf %gather3A_838, %gather3A_842 : vector<16xf32>
      %add3A_844 = arith.addf %add3A_828, %mul3A_843 : vector<16xf32>
      %add3A_845 = arith.constant 31 : i32
      %add3A_846 = vector.broadcast %add3A_845 : i32 to vector<16xi32>
      %add3A_847 = arith.addi %mul3A_336, %add3A_846 : vector<16xi32>
      %gather3A_848 = tpu.vector_load_idx %arg20[%add3A_302, %add3A_847] : memref<256x128xf32, #tpu.memory_space<vmem>>[vector<16xi32>, vector<16xi32>], vector<16xf32>,
      %mul3A_849 = arith.mulf %gather3A_838, %gather3A_848 : vector<16xf32>
      %add3A_850 = arith.addf %add3A_834, %mul3A_849 : vector<16xf32>
      %add3A_851 = arith.constant 32 : i32
      %add3A_852 = vector.broadcast %add3A_851 : i32 to vector<16xi32>
      %add3A_853 = arith.addi %mul3A_324, %add3A_852 : vector<16xi32>
      %gather3A_854 = tpu.vector_load_idx %arg18[%add3A_302, %add3A_853] : memref<256x128xf32, #tpu.memory_space<vmem>>[vector<16xi32>, vector<16xi32>], vector<16xf32>,
      %add3A_855 = arith.constant 32 : i32
      %add3A_856 = vector.broadcast %add3A_855 : i32 to vector<16xi32>
      %add3A_857 = arith.addi %mul3A_330, %add3A_856 : vector<16xi32>
      %gather3A_858 = tpu.vector_load_idx %arg19[%add3A_302, %add3A_857] : memref<256x128xf32, #tpu.memory_space<vmem>>[vector<16xi32>, vector<16xi32>], vector<16xf32>,
      %mul3A_859 = arith.mulf %gather3A_854, %gather3A_858 : vector<16xf32>
      %add3A_860 = arith.addf %add3A_844, %mul3A_859 : vector<16xf32>
      %add3A_861 = arith.constant 32 : i32
      %add3A_862 = vector.broadcast %add3A_861 : i32 to vector<16xi32>
      %add3A_863 = arith.addi %mul3A_336, %add3A_862 : vector<16xi32>
      %gather3A_864 = tpu.vector_load_idx %arg20[%add3A_302, %add3A_863] : memref<256x128xf32, #tpu.memory_space<vmem>>[vector<16xi32>, vector<16xi32>], vector<16xf32>,
      %mul3A_865 = arith.mulf %gather3A_854, %gather3A_864 : vector<16xf32>
      %add3A_866 = arith.addf %add3A_850, %mul3A_865 : vector<16xf32>
      %add3A_867 = arith.constant 33 : i32
      %add3A_868 = vector.broadcast %add3A_867 : i32 to vector<16xi32>
      %add3A_869 = arith.addi %mul3A_324, %add3A_868 : vector<16xi32>
      %gather3A_870 = tpu.vector_load_idx %arg18[%add3A_302, %add3A_869] : memref<256x128xf32, #tpu.memory_space<vmem>>[vector<16xi32>, vector<16xi32>], vector<16xf32>,
      %add3A_871 = arith.constant 33 : i32
      %add3A_872 = vector.broadcast %add3A_871 : i32 to vector<16xi32>
      %add3A_873 = arith.addi %mul3A_330, %add3A_872 : vector<16xi32>
      %gather3A_874 = tpu.vector_load_idx %arg19[%add3A_302, %add3A_873] : memref<256x128xf32, #tpu.memory_space<vmem>>[vector<16xi32>, vector<16xi32>], vector<16xf32>,
      %mul3A_875 = arith.mulf %gather3A_870, %gather3A_874 : vector<16xf32>
      %add3A_876 = arith.addf %add3A_860, %mul3A_875 : vector<16xf32>
      %add3A_877 = arith.constant 33 : i32
      %add3A_878 = vector.broadcast %add3A_877 : i32 to vector<16xi32>
      %add3A_879 = arith.addi %mul3A_336, %add3A_878 : vector<16xi32>
      %gather3A_880 = tpu.vector_load_idx %arg20[%add3A_302, %add3A_879] : memref<256x128xf32, #tpu.memory_space<vmem>>[vector<16xi32>, vector<16xi32>], vector<16xf32>,
      %mul3A_881 = arith.mulf %gather3A_870, %gather3A_880 : vector<16xf32>
      %add3A_882 = arith.addf %add3A_866, %mul3A_881 : vector<16xf32>
      %add3A_883 = arith.constant 34 : i32
      %add3A_884 = vector.broadcast %add3A_883 : i32 to vector<16xi32>
      %add3A_885 = arith.addi %mul3A_324, %add3A_884 : vector<16xi32>
      %gather3A_886 = tpu.vector_load_idx %arg18[%add3A_302, %add3A_885] : memref<256x128xf32, #tpu.memory_space<vmem>>[vector<16xi32>, vector<16xi32>], vector<16xf32>,
      %add3A_887 = arith.constant 34 : i32
      %add3A_888 = vector.broadcast %add3A_887 : i32 to vector<16xi32>
      %add3A_889 = arith.addi %mul3A_330, %add3A_888 : vector<16xi32>
      %gather3A_890 = tpu.vector_load_idx %arg19[%add3A_302, %add3A_889] : memref<256x128xf32, #tpu.memory_space<vmem>>[vector<16xi32>, vector<16xi32>], vector<16xf32>,
      %mul3A_891 = arith.mulf %gather3A_886, %gather3A_890 : vector<16xf32>
      %add3A_892 = arith.addf %add3A_876, %mul3A_891 : vector<16xf32>
      %add3A_893 = arith.constant 34 : i32
      %add3A_894 = vector.broadcast %add3A_893 : i32 to vector<16xi32>
      %add3A_895 = arith.addi %mul3A_336, %add3A_894 : vector<16xi32>
      %gather3A_896 = tpu.vector_load_idx %arg20[%add3A_302, %add3A_895] : memref<256x128xf32, #tpu.memory_space<vmem>>[vector<16xi32>, vector<16xi32>], vector<16xf32>,
      %mul3A_897 = arith.mulf %gather3A_886, %gather3A_896 : vector<16xf32>
      %add3A_898 = arith.addf %add3A_882, %mul3A_897 : vector<16xf32>
      %add3A_899 = arith.constant 35 : i32
      %add3A_900 = vector.broadcast %add3A_899 : i32 to vector<16xi32>
      %add3A_901 = arith.addi %mul3A_324, %add3A_900 : vector<16xi32>
      %gather3A_902 = tpu.vector_load_idx %arg18[%add3A_302, %add3A_901] : memref<256x128xf32, #tpu.memory_space<vmem>>[vector<16xi32>, vector<16xi32>], vector<16xf32>,
      %add3A_903 = arith.constant 35 : i32
      %add3A_904 = vector.broadcast %add3A_903 : i32 to vector<16xi32>
      %add3A_905 = arith.addi %mul3A_330, %add3A_904 : vector<16xi32>
      %gather3A_906 = tpu.vector_load_idx %arg19[%add3A_302, %add3A_905] : memref<256x128xf32, #tpu.memory_space<vmem>>[vector<16xi32>, vector<16xi32>], vector<16xf32>,
      %mul3A_907 = arith.mulf %gather3A_902, %gather3A_906 : vector<16xf32>
      %add3A_908 = arith.addf %add3A_892, %mul3A_907 : vector<16xf32>
      %add3A_909 = arith.constant 35 : i32
      %add3A_910 = vector.broadcast %add3A_909 : i32 to vector<16xi32>
      %add3A_911 = arith.addi %mul3A_336, %add3A_910 : vector<16xi32>
      %gather3A_912 = tpu.vector_load_idx %arg20[%add3A_302, %add3A_911] : memref<256x128xf32, #tpu.memory_space<vmem>>[vector<16xi32>, vector<16xi32>], vector<16xf32>,
      %mul3A_913 = arith.mulf %gather3A_902, %gather3A_912 : vector<16xf32>
      %add3A_914 = arith.addf %add3A_898, %mul3A_913 : vector<16xf32>
      %add3A_915 = arith.constant 36 : i32
      %add3A_916 = vector.broadcast %add3A_915 : i32 to vector<16xi32>
      %add3A_917 = arith.addi %mul3A_324, %add3A_916 : vector<16xi32>
      %gather3A_918 = tpu.vector_load_idx %arg18[%add3A_302, %add3A_917] : memref<256x128xf32, #tpu.memory_space<vmem>>[vector<16xi32>, vector<16xi32>], vector<16xf32>,
      %add3A_919 = arith.constant 36 : i32
      %add3A_920 = vector.broadcast %add3A_919 : i32 to vector<16xi32>
      %add3A_921 = arith.addi %mul3A_330, %add3A_920 : vector<16xi32>
      %gather3A_922 = tpu.vector_load_idx %arg19[%add3A_302, %add3A_921] : memref<256x128xf32, #tpu.memory_space<vmem>>[vector<16xi32>, vector<16xi32>], vector<16xf32>,
      %mul3A_923 = arith.mulf %gather3A_918, %gather3A_922 : vector<16xf32>
      %add3A_924 = arith.addf %add3A_908, %mul3A_923 : vector<16xf32>
      %add3A_925 = arith.constant 36 : i32
      %add3A_926 = vector.broadcast %add3A_925 : i32 to vector<16xi32>
      %add3A_927 = arith.addi %mul3A_336, %add3A_926 : vector<16xi32>
      %gather3A_928 = tpu.vector_load_idx %arg20[%add3A_302, %add3A_927] : memref<256x128xf32, #tpu.memory_space<vmem>>[vector<16xi32>, vector<16xi32>], vector<16xf32>,
      %mul3A_929 = arith.mulf %gather3A_918, %gather3A_928 : vector<16xf32>
      %add3A_930 = arith.addf %add3A_914, %mul3A_929 : vector<16xf32>
      %add3A_931 = arith.constant 37 : i32
      %add3A_932 = vector.broadcast %add3A_931 : i32 to vector<16xi32>
      %add3A_933 = arith.addi %mul3A_324, %add3A_932 : vector<16xi32>
      %gather3A_934 = tpu.vector_load_idx %arg18[%add3A_302, %add3A_933] : memref<256x128xf32, #tpu.memory_space<vmem>>[vector<16xi32>, vector<16xi32>], vector<16xf32>,
      %add3A_935 = arith.constant 37 : i32
      %add3A_936 = vector.broadcast %add3A_935 : i32 to vector<16xi32>
      %add3A_937 = arith.addi %mul3A_330, %add3A_936 : vector<16xi32>
      %gather3A_938 = tpu.vector_load_idx %arg19[%add3A_302, %add3A_937] : memref<256x128xf32, #tpu.memory_space<vmem>>[vector<16xi32>, vector<16xi32>], vector<16xf32>,
      %mul3A_939 = arith.mulf %gather3A_934, %gather3A_938 : vector<16xf32>
      %add3A_940 = arith.addf %add3A_924, %mul3A_939 : vector<16xf32>
      %add3A_941 = arith.constant 37 : i32
      %add3A_942 = vector.broadcast %add3A_941 : i32 to vector<16xi32>
      %add3A_943 = arith.addi %mul3A_336, %add3A_942 : vector<16xi32>
      %gather3A_944 = tpu.vector_load_idx %arg20[%add3A_302, %add3A_943] : memref<256x128xf32, #tpu.memory_space<vmem>>[vector<16xi32>, vector<16xi32>], vector<16xf32>,
      %mul3A_945 = arith.mulf %gather3A_934, %gather3A_944 : vector<16xf32>
      %add3A_946 = arith.addf %add3A_930, %mul3A_945 : vector<16xf32>
      %add3A_947 = arith.constant 38 : i32
      %add3A_948 = vector.broadcast %add3A_947 : i32 to vector<16xi32>
      %add3A_949 = arith.addi %mul3A_324, %add3A_948 : vector<16xi32>
      %gather3A_950 = tpu.vector_load_idx %arg18[%add3A_302, %add3A_949] : memref<256x128xf32, #tpu.memory_space<vmem>>[vector<16xi32>, vector<16xi32>], vector<16xf32>,
      %add3A_951 = arith.constant 38 : i32
      %add3A_952 = vector.broadcast %add3A_951 : i32 to vector<16xi32>
      %add3A_953 = arith.addi %mul3A_330, %add3A_952 : vector<16xi32>
      %gather3A_954 = tpu.vector_load_idx %arg19[%add3A_302, %add3A_953] : memref<256x128xf32, #tpu.memory_space<vmem>>[vector<16xi32>, vector<16xi32>], vector<16xf32>,
      %mul3A_955 = arith.mulf %gather3A_950, %gather3A_954 : vector<16xf32>
      %add3A_956 = arith.addf %add3A_940, %mul3A_955 : vector<16xf32>
      %add3A_957 = arith.constant 38 : i32
      %add3A_958 = vector.broadcast %add3A_957 : i32 to vector<16xi32>
      %add3A_959 = arith.addi %mul3A_336, %add3A_958 : vector<16xi32>
      %gather3A_960 = tpu.vector_load_idx %arg20[%add3A_302, %add3A_959] : memref<256x128xf32, #tpu.memory_space<vmem>>[vector<16xi32>, vector<16xi32>], vector<16xf32>,
      %mul3A_961 = arith.mulf %gather3A_950, %gather3A_960 : vector<16xf32>
      %add3A_962 = arith.addf %add3A_946, %mul3A_961 : vector<16xf32>
      %add3A_963 = arith.constant 39 : i32
      %add3A_964 = vector.broadcast %add3A_963 : i32 to vector<16xi32>
      %add3A_965 = arith.addi %mul3A_324, %add3A_964 : vector<16xi32>
      %gather3A_966 = tpu.vector_load_idx %arg18[%add3A_302, %add3A_965] : memref<256x128xf32, #tpu.memory_space<vmem>>[vector<16xi32>, vector<16xi32>], vector<16xf32>,
      %add3A_967 = arith.constant 39 : i32
      %add3A_968 = vector.broadcast %add3A_967 : i32 to vector<16xi32>
      %add3A_969 = arith.addi %mul3A_330, %add3A_968 : vector<16xi32>
      %gather3A_970 = tpu.vector_load_idx %arg19[%add3A_302, %add3A_969] : memref<256x128xf32, #tpu.memory_space<vmem>>[vector<16xi32>, vector<16xi32>], vector<16xf32>,
      %mul3A_971 = arith.mulf %gather3A_966, %gather3A_970 : vector<16xf32>
      %add3A_972 = arith.addf %add3A_956, %mul3A_971 : vector<16xf32>
      %add3A_973 = arith.constant 39 : i32
      %add3A_974 = vector.broadcast %add3A_973 : i32 to vector<16xi32>
      %add3A_975 = arith.addi %mul3A_336, %add3A_974 : vector<16xi32>
      %gather3A_976 = tpu.vector_load_idx %arg20[%add3A_302, %add3A_975] : memref<256x128xf32, #tpu.memory_space<vmem>>[vector<16xi32>, vector<16xi32>], vector<16xf32>,
      %mul3A_977 = arith.mulf %gather3A_966, %gather3A_976 : vector<16xf32>
      %add3A_978 = arith.addf %add3A_962, %mul3A_977 : vector<16xf32>
      %add3A_979 = arith.constant 40 : i32
      %add3A_980 = vector.broadcast %add3A_979 : i32 to vector<16xi32>
      %add3A_981 = arith.addi %mul3A_324, %add3A_980 : vector<16xi32>
      %gather3A_982 = tpu.vector_load_idx %arg18[%add3A_302, %add3A_981] : memref<256x128xf32, #tpu.memory_space<vmem>>[vector<16xi32>, vector<16xi32>], vector<16xf32>,
      %add3A_983 = arith.constant 40 : i32
      %add3A_984 = vector.broadcast %add3A_983 : i32 to vector<16xi32>
      %add3A_985 = arith.addi %mul3A_330, %add3A_984 : vector<16xi32>
      %gather3A_986 = tpu.vector_load_idx %arg19[%add3A_302, %add3A_985] : memref<256x128xf32, #tpu.memory_space<vmem>>[vector<16xi32>, vector<16xi32>], vector<16xf32>,
      %mul3A_987 = arith.mulf %gather3A_982, %gather3A_986 : vector<16xf32>
      %add3A_988 = arith.addf %add3A_972, %mul3A_987 : vector<16xf32>
      %add3A_989 = arith.constant 40 : i32
      %add3A_990 = vector.broadcast %add3A_989 : i32 to vector<16xi32>
      %add3A_991 = arith.addi %mul3A_336, %add3A_990 : vector<16xi32>
      %gather3A_992 = tpu.vector_load_idx %arg20[%add3A_302, %add3A_991] : memref<256x128xf32, #tpu.memory_space<vmem>>[vector<16xi32>, vector<16xi32>], vector<16xf32>,
      %mul3A_993 = arith.mulf %gather3A_982, %gather3A_992 : vector<16xf32>
      %add3A_994 = arith.addf %add3A_978, %mul3A_993 : vector<16xf32>
      %add3A_995 = arith.constant 41 : i32
      %add3A_996 = vector.broadcast %add3A_995 : i32 to vector<16xi32>
      %add3A_997 = arith.addi %mul3A_324, %add3A_996 : vector<16xi32>
      %gather3A_998 = tpu.vector_load_idx %arg18[%add3A_302, %add3A_997] : memref<256x128xf32, #tpu.memory_space<vmem>>[vector<16xi32>, vector<16xi32>], vector<16xf32>,
      %add3A_999 = arith.constant 41 : i32
      %add3A_1000 = vector.broadcast %add3A_999 : i32 to vector<16xi32>
      %add3A_1001 = arith.addi %mul3A_330, %add3A_1000 : vector<16xi32>
      %gather3A_1002 = tpu.vector_load_idx %arg19[%add3A_302, %add3A_1001] : memref<256x128xf32, #tpu.memory_space<vmem>>[vector<16xi32>, vector<16xi32>], vector<16xf32>,
      %mul3A_1003 = arith.mulf %gather3A_998, %gather3A_1002 : vector<16xf32>
      %add3A_1004 = arith.addf %add3A_988, %mul3A_1003 : vector<16xf32>
      %add3A_1005 = arith.constant 41 : i32
      %add3A_1006 = vector.broadcast %add3A_1005 : i32 to vector<16xi32>
      %add3A_1007 = arith.addi %mul3A_336, %add3A_1006 : vector<16xi32>
      %gather3A_1008 = tpu.vector_load_idx %arg20[%add3A_302, %add3A_1007] : memref<256x128xf32, #tpu.memory_space<vmem>>[vector<16xi32>, vector<16xi32>], vector<16xf32>,
      %mul3A_1009 = arith.mulf %gather3A_998, %gather3A_1008 : vector<16xf32>
      %add3A_1010 = arith.addf %add3A_994, %mul3A_1009 : vector<16xf32>
      %add3A_1011 = arith.constant 42 : i32
      %add3A_1012 = vector.broadcast %add3A_1011 : i32 to vector<16xi32>
      %add3A_1013 = arith.addi %mul3A_324, %add3A_1012 : vector<16xi32>
      %gather3A_1014 = tpu.vector_load_idx %arg18[%add3A_302, %add3A_1013] : memref<256x128xf32, #tpu.memory_space<vmem>>[vector<16xi32>, vector<16xi32>], vector<16xf32>,
      %add3A_1015 = arith.constant 42 : i32
      %add3A_1016 = vector.broadcast %add3A_1015 : i32 to vector<16xi32>
      %add3A_1017 = arith.addi %mul3A_330, %add3A_1016 : vector<16xi32>
      %gather3A_1018 = tpu.vector_load_idx %arg19[%add3A_302, %add3A_1017] : memref<256x128xf32, #tpu.memory_space<vmem>>[vector<16xi32>, vector<16xi32>], vector<16xf32>,
      %mul3A_1019 = arith.mulf %gather3A_1014, %gather3A_1018 : vector<16xf32>
      %add3A_1020 = arith.addf %add3A_1004, %mul3A_1019 : vector<16xf32>
      %add3A_1021 = arith.constant 42 : i32
      %add3A_1022 = vector.broadcast %add3A_1021 : i32 to vector<16xi32>
      %add3A_1023 = arith.addi %mul3A_336, %add3A_1022 : vector<16xi32>
      %gather3A_1024 = tpu.vector_load_idx %arg20[%add3A_302, %add3A_1023] : memref<256x128xf32, #tpu.memory_space<vmem>>[vector<16xi32>, vector<16xi32>], vector<16xf32>,
      %mul3A_1025 = arith.mulf %gather3A_1014, %gather3A_1024 : vector<16xf32>
      %add3A_1026 = arith.addf %add3A_1010, %mul3A_1025 : vector<16xf32>
      %add3A_1027 = arith.constant 43 : i32
      %add3A_1028 = vector.broadcast %add3A_1027 : i32 to vector<16xi32>
      %add3A_1029 = arith.addi %mul3A_324, %add3A_1028 : vector<16xi32>
      %gather3A_1030 = tpu.vector_load_idx %arg18[%add3A_302, %add3A_1029] : memref<256x128xf32, #tpu.memory_space<vmem>>[vector<16xi32>, vector<16xi32>], vector<16xf32>,
      %add3A_1031 = arith.constant 43 : i32
      %add3A_1032 = vector.broadcast %add3A_1031 : i32 to vector<16xi32>
      %add3A_1033 = arith.addi %mul3A_330, %add3A_1032 : vector<16xi32>
      %gather3A_1034 = tpu.vector_load_idx %arg19[%add3A_302, %add3A_1033] : memref<256x128xf32, #tpu.memory_space<vmem>>[vector<16xi32>, vector<16xi32>], vector<16xf32>,
      %mul3A_1035 = arith.mulf %gather3A_1030, %gather3A_1034 : vector<16xf32>
      %add3A_1036 = arith.addf %add3A_1020, %mul3A_1035 : vector<16xf32>
      %add3A_1037 = arith.constant 43 : i32
      %add3A_1038 = vector.broadcast %add3A_1037 : i32 to vector<16xi32>
      %add3A_1039 = arith.addi %mul3A_336, %add3A_1038 : vector<16xi32>
      %gather3A_1040 = tpu.vector_load_idx %arg20[%add3A_302, %add3A_1039] : memref<256x128xf32, #tpu.memory_space<vmem>>[vector<16xi32>, vector<16xi32>], vector<16xf32>,
      %mul3A_1041 = arith.mulf %gather3A_1030, %gather3A_1040 : vector<16xf32>
      %add3A_1042 = arith.addf %add3A_1026, %mul3A_1041 : vector<16xf32>
      %add3A_1043 = arith.constant 44 : i32
      %add3A_1044 = vector.broadcast %add3A_1043 : i32 to vector<16xi32>
      %add3A_1045 = arith.addi %mul3A_324, %add3A_1044 : vector<16xi32>
      %gather3A_1046 = tpu.vector_load_idx %arg18[%add3A_302, %add3A_1045] : memref<256x128xf32, #tpu.memory_space<vmem>>[vector<16xi32>, vector<16xi32>], vector<16xf32>,
      %add3A_1047 = arith.constant 44 : i32
      %add3A_1048 = vector.broadcast %add3A_1047 : i32 to vector<16xi32>
      %add3A_1049 = arith.addi %mul3A_330, %add3A_1048 : vector<16xi32>
      %gather3A_1050 = tpu.vector_load_idx %arg19[%add3A_302, %add3A_1049] : memref<256x128xf32, #tpu.memory_space<vmem>>[vector<16xi32>, vector<16xi32>], vector<16xf32>,
      %mul3A_1051 = arith.mulf %gather3A_1046, %gather3A_1050 : vector<16xf32>
      %add3A_1052 = arith.addf %add3A_1036, %mul3A_1051 : vector<16xf32>
      %add3A_1053 = arith.constant 44 : i32
      %add3A_1054 = vector.broadcast %add3A_1053 : i32 to vector<16xi32>
      %add3A_1055 = arith.addi %mul3A_336, %add3A_1054 : vector<16xi32>
      %gather3A_1056 = tpu.vector_load_idx %arg20[%add3A_302, %add3A_1055] : memref<256x128xf32, #tpu.memory_space<vmem>>[vector<16xi32>, vector<16xi32>], vector<16xf32>,
      %mul3A_1057 = arith.mulf %gather3A_1046, %gather3A_1056 : vector<16xf32>
      %add3A_1058 = arith.addf %add3A_1042, %mul3A_1057 : vector<16xf32>
      %add3A_1059 = arith.constant 45 : i32
      %add3A_1060 = vector.broadcast %add3A_1059 : i32 to vector<16xi32>
      %add3A_1061 = arith.addi %mul3A_324, %add3A_1060 : vector<16xi32>
      %gather3A_1062 = tpu.vector_load_idx %arg18[%add3A_302, %add3A_1061] : memref<256x128xf32, #tpu.memory_space<vmem>>[vector<16xi32>, vector<16xi32>], vector<16xf32>,
      %add3A_1063 = arith.constant 45 : i32
      %add3A_1064 = vector.broadcast %add3A_1063 : i32 to vector<16xi32>
      %add3A_1065 = arith.addi %mul3A_330, %add3A_1064 : vector<16xi32>
      %gather3A_1066 = tpu.vector_load_idx %arg19[%add3A_302, %add3A_1065] : memref<256x128xf32, #tpu.memory_space<vmem>>[vector<16xi32>, vector<16xi32>], vector<16xf32>,
      %mul3A_1067 = arith.mulf %gather3A_1062, %gather3A_1066 : vector<16xf32>
      %add3A_1068 = arith.addf %add3A_1052, %mul3A_1067 : vector<16xf32>
      %add3A_1069 = arith.constant 45 : i32
      %add3A_1070 = vector.broadcast %add3A_1069 : i32 to vector<16xi32>
      %add3A_1071 = arith.addi %mul3A_336, %add3A_1070 : vector<16xi32>
      %gather3A_1072 = tpu.vector_load_idx %arg20[%add3A_302, %add3A_1071] : memref<256x128xf32, #tpu.memory_space<vmem>>[vector<16xi32>, vector<16xi32>], vector<16xf32>,
      %mul3A_1073 = arith.mulf %gather3A_1062, %gather3A_1072 : vector<16xf32>
      %add3A_1074 = arith.addf %add3A_1058, %mul3A_1073 : vector<16xf32>
      %add3A_1075 = arith.constant 46 : i32
      %add3A_1076 = vector.broadcast %add3A_1075 : i32 to vector<16xi32>
      %add3A_1077 = arith.addi %mul3A_324, %add3A_1076 : vector<16xi32>
      %gather3A_1078 = tpu.vector_load_idx %arg18[%add3A_302, %add3A_1077] : memref<256x128xf32, #tpu.memory_space<vmem>>[vector<16xi32>, vector<16xi32>], vector<16xf32>,
      %add3A_1079 = arith.constant 46 : i32
      %add3A_1080 = vector.broadcast %add3A_1079 : i32 to vector<16xi32>
      %add3A_1081 = arith.addi %mul3A_330, %add3A_1080 : vector<16xi32>
      %gather3A_1082 = tpu.vector_load_idx %arg19[%add3A_302, %add3A_1081] : memref<256x128xf32, #tpu.memory_space<vmem>>[vector<16xi32>, vector<16xi32>], vector<16xf32>,
      %mul3A_1083 = arith.mulf %gather3A_1078, %gather3A_1082 : vector<16xf32>
      %add3A_1084 = arith.addf %add3A_1068, %mul3A_1083 : vector<16xf32>
      %add3A_1085 = arith.constant 46 : i32
      %add3A_1086 = vector.broadcast %add3A_1085 : i32 to vector<16xi32>
      %add3A_1087 = arith.addi %mul3A_336, %add3A_1086 : vector<16xi32>
      %gather3A_1088 = tpu.vector_load_idx %arg20[%add3A_302, %add3A_1087] : memref<256x128xf32, #tpu.memory_space<vmem>>[vector<16xi32>, vector<16xi32>], vector<16xf32>,
      %mul3A_1089 = arith.mulf %gather3A_1078, %gather3A_1088 : vector<16xf32>
      %add3A_1090 = arith.addf %add3A_1074, %mul3A_1089 : vector<16xf32>
      %add3A_1091 = arith.constant 47 : i32
      %add3A_1092 = vector.broadcast %add3A_1091 : i32 to vector<16xi32>
      %add3A_1093 = arith.addi %mul3A_324, %add3A_1092 : vector<16xi32>
      %gather3A_1094 = tpu.vector_load_idx %arg18[%add3A_302, %add3A_1093] : memref<256x128xf32, #tpu.memory_space<vmem>>[vector<16xi32>, vector<16xi32>], vector<16xf32>,
      %add3A_1095 = arith.constant 47 : i32
      %add3A_1096 = vector.broadcast %add3A_1095 : i32 to vector<16xi32>
      %add3A_1097 = arith.addi %mul3A_330, %add3A_1096 : vector<16xi32>
      %gather3A_1098 = tpu.vector_load_idx %arg19[%add3A_302, %add3A_1097] : memref<256x128xf32, #tpu.memory_space<vmem>>[vector<16xi32>, vector<16xi32>], vector<16xf32>,
      %mul3A_1099 = arith.mulf %gather3A_1094, %gather3A_1098 : vector<16xf32>
      %add3A_1100 = arith.addf %add3A_1084, %mul3A_1099 : vector<16xf32>
      %add3A_1101 = arith.constant 47 : i32
      %add3A_1102 = vector.broadcast %add3A_1101 : i32 to vector<16xi32>
      %add3A_1103 = arith.addi %mul3A_336, %add3A_1102 : vector<16xi32>
      %gather3A_1104 = tpu.vector_load_idx %arg20[%add3A_302, %add3A_1103] : memref<256x128xf32, #tpu.memory_space<vmem>>[vector<16xi32>, vector<16xi32>], vector<16xf32>,
      %mul3A_1105 = arith.mulf %gather3A_1094, %gather3A_1104 : vector<16xf32>
      %add3A_1106 = arith.addf %add3A_1090, %mul3A_1105 : vector<16xf32>
      %add3A_1107 = arith.constant 48 : i32
      %add3A_1108 = vector.broadcast %add3A_1107 : i32 to vector<16xi32>
      %add3A_1109 = arith.addi %mul3A_324, %add3A_1108 : vector<16xi32>
      %gather3A_1110 = tpu.vector_load_idx %arg18[%add3A_302, %add3A_1109] : memref<256x128xf32, #tpu.memory_space<vmem>>[vector<16xi32>, vector<16xi32>], vector<16xf32>,
      %add3A_1111 = arith.constant 48 : i32
      %add3A_1112 = vector.broadcast %add3A_1111 : i32 to vector<16xi32>
      %add3A_1113 = arith.addi %mul3A_330, %add3A_1112 : vector<16xi32>
      %gather3A_1114 = tpu.vector_load_idx %arg19[%add3A_302, %add3A_1113] : memref<256x128xf32, #tpu.memory_space<vmem>>[vector<16xi32>, vector<16xi32>], vector<16xf32>,
      %mul3A_1115 = arith.mulf %gather3A_1110, %gather3A_1114 : vector<16xf32>
      %add3A_1116 = arith.addf %add3A_1100, %mul3A_1115 : vector<16xf32>
      %add3A_1117 = arith.constant 48 : i32
      %add3A_1118 = vector.broadcast %add3A_1117 : i32 to vector<16xi32>
      %add3A_1119 = arith.addi %mul3A_336, %add3A_1118 : vector<16xi32>
      %gather3A_1120 = tpu.vector_load_idx %arg20[%add3A_302, %add3A_1119] : memref<256x128xf32, #tpu.memory_space<vmem>>[vector<16xi32>, vector<16xi32>], vector<16xf32>,
      %mul3A_1121 = arith.mulf %gather3A_1110, %gather3A_1120 : vector<16xf32>
      %add3A_1122 = arith.addf %add3A_1106, %mul3A_1121 : vector<16xf32>
      %add3A_1123 = arith.constant 49 : i32
      %add3A_1124 = vector.broadcast %add3A_1123 : i32 to vector<16xi32>
      %add3A_1125 = arith.addi %mul3A_324, %add3A_1124 : vector<16xi32>
      %gather3A_1126 = tpu.vector_load_idx %arg18[%add3A_302, %add3A_1125] : memref<256x128xf32, #tpu.memory_space<vmem>>[vector<16xi32>, vector<16xi32>], vector<16xf32>,
      %add3A_1127 = arith.constant 49 : i32
      %add3A_1128 = vector.broadcast %add3A_1127 : i32 to vector<16xi32>
      %add3A_1129 = arith.addi %mul3A_330, %add3A_1128 : vector<16xi32>
      %gather3A_1130 = tpu.vector_load_idx %arg19[%add3A_302, %add3A_1129] : memref<256x128xf32, #tpu.memory_space<vmem>>[vector<16xi32>, vector<16xi32>], vector<16xf32>,
      %mul3A_1131 = arith.mulf %gather3A_1126, %gather3A_1130 : vector<16xf32>
      %add3A_1132 = arith.addf %add3A_1116, %mul3A_1131 : vector<16xf32>
      %add3A_1133 = arith.constant 49 : i32
      %add3A_1134 = vector.broadcast %add3A_1133 : i32 to vector<16xi32>
      %add3A_1135 = arith.addi %mul3A_336, %add3A_1134 : vector<16xi32>
      %gather3A_1136 = tpu.vector_load_idx %arg20[%add3A_302, %add3A_1135] : memref<256x128xf32, #tpu.memory_space<vmem>>[vector<16xi32>, vector<16xi32>], vector<16xf32>,
      %mul3A_1137 = arith.mulf %gather3A_1126, %gather3A_1136 : vector<16xf32>
      %add3A_1138 = arith.addf %add3A_1122, %mul3A_1137 : vector<16xf32>
      %add3A_1139 = arith.constant 50 : i32
      %add3A_1140 = vector.broadcast %add3A_1139 : i32 to vector<16xi32>
      %add3A_1141 = arith.addi %mul3A_324, %add3A_1140 : vector<16xi32>
      %gather3A_1142 = tpu.vector_load_idx %arg18[%add3A_302, %add3A_1141] : memref<256x128xf32, #tpu.memory_space<vmem>>[vector<16xi32>, vector<16xi32>], vector<16xf32>,
      %add3A_1143 = arith.constant 50 : i32
      %add3A_1144 = vector.broadcast %add3A_1143 : i32 to vector<16xi32>
      %add3A_1145 = arith.addi %mul3A_330, %add3A_1144 : vector<16xi32>
      %gather3A_1146 = tpu.vector_load_idx %arg19[%add3A_302, %add3A_1145] : memref<256x128xf32, #tpu.memory_space<vmem>>[vector<16xi32>, vector<16xi32>], vector<16xf32>,
      %mul3A_1147 = arith.mulf %gather3A_1142, %gather3A_1146 : vector<16xf32>
      %add3A_1148 = arith.addf %add3A_1132, %mul3A_1147 : vector<16xf32>
      %add3A_1149 = arith.constant 50 : i32
      %add3A_1150 = vector.broadcast %add3A_1149 : i32 to vector<16xi32>
      %add3A_1151 = arith.addi %mul3A_336, %add3A_1150 : vector<16xi32>
      %gather3A_1152 = tpu.vector_load_idx %arg20[%add3A_302, %add3A_1151] : memref<256x128xf32, #tpu.memory_space<vmem>>[vector<16xi32>, vector<16xi32>], vector<16xf32>,
      %mul3A_1153 = arith.mulf %gather3A_1142, %gather3A_1152 : vector<16xf32>
      %add3A_1154 = arith.addf %add3A_1138, %mul3A_1153 : vector<16xf32>
      %add3A_1155 = arith.constant 51 : i32
      %add3A_1156 = vector.broadcast %add3A_1155 : i32 to vector<16xi32>
      %add3A_1157 = arith.addi %mul3A_324, %add3A_1156 : vector<16xi32>
      %gather3A_1158 = tpu.vector_load_idx %arg18[%add3A_302, %add3A_1157] : memref<256x128xf32, #tpu.memory_space<vmem>>[vector<16xi32>, vector<16xi32>], vector<16xf32>,
      %add3A_1159 = arith.constant 51 : i32
      %add3A_1160 = vector.broadcast %add3A_1159 : i32 to vector<16xi32>
      %add3A_1161 = arith.addi %mul3A_330, %add3A_1160 : vector<16xi32>
      %gather3A_1162 = tpu.vector_load_idx %arg19[%add3A_302, %add3A_1161] : memref<256x128xf32, #tpu.memory_space<vmem>>[vector<16xi32>, vector<16xi32>], vector<16xf32>,
      %mul3A_1163 = arith.mulf %gather3A_1158, %gather3A_1162 : vector<16xf32>
      %add3A_1164 = arith.addf %add3A_1148, %mul3A_1163 : vector<16xf32>
      %add3A_1165 = arith.constant 51 : i32
      %add3A_1166 = vector.broadcast %add3A_1165 : i32 to vector<16xi32>
      %add3A_1167 = arith.addi %mul3A_336, %add3A_1166 : vector<16xi32>
      %gather3A_1168 = tpu.vector_load_idx %arg20[%add3A_302, %add3A_1167] : memref<256x128xf32, #tpu.memory_space<vmem>>[vector<16xi32>, vector<16xi32>], vector<16xf32>,
      %mul3A_1169 = arith.mulf %gather3A_1158, %gather3A_1168 : vector<16xf32>
      %add3A_1170 = arith.addf %add3A_1154, %mul3A_1169 : vector<16xf32>
      %add3A_1171 = arith.constant 52 : i32
      %add3A_1172 = vector.broadcast %add3A_1171 : i32 to vector<16xi32>
      %add3A_1173 = arith.addi %mul3A_324, %add3A_1172 : vector<16xi32>
      %gather3A_1174 = tpu.vector_load_idx %arg18[%add3A_302, %add3A_1173] : memref<256x128xf32, #tpu.memory_space<vmem>>[vector<16xi32>, vector<16xi32>], vector<16xf32>,
      %add3A_1175 = arith.constant 52 : i32
      %add3A_1176 = vector.broadcast %add3A_1175 : i32 to vector<16xi32>
      %add3A_1177 = arith.addi %mul3A_330, %add3A_1176 : vector<16xi32>
      %gather3A_1178 = tpu.vector_load_idx %arg19[%add3A_302, %add3A_1177] : memref<256x128xf32, #tpu.memory_space<vmem>>[vector<16xi32>, vector<16xi32>], vector<16xf32>,
      %mul3A_1179 = arith.mulf %gather3A_1174, %gather3A_1178 : vector<16xf32>
      %add3A_1180 = arith.addf %add3A_1164, %mul3A_1179 : vector<16xf32>
      %add3A_1181 = arith.constant 52 : i32
      %add3A_1182 = vector.broadcast %add3A_1181 : i32 to vector<16xi32>
      %add3A_1183 = arith.addi %mul3A_336, %add3A_1182 : vector<16xi32>
      %gather3A_1184 = tpu.vector_load_idx %arg20[%add3A_302, %add3A_1183] : memref<256x128xf32, #tpu.memory_space<vmem>>[vector<16xi32>, vector<16xi32>], vector<16xf32>,
      %mul3A_1185 = arith.mulf %gather3A_1174, %gather3A_1184 : vector<16xf32>
      %add3A_1186 = arith.addf %add3A_1170, %mul3A_1185 : vector<16xf32>
      %add3A_1187 = arith.constant 53 : i32
      %add3A_1188 = vector.broadcast %add3A_1187 : i32 to vector<16xi32>
      %add3A_1189 = arith.addi %mul3A_324, %add3A_1188 : vector<16xi32>
      %gather3A_1190 = tpu.vector_load_idx %arg18[%add3A_302, %add3A_1189] : memref<256x128xf32, #tpu.memory_space<vmem>>[vector<16xi32>, vector<16xi32>], vector<16xf32>,
      %add3A_1191 = arith.constant 53 : i32
      %add3A_1192 = vector.broadcast %add3A_1191 : i32 to vector<16xi32>
      %add3A_1193 = arith.addi %mul3A_330, %add3A_1192 : vector<16xi32>
      %gather3A_1194 = tpu.vector_load_idx %arg19[%add3A_302, %add3A_1193] : memref<256x128xf32, #tpu.memory_space<vmem>>[vector<16xi32>, vector<16xi32>], vector<16xf32>,
      %mul3A_1195 = arith.mulf %gather3A_1190, %gather3A_1194 : vector<16xf32>
      %add3A_1196 = arith.addf %add3A_1180, %mul3A_1195 : vector<16xf32>
      %add3A_1197 = arith.constant 53 : i32
      %add3A_1198 = vector.broadcast %add3A_1197 : i32 to vector<16xi32>
      %add3A_1199 = arith.addi %mul3A_336, %add3A_1198 : vector<16xi32>
      %gather3A_1200 = tpu.vector_load_idx %arg20[%add3A_302, %add3A_1199] : memref<256x128xf32, #tpu.memory_space<vmem>>[vector<16xi32>, vector<16xi32>], vector<16xf32>,
      %mul3A_1201 = arith.mulf %gather3A_1190, %gather3A_1200 : vector<16xf32>
      %add3A_1202 = arith.addf %add3A_1186, %mul3A_1201 : vector<16xf32>
      %add3A_1203 = arith.constant 54 : i32
      %add3A_1204 = vector.broadcast %add3A_1203 : i32 to vector<16xi32>
      %add3A_1205 = arith.addi %mul3A_324, %add3A_1204 : vector<16xi32>
      %gather3A_1206 = tpu.vector_load_idx %arg18[%add3A_302, %add3A_1205] : memref<256x128xf32, #tpu.memory_space<vmem>>[vector<16xi32>, vector<16xi32>], vector<16xf32>,
      %add3A_1207 = arith.constant 54 : i32
      %add3A_1208 = vector.broadcast %add3A_1207 : i32 to vector<16xi32>
      %add3A_1209 = arith.addi %mul3A_330, %add3A_1208 : vector<16xi32>
      %gather3A_1210 = tpu.vector_load_idx %arg19[%add3A_302, %add3A_1209] : memref<256x128xf32, #tpu.memory_space<vmem>>[vector<16xi32>, vector<16xi32>], vector<16xf32>,
      %mul3A_1211 = arith.mulf %gather3A_1206, %gather3A_1210 : vector<16xf32>
      %add3A_1212 = arith.addf %add3A_1196, %mul3A_1211 : vector<16xf32>
      %add3A_1213 = arith.constant 54 : i32
      %add3A_1214 = vector.broadcast %add3A_1213 : i32 to vector<16xi32>
      %add3A_1215 = arith.addi %mul3A_336, %add3A_1214 : vector<16xi32>
      %gather3A_1216 = tpu.vector_load_idx %arg20[%add3A_302, %add3A_1215] : memref<256x128xf32, #tpu.memory_space<vmem>>[vector<16xi32>, vector<16xi32>], vector<16xf32>,
      %mul3A_1217 = arith.mulf %gather3A_1206, %gather3A_1216 : vector<16xf32>
      %add3A_1218 = arith.addf %add3A_1202, %mul3A_1217 : vector<16xf32>
      %add3A_1219 = arith.constant 55 : i32
      %add3A_1220 = vector.broadcast %add3A_1219 : i32 to vector<16xi32>
      %add3A_1221 = arith.addi %mul3A_324, %add3A_1220 : vector<16xi32>
      %gather3A_1222 = tpu.vector_load_idx %arg18[%add3A_302, %add3A_1221] : memref<256x128xf32, #tpu.memory_space<vmem>>[vector<16xi32>, vector<16xi32>], vector<16xf32>,
      %add3A_1223 = arith.constant 55 : i32
      %add3A_1224 = vector.broadcast %add3A_1223 : i32 to vector<16xi32>
      %add3A_1225 = arith.addi %mul3A_330, %add3A_1224 : vector<16xi32>
      %gather3A_1226 = tpu.vector_load_idx %arg19[%add3A_302, %add3A_1225] : memref<256x128xf32, #tpu.memory_space<vmem>>[vector<16xi32>, vector<16xi32>], vector<16xf32>,
      %mul3A_1227 = arith.mulf %gather3A_1222, %gather3A_1226 : vector<16xf32>
      %add3A_1228 = arith.addf %add3A_1212, %mul3A_1227 : vector<16xf32>
      %add3A_1229 = arith.constant 55 : i32
      %add3A_1230 = vector.broadcast %add3A_1229 : i32 to vector<16xi32>
      %add3A_1231 = arith.addi %mul3A_336, %add3A_1230 : vector<16xi32>
      %gather3A_1232 = tpu.vector_load_idx %arg20[%add3A_302, %add3A_1231] : memref<256x128xf32, #tpu.memory_space<vmem>>[vector<16xi32>, vector<16xi32>], vector<16xf32>,
      %mul3A_1233 = arith.mulf %gather3A_1222, %gather3A_1232 : vector<16xf32>
      %add3A_1234 = arith.addf %add3A_1218, %mul3A_1233 : vector<16xf32>
      %add3A_1235 = arith.constant 56 : i32
      %add3A_1236 = vector.broadcast %add3A_1235 : i32 to vector<16xi32>
      %add3A_1237 = arith.addi %mul3A_324, %add3A_1236 : vector<16xi32>
      %gather3A_1238 = tpu.vector_load_idx %arg18[%add3A_302, %add3A_1237] : memref<256x128xf32, #tpu.memory_space<vmem>>[vector<16xi32>, vector<16xi32>], vector<16xf32>,
      %add3A_1239 = arith.constant 56 : i32
      %add3A_1240 = vector.broadcast %add3A_1239 : i32 to vector<16xi32>
      %add3A_1241 = arith.addi %mul3A_330, %add3A_1240 : vector<16xi32>
      %gather3A_1242 = tpu.vector_load_idx %arg19[%add3A_302, %add3A_1241] : memref<256x128xf32, #tpu.memory_space<vmem>>[vector<16xi32>, vector<16xi32>], vector<16xf32>,
      %mul3A_1243 = arith.mulf %gather3A_1238, %gather3A_1242 : vector<16xf32>
      %add3A_1244 = arith.addf %add3A_1228, %mul3A_1243 : vector<16xf32>
      %add3A_1245 = arith.constant 56 : i32
      %add3A_1246 = vector.broadcast %add3A_1245 : i32 to vector<16xi32>
      %add3A_1247 = arith.addi %mul3A_336, %add3A_1246 : vector<16xi32>
      %gather3A_1248 = tpu.vector_load_idx %arg20[%add3A_302, %add3A_1247] : memref<256x128xf32, #tpu.memory_space<vmem>>[vector<16xi32>, vector<16xi32>], vector<16xf32>,
      %mul3A_1249 = arith.mulf %gather3A_1238, %gather3A_1248 : vector<16xf32>
      %add3A_1250 = arith.addf %add3A_1234, %mul3A_1249 : vector<16xf32>
      %add3A_1251 = arith.constant 57 : i32
      %add3A_1252 = vector.broadcast %add3A_1251 : i32 to vector<16xi32>
      %add3A_1253 = arith.addi %mul3A_324, %add3A_1252 : vector<16xi32>
      %gather3A_1254 = tpu.vector_load_idx %arg18[%add3A_302, %add3A_1253] : memref<256x128xf32, #tpu.memory_space<vmem>>[vector<16xi32>, vector<16xi32>], vector<16xf32>,
      %add3A_1255 = arith.constant 57 : i32
      %add3A_1256 = vector.broadcast %add3A_1255 : i32 to vector<16xi32>
      %add3A_1257 = arith.addi %mul3A_330, %add3A_1256 : vector<16xi32>
      %gather3A_1258 = tpu.vector_load_idx %arg19[%add3A_302, %add3A_1257] : memref<256x128xf32, #tpu.memory_space<vmem>>[vector<16xi32>, vector<16xi32>], vector<16xf32>,
      %mul3A_1259 = arith.mulf %gather3A_1254, %gather3A_1258 : vector<16xf32>
      %add3A_1260 = arith.addf %add3A_1244, %mul3A_1259 : vector<16xf32>
      %add3A_1261 = arith.constant 57 : i32
      %add3A_1262 = vector.broadcast %add3A_1261 : i32 to vector<16xi32>
      %add3A_1263 = arith.addi %mul3A_336, %add3A_1262 : vector<16xi32>
      %gather3A_1264 = tpu.vector_load_idx %arg20[%add3A_302, %add3A_1263] : memref<256x128xf32, #tpu.memory_space<vmem>>[vector<16xi32>, vector<16xi32>], vector<16xf32>,
      %mul3A_1265 = arith.mulf %gather3A_1254, %gather3A_1264 : vector<16xf32>
      %add3A_1266 = arith.addf %add3A_1250, %mul3A_1265 : vector<16xf32>
      %add3A_1267 = arith.constant 58 : i32
      %add3A_1268 = vector.broadcast %add3A_1267 : i32 to vector<16xi32>
      %add3A_1269 = arith.addi %mul3A_324, %add3A_1268 : vector<16xi32>
      %gather3A_1270 = tpu.vector_load_idx %arg18[%add3A_302, %add3A_1269] : memref<256x128xf32, #tpu.memory_space<vmem>>[vector<16xi32>, vector<16xi32>], vector<16xf32>,
      %add3A_1271 = arith.constant 58 : i32
      %add3A_1272 = vector.broadcast %add3A_1271 : i32 to vector<16xi32>
      %add3A_1273 = arith.addi %mul3A_330, %add3A_1272 : vector<16xi32>
      %gather3A_1274 = tpu.vector_load_idx %arg19[%add3A_302, %add3A_1273] : memref<256x128xf32, #tpu.memory_space<vmem>>[vector<16xi32>, vector<16xi32>], vector<16xf32>,
      %mul3A_1275 = arith.mulf %gather3A_1270, %gather3A_1274 : vector<16xf32>
      %add3A_1276 = arith.addf %add3A_1260, %mul3A_1275 : vector<16xf32>
      %add3A_1277 = arith.constant 58 : i32
      %add3A_1278 = vector.broadcast %add3A_1277 : i32 to vector<16xi32>
      %add3A_1279 = arith.addi %mul3A_336, %add3A_1278 : vector<16xi32>
      %gather3A_1280 = tpu.vector_load_idx %arg20[%add3A_302, %add3A_1279] : memref<256x128xf32, #tpu.memory_space<vmem>>[vector<16xi32>, vector<16xi32>], vector<16xf32>,
      %mul3A_1281 = arith.mulf %gather3A_1270, %gather3A_1280 : vector<16xf32>
      %add3A_1282 = arith.addf %add3A_1266, %mul3A_1281 : vector<16xf32>
      %add3A_1283 = arith.constant 59 : i32
      %add3A_1284 = vector.broadcast %add3A_1283 : i32 to vector<16xi32>
      %add3A_1285 = arith.addi %mul3A_324, %add3A_1284 : vector<16xi32>
      %gather3A_1286 = tpu.vector_load_idx %arg18[%add3A_302, %add3A_1285] : memref<256x128xf32, #tpu.memory_space<vmem>>[vector<16xi32>, vector<16xi32>], vector<16xf32>,
      %add3A_1287 = arith.constant 59 : i32
      %add3A_1288 = vector.broadcast %add3A_1287 : i32 to vector<16xi32>
      %add3A_1289 = arith.addi %mul3A_330, %add3A_1288 : vector<16xi32>
      %gather3A_1290 = tpu.vector_load_idx %arg19[%add3A_302, %add3A_1289] : memref<256x128xf32, #tpu.memory_space<vmem>>[vector<16xi32>, vector<16xi32>], vector<16xf32>,
      %mul3A_1291 = arith.mulf %gather3A_1286, %gather3A_1290 : vector<16xf32>
      %add3A_1292 = arith.addf %add3A_1276, %mul3A_1291 : vector<16xf32>
      %add3A_1293 = arith.constant 59 : i32
      %add3A_1294 = vector.broadcast %add3A_1293 : i32 to vector<16xi32>
      %add3A_1295 = arith.addi %mul3A_336, %add3A_1294 : vector<16xi32>
      %gather3A_1296 = tpu.vector_load_idx %arg20[%add3A_302, %add3A_1295] : memref<256x128xf32, #tpu.memory_space<vmem>>[vector<16xi32>, vector<16xi32>], vector<16xf32>,
      %mul3A_1297 = arith.mulf %gather3A_1286, %gather3A_1296 : vector<16xf32>
      %add3A_1298 = arith.addf %add3A_1282, %mul3A_1297 : vector<16xf32>
      %add3A_1299 = arith.constant 60 : i32
      %add3A_1300 = vector.broadcast %add3A_1299 : i32 to vector<16xi32>
      %add3A_1301 = arith.addi %mul3A_324, %add3A_1300 : vector<16xi32>
      %gather3A_1302 = tpu.vector_load_idx %arg18[%add3A_302, %add3A_1301] : memref<256x128xf32, #tpu.memory_space<vmem>>[vector<16xi32>, vector<16xi32>], vector<16xf32>,
      %add3A_1303 = arith.constant 60 : i32
      %add3A_1304 = vector.broadcast %add3A_1303 : i32 to vector<16xi32>
      %add3A_1305 = arith.addi %mul3A_330, %add3A_1304 : vector<16xi32>
      %gather3A_1306 = tpu.vector_load_idx %arg19[%add3A_302, %add3A_1305] : memref<256x128xf32, #tpu.memory_space<vmem>>[vector<16xi32>, vector<16xi32>], vector<16xf32>,
      %mul3A_1307 = arith.mulf %gather3A_1302, %gather3A_1306 : vector<16xf32>
      %add3A_1308 = arith.addf %add3A_1292, %mul3A_1307 : vector<16xf32>
      %add3A_1309 = arith.constant 60 : i32
      %add3A_1310 = vector.broadcast %add3A_1309 : i32 to vector<16xi32>
      %add3A_1311 = arith.addi %mul3A_336, %add3A_1310 : vector<16xi32>
      %gather3A_1312 = tpu.vector_load_idx %arg20[%add3A_302, %add3A_1311] : memref<256x128xf32, #tpu.memory_space<vmem>>[vector<16xi32>, vector<16xi32>], vector<16xf32>,
      %mul3A_1313 = arith.mulf %gather3A_1302, %gather3A_1312 : vector<16xf32>
      %add3A_1314 = arith.addf %add3A_1298, %mul3A_1313 : vector<16xf32>
      %add3A_1315 = arith.constant 61 : i32
      %add3A_1316 = vector.broadcast %add3A_1315 : i32 to vector<16xi32>
      %add3A_1317 = arith.addi %mul3A_324, %add3A_1316 : vector<16xi32>
      %gather3A_1318 = tpu.vector_load_idx %arg18[%add3A_302, %add3A_1317] : memref<256x128xf32, #tpu.memory_space<vmem>>[vector<16xi32>, vector<16xi32>], vector<16xf32>,
      %add3A_1319 = arith.constant 61 : i32
      %add3A_1320 = vector.broadcast %add3A_1319 : i32 to vector<16xi32>
      %add3A_1321 = arith.addi %mul3A_330, %add3A_1320 : vector<16xi32>
      %gather3A_1322 = tpu.vector_load_idx %arg19[%add3A_302, %add3A_1321] : memref<256x128xf32, #tpu.memory_space<vmem>>[vector<16xi32>, vector<16xi32>], vector<16xf32>,
      %mul3A_1323 = arith.mulf %gather3A_1318, %gather3A_1322 : vector<16xf32>
      %add3A_1324 = arith.addf %add3A_1308, %mul3A_1323 : vector<16xf32>
      %add3A_1325 = arith.constant 61 : i32
      %add3A_1326 = vector.broadcast %add3A_1325 : i32 to vector<16xi32>
      %add3A_1327 = arith.addi %mul3A_336, %add3A_1326 : vector<16xi32>
      %gather3A_1328 = tpu.vector_load_idx %arg20[%add3A_302, %add3A_1327] : memref<256x128xf32, #tpu.memory_space<vmem>>[vector<16xi32>, vector<16xi32>], vector<16xf32>,
      %mul3A_1329 = arith.mulf %gather3A_1318, %gather3A_1328 : vector<16xf32>
      %add3A_1330 = arith.addf %add3A_1314, %mul3A_1329 : vector<16xf32>
      %add3A_1331 = arith.constant 62 : i32
      %add3A_1332 = vector.broadcast %add3A_1331 : i32 to vector<16xi32>
      %add3A_1333 = arith.addi %mul3A_324, %add3A_1332 : vector<16xi32>
      %gather3A_1334 = tpu.vector_load_idx %arg18[%add3A_302, %add3A_1333] : memref<256x128xf32, #tpu.memory_space<vmem>>[vector<16xi32>, vector<16xi32>], vector<16xf32>,
      %add3A_1335 = arith.constant 62 : i32
      %add3A_1336 = vector.broadcast %add3A_1335 : i32 to vector<16xi32>
      %add3A_1337 = arith.addi %mul3A_330, %add3A_1336 : vector<16xi32>
      %gather3A_1338 = tpu.vector_load_idx %arg19[%add3A_302, %add3A_1337] : memref<256x128xf32, #tpu.memory_space<vmem>>[vector<16xi32>, vector<16xi32>], vector<16xf32>,
      %mul3A_1339 = arith.mulf %gather3A_1334, %gather3A_1338 : vector<16xf32>
      %add3A_1340 = arith.addf %add3A_1324, %mul3A_1339 : vector<16xf32>
      %add3A_1341 = arith.constant 62 : i32
      %add3A_1342 = vector.broadcast %add3A_1341 : i32 to vector<16xi32>
      %add3A_1343 = arith.addi %mul3A_336, %add3A_1342 : vector<16xi32>
      %gather3A_1344 = tpu.vector_load_idx %arg20[%add3A_302, %add3A_1343] : memref<256x128xf32, #tpu.memory_space<vmem>>[vector<16xi32>, vector<16xi32>], vector<16xf32>,
      %mul3A_1345 = arith.mulf %gather3A_1334, %gather3A_1344 : vector<16xf32>
      %add3A_1346 = arith.addf %add3A_1330, %mul3A_1345 : vector<16xf32>
      %add3A_1347 = arith.constant 63 : i32
      %add3A_1348 = vector.broadcast %add3A_1347 : i32 to vector<16xi32>
      %add3A_1349 = arith.addi %mul3A_324, %add3A_1348 : vector<16xi32>
      %gather3A_1350 = tpu.vector_load_idx %arg18[%add3A_302, %add3A_1349] : memref<256x128xf32, #tpu.memory_space<vmem>>[vector<16xi32>, vector<16xi32>], vector<16xf32>,
      %add3A_1351 = arith.constant 63 : i32
      %add3A_1352 = vector.broadcast %add3A_1351 : i32 to vector<16xi32>
      %add3A_1353 = arith.addi %mul3A_330, %add3A_1352 : vector<16xi32>
      %gather3A_1354 = tpu.vector_load_idx %arg19[%add3A_302, %add3A_1353] : memref<256x128xf32, #tpu.memory_space<vmem>>[vector<16xi32>, vector<16xi32>], vector<16xf32>,
      %mul3A_1355 = arith.mulf %gather3A_1350, %gather3A_1354 : vector<16xf32>
      %add3A_1356 = arith.addf %add3A_1340, %mul3A_1355 : vector<16xf32>
      %add3A_1357 = arith.constant 63 : i32
      %add3A_1358 = vector.broadcast %add3A_1357 : i32 to vector<16xi32>
      %add3A_1359 = arith.addi %mul3A_336, %add3A_1358 : vector<16xi32>
      %gather3A_1360 = tpu.vector_load_idx %arg20[%add3A_302, %add3A_1359] : memref<256x128xf32, #tpu.memory_space<vmem>>[vector<16xi32>, vector<16xi32>], vector<16xf32>,
      %mul3A_1361 = arith.mulf %gather3A_1350, %gather3A_1360 : vector<16xf32>
      %add3A_1362 = arith.addf %add3A_1346, %mul3A_1361 : vector<16xf32>
      %mul3A_1363 = arith.constant 16 : i32
      %mul3A_1364 = arith.muli %scan3A_298, %mul3A_1363 : i32
      %add3A_1365 = arith.constant 256 : i32
      %add3A_1366 = arith.addi %add3A_1365, %mul3A_1364 : i32
      %swap3A = arith.index_cast %add3A_1366 : i32 to index
      %swap3A_1367 = tpu.vector_load %arg22[%swap3A] {strides = array<i32>} : memref<512xf32, #tpu.memory_space<vmem>>, vector<16xf32>,
      tpu.vector_store %arg22[%swap3A], %add3A_1356 {strides = array<i32>} : memref<512xf32, #tpu.memory_space<vmem>>, vector<16xf32>,
      %mul3A_1368 = arith.constant 16 : i32
      %mul3A_1369 = arith.muli %scan3A_298, %mul3A_1368 : i32
      %add3A_1370 = arith.constant 256 : i32
      %add3A_1371 = arith.addi %add3A_1370, %mul3A_1369 : i32
      %swap3A_1372 = arith.index_cast %add3A_1371 : i32 to index
      %swap3A_1373 = tpu.vector_load %arg23[%swap3A_1372] {strides = array<i32>} : memref<512xf32, #tpu.memory_space<vmem>>, vector<16xf32>,
      tpu.vector_store %arg23[%swap3A_1372], %add3A_1362 {strides = array<i32>} : memref<512xf32, #tpu.memory_space<vmem>>, vector<16xf32>,
    }
    %scan3A_259 = arith.constant 16 : i32
    %dma_start3A_260 = arith.constant 0 : i32
    %dma_start3A_261 = arith.constant 0 : i32
    %dma_start3A_262 = tpu.memref_slice %arg19[%dma_start3A_260, %dma_start3A_261] : memref<256x128xf32, #tpu.memory_space<vmem>> -> memref<128x128xf32, #tpu.memory_space<vmem>>
    %dma_start3A_263 = arith.constant 256 : i32
    %dma_start3A_264 = tpu.memref_slice %arg17[%dma_start3A_263] : memref<512xi32, #tpu.memory_space<vmem>> -> memref<128xi32, #tpu.memory_space<vmem>>
    %dma_start3A_265 = arith.constant 0 : i32
    %dma_start3A_266 = arith.constant 0 : i32
    %dma_start3A_267 = tpu.memref_slice %arg7[%dma_start3A_265, %dma_start3A_266] : memref<7813x128xf32, #tpu.memory_space<hbm>> -> memref<7813x128xf32, #tpu.memory_space<hbm>>
    tpu.enqueue_indirect_dma source(%dma_start3A_267 : memref<7813x128xf32, #tpu.memory_space<hbm>>) target(%dma_start3A_262 : memref<128x128xf32, #tpu.memory_space<vmem>>) offsets(%dma_start3A_264 : memref<128xi32, #tpu.memory_space<vmem>>) semaphore(%arg25 : memref<!tpu.dma_semaphore, #tpu.memory_space<semaphore_mem>>)
    %dma_start3A_268 = arith.constant 128 : i32
    %dma_start3A_269 = arith.constant 0 : i32
    %dma_start3A_270 = tpu.memref_slice %arg19[%dma_start3A_268, %dma_start3A_269] : memref<256x128xf32, #tpu.memory_space<vmem>> -> memref<128x128xf32, #tpu.memory_space<vmem>>
    %dma_start3A_271 = arith.constant 384 : i32
    %dma_start3A_272 = tpu.memref_slice %arg17[%dma_start3A_271] : memref<512xi32, #tpu.memory_space<vmem>> -> memref<128xi32, #tpu.memory_space<vmem>>
    %dma_start3A_273 = arith.constant 0 : i32
    %dma_start3A_274 = arith.constant 0 : i32
    %dma_start3A_275 = tpu.memref_slice %arg7[%dma_start3A_273, %dma_start3A_274] : memref<7813x128xf32, #tpu.memory_space<hbm>> -> memref<7813x128xf32, #tpu.memory_space<hbm>>
    tpu.enqueue_indirect_dma source(%dma_start3A_275 : memref<7813x128xf32, #tpu.memory_space<hbm>>) target(%dma_start3A_270 : memref<128x128xf32, #tpu.memory_space<vmem>>) offsets(%dma_start3A_272 : memref<128xi32, #tpu.memory_space<vmem>>) semaphore(%arg25 : memref<!tpu.dma_semaphore, #tpu.memory_space<semaphore_mem>>)
    %dma_wait3A_276 = arith.constant 0 : i32
    %dma_wait3A_277 = arith.constant 0 : i32
    %dma_wait3A_278 = tpu.memref_slice %arg19[%dma_wait3A_276, %dma_wait3A_277] : memref<256x128xf32, #tpu.memory_space<vmem>> -> memref<128x128xf32, #tpu.memory_space<vmem>>
    %dma_wait3A_279 = arith.constant 256 : i32
    %dma_wait3A_280 = tpu.memref_slice %arg17[%dma_wait3A_279] : memref<512xi32, #tpu.memory_space<vmem>> -> memref<128xi32, #tpu.memory_space<vmem>>
    %dma_wait3A_281 = arith.constant 0 : i32
    %dma_wait3A_282 = arith.constant 0 : i32
    %dma_wait3A_283 = tpu.memref_slice %arg7[%dma_wait3A_281, %dma_wait3A_282] : memref<7813x128xf32, #tpu.memory_space<hbm>> -> memref<7813x128xf32, #tpu.memory_space<hbm>>
    tpu.wait_indirect_dma semaphore(%arg25 : memref<!tpu.dma_semaphore, #tpu.memory_space<semaphore_mem>>) src(%dma_wait3A_283 : memref<7813x128xf32, #tpu.memory_space<hbm>>) dst(%dma_wait3A_278 : memref<128x128xf32, #tpu.memory_space<vmem>>)
    %dma_wait3A_284 = arith.constant 128 : i32
    %dma_wait3A_285 = arith.constant 0 : i32
    %dma_wait3A_286 = tpu.memref_slice %arg19[%dma_wait3A_284, %dma_wait3A_285] : memref<256x128xf32, #tpu.memory_space<vmem>> -> memref<128x128xf32, #tpu.memory_space<vmem>>
    %dma_wait3A_287 = arith.constant 384 : i32
    %dma_wait3A_288 = tpu.memref_slice %arg17[%dma_wait3A_287] : memref<512xi32, #tpu.memory_space<vmem>> -> memref<128xi32, #tpu.memory_space<vmem>>
    %dma_wait3A_289 = arith.constant 0 : i32
    %dma_wait3A_290 = arith.constant 0 : i32
    %dma_wait3A_291 = tpu.memref_slice %arg7[%dma_wait3A_289, %dma_wait3A_290] : memref<7813x128xf32, #tpu.memory_space<hbm>> -> memref<7813x128xf32, #tpu.memory_space<hbm>>
    tpu.wait_indirect_dma semaphore(%arg25 : memref<!tpu.dma_semaphore, #tpu.memory_space<semaphore_mem>>) src(%dma_wait3A_291 : memref<7813x128xf32, #tpu.memory_space<hbm>>) dst(%dma_wait3A_286 : memref<128x128xf32, #tpu.memory_space<vmem>>)
    %scan3A_292 = arith.constant 0 : i32
    %scan3A_293 = arith.constant 0 : i32
    %scan3A_294 = arith.constant 16 : i32
    %scan3A_295 = arith.addi %scan3A_293, %scan3A_294 : i32
    %scan3A_296 = arith.constant 1 : i32
    scf.for %scan3A_298 = %scan3A_293 to %scan3A_295 step %scan3A_296  : i32 {
      %mul3A_299 = arith.constant 16 : i32
      %mul3A_300 = arith.muli %scan3A_298, %mul3A_299 : i32
      %add3A_301 = vector.broadcast %mul3A_300 : i32 to vector<16xi32>
      %add3A_302 = arith.addi %add3A_301, %iota3A : vector<16xi32>
      %mul3A_303 = arith.constant 16 : i32
      %mul3A_304 = arith.muli %scan3A_298, %mul3A_303 : i32
      %add3A_305 = arith.constant 256 : i32
      %add3A_306 = arith.addi %add3A_305, %mul3A_304 : i32
      %get3A = arith.index_cast %add3A_306 : i32 to index
      %get3A_307 = tpu.vector_load %arg11[%get3A] {strides = array<i32>} : memref<512xi32, #tpu.memory_space<vmem>>, vector<16xi32>,
      %and3A = arith.constant 127 : i32
      %and3A_308 = vector.broadcast %and3A : i32 to vector<16xi32>
      %and3A_309 = arith.andi %get3A_307, %and3A_308 : vector<16xi32>
      %gather3A = tpu.vector_load_idx %arg19[%add3A_302, %and3A_309] : memref<256x128xf32, #tpu.memory_space<vmem>>[vector<16xi32>, vector<16xi32>], vector<16xf32>,
      %get3A_310 = arith.index_cast %add3A_306 : i32 to index
      %get3A_311 = tpu.vector_load %arg22[%get3A_310] {strides = array<i32>} : memref<512xf32, #tpu.memory_space<vmem>>, vector<16xf32>,
      %get3A_312 = arith.index_cast %add3A_306 : i32 to index
      %get3A_313 = tpu.vector_load %arg23[%get3A_312] {strides = array<i32>} : memref<512xf32, #tpu.memory_space<vmem>>, vector<16xf32>,
      %add3A_314 = arith.addf %get3A_311, %get3A_313 : vector<16xf32>
      %mul3A_315 = arith.constant 5.000000e-01 : f32
      %mul3A_316 = vector.broadcast %mul3A_315 : f32 to vector<16xf32>
      %mul3A_317 = arith.mulf %mul3A_316, %add3A_314 : vector<16xf32>
      %add3A_318 = arith.addf %gather3A, %mul3A_317 : vector<16xf32>
      %swap3A = arith.index_cast %add3A_306 : i32 to index
      %swap3A_319 = tpu.vector_load %arg21[%swap3A] {strides = array<i32>} : memref<512xf32, #tpu.memory_space<vmem>>, vector<16xf32>,
      tpu.vector_store %arg21[%swap3A], %add3A_318 {strides = array<i32>} : memref<512xf32, #tpu.memory_space<vmem>>, vector<16xf32>,
    }
    %scan3A_297 = arith.constant 16 : i32
    "tpu.region"() ({
      %run_scoped3A = tpu.sem_alloc : memref<!tpu.dma_semaphore, #tpu.memory_space<semaphore_mem>>
      %dma_start3A_298 = tpu.memref_slice %arg8[%mul3A_2] : memref<16384xf32, #tpu.memory_space<hbm>> -> memref<512xf32, #tpu.memory_space<hbm>>
      %dma_start3A_299 = tpu.memref_slice %arg8[%mul3A_2] : memref<16384xf32, #tpu.memory_space<hbm>> -> memref<512xf32, #tpu.memory_space<hbm>>
      tpu.enqueue_dma source(%arg21 : memref<512xf32, #tpu.memory_space<vmem>>) target(%dma_start3A_299 : memref<512xf32, #tpu.memory_space<hbm>>) target_semaphore(%run_scoped3A : memref<!tpu.dma_semaphore, #tpu.memory_space<semaphore_mem>>)
      %dma_wait3A_300 = tpu.memref_slice %arg8[%mul3A_2] : memref<16384xf32, #tpu.memory_space<hbm>> -> memref<512xf32, #tpu.memory_space<hbm>>
      %dma_wait3A_301 = tpu.memref_slice %arg8[%mul3A_2] : memref<16384xf32, #tpu.memory_space<hbm>> -> memref<512xf32, #tpu.memory_space<hbm>>
      tpu.wait_dma2 semaphore(%run_scoped3A : memref<!tpu.dma_semaphore, #tpu.memory_space<semaphore_mem>>) src(%arg21 : memref<512xf32, #tpu.memory_space<vmem>>) dst(%dma_wait3A_301 : memref<512xf32, #tpu.memory_space<hbm>>)
      tpu.yield
    }) : () -> ()
    "tpu.region"() ({
      %run_scoped3A = tpu.sem_alloc : memref<!tpu.dma_semaphore, #tpu.memory_space<semaphore_mem>>
      %dma_start3A_298 = tpu.memref_slice %arg9[%mul3A_2] : memref<16384xf32, #tpu.memory_space<hbm>> -> memref<512xf32, #tpu.memory_space<hbm>>
      %dma_start3A_299 = tpu.memref_slice %arg9[%mul3A_2] : memref<16384xf32, #tpu.memory_space<hbm>> -> memref<512xf32, #tpu.memory_space<hbm>>
      tpu.enqueue_dma source(%arg22 : memref<512xf32, #tpu.memory_space<vmem>>) target(%dma_start3A_299 : memref<512xf32, #tpu.memory_space<hbm>>) target_semaphore(%run_scoped3A : memref<!tpu.dma_semaphore, #tpu.memory_space<semaphore_mem>>)
      %dma_wait3A_300 = tpu.memref_slice %arg9[%mul3A_2] : memref<16384xf32, #tpu.memory_space<hbm>> -> memref<512xf32, #tpu.memory_space<hbm>>
      %dma_wait3A_301 = tpu.memref_slice %arg9[%mul3A_2] : memref<16384xf32, #tpu.memory_space<hbm>> -> memref<512xf32, #tpu.memory_space<hbm>>
      tpu.wait_dma2 semaphore(%run_scoped3A : memref<!tpu.dma_semaphore, #tpu.memory_space<semaphore_mem>>) src(%arg22 : memref<512xf32, #tpu.memory_space<vmem>>) dst(%dma_wait3A_301 : memref<512xf32, #tpu.memory_space<hbm>>)
      tpu.yield
    }) : () -> ()
    "tpu.region"() ({
      %run_scoped3A = tpu.sem_alloc : memref<!tpu.dma_semaphore, #tpu.memory_space<semaphore_mem>>
      %dma_start3A_298 = tpu.memref_slice %arg10[%mul3A_2] : memref<16384xf32, #tpu.memory_space<hbm>> -> memref<512xf32, #tpu.memory_space<hbm>>
      %dma_start3A_299 = tpu.memref_slice %arg10[%mul3A_2] : memref<16384xf32, #tpu.memory_space<hbm>> -> memref<512xf32, #tpu.memory_space<hbm>>
      tpu.enqueue_dma source(%arg23 : memref<512xf32, #tpu.memory_space<vmem>>) target(%dma_start3A_299 : memref<512xf32, #tpu.memory_space<hbm>>) target_semaphore(%run_scoped3A : memref<!tpu.dma_semaphore, #tpu.memory_space<semaphore_mem>>)
      %dma_wait3A_300 = tpu.memref_slice %arg10[%mul3A_2] : memref<16384xf32, #tpu.memory_space<hbm>> -> memref<512xf32, #tpu.memory_space<hbm>>
      %dma_wait3A_301 = tpu.memref_slice %arg10[%mul3A_2] : memref<16384xf32, #tpu.memory_space<hbm>> -> memref<512xf32, #tpu.memory_space<hbm>>
      tpu.wait_dma2 semaphore(%run_scoped3A : memref<!tpu.dma_semaphore, #tpu.memory_space<semaphore_mem>>) src(%arg23 : memref<512xf32, #tpu.memory_space<vmem>>) dst(%dma_wait3A_301 : memref<512xf32, #tpu.memory_space<hbm>>)
      tpu.yield
    }) : () -> ()
    return
  }
}

</mosaic_0001>

<sc_bundles>
// kernel: kernel.3.cloned.1.call-start
scs
__scs_entry_jumppad:
0x0: {  	(pc) =	sbr.rel $0x88, $3  }
0x1: {  	(tag) =	ssettag $0x0;
	lr =	simm.s32 $0x1  }
0x2: {  	[smem:$0x3F9B] =	sst lr;
	_ =	strace $0xD0000000  }
0x3: {  	_ = 	snop  }
0x4: {  	_ = 	snop  }
0x5: {  	_ = 	snop  }
0x6: {  	_ = 	snop  }
0x7: {  	_ = 	snop  }
__scs_overlays_trampoline_lowered:
0x8: {  	[smem:$0x3FAA] =	sst s0  }
0x9: {  	[smem:$0x3FAB] =	sst s1  }
0xa: {  	[smem:$0x3FAC] =	sst s2  }
0xb: {  	[smem:$0x3FAD] =	sst s3  }
0xc: {  	[smem:$0x3FAE] =	sst s4  }
0xd: {  	[smem:$0x3FAF] =	sst s5  }
0xe: {  	[smem:$0x3FB0] =	sst s6  }
0xf: {  	[smem:$0x3FB1] =	sst s7  }
0x10: {  	[smem:$0x3FB2] =	sst s8  }
0x11: {  	[smem:$0x3FB3] =	sst s9;
	s0 =	simm.s32 @!p0 $0x0  }
0x12: {  	s1 =	sld [smem:$0x3F99];
	s0 =	simm.s32 @p0 $0x1  }
0x13: {  	[smem:$0x3FB4] =	sst s0;
	s0 =	simm.s32 @!p1 $0x0  }
0x14: {  	s2 =	sld [smem:$0x3F98];
	s0 =	simm.s32 @p1 $0x1  }
0x15: {  	[smem:$0x3FB5] =	sst s0;
	s0 =	simm.s32 @!p2 $0x0  }
0x16: {  	s3 =	sld [smem:$0x3FDB];
	s0 =	simm.s32 @p2 $0x1  }
0x17: {  	s4 =	simm.s32 $0x1BF5;
	[smem:$0x3FB7] =	sst s0  }
0x18: {  	s0 =	sld [smem:$0x3F9A];
	_ =	swait.ge [sflag:s4], $0x0  }
0x19: {  	s7 =	sld [smem:$0x3F9B]  }
0x1a: {  	s8 =	sadd.s32 $0xFFFFE003, lr  }
0x1b: {  	s9 =	sadd.s32 $0xFFFFFEF7, lr;
	s5 =	simm.s32 $0xFFFFFFFF;
	p2 =	slt.u32 s8, $0xFFFFF086  }
0x1c: {  	p1 =	slt.u32 s9, $0xF7A;
	s5 =	simm.s32 @!p2 $0x0  }
0x1d: {  	s5 =	simm.s32 @p1 $0x1;
	p0 =	seq.s32 s7, s2  }
0x1e: {  	s7 =	smul.u32 @!p0 $0xF7A, s2;
	p2 =	seq.s32 @!p0 s5, $0x0  }
0x1f: {  	s9 =	smul.u32 $0xF7A, s1;
	s8 =	simm.s32 @!p0 $0x1BF5;
	p2 =	por !p2, p0  }
0x20: {  	[sflag:s8] =	ssyncset.s32 @!p0 $0xFFFFF086;
	s6 =	sadd.s32 @!p0 s3, s7;
	s7 =	simm.s32 @!p0 $0x108  }
0x21: {  	s3 =	sadd.s32 s3, s9;
	s6 =	sadd.s32 @!p0 $0x88, s6;
	s7 =	simm.s32 @p2 $0x1082  }
0x22: {  	[simem:s7], [sflag:s8] =	dma.local @!p0 [hbm:s6], $0xF7A  }
0x23: {  	s9 =	sor.u32 $0xD0000000, s2;
	s6 =	simm.s32 $0x108;
	_ =	swait.ge @!p0 [sflag:s8], $0x0  }
0x24: {  	s3 =	sadd.s32 $0x88, s3;
	s6 =	simm.s32 @!p1 $0x1082;
	[sflag:s4] =	ssyncset.s32 $0xFFFFF086  }
0x25: {  	[simem:s6], [sflag:s4] =	dma.local [hbm:s3], $0xF7A  }
0x26: {  	[smem:$0x3F9B] =	sst s1;
	(tag) =	ssettag s2;
	_ =	strace s9  }
0x27: {  	s1 =	sld [smem:$0x3FAB]  }
0x28: {  	s2 =	sld [smem:$0x3FAC]  }
0x29: {  	s4 =	sld [smem:$0x3FAE]  }
0x2a: {  	p0 =	seq.s32 s5, $0x0;
	s5 =	sld [smem:$0x3FAF]  }
0x2b: {  	s6 =	sld [smem:$0x3FB0]  }
0x2c: {  	s7 =	sld [smem:$0x3FB1]  }
0x2d: {  	s3 =	simm.s32 $0x108;
	s8 =	sld [smem:$0x3FB2]  }
0x2e: {  	s3 =	simm.s32 @!p0 $0x1082;
	s9 =	sld [smem:$0x3FB3]  }
0x2f: {  	lr =	sadd.s32 s0, s3;
	s0 =	sld [smem:$0x3FAA]  }
0x30: {  	s3 =	sld [smem:$0x3FAD]  }
0x31: {  	[smem:$0x3FB6] =	sst s10  }
0x32: {  	s10 =	sld [smem:$0x3FB4];
	_ =	sdelay $0x3  }
0x33: {  	p0 =	seq.s32 s10, $0x1;
	s10 =	sld [smem:$0x3FB6];
	_ =	sdelay $0x3  }
0x34: {  	[smem:$0x3FB6] =	sst s10  }
0x35: {  	s10 =	sld [smem:$0x3FB5];
	_ =	sdelay $0x3  }
0x36: {  	p1 =	seq.s32 s10, $0x1;
	s10 =	sld [smem:$0x3FB6];
	_ =	sdelay $0x3  }
0x37: {  	[smem:$0x3FB6] =	sst s10  }
0x38: {  	s10 =	sld [smem:$0x3FB7]  }
0x39: {  	_ = 	snop;
	(pc) =	sbr.ind lr, $3  }
0x3a: {  	_ = 	snop  }
0x3b: {  	_ = 	snop  }
0x3c: {  	p2 =	seq.s32 s10, $0x1;
	s10 =	sld [smem:$0x3FB6]  }
0x3d: {  	_ =	shalt  }
0x3e: {  	_ =	shalt  }
0x3f: {  	_ =	shalt  }
0x40: {  	_ =	shalt  }
0x41: {  	_ =	shalt  }
0x42: {  	_ =	shalt  }
0x43: {  	_ =	shalt  }
0x44: {  	_ =	shalt  }
0x45: {  	_ =	shalt  }
0x46: {  	_ =	shalt  }
0x47: {  	_ =	shalt  }
0x48: {  	_ =	shalt  }
0x49: {  	_ =	shalt  }
0x4a: {  	_ =	shalt  }
0x4b: {  	_ =	shalt  }
0x4c: {  	_ =	shalt  }
0x4d: {  	_ =	shalt  }
0x4e: {  	_ =	shalt  }
0x4f: {  	_ =	shalt  }
0x50: {  	_ =	shalt  }
0x51: {  	_ =	shalt  }
0x52: {  	_ =	shalt  }
0x53: {  	_ =	shalt  }
0x54: {  	_ =	shalt  }
0x55: {  	_ =	shalt  }
0x56: {  	_ =	shalt  }
0x57: {  	_ =	shalt  }
0x58: {  	_ =	shalt  }
0x59: {  	_ =	shalt  }
0x5a: {  	_ =	shalt  }
0x5b: {  	_ =	shalt  }
0x5c: {  	_ =	shalt  }
0x5d: {  	_ =	shalt  }
0x5e: {  	_ =	shalt  }
0x5f: {  	_ =	shalt  }
0x60: {  	_ =	shalt  }
0x61: {  	_ =	shalt  }
0x62: {  	_ =	shalt  }
0x63: {  	_ =	shalt  }
0x64: {  	_ =	shalt  }
0x65: {  	_ =	shalt  }
0x66: {  	_ =	shalt  }
0x67: {  	_ =	shalt  }
0x68: {  	_ =	shalt  }
0x69: {  	_ =	shalt  }
0x6a: {  	_ =	shalt  }
0x6b: {  	_ =	shalt  }
0x6c: {  	_ =	shalt  }
0x6d: {  	_ =	shalt  }
0x6e: {  	_ =	shalt  }
0x6f: {  	_ =	shalt  }
0x70: {  	_ =	shalt  }
0x71: {  	_ =	shalt  }
0x72: {  	_ =	shalt  }
0x73: {  	_ =	shalt  }
0x74: {  	_ =	shalt  }
0x75: {  	_ =	shalt  }
0x76: {  	_ =	shalt  }
0x77: {  	_ =	shalt  }
0x78: {  	_ =	shalt  }
0x79: {  	_ =	shalt  }
0x7a: {  	_ =	shalt  }
0x7b: {  	_ =	shalt  }
0x7c: {  	_ =	shalt  }
0x7d: {  	_ =	shalt  }
0x7e: {  	_ =	shalt  }
0x7f: {  	_ =	shalt  }
0x80: {  	_ =	shalt  }
0x81: {  	_ =	shalt  }
0x82: {  	_ =	shalt  }
0x83: {  	_ =	shalt  }
0x84: {  	_ =	shalt  }
0x85: {  	_ =	shalt  }
0x86: {  	_ =	shalt  }
0x87: {  	_ =	shalt  }
.Lfunc_end0:
.L_simem_size_0:
called_computation_lowered:
.L_overlay_start_0:
0x88: {  	s2 =	sld [smem:$0x3FD9]  }
0x89: {  	s3 =	sld [smem:$0x3FFE];
	_ =	sdelay $0x1  }
0x8a: {  	s1 =	srdreg.scid  }
0x8b: {  	s0 =	sand.u32 $0x1, s1  }
0x8c: {  	s17 =	sshll.u32 s0, $0xA;
	s2 =	sadd.s32 s3, s2  }
0x8d: {  	s2 =	sadd.s32 s2, s17  }
0x8e: {  	[smem:$0x3FC2] =	sst s2  }
0x8f: {  	_ = 	snop  }
0x90: {  	s2 =	sld [smem:$0x3FC9]  }
0x91: {  	s18 =	sld [smem:$0x3FC8]  }
0x92: {  	s4 =	sld [smem:$0x3FC7];
	(tm) =	ssettm $0x1  }
0x93: {  	s5 =	sld [smem:$0x3FFB];
	_ =	sdelay $0x3  }
0x94: {  	_ =	strace s5  }
0x95: {  	s5 =	sld [smem:$0x3FFC];
	_ =	sdelay $0x3  }
0x96: {  	_ =	strace s5  }
0x97: {  	s5 =	sld [smem:$0x3FFD];
	_ =	sdelay $0x3  }
0x98: {  	_ =	strace s5  }
0x99: {  	_ =	strace $0x8FFFFFFF  }
0x9a: {  	s19 =	sld [smem:$0x3FDB];
	_ =	sdelay $0x1  }
0x9b: {  	s6 =	simm.s32 $_scs_section_size  }
0x9c: {  	s7 =	simm.s32 $_size__tile_overlayer_lowered;
	s8 =	simm.s32 $_tile_overlayer_lowered  }
0x9d: {  	s22 =	simm.s32 $0x1BFF;
	s21 =	sshll.u32 s8, $0x1;
	s5 =	sadd.s32 s6, s19  }
0x9e: {  	s9 =	simm.s32 $0x0;
	s20 =	sshll.u32 s7, $0x1;
	s7 =	sadd.s32 s21, s5  }
0x9f: {  	[timem:s9], [sflag:s22] =	dma.local [hbm:s7], s20  }
0xa0: {  	_ =	swait.ge [sflag:s22], s20  }
0xa1: {  	s6 =	ssub.s32 $0x0, s20;
	[sflag:s22] =	ssyncset.done $0x0  }
0xa2: {  	[sflag:s22] =	ssyncadd.s32 s6;
	_ =	sdelay $0x1  }
0xa3: {  	s23 =	simm.s32 $0x1B8B  }
0xa4: {  	_ =	swait.ge [sflag:s23], $0x1  }
0xa5: {  	[sflag:s23] =	ssyncset.done $0x0  }
0xa6: {  	s25 =	simm.s32 $0x1B8E;
	s24 =	sld [smem:$0x3FFE];
	[sflag:s23] =	ssyncadd.s32 $0xFFFFFFFF  }
0xa7: {  	s26 =	simm.s32 $execute0_lowered;
	[smem:$0x3FD2] =	sst s25  }
0xa8: {  	s7 =	sshll.u32 s26, $0x1;
	_ =	strace $0x80000046;
	[dreg:$0x1] =	wrdreg $0xFFFFFFFF  }
0xa9: {  	s28 =	simm.s32 $_size_execute0_lowered;
	s5 =	sadd.s32 s5, s7;
	[dreg:$0x0] =	wrdreg $0x0  }
0xaa: {  	s7 =	sshll.u32 s28, $0x1;
	[dreg:$0x2] =	wrdreg s5  }
0xab: {  	[dreg:$0x3] =	wrdreg s7  }
0xac: {  	[dreg:$0x4] =	wrdreg $0xC0  }
0xad: {  	_ =	task [dreg:s9], $0x5FFFF  }
0xae: {  	[dreg:$0x1] =	wrdreg $0xFFFFFFFF  }
0xaf: {  	[dreg:$0x0] =	wrdreg $0x60  }
0xb0: {  	[dreg:$0x2] =	wrdreg s2  }
0xb1: {  	[dreg:$0x3] =	wrdreg s18  }
0xb2: {  	[dreg:$0x4] =	wrdreg s4  }
0xb3: {  	[dreg:$0x5] =	wrdreg s24  }
0xb4: {  	[dreg:$0x6] =	wrdreg $0x9  }
0xb5: {  	_ =	task.clear_ibuf [dreg:s9], $0x7FFFF;
	_ =	strace $0x90000046  }
0xb6: {  	s29 =	simm.s32 $0x9;
	_ =	strace $0x80000048  }
0xb7: {  	_ =	swait.ge [sflag:s29], $0x1  }
0xb8: {  	[sflag:s29] =	ssyncadd.s32 $0xFFFFFFFF  }
0xb9: {  	_ =	strace $0x90000048  }
0xba: {  	_ =	sfence  }
0xbb: {  	s30 =	sld [smem:$0x0];
	_ =	sdelay $0x2  }
0xbc: {  	s31 =	sshll.u32 s1, $0xD;
	s1 =	sshrl.u32 s1, $0x2  }
0xbd: {  	s3 =	sand.u32 $0x4000, s31;
	s1 =	sadd.s32 s1, s30  }
0xbe: {  	s0 =	sor.u32 s3, s0;
	s1 =	sshll.u32 s1, $0x11  }
0xbf: {  	s0 =	sor.u32 s1, s0  }
0xc0: {  	s0 =	sadd.s32 $0x8F2B, s0  }
0xc1: {  	[sflag:s0] =	ssyncadd.remote.s32 $0x1  }
0xc2: {  	_ =	sfence.sel $0xFFFF  }
0xc3: {  	[dreg:$0x0] =	wrdreg $0xFFFFFFFF;
	(pc) =	sbr.abs _section_cstart, $3  }
0xc4: {  	[dreg:$0x1] =	wrdreg $0xFFFFFFFF  }
0xc5: {  	_ =	task.clear_ibuf [dreg:s9], $0x2FFFF;
	_ =	strace $0x9FFFFFFF  }
0xc6: {  	(tm) =	ssettm $0x7FFFFFFF  }
0xc7: {  	_ =	shalt  }
tec
execute0_lowered:
.L_overlay_start_1:
0x0: {  	(tag) =	ssettag $0x1  }
0x1: {  	s0 =	rddreg [dreg:$0x0]  }
0x2: {  	s2 =	rddreg [dreg:$0x1]  }
0x3: {  	s8 =	rddreg [dreg:$0x2]  }
0x4: {  	s6 =	rddreg [dreg:$0x3];
	s1 =	simm.s32 $0x0  }
0x5: {  	s4 =	srdreg.scid;
	s5 =	stileid.u32;
	s15 =	simm.s32 $0x1  }
0x6: {  	s16 =	simm.s32 $0x80;
	s18 =	simm.s32 $0xE00;
	s20 =	simm.s32 $0x8E00  }
0x7: {  	s22 =	simm.s32 $0x10E00;
	s24 =	simm.s32 $0x4E00;
	s29 =	simm.s32 $0x14E00  }
0x8: {  	s30 =	simm.s32 $0x2;
	s28 =	simm.s32 $0x18E00;
	s31 =	simm.s32 $0x3  }
0x9: {  	s13 =	simm.s32 $0x0;
	[smem:$0x7FF] =	sst s1;
	s3 =	sadd.s32 $0xF42A00, s6  }
0xa: {  	s4 =	sand.u32 $0x1, s4;
	s5 =	sshll.u32 s5, $0x7;
	_ =	strace $0x80000047  }
0xb: {  	s7 =	sshll.u32 s4, $0x6;
	s9 =	ssub.s32 $0x2, s4;
	s4 =	sadd.s32 $0x16E3C00, s6  }
0xc: {  	s10 =	sor.u32 s7, s5;
	s26 =	sshrl.u32 s9, $0x1;
	s5 =	sadd.s32 $0x600, s6  }
0xd: {  	s11 =	sadd.s32 s10, s6;
	s12 =	ssub.s32 s9, s26;
	s6 =	sadd.s32 s0, s10  }
0xe: {  	s7 =	sadd.s32 s2, s10;
	s8 =	sadd.s32 s8, s10;
	s26 =	simm.s32 $0xCE00  }
0xf: {  	v0 =	vlaneseq.u32;
	s0 =	simm.s32 $0x19000;
	s2 =	simm.s32 $0x19200;
	s9 =	sadd.s32 $0x1F000, s11  }
0x10: {  	v39 =	vmul.u32 $0x80, v0;
	s10 =	sadd.s32 $0x1F800, s11;
	s11 =	sadd.s32 $0x20000, s11;
	s12 =	smax.u32 s12, $0x1  }
.LBB2_1:
0x11: {  	[tilespmem:s1], [sflag:$0x1] =	stream.linear.gather [hbm4b:s6+s1], $0x200, $0x38;
	[tilespmem:$0x19400] =	vst v63  }
0x12: {  	s14 =	simm.s32 $0x200  }
0x13: {  	[tilespmem:s14], [sflag:$0x1] =	stream.linear.gather [hbm4b:s7+s1], $0x200, $0x38;
	[tilespmem:$0x19400] =	vst v63  }
0x14: {  	s25 =	simm.s32 $0x400  }
0x15: {  	[tilespmem:s25], [sflag:$0x1] =	stream.linear.gather [hbm4b:s8+s1], $0x200, $0x38;
	[tilespmem:$0x19400] =	vst v63  }
0x16: {  	_ =	swait.ge [sflag:s15], $0x200  }
0x17: {  	[sflag:s15] =	ssyncset.done $0x0  }
0x18: {  	[sflag:s15] =	ssyncadd.s32 $0xFFFFFE00  }
0x19: {  	_ =	swait.ge [sflag:s15], $0x200  }
0x1a: {  	[sflag:s15] =	ssyncset.done $0x0  }
0x1b: {  	[sflag:s15] =	ssyncadd.s32 $0xFFFFFE00  }
0x1c: {  	_ =	swait.ge [sflag:s15], $0x200  }
0x1d: {  	[sflag:s15] =	ssyncset.done $0x0  }
0x1e: {  	s14 =	simm.s32 $0x0;
	[sflag:s15] =	ssyncadd.s32 $0xFFFFFE00  }
0x1f: {  	v2 =	vld [tilespmem:s14+$0x0]  }
0x20: {  	v3 =	vld [tilespmem:s14+$0x200]  }
0x21: {  	v1 =	vld [tilespmem:s14+$0x400]  }
0x22: {  	s17 =	simm.s32 $0x40  }
.LBB2_2:
0x23: {  	p0 =	sne.s32 s17, $0x7C0  }
.Ltmp0:
0x24: {  	s19 =	sshra.s32 s17, $0x2;
	s17 =	sadd.s32 $0x40, s17;
	v4 =	vshrl.u32 v2, $0x1;
	v5 =	vshrl.u32 v2, $0x7;
	(pc) =	sbr.rel @p0 .LBB2_2-.Ltmp0, $4  }
0x25: {  	v2 =	vld [tilespmem:s19+$0x0];
	v6 =	vshrl.u32 v3, $0x1;
	[tilespmem:s14+$0xC00] =	vst v5  }
0x26: {  	v3 =	vld [tilespmem:s19+$0x200];
	[tilespmem:s14+$0x600] =	vst v4;
	v4 =	vshrl.u32 v1, $0x1  }
0x27: {  	v1 =	vld [tilespmem:s19+$0x400];
	[tilespmem:s14+$0x800] =	vst v6  }
0x28: {  	[tilespmem:s14+$0xA00] =	vst v4;
	s14 =	smov.u32 s19  }
0x29: {  	_ = 	snop  }
0x2a: {  	v4 =	vshrl.u32 v2, $0x7  }
0x2b: {  	v63 =	vshrl.u32 v2, $0x1;
	[tilespmem:s14+$0xC00] =	vst v4  }
0x2c: {  	v3 =	vshrl.u32 v3, $0x1;
	[tilespmem:s14+$0x600] =	vst v63  }
0x2d: {  	v1 =	vshrl.u32 v1, $0x1;
	[tilespmem:s14+$0x800] =	vst v3  }
0x2e: {  	s25 =	simm.s32 $0x600;
	[tilespmem:s14+$0xA00] =	vst v1  }
0x2f: {  	[tilespmem:s18], [sflag:$0x2] =	stream.indirect.gather [hbm4b:s3+s16], $0x80, s25, s16, $0xb8;
	[tilespmem:$0x19400] =	vst v63  }
0x30: {  	s17 =	simm.s32 $0x800  }
0x31: {  	[tilespmem:s20], [sflag:$0x2] =	stream.indirect.gather [hbm4b:s4+s16], $0x80, s17, s16, $0xb8;
	[tilespmem:$0x19400] =	vst v63  }
0x32: {  	s19 =	simm.s32 $0xA00  }
0x33: {  	[tilespmem:s22], [sflag:$0x2] =	stream.indirect.gather [hbm4b:s4+s16], $0x80, s19, s16, $0xb8;
	[tilespmem:$0x19400] =	vst v63  }
0x34: {  	s21 =	simm.s32 $0x680  }
0x35: {  	[tilespmem:s24], [sflag:$0x2] =	stream.indirect.gather [hbm4b:s3+s16], $0x80, s21, s16, $0xb8;
	[tilespmem:$0x19400] =	vst v63  }
0x36: {  	s23 =	simm.s32 $0x880  }
0x37: {  	[tilespmem:s26], [sflag:$0x2] =	stream.indirect.gather [hbm4b:s4+s16], $0x80, s23, s16, $0xb8;
	[tilespmem:$0x19400] =	vst v63  }
0x38: {  	s25 =	simm.s32 $0xA80  }
0x39: {  	[tilespmem:s29], [sflag:$0x2] =	stream.indirect.gather [hbm4b:s4+s16], $0x80, s25, s16, $0xb8;
	[tilespmem:$0x19400] =	vst v63  }
0x3a: {  	_ =	swait.ge [sflag:s30], $0x4000  }
0x3b: {  	[sflag:s30] =	ssyncset.done $0x0  }
0x3c: {  	[sflag:s30] =	ssyncadd.s32 $0xFFFFC000  }
0x3d: {  	_ =	swait.ge [sflag:s30], $0x4000  }
0x3e: {  	[sflag:s30] =	ssyncset.done $0x0  }
0x3f: {  	[sflag:s30] =	ssyncadd.s32 $0xFFFFC000  }
0x40: {  	_ =	swait.ge [sflag:s30], $0x4000  }
0x41: {  	[sflag:s30] =	ssyncset.done $0x0  }
0x42: {  	[sflag:s30] =	ssyncadd.s32 $0xFFFFC000  }
0x43: {  	_ =	swait.ge [sflag:s30], $0x4000  }
0x44: {  	[sflag:s30] =	ssyncset.done $0x0  }
0x45: {  	[sflag:s30] =	ssyncadd.s32 $0xFFFFC000  }
0x46: {  	_ =	swait.ge [sflag:s30], $0x4000  }
0x47: {  	[sflag:s30] =	ssyncset.done $0x0  }
0x48: {  	[sflag:s30] =	ssyncadd.s32 $0xFFFFC000  }
0x49: {  	s14 =	simm.s32 $0x0;
	s17 =	simm.s32 $0x200;
	_ =	swait.ge [sflag:s30], $0x4000  }
0x4a: {  	s19 =	simm.s32 $0x400;
	s21 =	simm.s32 $0x19000;
	[sflag:s30] =	ssyncset.done $0x0  }
0x4b: {  	s23 =	simm.s32 $0x19200;
	s25 =	simm.s32 $0x0;
	[sflag:s30] =	ssyncadd.s32 $0xFFFFC000  }
.LBB2_4:
0x4c: {  	v1 =	vld [tilespmem:s14+$0x0]  }
0x4d: {  	v2 =	vld [tilespmem:s17+$0x0];
	_ =	sdelay $0x1  }
0x4e: {  	v3 =	vld [tilespmem:s19+$0x0];
	_ =	sdelay $0x1  }
0x4f: {  	v4 =	vmov s25  }
0x50: {  	v4 =	vshll.u32 v4, $0x7;
	v1 =	vshll.u32 v1, $0x6;
	v2 =	vshll.u32 v2, $0x6  }
0x51: {  	v4 =	vor.u32 v39, v4;
	v1 =	vand.u32 $0x40, v1;
	v2 =	vand.u32 $0x40, v2  }
0x52: {  	v5 =	vshll.u32 v3, $0x6;
	v3 =	vor.u32 v4, v1;
	v2 =	vor.u32 v4, v2  }
0x53: {  	v59 =	vand.u32 $0x40, v5;
	v60 =	vor.u32 $0x1, v3  }
0x54: {  	v1 =	vor.u32 v4, v59;
	v61 =	vor.u32 $0x1, v2  }
0x55: {  	v7 =	vor.u32 $0x1, v1  }
0x56: {  	v8 =	vor.u32 $0x2, v3  }
0x57: {  	v62 =	vor.u32 $0x2, v1;
	v6 =	vld.idx.msk [tilespmem:v2+s20+$0x0], $0xffff  }
0x58: {  	v63 =	vor.u32 $0x3, v3;
	v10 =	vld.idx.msk [tilespmem:v60+s18+$0x0], $0xffff  }
0x59: {  	v0 =	vor.u32 $0x3, v2;
	v16 =	vld.idx.msk [tilespmem:v61+s20+$0x0], $0xffff  }
0x5a: {  	v12 =	vor.u32 $0x3, v1;
	v17 =	vld.idx.msk [tilespmem:v7+s22+$0x0], $0xffff  }
0x5b: {  	v13 =	vor.u32 $0x4, v3;
	v18 =	vld.idx.msk [tilespmem:v8+s18+$0x0], $0xffff  }
0x5c: {  	v14 =	vor.u32 $0x4, v2;
	v26 =	vld.idx.msk [tilespmem:v62+s22+$0x0], $0xffff  }
0x5d: {  	v15 =	vor.u32 $0x4, v1;
	v34 =	vld.idx.msk [tilespmem:v63+s18+$0x0], $0xffff  }
0x5e: {  	v19 =	vor.u32 $0x5, v3;
	v20 =	vld.idx.msk [tilespmem:v0+s20+$0x0], $0xffff  }
0x5f: {  	v30 =	vor.u32 $0x5, v2;
	v35 =	vld.idx.msk [tilespmem:v12+s22+$0x0], $0xffff  }
0x60: {  	v31 =	vor.u32 $0x5, v1;
	v27 =	vld.idx.msk [tilespmem:v13+s18+$0x0], $0xffff  }
0x61: {  	v32 =	vor.u32 $0x6, v3;
	v21 =	vld.idx.msk [tilespmem:v14+s20+$0x0], $0xffff  }
0x62: {  	v33 =	vor.u32 $0x6, v2;
	v43 =	vld.idx.msk [tilespmem:v15+s22+$0x0], $0xffff  }
0x63: {  	v40 =	vor.u32 $0x6, v1;
	v36 =	vld.idx.msk [tilespmem:v19+s18+$0x0], $0xffff  }
0x64: {  	v41 =	vor.u32 $0x7, v3;
	v23 =	vld.idx.msk [tilespmem:v30+s20+$0x0], $0xffff  }
0x65: {  	v42 =	vor.u32 $0x7, v2;
	v44 =	vld.idx.msk [tilespmem:v31+s22+$0x0], $0xffff  }
0x66: {  	v48 =	vor.u32 $0x7, v1;
	v52 =	vld.idx.msk [tilespmem:v32+s18+$0x0], $0xffff  }
0x67: {  	v49 =	vor.u32 $0x8, v3;
	v29 =	vld.idx.msk [tilespmem:v33+s20+$0x0], $0xffff  }
0x68: {  	v50 =	vor.u32 $0x8, v2;
	v53 =	vld.idx.msk [tilespmem:v40+s22+$0x0], $0xffff  }
0x69: {  	v51 =	vor.u32 $0x8, v1;
	v45 =	vld.idx.msk [tilespmem:v41+s18+$0x0], $0xffff  }
0x6a: {  	v57 =	vor.u32 $0x9, v3;
	v32 =	vld.idx.msk [tilespmem:v42+s20+$0x0], $0xffff  }
0x6b: {  	v58 =	vor.u32 $0x9, v2;
	v60 =	vld.idx.msk [tilespmem:v48+s22+$0x0], $0xffff  }
0x6c: {  	v59 =	vor.u32 $0x9, v1;
	v54 =	vld.idx.msk [tilespmem:v49+s18+$0x0], $0xffff  }
0x6d: {  	v24 =	vor.u32 $0xC, v2;
	v33 =	vld.idx.msk [tilespmem:v50+s20+$0x0], $0xffff  }
0x6e: {  	v0 =	vor.u32 $0xA, v3;
	v61 =	vld.idx.msk [tilespmem:v51+s22+$0x0], $0xffff  }
0x6f: {  	v12 =	vor.u32 $0xA, v2;
	v55 =	vld.idx.msk [tilespmem:v57+s18+$0x0], $0xffff  }
0x70: {  	v38 =	vld.idx.msk [tilespmem:v58+s20+$0x0], $0xffff;
	v14 =	vor.u32 $0xB, v3  }
0x71: {  	v62 =	vld.idx.msk [tilespmem:v59+s22+$0x0], $0xffff;
	v15 =	vor.u32 $0xB, v2  }
0x72: {  	v30 =	vor.u32 $0xD, v3;
	v57 =	vld.idx.msk [tilespmem:v24+s20+$0x0], $0xffff  }
0x73: {  	v31 =	vor.u32 $0xD, v2;
	v49 =	vld.idx.msk [tilespmem:v0+s18+$0x0], $0xffff  }
0x74: {  	v42 =	vor.u32 $0xE, v3;
	v63 =	vld.idx.msk [tilespmem:v12+s20+$0x0], $0xffff  }
0x75: {  	v46 =	vld.idx.msk [tilespmem:v14+s18+$0x0], $0xffff;
	v14 =	vor.u32 $0xF, v2  }
0x76: {  	v24 =	vor.u32 $0x10, v2;
	v59 =	vld.idx.msk [tilespmem:v15+s20+$0x0], $0xffff  }
0x77: {  	v37 =	vld.idx.msk [tilespmem:v30+s18+$0x0], $0xffff;
	v30 =	vor.u32 $0x10, v1  }
0x78: {  	v41 =	vor.u32 $0xD, v1;
	v51 =	vld.idx.msk [tilespmem:v31+s20+$0x0], $0xffff  }
0x79: {  	v12 =	vor.u32 $0xE, v1;
	v31 =	vld.idx.msk [tilespmem:v42+s18+$0x0], $0xffff  }
0x7a: {  	v5 =	vor.u32 $0x13, v2;
	v42 =	vld.idx.msk [tilespmem:v14+s20+$0x0], $0xffff  }
0x7b: {  	v0 =	vor.u32 $0xE, v2;
	v14 =	vld.idx.msk [tilespmem:v24+s20+$0x0], $0xffff  }
0x7c: {  	v24 =	vld.idx.msk [tilespmem:v30+s22+$0x0], $0xffff;
	v30 =	vor.u32 $0x12, v2  }
0x7d: {  	v47 =	vld.idx.msk [tilespmem:v41+s22+$0x0], $0xffff;
	v15 =	vor.u32 $0xF, v1  }
0x7e: {  	v41 =	vld.idx.msk [tilespmem:v12+s22+$0x0], $0xffff;
	v12 =	vor.u32 $0x11, v1  }
0x7f: {  	v9 =	vor.u32 $0x15, v2;
	v5 =	vld.idx.msk [tilespmem:v5+s20+$0x0], $0xffff  }
0x80: {  	v22 =	vor.u32 $0xC, v3;
	v48 =	vld.idx.msk [tilespmem:v0+s20+$0x0], $0xffff  }
0x81: {  	v8 =	vor.u32 $0x12, v1;
	[tilespmem:$0x1FF10] =	vst v24;
	v24 =	vld.idx.msk [tilespmem:v30+s20+$0x0], $0xffff  }
0x82: {  	v0 =	vld.idx.msk [tilespmem:v15+s22+$0x0], $0xffff;
	v30 =	vor.u32 $0x14, v3  }
0x83: {  	v15 =	vor.u32 $0x12, v3;
	[tilespmem:$0x1FF00] =	vst v14;
	v14 =	vld.idx.msk [tilespmem:v12+s22+$0x0], $0xffff  }
0x84: {  	v28 =	vor.u32 $0xC, v1;
	v9 =	vld.idx.msk [tilespmem:v9+s20+$0x0], $0xffff  }
0x85: {  	v13 =	vor.u32 $0xA, v1;
	v40 =	vld.idx.msk [tilespmem:v22+s18+$0x0], $0xffff  }
0x86: {  	v8 =	vld.idx.msk [tilespmem:v8+s22+$0x0], $0xffff;
	[tilespmem:$0x1FF40] =	vst v24;
	v24 =	vor.u32 $0x14, v1  }
0x87: {  	[tilespmem:$0x1FF60] =	vst v5;
	v12 =	vld.idx.msk [tilespmem:v30+s18+$0x0], $0xffff;
	v30 =	vor.u32 $0x15, v1  }
0x88: {  	[tilespmem:$0x1FF30] =	vst v14;
	v14 =	vld.idx.msk [tilespmem:v15+s18+$0x0], $0xffff;
	v15 =	vor.u32 $0x13, v1  }
0x89: {  	v50 =	vld.idx.msk [tilespmem:v28+s22+$0x0], $0xffff;
	v5 =	vor.u32 $0x15, v3;
	[tilespmem:$0x1FFA0] =	vst v9  }
0x8a: {  	v58 =	vld.idx.msk [tilespmem:v13+s22+$0x0], $0xffff;
	[tilespmem:$0x1FEF0] =	vst v0;
	v0 =	vor.u32 $0x14, v2  }
0x8b: {  	v9 =	vor.u32 $0x17, v2;
	[tilespmem:$0x1FF50] =	vst v8;
	v8 =	vld.idx.msk [tilespmem:v24+s22+$0x0], $0xffff  }
0x8c: {  	v24 =	vld.idx.msk [tilespmem:v30+s22+$0x0], $0xffff  }
0x8d: {  	v4 =	vld.idx.msk [tilespmem:v15+s22+$0x0], $0xffff  }
0x8e: {  	v15 =	vld.idx.msk [tilespmem:v5+s18+$0x0], $0xffff;
	v5 =	vor.u32 $0x16, v2  }
0x8f: {  	v0 =	vld.idx.msk [tilespmem:v0+s20+$0x0], $0xffff;
	v30 =	vor.u32 $0x16, v1  }
0x90: {  	v13 =	vor.u32 $0xF, v3;
	v9 =	vld.idx.msk [tilespmem:v9+s20+$0x0], $0xffff  }
0x91: {  	v11 =	vor.u32 $0x2, v2;
	[tilespmem:$0x1FFB0] =	vst v24;
	v24 =	vld.idx.msk [tilespmem:v3+s18+$0x0], $0xffff  }
0x92: {  	v19 =	vor.u32 $0xB, v1;
	[tilespmem:$0x1FF90] =	vst v8;
	v8 =	vld.idx.msk [tilespmem:v1+s22+$0x0], $0xffff  }
0x93: {  	[tilespmem:$0x1FF70] =	vst v4;
	v4 =	vor.u32 $0x17, v1;
	v5 =	vld.idx.msk [tilespmem:v5+s20+$0x0], $0xffff  }
0x94: {  	v22 =	vor.u32 $0x10, v3;
	[tilespmem:$0x1FF80] =	vst v0;
	v0 =	vld.idx.msk [tilespmem:v30+s22+$0x0], $0xffff  }
0x95: {  	v28 =	vld.idx.msk [tilespmem:v13+s18+$0x0], $0xffff;
	v13 =	vor.u32 $0x11, v2  }
0x96: {  	v25 =	vld.idx.msk [tilespmem:v11+s20+$0x0], $0xffff;
	v7 =	vor.u32 $0x17, v3  }
0x97: {  	v56 =	vld.idx.msk [tilespmem:v19+s22+$0x0], $0xffff;
	[tilespmem:$0x1FFE0] =	vst v9;
	v9 =	vor.u32 $0x19, v3  }
0x98: {  	[tilespmem:$0x1FFC0] =	vst v5;
	v5 =	vor.u32 $0x18, v3;
	v30 =	vmul.f32 v6, v24;
	v4 =	vld.idx.msk [tilespmem:v4+s22+$0x0], $0xffff  }
0x99: {  	v11 =	vor.u32 $0x13, v3;
	v22 =	vld.idx.msk [tilespmem:v22+s18+$0x0], $0xffff;
	[tilespmem:$0x1FFD0] =	vst v0;
	v0 =	vor.u32 $0x18, v2;
	v8 =	vmul.f32 v8, v24  }
0x9a: {  	v16 =	vmul.f32 v16, v10;
	v17 =	vmul.f32 v17, v10;
	v13 =	vld.idx.msk [tilespmem:v13+s20+$0x0], $0xffff;
	v30 =	vadd.f32 $0.0e+00, v30  }
0x9b: {  	v6 =	vld.idx.msk [tilespmem:v7+s18+$0x0], $0xffff;
	v7 =	vor.u32 $0x18, v1;
	v24 =	vmul.f32 v25, v18;
	v8 =	vadd.f32 $0.0e+00, v8  }
0x9c: {  	v16 =	vadd.f32 v16, v30;
	v30 =	vmul.f32 v26, v18;
	v18 =	vld.idx.msk [tilespmem:v9+s18+$0x0], $0xffff;
	v9 =	vor.u32 $0x1A, v1  }
0x9d: {  	v8 =	vadd.f32 v17, v8;
	[tilespmem:$0x1FFF0] =	vst v4;
	v4 =	vor.u32 $0x19, v2;
	v10 =	vld.idx.msk [tilespmem:v5+s18+$0x0], $0xffff  }
0x9e: {  	v5 =	vor.u32 $0x19, v1;
	v25 =	vld.idx.msk [tilespmem:v0+s20+$0x0], $0xffff;
	v0 =	vor.u32 $0x1A, v3  }
0x9f: {  	v11 =	vld.idx.msk [tilespmem:v11+s18+$0x0], $0xffff;
	v16 =	vadd.f32 v24, v16;
	v8 =	vadd.f32 v30, v8;
	v24 =	vmul.f32 v35, v34  }
0xa0: {  	v20 =	vmul.f32 v20, v34;
	v26 =	vld.idx.msk [tilespmem:v7+s22+$0x0], $0xffff;
	v7 =	vor.u32 $0x1A, v2  }
0xa1: {  	v19 =	vor.u32 $0x11, v3;
	v8 =	vadd.f32 v24, v8;
	v24 =	vmul.f32 v44, v36;
	v44 =	vld.idx.msk [tilespmem:v9+s22+$0x0], $0xffff  }
0xa2: {  	[tilespmem:$0x1FF20] =	vst v13;
	v13 =	vor.u32 $0x16, v3;
	v30 =	vmul.f32 v21, v27;
	v16 =	vadd.f32 v20, v16;
	v34 =	vld.idx.msk [tilespmem:v4+s20+$0x0], $0xffff  }
0xa3: {  	v17 =	vmul.f32 v43, v27;
	v9 =	vor.u32 $0x1C, v2;
	v4 =	vor.u32 $0x1B, v3;
	v35 =	vld.idx.msk [tilespmem:v5+s22+$0x0], $0xffff  }
0xa4: {  	v5 =	vor.u32 $0x1B, v2;
	v27 =	vld.idx.msk [tilespmem:v0+s18+$0x0], $0xffff;
	v16 =	vadd.f32 v30, v16;
	v30 =	vmul.f32 v23, v36  }
0xa5: {  	v0 =	vor.u32 $0x1B, v1;
	v43 =	vld.idx.msk [tilespmem:v7+s20+$0x0], $0xffff;
	v7 =	vor.u32 $0x1C, v3;
	v8 =	vadd.f32 v17, v8  }
0xa6: {  	v19 =	vld.idx.msk [tilespmem:v19+s18+$0x0], $0xffff;
	v25 =	vmul.f32 v25, v10;
	v16 =	vadd.f32 v30, v16;
	v30 =	vmul.f32 v29, v52  }
0xa7: {  	v13 =	vld.idx.msk [tilespmem:v13+s18+$0x0], $0xffff;
	v10 =	vmul.f32 v26, v10;
	v26 =	vor.u32 $0x29, v3;
	v8 =	vadd.f32 v24, v8  }
0xa8: {  	v24 =	vmul.f32 v53, v52;
	v16 =	vadd.f32 v30, v16;
	v30 =	vmul.f32 v60, v45;
	v60 =	vld.idx.msk [tilespmem:v9+s20+$0x0], $0xffff  }
0xa9: {  	v9 =	vor.u32 $0x1E, v3;
	v36 =	vld.idx.msk [tilespmem:v4+s18+$0x0], $0xffff  }
0xaa: {  	v20 =	vor.u32 $0x1F, v2;
	v8 =	vadd.f32 v24, v8;
	v52 =	vld.idx.msk [tilespmem:v5+s20+$0x0], $0xffff  }
0xab: {  	v29 =	vmul.f32 v32, v45;
	v32 =	vmul.f32 v33, v54;
	v4 =	vor.u32 $0x1C, v1;
	v53 =	vld.idx.msk [tilespmem:v0+s22+$0x0], $0xffff  }
0xac: {  	v33 =	vmul.f32 v61, v54;
	v5 =	vor.u32 $0x1D, v3;
	v45 =	vld.idx.msk [tilespmem:v7+s18+$0x0], $0xffff;
	v8 =	vadd.f32 v30, v8  }
0xad: {  	v0 =	vor.u32 $0x1D, v2;
	v7 =	vor.u32 $0x1D, v1;
	v26 =	vld.idx.msk [tilespmem:v26+s18+$0x0], $0xffff;
	v30 =	vmul.f32 v62, v55  }
0xae: {  	v62 =	vmul.f32 v58, v49;
	v8 =	vadd.f32 v33, v8;
	v33 =	vmul.f32 v63, v49;
	v49 =	vld.idx.msk [tilespmem:v9+s18+$0x0], $0xffff  }
0xaf: {  	v24 =	vor.u32 $0x1E, v2;
	v16 =	vadd.f32 v29, v16;
	v9 =	vld.idx.msk [tilespmem:v20+s20+$0x0], $0xffff  }
0xb0: {  	v21 =	vor.u32 $0x1E, v1;
	v61 =	vld.idx.msk [tilespmem:v4+s22+$0x0], $0xffff  }
0xb1: {  	v23 =	vor.u32 $0x1F, v3;
	v29 =	vmul.f32 v38, v55;
	v16 =	vadd.f32 v32, v16;
	v54 =	vld.idx.msk [tilespmem:v5+s18+$0x0], $0xffff  }
0xb2: {  	v5 =	vld.idx.msk [tilespmem:v0+s20+$0x0], $0xffff  }
0xb3: {  	v63 =	vor.u32 $0x1F, v1;
	v32 =	vadd.f32 v29, v16;
	v55 =	vld.idx.msk [tilespmem:v7+s22+$0x0], $0xffff  }
0xb4: {  	v58 =	vor.u32 $0x21, v3;
	v38 =	vadd.f32 v30, v8;
	v0 =	vld.idx.msk [tilespmem:v24+s20+$0x0], $0xffff  }
0xb5: {  	v30 =	vmul.f32 v59, v46;
	v24 =	vor.u32 $0x20, v3;
	v7 =	vld.idx.msk [tilespmem:v21+s22+$0x0], $0xffff;
	v29 =	vadd.f32 v33, v32  }
0xb6: {  	v32 =	vadd.f32 v62, v38;
	v33 =	vmul.f32 v56, v46;
	v38 =	vmul.f32 v57, v40;
	v46 =	vld.idx.msk [tilespmem:v23+s18+$0x0], $0xffff  }
0xb7: {  	v56 =	vor.u32 $0x20, v1;
	v57 =	vmul.f32 v50, v40;
	v50 =	vmul.f32 v41, v31;
	v41 =	vld [tilespmem:$0x1FF40]  }
0xb8: {  	v4 =	vld.idx.msk [tilespmem:v63+s22+$0x0], $0xffff  }
0xb9: {  	v63 =	vmul.f32 v47, v37;
	v47 =	vmul.f32 v48, v31;
	v31 =	vld.idx.msk [tilespmem:v58+s18+$0x0], $0xffff;
	v8 =	vadd.f32 v33, v32  }
0xba: {  	v59 =	vmul.f32 v51, v37;
	v62 =	vor.u32 $0x21, v2;
	v16 =	vadd.f32 v30, v29;
	v37 =	vld.idx.msk [tilespmem:v24+s18+$0x0], $0xffff  }
0xbb: {  	v21 =	vor.u32 $0x20, v2;
	v8 =	vadd.f32 v57, v8;
	v57 =	vld [tilespmem:$0x1FF00]  }
0xbc: {  	v40 =	vor.u32 $0x21, v1;
	v16 =	vadd.f32 v38, v16;
	v17 =	vld.idx.msk [tilespmem:v56+s22+$0x0], $0xffff  }
0xbd: {  	v56 =	vld [tilespmem:$0x1FEF0]  }
0xbe: {  	v48 =	vor.u32 $0x22, v3;
	v29 =	vadd.f32 v59, v16;
	v59 =	vld [tilespmem:$0x1FF10]  }
0xbf: {  	v20 =	vld.idx.msk [tilespmem:v62+s20+$0x0], $0xffff  }
0xc0: {  	v16 =	vld.idx.msk [tilespmem:v21+s20+$0x0], $0xffff  }
0xc1: {  	v51 =	vor.u32 $0x22, v2;
	v21 =	vld.idx.msk [tilespmem:v40+s22+$0x0], $0xffff  }
0xc2: {  	v42 =	vmul.f32 v42, v28;
	v8 =	vadd.f32 v63, v8;
	v58 =	vmul.f32 v57, v22;
	v57 =	vld [tilespmem:$0x1FF50]  }
0xc3: {  	v29 =	vadd.f32 v47, v29;
	v47 =	vor.u32 $0x22, v1;
	v62 =	vmul.f32 v59, v22;
	v22 =	vld.idx.msk [tilespmem:v48+s18+$0x0], $0xffff  }
0xc4: {  	v24 =	vor.u32 $0x23, v2;
	v8 =	vadd.f32 v50, v8;
	v28 =	vmul.f32 v56, v28;
	v48 =	vld [tilespmem:$0x1FF20]  }
0xc5: {  	v59 =	vld [tilespmem:$0x1FF60]  }
0xc6: {  	v29 =	vadd.f32 v42, v29;
	v56 =	vor.u32 $0x24, v2;
	v8 =	vadd.f32 v28, v8;
	v28 =	vld.idx.msk [tilespmem:v51+s20+$0x0], $0xffff  }
0xc7: {  	v32 =	vor.u32 $0x23, v3;
	v51 =	vld [tilespmem:$0x1FF30]  }
0xc8: {  	v30 =	vadd.f32 v58, v29;
	v29 =	vld.idx.msk [tilespmem:v47+s22+$0x0], $0xffff  }
0xc9: {  	v47 =	vmul.f32 v41, v14;
	v58 =	vmul.f32 v57, v14;
	v14 =	vld.idx.msk [tilespmem:v24+s20+$0x0], $0xffff  }
0xca: {  	v63 =	vor.u32 $0x23, v1;
	v57 =	vld [tilespmem:$0x1FF90]  }
0xcb: {  	v8 =	vadd.f32 v62, v8;
	v38 =	vld.idx.msk [tilespmem:v56+s20+$0x0], $0xffff  }
0xcc: {  	v50 =	vmul.f32 v48, v19;
	v48 =	vor.u32 $0x24, v1;
	v23 =	vmul.f32 v51, v19;
	v19 =	vld.idx.msk [tilespmem:v32+s18+$0x0], $0xffff  }
0xcd: {  	v51 =	vld [tilespmem:$0x1FF80]  }
0xce: {  	v30 =	vadd.f32 v50, v30;
	v50 =	vld [tilespmem:$0x1FF70];
	v8 =	vadd.f32 v23, v8  }
0xcf: {  	v23 =	vld.idx.msk [tilespmem:v63+s22+$0x0], $0xffff  }
0xd0: {  	v62 =	vmul.f32 v59, v11;
	v30 =	vadd.f32 v47, v30;
	v8 =	vadd.f32 v58, v8;
	v58 =	vld [tilespmem:$0x1FFA0]  }
0xd1: {  	v42 =	vor.u32 $0x24, v3;
	v32 =	vld.idx.msk [tilespmem:v48+s22+$0x0], $0xffff  }
0xd2: {  	v30 =	vadd.f32 v62, v30;
	v62 =	vld [tilespmem:$0x1FFB0]  }
0xd3: {  	v24 =	vor.u32 $0x25, v3;
	v40 =	vmul.f32 v51, v12;
	v51 =	vld [tilespmem:$0x1FFD0]  }
0xd4: {  	v63 =	vor.u32 $0x25, v2;
	v48 =	vor.u32 $0x26, v2;
	v41 =	vmul.f32 v50, v11;
	v50 =	vld [tilespmem:$0x1FFC0]  }
0xd5: {  	v12 =	vmul.f32 v57, v12;
	v57 =	vld [tilespmem:$0x1FFE0];
	v30 =	vadd.f32 v40, v30;
	v59 =	vmul.f32 v58, v15  }
0xd6: {  	v56 =	vor.u32 $0x26, v3;
	v11 =	vld.idx.msk [tilespmem:v42+s18+$0x0], $0xffff;
	v41 =	vadd.f32 v41, v8  }
0xd7: {  	v42 =	vor.u32 $0x25, v1;
	v30 =	vadd.f32 v59, v30;
	v59 =	vld [tilespmem:$0x1FFF0]  }
0xd8: {  	v8 =	vld.idx.msk [tilespmem:v24+s18+$0x0], $0xffff;
	v24 =	vor.u32 $0x26, v1;
	v12 =	vadd.f32 v12, v41;
	v15 =	vmul.f32 v62, v15  }
0xd9: {  	v33 =	vld.idx.msk [tilespmem:v63+s20+$0x0], $0xffff;
	v63 =	vor.u32 $0x27, v3;
	v40 =	vmul.f32 v50, v13  }
0xda: {  	v48 =	vld.idx.msk [tilespmem:v48+s20+$0x0], $0xffff;
	v50 =	vor.u32 $0x27, v2;
	v13 =	vmul.f32 v51, v13;
	v12 =	vadd.f32 v15, v12  }
0xdb: {  	v15 =	vld.idx.msk [tilespmem:v56+s18+$0x0], $0xffff;
	v56 =	vor.u32 $0x27, v1;
	v30 =	vadd.f32 v40, v30;
	v40 =	vmul.f32 v57, v6  }
0xdc: {  	v58 =	vor.u32 $0x28, v3;
	v42 =	vld.idx.msk [tilespmem:v42+s22+$0x0], $0xffff;
	v12 =	vadd.f32 v13, v12;
	v6 =	vmul.f32 v59, v6  }
0xdd: {  	v62 =	vor.u32 $0x28, v2;
	v13 =	vld.idx.msk [tilespmem:v24+s22+$0x0], $0xffff;
	v30 =	vadd.f32 v40, v30  }
0xde: {  	v51 =	vmul.f32 v52, v36;
	v40 =	vld.idx.msk [tilespmem:v63+s18+$0x0], $0xffff;
	v63 =	vor.u32 $0x28, v1;
	v6 =	vadd.f32 v6, v12  }
0xdf: {  	v52 =	vor.u32 $0x2A, v1;
	v25 =	vadd.f32 v25, v30;
	v12 =	vld.idx.msk [tilespmem:v50+s20+$0x0], $0xffff;
	v50 =	vmul.f32 v34, v18  }
0xe0: {  	v57 =	vmul.f32 v35, v18;
	v34 =	vld.idx.msk [tilespmem:v56+s22+$0x0], $0xffff;
	v56 =	vor.u32 $0x29, v2;
	v6 =	vadd.f32 v10, v6  }
0xe1: {  	v59 =	vmul.f32 v43, v27;
	v18 =	vld.idx.msk [tilespmem:v58+s18+$0x0], $0xffff;
	v58 =	vor.u32 $0x29, v1;
	v25 =	vadd.f32 v50, v25  }
0xe2: {  	v24 =	vld.idx.msk [tilespmem:v62+s20+$0x0], $0xffff;
	v62 =	vmul.f32 v44, v27;
	v43 =	vor.u32 $0x2A, v3;
	v6 =	vadd.f32 v57, v6  }
0xe3: {  	v53 =	vmul.f32 v53, v36;
	v27 =	vld.idx.msk [tilespmem:v63+s22+$0x0], $0xffff;
	v63 =	vor.u32 $0x2A, v2;
	v25 =	vadd.f32 v59, v25  }
0xe4: {  	v44 =	vld.idx.msk [tilespmem:v52+s22+$0x0], $0xffff;
	v57 =	vmul.f32 v60, v45;
	v60 =	vor.u32 $0x2B, v1;
	v6 =	vadd.f32 v62, v6  }
0xe5: {  	v5 =	vmul.f32 v5, v54;
	v36 =	vld.idx.msk [tilespmem:v56+s20+$0x0], $0xffff;
	v56 =	vor.u32 $0x2B, v3;
	v25 =	vadd.f32 v51, v25  }
0xe6: {  	v59 =	vmul.f32 v61, v45;
	v35 =	vld.idx.msk [tilespmem:v58+s22+$0x0], $0xffff;
	v58 =	vor.u32 $0x2B, v2;
	v6 =	vadd.f32 v53, v6  }
0xe7: {  	v0 =	vmul.f32 v0, v49;
	v52 =	vor.u32 $0x2C, v1;
	v43 =	vld.idx.msk [tilespmem:v43+s18+$0x0], $0xffff;
	v25 =	vadd.f32 v57, v25  }
0xe8: {  	v62 =	vmul.f32 v55, v54;
	v30 =	vld.idx.msk [tilespmem:v63+s20+$0x0], $0xffff;
	v63 =	vor.u32 $0x2C, v2;
	v6 =	vadd.f32 v59, v6  }
0xe9: {  	v54 =	vmul.f32 v9, v46;
	v55 =	vor.u32 $0x2D, v2;
	v9 =	vld.idx.msk [tilespmem:v60+s22+$0x0], $0xffff;
	v5 =	vadd.f32 v5, v25  }
0xea: {  	v7 =	vmul.f32 v7, v49;
	v61 =	vor.u32 $0x2C, v3;
	v25 =	vld.idx.msk [tilespmem:v56+s18+$0x0], $0xffff;
	v6 =	vadd.f32 v62, v6  }
0xeb: {  	v4 =	vmul.f32 v4, v46;
	v53 =	vor.u32 $0x2D, v3;
	v10 =	vld.idx.msk [tilespmem:v58+s20+$0x0], $0xffff;
	v0 =	vadd.f32 v0, v5  }
0xec: {  	v60 =	vor.u32 $0x2E, v2;
	v59 =	vmul.f32 v17, v37;
	v17 =	vld.idx.msk [tilespmem:v52+s22+$0x0], $0xffff;
	v6 =	vadd.f32 v7, v6  }
0xed: {  	v45 =	vor.u32 $0x2F, v3;
	v57 =	vmul.f32 v16, v37;
	v16 =	vld.idx.msk [tilespmem:v63+s20+$0x0], $0xffff;
	v0 =	vadd.f32 v54, v0  }
0xee: {  	v56 =	vor.u32 $0x2D, v1;
	v63 =	vmul.f32 v21, v31;
	v21 =	vld.idx.msk [tilespmem:v55+s20+$0x0], $0xffff;
	v4 =	vadd.f32 v4, v6  }
0xef: {  	v58 =	vor.u32 $0x2E, v3;
	v7 =	vld.idx.msk [tilespmem:v61+s18+$0x0], $0xffff;
	v61 =	vmul.f32 v20, v31;
	v0 =	vadd.f32 v57, v0  }
0xf0: {  	v49 =	vmul.f32 v28, v22;
	v52 =	vor.u32 $0x2F, v1;
	v20 =	vld.idx.msk [tilespmem:v53+s18+$0x0], $0xffff;
	v4 =	vadd.f32 v59, v4  }
0xf1: {  	v62 =	vor.u32 $0x2E, v1;
	v53 =	vmul.f32 v14, v19;
	v14 =	vld.idx.msk [tilespmem:v60+s20+$0x0], $0xffff;
	v0 =	vadd.f32 v61, v0  }
0xf2: {  	v50 =	vor.u32 $0x2F, v2;
	v51 =	vmul.f32 v29, v22;
	v31 =	vld.idx.msk [tilespmem:v45+s18+$0x0], $0xffff;
	v4 =	vadd.f32 v63, v4  }
0xf3: {  	v47 =	vor.u32 $0x32, v3;
	v60 =	vor.u32 $0x31, v3;
	v28 =	vld.idx.msk [tilespmem:v56+s22+$0x0], $0xffff;
	v0 =	vadd.f32 v49, v0  }
0xf4: {  	v55 =	vmul.f32 v23, v19;
	v54 =	vor.u32 $0x30, v3;
	v22 =	vld.idx.msk [tilespmem:v58+s18+$0x0], $0xffff;
	v4 =	vadd.f32 v51, v4  }
0xf5: {  	v56 =	vor.u32 $0x30, v2;
	v29 =	vld.idx.msk [tilespmem:v52+s22+$0x0], $0xffff;
	v57 =	vmul.f32 v38, v11;
	v0 =	vadd.f32 v53, v0  }
0xf6: {  	v58 =	vor.u32 $0x30, v1;
	v19 =	vld.idx.msk [tilespmem:v62+s22+$0x0], $0xffff;
	v59 =	vmul.f32 v32, v11;
	v4 =	vadd.f32 v55, v4  }
0xf7: {  	v45 =	vor.u32 $0x31, v1;
	v11 =	vld.idx.msk [tilespmem:v50+s20+$0x0], $0xffff;
	v61 =	vmul.f32 v33, v8;
	v0 =	vadd.f32 v57, v0  }
0xf8: {  	v50 =	vmul.f32 v12, v40;
	v12 =	vld.idx.msk [tilespmem:v60+s18+$0x0], $0xffff;
	v63 =	vmul.f32 v42, v8;
	v4 =	vadd.f32 v59, v4  }
0xf9: {  	v46 =	vmul.f32 v48, v15;
	v62 =	vor.u32 $0x31, v2;
	v8 =	vld.idx.msk [tilespmem:v54+s18+$0x0], $0xffff;
	v0 =	vadd.f32 v61, v0  }
0xfa: {  	v48 =	vmul.f32 v13, v15;
	v23 =	vld.idx.msk [tilespmem:v56+s20+$0x0], $0xffff;
	v49 =	vor.u32 $0x32, v2;
	v4 =	vadd.f32 v63, v4  }
0xfb: {  	v52 =	vmul.f32 v34, v40;
	v13 =	vld.idx.msk [tilespmem:v58+s22+$0x0], $0xffff;
	v51 =	vor.u32 $0x32, v1;
	v0 =	vadd.f32 v46, v0  }
0xfc: {  	v54 =	vmul.f32 v24, v18;
	v24 =	vld.idx.msk [tilespmem:v45+s22+$0x0], $0xffff;
	v53 =	vor.u32 $0x33, v3;
	v4 =	vadd.f32 v48, v4  }
0xfd: {  	v56 =	vmul.f32 v27, v18;
	v18 =	vld.idx.msk [tilespmem:v47+s18+$0x0], $0xffff;
	v55 =	vor.u32 $0x33, v2;
	v0 =	vadd.f32 v50, v0  }
0xfe: {  	v41 =	vor.u32 $0x35, v3;
	v33 =	vld.idx.msk [tilespmem:v62+s20+$0x0], $0xffff;
	v57 =	vor.u32 $0x33, v1;
	v4 =	vadd.f32 v52, v4  }
0xff: {  	v40 =	vmul.f32 v44, v43;
	v58 =	vmul.f32 v36, v26;
	v15 =	vld.idx.msk [tilespmem:v49+s20+$0x0], $0xffff;
	v0 =	vadd.f32 v54, v0  }
0x100: {  	v60 =	vmul.f32 v35, v26;
	v59 =	vor.u32 $0x34, v3;
	v26 =	vld.idx.msk [tilespmem:v51+s22+$0x0], $0xffff;
	v4 =	vadd.f32 v56, v4  }
0x101: {  	v62 =	vmul.f32 v30, v43;
	v61 =	vor.u32 $0x34, v2;
	v30 =	vld.idx.msk [tilespmem:v53+s18+$0x0], $0xffff;
	v0 =	vadd.f32 v58, v0  }
0x102: {  	v44 =	vmul.f32 v9, v25;
	v43 =	vor.u32 $0x35, v2;
	v35 =	vld.idx.msk [tilespmem:v55+s20+$0x0], $0xffff;
	v4 =	vadd.f32 v60, v4  }
0x103: {  	v42 =	vmul.f32 v10, v25;
	v45 =	vor.u32 $0x35, v1;
	v10 =	vld.idx.msk [tilespmem:v57+s22+$0x0], $0xffff;
	v0 =	vadd.f32 v62, v0  }
0x104: {  	v51 =	vor.u32 $0x36, v1;
	v50 =	vmul.f32 v21, v20;
	v21 =	vld.idx.msk [tilespmem:v41+s18+$0x0], $0xffff;
	v4 =	vadd.f32 v40, v4  }
0x105: {  	v63 =	vor.u32 $0x34, v1;
	v46 =	vmul.f32 v16, v7;
	v9 =	vld.idx.msk [tilespmem:v59+s18+$0x0], $0xffff;
	v0 =	vadd.f32 v42, v0  }
0x106: {  	v47 =	vor.u32 $0x36, v3;
	v48 =	vmul.f32 v17, v7;
	v16 =	vld.idx.msk [tilespmem:v61+s20+$0x0], $0xffff;
	v4 =	vadd.f32 v44, v4  }
0x107: {  	v49 =	vor.u32 $0x36, v2;
	v52 =	vmul.f32 v28, v20;
	v20 =	vld.idx.msk [tilespmem:v43+s20+$0x0], $0xffff;
	v0 =	vadd.f32 v46, v0  }
0x108: {  	v57 =	vor.u32 $0x37, v1;
	v54 =	vmul.f32 v14, v22;
	v14 =	vld.idx.msk [tilespmem:v45+s22+$0x0], $0xffff;
	v4 =	vadd.f32 v48, v4  }
0x109: {  	v36 =	vor.u32 $0x39, v2;
	v28 =	vld.idx.msk [tilespmem:v51+s22+$0x0], $0xffff;
	v0 =	vadd.f32 v50, v0  }
0x10a: {  	v53 =	vor.u32 $0x37, v3;
	v7 =	vld.idx.msk [tilespmem:v63+s22+$0x0], $0xffff;
	v56 =	vmul.f32 v19, v22;
	v4 =	vadd.f32 v52, v4  }
0x10b: {  	v55 =	vor.u32 $0x37, v2;
	v19 =	vld.idx.msk [tilespmem:v47+s18+$0x0], $0xffff;
	v58 =	vmul.f32 v11, v31;
	v0 =	vadd.f32 v54, v0  }
0x10c: {  	v59 =	vor.u32 $0x38, v3;
	v11 =	vld.idx.msk [tilespmem:v49+s20+$0x0], $0xffff;
	v60 =	vmul.f32 v29, v31;
	v4 =	vadd.f32 v56, v4  }
0x10d: {  	v32 =	vor.u32 $0x39, v3;
	v22 =	vld.idx.msk [tilespmem:v57+s22+$0x0], $0xffff;
	v62 =	vmul.f32 v23, v8;
	v0 =	vadd.f32 v58, v0  }
0x10e: {  	v61 =	vor.u32 $0x38, v2;
	v49 =	vld.idx.msk [tilespmem:v36+s20+$0x0], $0xffff;
	v31 =	vmul.f32 v13, v8;
	v4 =	vadd.f32 v60, v4  }
0x10f: {  	v34 =	vmul.f32 v33, v12;
	v47 =	vor.u32 $0x3A, v1;
	v23 =	vld.idx.msk [tilespmem:v53+s18+$0x0], $0xffff;
	v0 =	vadd.f32 v62, v0  }
0x110: {  	v37 =	vmul.f32 v24, v12;
	v63 =	vor.u32 $0x38, v1;
	v8 =	vld.idx.msk [tilespmem:v55+s20+$0x0], $0xffff;
	v4 =	vadd.f32 v31, v4  }
0x111: {  	v12 =	vld.idx.msk [tilespmem:v59+s18+$0x0], $0xffff;
	v53 =	vor.u32 $0x3B, v2;
	v40 =	vmul.f32 v15, v18;
	v0 =	vadd.f32 v34, v0  }
0x112: {  	v43 =	vmul.f32 v26, v18;
	v13 =	vld.idx.msk [tilespmem:v32+s18+$0x0], $0xffff;
	v32 =	vor.u32 $0x3D, v3;
	v4 =	vadd.f32 v37, v4  }
0x113: {  	v41 =	vld.idx.msk [tilespmem:v61+s20+$0x0], $0xffff;
	v42 =	vor.u32 $0x3A, v3;
	v46 =	vmul.f32 v35, v30;
	v0 =	vadd.f32 v40, v0  }
0x114: {  	v38 =	vor.u32 $0x39, v1;
	v61 =	vld.idx.msk [tilespmem:v47+s22+$0x0], $0xffff;
	v48 =	vmul.f32 v10, v30;
	v4 =	vadd.f32 v43, v4  }
0x115: {  	v51 =	vmul.f32 v16, v9;
	v44 =	vld.idx.msk [tilespmem:v63+s22+$0x0], $0xffff;
	v35 =	vor.u32 $0x3D, v2;
	v0 =	vadd.f32 v46, v0  }
0x116: {  	v45 =	vor.u32 $0x3A, v2;
	v17 =	vld.idx.msk [tilespmem:v53+s20+$0x0], $0xffff;
	v54 =	vmul.f32 v7, v9;
	v4 =	vadd.f32 v48, v4  }
0x117: {  	v57 =	vmul.f32 v20, v21;
	v47 =	vld.idx.msk [tilespmem:v32+s18+$0x0], $0xffff;
	v50 =	vor.u32 $0x3B, v3;
	v0 =	vadd.f32 v51, v0  }
0x118: {  	v55 =	vld.idx.msk [tilespmem:v42+s18+$0x0], $0xffff;
	v42 =	vor.u32 $0x3E, v3;
	v60 =	vmul.f32 v14, v21;
	v4 =	vadd.f32 v54, v4  }
0x119: {  	v63 =	vmul.f32 v11, v19;
	v52 =	vld.idx.msk [tilespmem:v38+s22+$0x0], $0xffff;
	v56 =	vor.u32 $0x3B, v1;
	v0 =	vadd.f32 v57, v0  }
0x11a: {  	v59 =	vor.u32 $0x3C, v3;
	v9 =	vld.idx.msk [tilespmem:v35+s20+$0x0], $0xffff;
	v31 =	vmul.f32 v28, v19;
	v4 =	vadd.f32 v60, v4  }
0x11b: {  	v33 =	vmul.f32 v8, v23;
	v58 =	vld.idx.msk [tilespmem:v45+s20+$0x0], $0xffff;
	v62 =	vor.u32 $0x3C, v2;
	v0 =	vadd.f32 v63, v0  }
0x11c: {  	v36 =	vmul.f32 v22, v23;
	v30 =	vor.u32 $0x3C, v1;
	v29 =	vld.idx.msk [tilespmem:v50+s18+$0x0], $0xffff;
	v4 =	vadd.f32 v31, v4  }
0x11d: {  	v3 =	vor.u32 $0x3F, v3;
	v53 =	vld.idx.msk [tilespmem:v42+s18+$0x0], $0xffff;
	v40 =	vmul.f32 v41, v12;
	v0 =	vadd.f32 v33, v0  }
0x11e: {  	v38 =	vor.u32 $0x3D, v1;
	v34 =	vld.idx.msk [tilespmem:v56+s22+$0x0], $0xffff;
	v43 =	vmul.f32 v44, v12;
	v4 =	vadd.f32 v36, v4  }
0x11f: {  	v45 =	vor.u32 $0x3E, v2;
	v37 =	vld.idx.msk [tilespmem:v59+s18+$0x0], $0xffff;
	v46 =	vmul.f32 v49, v13;
	v0 =	vadd.f32 v40, v0  }
0x120: {  	v41 =	vld.idx.msk [tilespmem:v62+s20+$0x0], $0xffff;
	v49 =	vmul.f32 v52, v13;
	v48 =	vor.u32 $0x3E, v1;
	v4 =	vadd.f32 v43, v4  }
0x121: {  	v2 =	vor.u32 $0x3F, v2;
	v50 =	vmul.f32 v58, v55;
	v44 =	vld.idx.msk [tilespmem:v30+s22+$0x0], $0xffff;
	v0 =	vadd.f32 v46, v0  }
0x122: {  	v3 =	vld.idx.msk [tilespmem:v3+s18+$0x0], $0xffff;
	v52 =	vmul.f32 v61, v55;
	v1 =	vor.u32 $0x3F, v1;
	v4 =	vadd.f32 v49, v4  }
0x123: {  	v51 =	vld.idx.msk [tilespmem:v38+s22+$0x0], $0xffff;
	v54 =	vmul.f32 v17, v29;
	v0 =	vadd.f32 v50, v0  }
0x124: {  	v55 =	vld.idx.msk [tilespmem:v45+s20+$0x0], $0xffff;
	v56 =	vmul.f32 v34, v29;
	v4 =	vadd.f32 v52, v4  }
0x125: {  	v58 =	vmul.f32 v41, v37;
	v57 =	vld.idx.msk [tilespmem:v48+s22+$0x0], $0xffff;
	v0 =	vadd.f32 v54, v0  }
0x126: {  	v2 =	vld.idx.msk [tilespmem:v2+s20+$0x0], $0xffff;
	v59 =	vmul.f32 v44, v37;
	v4 =	vadd.f32 v56, v4  }
0x127: {  	v60 =	vmul.f32 v9, v47;
	v1 =	vld.idx.msk [tilespmem:v1+s22+$0x0], $0xffff;
	v0 =	vadd.f32 v58, v0  }
0x128: {  	v61 =	vmul.f32 v51, v47;
	v4 =	vadd.f32 v59, v4  }
0x129: {  	v62 =	vmul.f32 v55, v53;
	v0 =	vadd.f32 v60, v0  }
0x12a: {  	v63 =	vmul.f32 v57, v53;
	v4 =	vadd.f32 v61, v4  }
0x12b: {  	p0 =	sne.s32 s25, $0xF0;
	v2 =	vmul.f32 v2, v3;
	v0 =	vadd.f32 v62, v0  }
.Ltmp1:
0x12c: {  	v1 =	vmul.f32 v1, v3;
	v4 =	vadd.f32 v63, v4;
	(pc) =	sbr.rel @p0 .LBB2_4-.Ltmp1, $4  }
0x12d: {  	v0 =	vadd.f32 v2, v0  }
0x12e: {  	v1 =	vadd.f32 v1, v4  }
0x12f: {  	s14 =	sadd.s32 $0x10, s14;
	s17 =	sadd.s32 $0x10, s17;
	s19 =	sadd.s32 $0x10, s19;
	[tilespmem:s21+$0x0] =	vst v0  }
0x130: {  	s25 =	sadd.s32 $0x10, s25;
	s21 =	sadd.s32 $0x10, s21;
	[tilespmem:s23+$0x0] =	vst v1;
	s23 =	sadd.s32 $0x10, s23  }
0x131: {  	s14 =	simm.s32 $0xC00  }
0x132: {  	[tilespmem:s20], [sflag:$0x2] =	stream.indirect.gather [hbm4b:s5+s16], $0x80, s14, s16, $0xb8;
	[tilespmem:$0x19400] =	vst v63  }
0x133: {  	s23 =	simm.s32 $0xC80  }
0x134: {  	[tilespmem:s26], [sflag:$0x2] =	stream.indirect.gather [hbm4b:s5+s16], $0x80, s23, s16, $0xb8;
	[tilespmem:$0x19400] =	vst v63  }
0x135: {  	_ =	swait.ge [sflag:s30], $0x4000  }
0x136: {  	[sflag:s30] =	ssyncset.done $0x0  }
0x137: {  	[sflag:s30] =	ssyncadd.s32 $0xFFFFC000  }
0x138: {  	_ =	swait.ge [sflag:s30], $0x4000  }
0x139: {  	[sflag:s30] =	ssyncset.done $0x0  }
0x13a: {  	s25 =	simm.s32 $0x0;
	[sflag:s30] =	ssyncadd.s32 $0xFFFFC000  }
0x13b: {  	v0 =	vld [tilespmem:s25+$0x0];
	_ =	sdelay $0x2  }
0x13c: {  	v1 =	vmov s25  }
0x13d: {  	v1 =	vshll.u32 v1, $0x7  }
0x13e: {  	s17 =	simm.s32 $0x19200;
	v1 =	vor.u32 v39, v1;
	v0 =	vand.u32 $0x7F, v0  }
0x13f: {  	s14 =	simm.s32 $0x19000;
	v2 =	vld [tilespmem:s17+$0x0];
	v0 =	vor.u32 v1, v0  }
0x140: {  	v1 =	vld [tilespmem:s14+$0x0];
	_ =	sdelay $0x3  }
0x141: {  	v0 =	vld.idx.msk [tilespmem:v0+s20+$0x0], $0xffff  }
0x142: {  	v1 =	vadd.f32 v2, v1;
	_ =	sdelay $0x1  }
0x143: {  	v1 =	vmul.f32 $5.000000000e-01, v1;
	_ =	sdelay $0x1  }
0x144: {  	v0 =	vadd.f32 v1, v0  }
0x145: {  	s19 =	simm.s32 $0x18E00  }
0x146: {  	s21 =	simm.s32 $0x10;
	[tilespmem:s19+$0x0] =	vst v0  }
0x147: {  	s23 =	simm.s32 $0x20;
	s25 =	simm.s32 $0x10;
	v1 =	vld [tilespmem:s21+$0x0]  }
.LBB2_6:
0x148: {  	p0 =	sne.s32 s23, $0xF0;
	_ =	sdelay $0x1  }
0x149: {  	v0 =	vmov s21;
	s21 =	smov.u32 s23  }
0x14a: {  	v0 =	vshll.u32 v0, $0x7  }
0x14b: {  	v0 =	vor.u32 v39, v0;
	v1 =	vand.u32 $0x7F, v1  }
0x14c: {  	s14 =	sadd.s32 $0x10, s14;
	v0 =	vor.u32 v0, v1  }
0x14d: {  	s17 =	sadd.s32 $0x10, s17;
	v1 =	vld [tilespmem:s14+$0x0]  }
0x14e: {  	v2 =	vld [tilespmem:s17+$0x0];
	_ =	sdelay $0x2  }
0x14f: {  	v0 =	vld.idx.msk [tilespmem:v0+s20+$0x0], $0xffff;
	_ =	sdelay $0x1  }
0x150: {  	v1 =	vadd.f32 v2, v1;
	_ =	sdelay $0x1  }
0x151: {  	v1 =	vmul.f32 $5.000000000e-01, v1  }
.Ltmp2:
0x152: {  	(pc) =	sbr.rel @p0 .LBB2_6-.Ltmp2, $4  }
0x153: {  	v0 =	vadd.f32 v1, v0  }
0x154: {  	s19 =	sadd.s32 $0x10, s19  }
0x155: {  	s25 =	sadd.s32 $0x10, s25;
	[tilespmem:s19+$0x0] =	vst v0  }
0x156: {  	s23 =	sadd.s32 $0x10, s23;
	v1 =	vld [tilespmem:s25+$0x0]  }
0x157: {  	_ =	sdelay $0x1  }
0x158: {  	v0 =	vmov s21  }
0x159: {  	v0 =	vshll.u32 v0, $0x7  }
0x15a: {  	s14 =	sadd.s32 $0x10, s14;
	v0 =	vor.u32 v39, v0;
	v1 =	vand.u32 $0x7F, v1  }
0x15b: {  	s21 =	sadd.s32 $0x10, s17;
	v63 =	vld [tilespmem:s14+$0x0];
	v0 =	vor.u32 v0, v1  }
0x15c: {  	v2 =	vld [tilespmem:s21+$0x0];
	_ =	sdelay $0x3  }
0x15d: {  	v0 =	vld.idx.msk [tilespmem:v0+s20+$0x0], $0xffff  }
0x15e: {  	v1 =	vadd.f32 v2, v63;
	_ =	sdelay $0x1  }
0x15f: {  	v1 =	vmul.f32 $5.000000000e-01, v1;
	_ =	sdelay $0x1  }
0x160: {  	v0 =	vadd.f32 v1, v0  }
0x161: {  	s23 =	sadd.s32 $0x10, s19  }
0x162: {  	s25 =	simm.s32 $0x700;
	[tilespmem:s23+$0x0] =	vst v0  }
0x163: {  	[tilespmem:s18], [sflag:$0x2] =	stream.indirect.gather [hbm4b:s3+s16], $0x80, s25, s16, $0xb8;
	[tilespmem:$0x19400] =	vst v63  }
0x164: {  	s17 =	simm.s32 $0x900  }
0x165: {  	[tilespmem:s20], [sflag:$0x2] =	stream.indirect.gather [hbm4b:s4+s16], $0x80, s17, s16, $0xb8;
	[tilespmem:$0x19400] =	vst v63  }
0x166: {  	s19 =	simm.s32 $0xB00  }
0x167: {  	[tilespmem:s22], [sflag:$0x2] =	stream.indirect.gather [hbm4b:s4+s16], $0x80, s19, s16, $0xb8;
	[tilespmem:$0x19400] =	vst v63  }
0x168: {  	s21 =	simm.s32 $0x780  }
0x169: {  	[tilespmem:s24], [sflag:$0x2] =	stream.indirect.gather [hbm4b:s3+s16], $0x80, s21, s16, $0xb8;
	[tilespmem:$0x19400] =	vst v63  }
0x16a: {  	s23 =	simm.s32 $0x980  }
0x16b: {  	[tilespmem:s26], [sflag:$0x2] =	stream.indirect.gather [hbm4b:s4+s16], $0x80, s23, s16, $0xb8;
	[tilespmem:$0x19400] =	vst v63  }
0x16c: {  	s25 =	simm.s32 $0xB80  }
0x16d: {  	[tilespmem:s29], [sflag:$0x2] =	stream.indirect.gather [hbm4b:s4+s16], $0x80, s25, s16, $0xb8;
	[tilespmem:$0x19400] =	vst v63  }
0x16e: {  	_ =	swait.ge [sflag:s30], $0x4000  }
0x16f: {  	[sflag:s30] =	ssyncset.done $0x0  }
0x170: {  	[sflag:s30] =	ssyncadd.s32 $0xFFFFC000  }
0x171: {  	_ =	swait.ge [sflag:s30], $0x4000  }
0x172: {  	[sflag:s30] =	ssyncset.done $0x0  }
0x173: {  	[sflag:s30] =	ssyncadd.s32 $0xFFFFC000  }
0x174: {  	_ =	swait.ge [sflag:s30], $0x4000  }
0x175: {  	[sflag:s30] =	ssyncset.done $0x0  }
0x176: {  	[sflag:s30] =	ssyncadd.s32 $0xFFFFC000  }
0x177: {  	_ =	swait.ge [sflag:s30], $0x4000  }
0x178: {  	[sflag:s30] =	ssyncset.done $0x0  }
0x179: {  	[sflag:s30] =	ssyncadd.s32 $0xFFFFC000  }
0x17a: {  	_ =	swait.ge [sflag:s30], $0x4000  }
0x17b: {  	[sflag:s30] =	ssyncset.done $0x0  }
0x17c: {  	[sflag:s30] =	ssyncadd.s32 $0xFFFFC000  }
0x17d: {  	s14 =	simm.s32 $0x0;
	s17 =	simm.s32 $0x19300;
	_ =	swait.ge [sflag:s30], $0x4000  }
0x17e: {  	s19 =	simm.s32 $0x19100;
	s21 =	simm.s32 $0x500;
	[sflag:s30] =	ssyncset.done $0x0  }
0x17f: {  	s23 =	simm.s32 $0x300;
	s25 =	simm.s32 $0x100;
	[sflag:s30] =	ssyncadd.s32 $0xFFFFC000  }
.LBB2_8:
0x180: {  	v0 =	vld [tilespmem:s25+$0x0]  }
0x181: {  	v1 =	vld [tilespmem:s23+$0x0]  }
0x182: {  	v2 =	vld [tilespmem:s21+$0x0];
	_ =	sdelay $0x1  }
0x183: {  	v3 =	vmov s14  }
0x184: {  	v3 =	vshll.u32 v3, $0x7;
	v0 =	vshll.u32 v0, $0x6  }
0x185: {  	v4 =	vor.u32 v39, v3;
	v1 =	vshll.u32 v1, $0x6;
	v0 =	vand.u32 $0x40, v0  }
0x186: {  	v2 =	vshll.u32 v2, $0x6;
	v1 =	vand.u32 $0x40, v1;
	v3 =	vor.u32 v4, v0  }
0x187: {  	v59 =	vand.u32 $0x40, v2;
	v2 =	vor.u32 v4, v1;
	v5 =	vor.u32 $0x1, v3  }
0x188: {  	v1 =	vor.u32 v4, v59;
	v60 =	vor.u32 $0x1, v2  }
0x189: {  	v4 =	vor.u32 $0x1, v1  }
0x18a: {  	v7 =	vor.u32 $0x2, v3  }
0x18b: {  	v8 =	vor.u32 $0x2, v2  }
0x18c: {  	v61 =	vor.u32 $0x2, v1;
	v11 =	vld.idx.msk [tilespmem:v5+s18+$0x0], $0xffff  }
0x18d: {  	v62 =	vor.u32 $0x3, v3;
	v20 =	vld.idx.msk [tilespmem:v60+s20+$0x0], $0xffff  }
0x18e: {  	v63 =	vor.u32 $0x3, v2;
	v21 =	vld.idx.msk [tilespmem:v4+s22+$0x0], $0xffff  }
0x18f: {  	v12 =	vor.u32 $0x3, v1;
	v18 =	vld.idx.msk [tilespmem:v7+s18+$0x0], $0xffff  }
0x190: {  	v13 =	vor.u32 $0x4, v3;
	v25 =	vld.idx.msk [tilespmem:v8+s20+$0x0], $0xffff  }
0x191: {  	v14 =	vor.u32 $0x4, v2;
	v26 =	vld.idx.msk [tilespmem:v61+s22+$0x0], $0xffff  }
0x192: {  	v15 =	vor.u32 $0x4, v1;
	v34 =	vld.idx.msk [tilespmem:v62+s18+$0x0], $0xffff  }
0x193: {  	v16 =	vor.u32 $0x5, v3;
	v23 =	vld.idx.msk [tilespmem:v63+s20+$0x0], $0xffff  }
0x194: {  	v17 =	vor.u32 $0x5, v2;
	v35 =	vld.idx.msk [tilespmem:v12+s22+$0x0], $0xffff  }
0x195: {  	v22 =	vor.u32 $0x6, v3;
	v27 =	vld.idx.msk [tilespmem:v13+s18+$0x0], $0xffff  }
0x196: {  	v32 =	vor.u32 $0x6, v2;
	v24 =	vld.idx.msk [tilespmem:v14+s20+$0x0], $0xffff  }
0x197: {  	v33 =	vor.u32 $0x6, v1;
	v43 =	vld.idx.msk [tilespmem:v15+s22+$0x0], $0xffff  }
0x198: {  	v38 =	vor.u32 $0x7, v2;
	v36 =	vld.idx.msk [tilespmem:v16+s18+$0x0], $0xffff  }
0x199: {  	v40 =	vor.u32 $0x7, v1;
	v29 =	vld.idx.msk [tilespmem:v17+s20+$0x0], $0xffff  }
0x19a: {  	v41 =	vor.u32 $0x8, v3;
	v52 =	vld.idx.msk [tilespmem:v22+s18+$0x0], $0xffff  }
0x19b: {  	v42 =	vor.u32 $0x8, v2;
	v30 =	vld.idx.msk [tilespmem:v32+s20+$0x0], $0xffff  }
0x19c: {  	v48 =	vor.u32 $0x8, v1;
	v53 =	vld.idx.msk [tilespmem:v33+s22+$0x0], $0xffff  }
0x19d: {  	v49 =	vor.u32 $0x9, v3;
	v32 =	vld.idx.msk [tilespmem:v38+s20+$0x0], $0xffff  }
0x19e: {  	v50 =	vor.u32 $0x9, v2;
	v60 =	vld.idx.msk [tilespmem:v40+s22+$0x0], $0xffff  }
0x19f: {  	v51 =	vor.u32 $0x9, v1;
	v54 =	vld.idx.msk [tilespmem:v41+s18+$0x0], $0xffff  }
0x1a0: {  	v57 =	vor.u32 $0xA, v3;
	v33 =	vld.idx.msk [tilespmem:v42+s20+$0x0], $0xffff  }
0x1a1: {  	v58 =	vor.u32 $0xA, v2;
	v61 =	vld.idx.msk [tilespmem:v48+s22+$0x0], $0xffff  }
0x1a2: {  	v59 =	vor.u32 $0xA, v1;
	v55 =	vld.idx.msk [tilespmem:v49+s18+$0x0], $0xffff  }
0x1a3: {  	v28 =	vor.u32 $0xD, v1;
	v38 =	vld.idx.msk [tilespmem:v50+s20+$0x0], $0xffff  }
0x1a4: {  	v12 =	vor.u32 $0xB, v3;
	v62 =	vld.idx.msk [tilespmem:v51+s22+$0x0], $0xffff  }
0x1a5: {  	v13 =	vor.u32 $0xB, v2;
	v49 =	vld.idx.msk [tilespmem:v57+s18+$0x0], $0xffff  }
0x1a6: {  	v63 =	vld.idx.msk [tilespmem:v58+s20+$0x0], $0xffff;
	v17 =	vor.u32 $0xC, v1  }
0x1a7: {  	v14 =	vor.u32 $0xB, v1;
	v58 =	vld.idx.msk [tilespmem:v59+s22+$0x0], $0xffff  }
0x1a8: {  	v15 =	vor.u32 $0xC, v3;
	v47 =	vld.idx.msk [tilespmem:v28+s22+$0x0], $0xffff  }
0x1a9: {  	v16 =	vor.u32 $0xC, v2;
	v46 =	vld.idx.msk [tilespmem:v12+s18+$0x0], $0xffff  }
0x1aa: {  	v41 =	vor.u32 $0xE, v2;
	v59 =	vld.idx.msk [tilespmem:v13+s20+$0x0], $0xffff  }
0x1ab: {  	v50 =	vld.idx.msk [tilespmem:v17+s22+$0x0], $0xffff;
	v17 =	vor.u32 $0x10, v1  }
0x1ac: {  	v42 =	vor.u32 $0xE, v1;
	v56 =	vld.idx.msk [tilespmem:v14+s22+$0x0], $0xffff  }
0x1ad: {  	v40 =	vld.idx.msk [tilespmem:v15+s18+$0x0], $0xffff;
	v12 =	vor.u32 $0xF, v3  }
0x1ae: {  	v57 =	vld.idx.msk [tilespmem:v16+s20+$0x0], $0xffff;
	v16 =	vor.u32 $0x10, v2  }
0x1af: {  	v13 =	vor.u32 $0xF, v2;
	v48 =	vld.idx.msk [tilespmem:v41+s20+$0x0], $0xffff  }
0x1b0: {  	v22 =	vor.u32 $0xD, v2;
	v4 =	vld.idx.msk [tilespmem:v17+s22+$0x0], $0xffff  }
0x1b1: {  	v15 =	vor.u32 $0x10, v3;
	v41 =	vld.idx.msk [tilespmem:v42+s22+$0x0], $0xffff  }
0x1b2: {  	v28 =	vld.idx.msk [tilespmem:v12+s18+$0x0], $0xffff;
	v12 =	vor.u32 $0x11, v2  }
0x1b3: {  	v19 =	vor.u32 $0x5, v1;
	v0 =	vld.idx.msk [tilespmem:v16+s20+$0x0], $0xffff  }
0x1b4: {  	v42 =	vld.idx.msk [tilespmem:v13+s20+$0x0], $0xffff;
	v13 =	vor.u32 $0x11, v1  }
0x1b5: {  	v51 =	vld.idx.msk [tilespmem:v22+s20+$0x0], $0xffff;
	[tilespmem:$0x1FE00] =	vst v4;
	v4 =	vor.u32 $0x12, v2  }
0x1b6: {  	v14 =	vor.u32 $0xF, v1;
	v22 =	vld.idx.msk [tilespmem:v15+s18+$0x0], $0xffff  }
0x1b7: {  	v7 =	vor.u32 $0x12, v1;
	v15 =	vld.idx.msk [tilespmem:v12+s20+$0x0], $0xffff  }
0x1b8: {  	v44 =	vld.idx.msk [tilespmem:v19+s22+$0x0], $0xffff;
	[tilespmem:$0x1FDF0] =	vst v0;
	v0 =	vor.u32 $0x13, v1  }
0x1b9: {  	v16 =	vor.u32 $0x13, v3;
	v5 =	vld.idx.msk [tilespmem:v13+s22+$0x0], $0xffff  }
0x1ba: {  	v17 =	vor.u32 $0x13, v2;
	v4 =	vld.idx.msk [tilespmem:v4+s20+$0x0], $0xffff  }
0x1bb: {  	v6 =	vld.idx.msk [tilespmem:v14+s22+$0x0], $0xffff  }
0x1bc: {  	[tilespmem:$0x1FE10] =	vst v15;
	v15 =	vld.idx.msk [tilespmem:v7+s22+$0x0], $0xffff  }
0x1bd: {  	v7 =	vor.u32 $0x14, v2;
	v0 =	vld.idx.msk [tilespmem:v0+s22+$0x0], $0xffff  }
0x1be: {  	v12 =	vld.idx.msk [tilespmem:v16+s18+$0x0], $0xffff;
	v16 =	vor.u32 $0x14, v1;
	[tilespmem:$0x1FE20] =	vst v5  }
0x1bf: {  	v5 =	vld.idx.msk [tilespmem:v17+s20+$0x0], $0xffff;
	[tilespmem:$0x1FE30] =	vst v4;
	v4 =	vor.u32 $0x14, v3  }
0x1c0: {  	v9 =	vor.u32 $0x15, v1;
	v8 =	vld.idx.msk [tilespmem:v3+s18+$0x0], $0xffff  }
0x1c1: {  	[tilespmem:$0x1FDE0] =	vst v6;
	v6 =	vld.idx.msk [tilespmem:v2+s20+$0x0], $0xffff  }
0x1c2: {  	[tilespmem:$0x1FE60] =	vst v0;
	v0 =	vor.u32 $0x15, v2;
	v10 =	vld.idx.msk [tilespmem:v7+s20+$0x0], $0xffff  }
0x1c3: {  	[tilespmem:$0x1FE40] =	vst v15;
	v15 =	vld.idx.msk [tilespmem:v16+s22+$0x0], $0xffff;
	v16 =	vor.u32 $0x16, v3  }
0x1c4: {  	[tilespmem:$0x1FE50] =	vst v5;
	v5 =	vor.u32 $0x16, v1;
	v13 =	vld.idx.msk [tilespmem:v4+s18+$0x0], $0xffff  }
0x1c5: {  	v7 =	vor.u32 $0x17, v3;
	v4 =	vld.idx.msk [tilespmem:v9+s22+$0x0], $0xffff  }
0x1c6: {  	v37 =	vor.u32 $0x7, v3;
	v9 =	vld.idx.msk [tilespmem:v1+s22+$0x0], $0xffff  }
0x1c7: {  	v19 =	vor.u32 $0xD, v3;
	[tilespmem:$0x1FE70] =	vst v10;
	v0 =	vld.idx.msk [tilespmem:v0+s20+$0x0], $0xffff  }
0x1c8: {  	[tilespmem:$0x1FE80] =	vst v15;
	v10 =	vor.u32 $0x17, v2;
	v15 =	vld.idx.msk [tilespmem:v16+s18+$0x0], $0xffff  }
0x1c9: {  	v31 =	vor.u32 $0xE, v3;
	v5 =	vld.idx.msk [tilespmem:v5+s22+$0x0], $0xffff  }
0x1ca: {  	v6 =	vmul.f32 v6, v8;
	v16 =	vld.idx.msk [tilespmem:v7+s18+$0x0], $0xffff;
	v7 =	vor.u32 $0x18, v1  }
0x1cb: {  	v45 =	vld.idx.msk [tilespmem:v37+s18+$0x0], $0xffff;
	[tilespmem:$0x1FEA0] =	vst v4;
	v4 =	vor.u32 $0x16, v2;
	v8 =	vmul.f32 v9, v8  }
0x1cc: {  	v37 =	vld.idx.msk [tilespmem:v19+s18+$0x0], $0xffff;
	v20 =	vmul.f32 v20, v11;
	v6 =	vadd.f32 $0.0e+00, v6;
	[tilespmem:$0x1FE90] =	vst v0;
	v0 =	vor.u32 $0x17, v1  }
0x1cd: {  	v19 =	vor.u32 $0x11, v3;
	v11 =	vmul.f32 v21, v11;
	v9 =	vld.idx.msk [tilespmem:v10+s20+$0x0], $0xffff;
	v8 =	vadd.f32 $0.0e+00, v8  }
0x1ce: {  	v31 =	vld.idx.msk [tilespmem:v31+s18+$0x0], $0xffff;
	v6 =	vadd.f32 v20, v6;
	v20 =	vmul.f32 v25, v18;
	[tilespmem:$0x1FEC0] =	vst v5;
	v5 =	vor.u32 $0x18, v2  }
0x1cf: {  	v8 =	vadd.f32 v11, v8;
	v11 =	vmul.f32 v26, v18;
	v26 =	vld.idx.msk [tilespmem:v7+s22+$0x0], $0xffff;
	v7 =	vor.u32 $0x1A, v2  }
0x1d0: {  	v14 =	vor.u32 $0x12, v3;
	v6 =	vadd.f32 v20, v6;
	v20 =	vmul.f32 v23, v34;
	v4 =	vld.idx.msk [tilespmem:v4+s20+$0x0], $0xffff  }
0x1d1: {  	v17 =	vor.u32 $0x15, v3;
	v0 =	vld.idx.msk [tilespmem:v0+s22+$0x0], $0xffff;
	v8 =	vadd.f32 v11, v8;
	v11 =	vmul.f32 v35, v34  }
0x1d2: {  	v19 =	vld.idx.msk [tilespmem:v19+s18+$0x0], $0xffff;
	v6 =	vadd.f32 v20, v6;
	v20 =	vmul.f32 v24, v27;
	[tilespmem:$0x1FED0] =	vst v9;
	v9 =	vor.u32 $0x19, v3  }
0x1d3: {  	v25 =	vld.idx.msk [tilespmem:v5+s20+$0x0], $0xffff;
	v5 =	vor.u32 $0x1A, v3;
	v8 =	vadd.f32 v11, v8;
	v11 =	vmul.f32 v43, v27  }
0x1d4: {  	v24 =	vmul.f32 v29, v36;
	v6 =	vadd.f32 v20, v6;
	v43 =	vld.idx.msk [tilespmem:v7+s20+$0x0], $0xffff;
	v7 =	vor.u32 $0x1C, v3  }
0x1d5: {  	v14 =	vld.idx.msk [tilespmem:v14+s18+$0x0], $0xffff;
	v29 =	vmul.f32 v44, v36;
	[tilespmem:$0x1FEB0] =	vst v4;
	v4 =	vor.u32 $0x18, v3;
	v8 =	vadd.f32 v11, v8  }
0x1d6: {  	v30 =	vmul.f32 v30, v52;
	v17 =	vld.idx.msk [tilespmem:v17+s18+$0x0], $0xffff;
	v6 =	vadd.f32 v24, v6;
	[tilespmem:$0x1FEE0] =	vst v0;
	v0 =	vor.u32 $0x19, v2  }
0x1d7: {  	v24 =	vmul.f32 v53, v52;
	v18 =	vld.idx.msk [tilespmem:v9+s18+$0x0], $0xffff;
	v9 =	vor.u32 $0x1A, v1;
	v8 =	vadd.f32 v29, v8  }
0x1d8: {  	v6 =	vadd.f32 v30, v6;
	v30 =	vmul.f32 v60, v45;
	v27 =	vld.idx.msk [tilespmem:v5+s18+$0x0], $0xffff;
	v5 =	vor.u32 $0x1B, v1  }
0x1d9: {  	v29 =	vmul.f32 v32, v45;
	v8 =	vadd.f32 v24, v8;
	v45 =	vld.idx.msk [tilespmem:v7+s18+$0x0], $0xffff;
	v7 =	vor.u32 $0x1D, v1  }
0x1da: {  	v24 =	vmul.f32 v38, v55;
	v38 =	vmul.f32 v58, v49;
	v58 =	vor.u32 $0x1F, v1;
	v10 =	vld.idx.msk [tilespmem:v4+s18+$0x0], $0xffff  }
0x1db: {  	v32 =	vmul.f32 v33, v54;
	v6 =	vadd.f32 v29, v6;
	v4 =	vor.u32 $0x19, v1;
	v34 =	vld.idx.msk [tilespmem:v0+s20+$0x0], $0xffff  }
0x1dc: {  	v0 =	vor.u32 $0x1B, v3;
	v44 =	vld.idx.msk [tilespmem:v9+s22+$0x0], $0xffff  }
0x1dd: {  	v9 =	vor.u32 $0x1C, v2;
	v53 =	vld.idx.msk [tilespmem:v5+s22+$0x0], $0xffff;
	v6 =	vadd.f32 v32, v6  }
0x1de: {  	v5 =	vor.u32 $0x1D, v2;
	v32 =	vmul.f32 v62, v55;
	v55 =	vld.idx.msk [tilespmem:v7+s22+$0x0], $0xffff  }
0x1df: {  	v29 =	vor.u32 $0x1E, v1;
	v6 =	vadd.f32 v24, v6;
	v24 =	vld.idx.msk [tilespmem:v58+s22+$0x0], $0xffff  }
0x1e0: {  	v11 =	vor.u32 $0x1F, v3;
	v33 =	vmul.f32 v61, v54;
	v8 =	vadd.f32 v30, v8;
	v35 =	vld.idx.msk [tilespmem:v4+s22+$0x0], $0xffff  }
0x1e1: {  	v4 =	vor.u32 $0x1B, v2;
	v36 =	vld.idx.msk [tilespmem:v0+s18+$0x0], $0xffff  }
0x1e2: {  	v30 =	vadd.f32 v33, v8;
	v33 =	vmul.f32 v63, v49;
	v0 =	vor.u32 $0x1C, v1;
	v60 =	vld.idx.msk [tilespmem:v9+s20+$0x0], $0xffff  }
0x1e3: {  	v9 =	vor.u32 $0x1E, v3;
	v5 =	vld.idx.msk [tilespmem:v5+s20+$0x0], $0xffff  }
0x1e4: {  	v7 =	vor.u32 $0x1F, v2;
	v8 =	vadd.f32 v32, v30;
	v30 =	vadd.f32 v33, v6;
	v6 =	vld.idx.msk [tilespmem:v29+s22+$0x0], $0xffff  }
0x1e5: {  	v32 =	vmul.f32 v59, v46;
	v33 =	vor.u32 $0x20, v3;
	v59 =	vmul.f32 v56, v46;
	v46 =	vld.idx.msk [tilespmem:v11+s18+$0x0], $0xffff  }
0x1e6: {  	v63 =	vor.u32 $0x20, v1;
	v52 =	vld.idx.msk [tilespmem:v4+s20+$0x0], $0xffff  }
0x1e7: {  	v61 =	vld.idx.msk [tilespmem:v0+s22+$0x0], $0xffff  }
0x1e8: {  	v11 =	vor.u32 $0x24, v3;
	v49 =	vld.idx.msk [tilespmem:v9+s18+$0x0], $0xffff  }
0x1e9: {  	v62 =	vmul.f32 v57, v40;
	v20 =	vadd.f32 v32, v30;
	v9 =	vld.idx.msk [tilespmem:v7+s20+$0x0], $0xffff  }
0x1ea: {  	v57 =	vor.u32 $0x21, v2;
	v58 =	vmul.f32 v47, v37;
	v56 =	vmul.f32 v51, v37;
	v37 =	vld.idx.msk [tilespmem:v33+s18+$0x0], $0xffff  }
0x1eb: {  	v8 =	vadd.f32 v38, v8;
	v38 =	vmul.f32 v50, v40;
	v50 =	vadd.f32 v62, v20;
	v7 =	vld.idx.msk [tilespmem:v63+s22+$0x0], $0xffff  }
0x1ec: {  	v4 =	vor.u32 $0x1D, v3;
	v63 =	vmul.f32 v42, v28;
	v42 =	vld [tilespmem:$0x1FE30]  }
0x1ed: {  	v47 =	vmul.f32 v48, v31;
	v0 =	vor.u32 $0x1E, v2;
	v11 =	vld.idx.msk [tilespmem:v11+s18+$0x0], $0xffff;
	v20 =	vadd.f32 v56, v50  }
0x1ee: {  	v21 =	vor.u32 $0x20, v2;
	v56 =	vld [tilespmem:$0x1FDE0]  }
0x1ef: {  	v8 =	vadd.f32 v59, v8;
	v59 =	vor.u32 $0x21, v1;
	v62 =	vadd.f32 v47, v20;
	v20 =	vld.idx.msk [tilespmem:v57+s20+$0x0], $0xffff  }
0x1f0: {  	v57 =	vld [tilespmem:$0x1FDF0]  }
0x1f1: {  	v40 =	vor.u32 $0x21, v3;
	v8 =	vadd.f32 v38, v8;
	v54 =	vld.idx.msk [tilespmem:v4+s18+$0x0], $0xffff  }
0x1f2: {  	v51 =	vor.u32 $0x22, v2;
	v4 =	vld.idx.msk [tilespmem:v0+s20+$0x0], $0xffff  }
0x1f3: {  	v50 =	vmul.f32 v41, v31;
	v8 =	vadd.f32 v58, v8;
	v0 =	vld.idx.msk [tilespmem:v21+s20+$0x0], $0xffff  }
0x1f4: {  	v47 =	vor.u32 $0x22, v1;
	v21 =	vld.idx.msk [tilespmem:v59+s22+$0x0], $0xffff  }
0x1f5: {  	v48 =	vor.u32 $0x22, v3;
	v8 =	vadd.f32 v50, v8;
	v59 =	vld [tilespmem:$0x1FE00];
	v28 =	vmul.f32 v56, v28  }
0x1f6: {  	v31 =	vld.idx.msk [tilespmem:v40+s18+$0x0], $0xffff  }
0x1f7: {  	v8 =	vadd.f32 v28, v8;
	v28 =	vld.idx.msk [tilespmem:v51+s20+$0x0], $0xffff  }
0x1f8: {  	v51 =	vld [tilespmem:$0x1FE20]  }
0x1f9: {  	v23 =	vadd.f32 v63, v62;
	v29 =	vld.idx.msk [tilespmem:v47+s22+$0x0], $0xffff  }
0x1fa: {  	v58 =	vmul.f32 v57, v22;
	v57 =	vor.u32 $0x24, v2;
	v62 =	vmul.f32 v59, v22;
	v22 =	vld.idx.msk [tilespmem:v48+s18+$0x0], $0xffff  }
0x1fb: {  	v48 =	vld [tilespmem:$0x1FE10]  }
0x1fc: {  	v40 =	vor.u32 $0x23, v3;
	v23 =	vadd.f32 v58, v23;
	v58 =	vld [tilespmem:$0x1FE40]  }
0x1fd: {  	v32 =	vor.u32 $0x23, v2;
	v59 =	vld [tilespmem:$0x1FE50]  }
0x1fe: {  	v56 =	vmul.f32 v51, v19;
	v51 =	vld [tilespmem:$0x1FE70]  }
0x1ff: {  	v30 =	vld.idx.msk [tilespmem:v57+s20+$0x0], $0xffff  }
0x200: {  	v57 =	vld [tilespmem:$0x1FE80]  }
0x201: {  	v8 =	vadd.f32 v62, v8;
	v50 =	vmul.f32 v48, v19;
	v19 =	vld.idx.msk [tilespmem:v40+s18+$0x0], $0xffff  }
0x202: {  	v63 =	vor.u32 $0x23, v1;
	v47 =	vmul.f32 v42, v14;
	v33 =	vmul.f32 v58, v14;
	v14 =	vld.idx.msk [tilespmem:v32+s20+$0x0], $0xffff  }
0x203: {  	v8 =	vadd.f32 v56, v8;
	v58 =	vld [tilespmem:$0x1FE90]  }
0x204: {  	v48 =	vor.u32 $0x24, v1;
	v23 =	vadd.f32 v50, v23;
	v50 =	vld [tilespmem:$0x1FE60]  }
0x205: {  	v62 =	vmul.f32 v59, v12;
	v8 =	vadd.f32 v33, v8;
	v42 =	vmul.f32 v51, v13;
	v51 =	vld [tilespmem:$0x1FEC0]  }
0x206: {  	v33 =	vor.u32 $0x25, v1;
	v13 =	vmul.f32 v57, v13;
	v57 =	vld [tilespmem:$0x1FED0];
	v41 =	vadd.f32 v47, v23  }
0x207: {  	v23 =	vld.idx.msk [tilespmem:v63+s22+$0x0], $0xffff  }
0x208: {  	v32 =	vor.u32 $0x25, v3;
	v41 =	vadd.f32 v62, v41;
	v62 =	vld [tilespmem:$0x1FEA0]  }
0x209: {  	v25 =	vmul.f32 v25, v10;
	v63 =	vor.u32 $0x25, v2;
	v12 =	vmul.f32 v50, v12;
	v50 =	vld [tilespmem:$0x1FEB0]  }
0x20a: {  	v40 =	vld.idx.msk [tilespmem:v48+s22+$0x0], $0xffff;
	v48 =	vor.u32 $0x26, v2;
	v59 =	vmul.f32 v58, v17;
	v41 =	vadd.f32 v42, v41  }
0x20b: {  	v10 =	vmul.f32 v26, v10;
	v56 =	vor.u32 $0x26, v3;
	v33 =	vld.idx.msk [tilespmem:v33+s22+$0x0], $0xffff;
	v12 =	vadd.f32 v12, v8  }
0x20c: {  	v34 =	vmul.f32 v34, v18;
	v58 =	vor.u32 $0x28, v3;
	v41 =	vadd.f32 v59, v41;
	v59 =	vld [tilespmem:$0x1FEE0]  }
0x20d: {  	v8 =	vld.idx.msk [tilespmem:v32+s18+$0x0], $0xffff;
	v32 =	vor.u32 $0x26, v1;
	v12 =	vadd.f32 v13, v12;
	v13 =	vmul.f32 v62, v17  }
0x20e: {  	v17 =	vld.idx.msk [tilespmem:v63+s20+$0x0], $0xffff;
	v63 =	vor.u32 $0x27, v3;
	v62 =	vor.u32 $0x28, v2;
	v42 =	vmul.f32 v50, v15  }
0x20f: {  	v48 =	vld.idx.msk [tilespmem:v48+s20+$0x0], $0xffff;
	v50 =	vor.u32 $0x27, v2;
	v12 =	vadd.f32 v13, v12;
	v13 =	vmul.f32 v51, v15  }
0x210: {  	v15 =	vld.idx.msk [tilespmem:v56+s18+$0x0], $0xffff;
	v56 =	vor.u32 $0x27, v1;
	v41 =	vadd.f32 v42, v41;
	v42 =	vmul.f32 v57, v16  }
0x211: {  	v57 =	vmul.f32 v35, v18;
	v18 =	vld.idx.msk [tilespmem:v58+s18+$0x0], $0xffff;
	v12 =	vadd.f32 v13, v12;
	v13 =	vmul.f32 v59, v16  }
0x212: {  	v51 =	vmul.f32 v52, v36;
	v52 =	vor.u32 $0x2A, v1;
	v16 =	vld.idx.msk [tilespmem:v32+s22+$0x0], $0xffff;
	v41 =	vadd.f32 v42, v41  }
0x213: {  	v53 =	vmul.f32 v53, v36;
	v58 =	vor.u32 $0x29, v1;
	v38 =	vld.idx.msk [tilespmem:v63+s18+$0x0], $0xffff;
	v12 =	vadd.f32 v13, v12  }
0x214: {  	v6 =	vmul.f32 v6, v49;
	v63 =	vor.u32 $0x28, v1;
	v32 =	vld.idx.msk [tilespmem:v62+s20+$0x0], $0xffff;
	v25 =	vadd.f32 v25, v41  }
0x215: {  	v59 =	vmul.f32 v43, v27;
	v43 =	vor.u32 $0x2A, v3;
	v13 =	vld.idx.msk [tilespmem:v50+s20+$0x0], $0xffff;
	v10 =	vadd.f32 v10, v12  }
0x216: {  	v7 =	vmul.f32 v7, v37;
	v41 =	vld.idx.msk [tilespmem:v56+s22+$0x0], $0xffff;
	v56 =	vor.u32 $0x29, v2;
	v25 =	vadd.f32 v34, v25  }
0x217: {  	v62 =	vmul.f32 v44, v27;
	v50 =	vor.u32 $0x29, v3;
	v44 =	vld.idx.msk [tilespmem:v52+s22+$0x0], $0xffff;
	v10 =	vadd.f32 v57, v10  }
0x218: {  	v5 =	vmul.f32 v5, v54;
	v35 =	vld.idx.msk [tilespmem:v58+s22+$0x0], $0xffff;
	v58 =	vor.u32 $0x2B, v2;
	v25 =	vadd.f32 v59, v25  }
0x219: {  	v4 =	vmul.f32 v4, v49;
	v27 =	vld.idx.msk [tilespmem:v63+s22+$0x0], $0xffff;
	v63 =	vor.u32 $0x2A, v2;
	v10 =	vadd.f32 v62, v10  }
0x21a: {  	v43 =	vld.idx.msk [tilespmem:v43+s18+$0x0], $0xffff;
	v57 =	vmul.f32 v60, v45;
	v60 =	vor.u32 $0x2B, v1;
	v25 =	vadd.f32 v51, v25  }
0x21b: {  	v59 =	vmul.f32 v61, v45;
	v36 =	vld.idx.msk [tilespmem:v56+s20+$0x0], $0xffff;
	v56 =	vor.u32 $0x2B, v3;
	v10 =	vadd.f32 v53, v10  }
0x21c: {  	v0 =	vmul.f32 v0, v37;
	v26 =	vld.idx.msk [tilespmem:v50+s18+$0x0], $0xffff;
	v61 =	vor.u32 $0x2C, v3;
	v25 =	vadd.f32 v57, v25  }
0x21d: {  	v47 =	vor.u32 $0x32, v2;
	v62 =	vmul.f32 v55, v54;
	v12 =	vld.idx.msk [tilespmem:v58+s20+$0x0], $0xffff;
	v10 =	vadd.f32 v59, v10  }
0x21e: {  	v52 =	vor.u32 $0x2C, v1;
	v55 =	vor.u32 $0x2D, v2;
	v34 =	vld.idx.msk [tilespmem:v63+s20+$0x0], $0xffff;
	v5 =	vadd.f32 v5, v25  }
0x21f: {  	v54 =	vmul.f32 v9, v46;
	v58 =	vor.u32 $0x2E, v3;
	v9 =	vld.idx.msk [tilespmem:v60+s22+$0x0], $0xffff;
	v10 =	vadd.f32 v62, v10  }
0x220: {  	v45 =	vmul.f32 v28, v22;
	v53 =	vor.u32 $0x2D, v3;
	v25 =	vld.idx.msk [tilespmem:v56+s18+$0x0], $0xffff;
	v4 =	vadd.f32 v4, v5  }
0x221: {  	v63 =	vor.u32 $0x2C, v2;
	v56 =	vmul.f32 v24, v46;
	v24 =	vld.idx.msk [tilespmem:v61+s18+$0x0], $0xffff;
	v6 =	vadd.f32 v6, v10  }
0x222: {  	v50 =	vmul.f32 v29, v22;
	v46 =	vmul.f32 v16, v15;
	v16 =	vld.idx.msk [tilespmem:v47+s20+$0x0], $0xffff;
	v4 =	vadd.f32 v54, v4  }
0x223: {  	v57 =	vor.u32 $0x2D, v1;
	v62 =	vmul.f32 v21, v31;
	v21 =	vld.idx.msk [tilespmem:v55+s20+$0x0], $0xffff;
	v6 =	vadd.f32 v56, v6  }
0x224: {  	v60 =	vmul.f32 v20, v31;
	v59 =	vor.u32 $0x2E, v2;
	v22 =	vld.idx.msk [tilespmem:v58+s18+$0x0], $0xffff;
	v0 =	vadd.f32 v0, v4  }
0x225: {  	v61 =	vor.u32 $0x2E, v1;
	v20 =	vld.idx.msk [tilespmem:v53+s18+$0x0], $0xffff;
	v6 =	vadd.f32 v7, v6  }
0x226: {  	v49 =	vor.u32 $0x2F, v2;
	v37 =	vor.u32 $0x39, v1;
	v5 =	vld.idx.msk [tilespmem:v63+s20+$0x0], $0xffff;
	v0 =	vadd.f32 v60, v0  }
0x227: {  	v42 =	vmul.f32 v48, v15;
	v55 =	vor.u32 $0x30, v2;
	v10 =	vld.idx.msk [tilespmem:v52+s22+$0x0], $0xffff;
	v6 =	vadd.f32 v62, v6  }
0x228: {  	v63 =	vor.u32 $0x2F, v3;
	v28 =	vld.idx.msk [tilespmem:v57+s22+$0x0], $0xffff;
	v52 =	vmul.f32 v14, v19;
	v0 =	vadd.f32 v45, v0  }
0x229: {  	v51 =	vor.u32 $0x2F, v1;
	v14 =	vld.idx.msk [tilespmem:v59+s20+$0x0], $0xffff;
	v54 =	vmul.f32 v23, v19;
	v6 =	vadd.f32 v50, v6  }
0x22a: {  	v57 =	vor.u32 $0x30, v1;
	v19 =	vld.idx.msk [tilespmem:v61+s22+$0x0], $0xffff;
	v56 =	vmul.f32 v30, v11;
	v0 =	vadd.f32 v52, v0  }
0x22b: {  	v58 =	vmul.f32 v40, v11;
	v53 =	vor.u32 $0x30, v3;
	v11 =	vld.idx.msk [tilespmem:v49+s20+$0x0], $0xffff;
	v6 =	vadd.f32 v54, v6  }
0x22c: {  	v59 =	vor.u32 $0x31, v3;
	v23 =	vld.idx.msk [tilespmem:v55+s20+$0x0], $0xffff;
	v60 =	vmul.f32 v17, v8;
	v0 =	vadd.f32 v56, v0  }
0x22d: {  	v61 =	vor.u32 $0x31, v2;
	v30 =	vld.idx.msk [tilespmem:v63+s18+$0x0], $0xffff;
	v62 =	vmul.f32 v33, v8;
	v6 =	vadd.f32 v58, v6  }
0x22e: {  	v48 =	vmul.f32 v13, v38;
	v55 =	vor.u32 $0x33, v1;
	v17 =	vld.idx.msk [tilespmem:v51+s22+$0x0], $0xffff;
	v0 =	vadd.f32 v60, v0  }
0x22f: {  	v47 =	vor.u32 $0x36, v2;
	v63 =	vor.u32 $0x31, v1;
	v15 =	vld.idx.msk [tilespmem:v57+s22+$0x0], $0xffff;
	v6 =	vadd.f32 v62, v6  }
0x230: {  	v49 =	vor.u32 $0x32, v1;
	v8 =	vld.idx.msk [tilespmem:v53+s18+$0x0], $0xffff;
	v53 =	vor.u32 $0x33, v2;
	v0 =	vadd.f32 v42, v0  }
0x231: {  	v13 =	vld.idx.msk [tilespmem:v59+s18+$0x0], $0xffff;
	v45 =	vor.u32 $0x32, v3;
	v50 =	vmul.f32 v41, v38;
	v6 =	vadd.f32 v46, v6  }
0x232: {  	v40 =	vmul.f32 v12, v25;
	v29 =	vld.idx.msk [tilespmem:v61+s20+$0x0], $0xffff;
	v52 =	vmul.f32 v32, v18;
	v0 =	vadd.f32 v48, v0  }
0x233: {  	v51 =	vor.u32 $0x33, v3;
	v12 =	vld.idx.msk [tilespmem:v55+s22+$0x0], $0xffff;
	v54 =	vmul.f32 v27, v18;
	v6 =	vadd.f32 v50, v6  }
0x234: {  	v59 =	vor.u32 $0x34, v2;
	v32 =	vld.idx.msk [tilespmem:v63+s22+$0x0], $0xffff;
	v56 =	vmul.f32 v36, v26;
	v0 =	vadd.f32 v52, v0  }
0x235: {  	v57 =	vor.u32 $0x34, v3;
	v33 =	vld.idx.msk [tilespmem:v53+s20+$0x0], $0xffff;
	v58 =	vmul.f32 v35, v26;
	v6 =	vadd.f32 v54, v6  }
0x236: {  	v61 =	vor.u32 $0x34, v1;
	v18 =	vld.idx.msk [tilespmem:v45+s18+$0x0], $0xffff;
	v60 =	vmul.f32 v34, v43;
	v0 =	vadd.f32 v56, v0  }
0x237: {  	v63 =	vor.u32 $0x35, v3;
	v26 =	vld.idx.msk [tilespmem:v49+s22+$0x0], $0xffff;
	v62 =	vmul.f32 v44, v43;
	v6 =	vadd.f32 v58, v6  }
0x238: {  	v41 =	vor.u32 $0x35, v2;
	v34 =	vld.idx.msk [tilespmem:v51+s18+$0x0], $0xffff;
	v43 =	vor.u32 $0x35, v1;
	v0 =	vadd.f32 v60, v0  }
0x239: {  	v44 =	vmul.f32 v5, v24;
	v5 =	vld.idx.msk [tilespmem:v59+s20+$0x0], $0xffff;
	v42 =	vmul.f32 v9, v25;
	v6 =	vadd.f32 v62, v6  }
0x23a: {  	v55 =	vor.u32 $0x37, v1;
	v45 =	vor.u32 $0x36, v3;
	v9 =	vld.idx.msk [tilespmem:v57+s18+$0x0], $0xffff;
	v0 =	vadd.f32 v40, v0  }
0x23b: {  	v53 =	vor.u32 $0x37, v2;
	v46 =	vmul.f32 v10, v24;
	v10 =	vld.idx.msk [tilespmem:v61+s22+$0x0], $0xffff;
	v6 =	vadd.f32 v42, v6  }
0x23c: {  	v57 =	vor.u32 $0x38, v3;
	v48 =	vmul.f32 v21, v20;
	v21 =	vld.idx.msk [tilespmem:v63+s18+$0x0], $0xffff;
	v0 =	vadd.f32 v44, v0  }
0x23d: {  	v49 =	vor.u32 $0x36, v1;
	v50 =	vmul.f32 v28, v20;
	v20 =	vld.idx.msk [tilespmem:v41+s20+$0x0], $0xffff;
	v6 =	vadd.f32 v46, v6  }
0x23e: {  	v61 =	vor.u32 $0x38, v1;
	v52 =	vmul.f32 v14, v22;
	v14 =	vld.idx.msk [tilespmem:v43+s22+$0x0], $0xffff;
	v0 =	vadd.f32 v48, v0  }
0x23f: {  	v31 =	vmul.f32 v29, v13;
	v54 =	vmul.f32 v19, v22;
	v19 =	vld.idx.msk [tilespmem:v45+s18+$0x0], $0xffff;
	v6 =	vadd.f32 v50, v6  }
0x240: {  	v51 =	vor.u32 $0x37, v3;
	v22 =	vld.idx.msk [tilespmem:v55+s22+$0x0], $0xffff;
	v56 =	vmul.f32 v11, v30;
	v0 =	vadd.f32 v52, v0  }
0x241: {  	v36 =	vmul.f32 v32, v13;
	v13 =	vld.idx.msk [tilespmem:v57+s18+$0x0], $0xffff;
	v58 =	vmul.f32 v17, v30;
	v6 =	vadd.f32 v54, v6  }
0x242: {  	v35 =	vor.u32 $0x39, v2;
	v11 =	vld.idx.msk [tilespmem:v47+s20+$0x0], $0xffff;
	v60 =	vmul.f32 v23, v8;
	v0 =	vadd.f32 v56, v0  }
0x243: {  	v63 =	vor.u32 $0x39, v3;
	v43 =	vld.idx.msk [tilespmem:v61+s22+$0x0], $0xffff;
	v62 =	vmul.f32 v15, v8;
	v6 =	vadd.f32 v58, v6  }
0x244: {  	v59 =	vor.u32 $0x38, v2;
	v38 =	vmul.f32 v16, v18;
	v17 =	vld.idx.msk [tilespmem:v49+s22+$0x0], $0xffff;
	v0 =	vadd.f32 v60, v0  }
0x245: {  	v41 =	vor.u32 $0x3A, v3;
	v55 =	vor.u32 $0x3B, v1;
	v23 =	vld.idx.msk [tilespmem:v51+s18+$0x0], $0xffff;
	v6 =	vadd.f32 v62, v6  }
0x246: {  	v45 =	vmul.f32 v33, v34;
	v49 =	vor.u32 $0x3B, v3;
	v51 =	vld.idx.msk [tilespmem:v37+s22+$0x0], $0xffff;
	v0 =	vadd.f32 v31, v0  }
0x247: {  	v47 =	vmul.f32 v12, v34;
	v8 =	vld.idx.msk [tilespmem:v53+s20+$0x0], $0xffff;
	v42 =	vmul.f32 v26, v18;
	v6 =	vadd.f32 v36, v6  }
0x248: {  	v61 =	vor.u32 $0x3C, v2;
	v15 =	vld.idx.msk [tilespmem:v63+s18+$0x0], $0xffff;
	v44 =	vor.u32 $0x3A, v2;
	v0 =	vadd.f32 v38, v0  }
0x249: {  	v34 =	vor.u32 $0x3D, v2;
	v53 =	vmul.f32 v10, v9;
	v40 =	vld.idx.msk [tilespmem:v59+s20+$0x0], $0xffff;
	v6 =	vadd.f32 v42, v6  }
0x24a: {  	v33 =	vld.idx.msk [tilespmem:v55+s22+$0x0], $0xffff;
	v46 =	vor.u32 $0x3A, v1;
	v50 =	vmul.f32 v5, v9;
	v0 =	vadd.f32 v45, v0  }
0x24b: {  	v59 =	vmul.f32 v14, v21;
	v63 =	vld.idx.msk [tilespmem:v49+s18+$0x0], $0xffff;
	v52 =	vor.u32 $0x3B, v2;
	v6 =	vadd.f32 v47, v6  }
0x24c: {  	v54 =	vld.idx.msk [tilespmem:v41+s18+$0x0], $0xffff;
	v41 =	vor.u32 $0x3E, v3;
	v56 =	vmul.f32 v20, v21;
	v0 =	vadd.f32 v50, v0  }
0x24d: {  	v57 =	vld.idx.msk [tilespmem:v44+s20+$0x0], $0xffff;
	v44 =	vor.u32 $0x3E, v2;
	v2 =	vor.u32 $0x3F, v2;
	v6 =	vadd.f32 v53, v6  }
0x24e: {  	v48 =	vld.idx.msk [tilespmem:v35+s20+$0x0], $0xffff;
	v58 =	vor.u32 $0x3C, v3;
	v62 =	vmul.f32 v11, v19;
	v0 =	vadd.f32 v56, v0  }
0x24f: {  	v29 =	vmul.f32 v17, v19;
	v60 =	vld.idx.msk [tilespmem:v46+s22+$0x0], $0xffff;
	v6 =	vadd.f32 v59, v6  }
0x250: {  	v28 =	vor.u32 $0x3C, v1;
	v32 =	vmul.f32 v8, v23;
	v30 =	vld.idx.msk [tilespmem:v52+s20+$0x0], $0xffff;
	v0 =	vadd.f32 v62, v0  }
0x251: {  	v35 =	vmul.f32 v22, v23;
	v52 =	vld.idx.msk [tilespmem:v41+s18+$0x0], $0xffff;
	v6 =	vadd.f32 v29, v6  }
0x252: {  	v31 =	vor.u32 $0x3D, v3;
	v2 =	vld.idx.msk [tilespmem:v2+s20+$0x0], $0xffff;
	v38 =	vmul.f32 v40, v13;
	v0 =	vadd.f32 v32, v0  }
0x253: {  	v37 =	vor.u32 $0x3D, v1;
	v36 =	vld.idx.msk [tilespmem:v58+s18+$0x0], $0xffff;
	v42 =	vmul.f32 v43, v13;
	v6 =	vadd.f32 v35, v6  }
0x254: {  	v40 =	vld.idx.msk [tilespmem:v61+s20+$0x0], $0xffff;
	v45 =	vmul.f32 v48, v15;
	v0 =	vadd.f32 v38, v0  }
0x255: {  	v5 =	vmul.f32 v51, v15;
	v43 =	vld.idx.msk [tilespmem:v28+s22+$0x0], $0xffff;
	v47 =	vor.u32 $0x3E, v1;
	v6 =	vadd.f32 v42, v6  }
0x256: {  	v3 =	vor.u32 $0x3F, v3;
	v49 =	vmul.f32 v57, v54;
	v48 =	vld.idx.msk [tilespmem:v34+s20+$0x0], $0xffff;
	v0 =	vadd.f32 v45, v0  }
0x257: {  	v51 =	vmul.f32 v60, v54;
	v46 =	vld.idx.msk [tilespmem:v31+s18+$0x0], $0xffff;
	v1 =	vor.u32 $0x3F, v1;
	v5 =	vadd.f32 v5, v6  }
0x258: {  	v50 =	vld.idx.msk [tilespmem:v37+s22+$0x0], $0xffff;
	v53 =	vmul.f32 v30, v63;
	v0 =	vadd.f32 v49, v0  }
0x259: {  	v55 =	vmul.f32 v33, v63;
	v54 =	vld.idx.msk [tilespmem:v44+s20+$0x0], $0xffff;
	v5 =	vadd.f32 v51, v5  }
0x25a: {  	v57 =	vmul.f32 v40, v36;
	v56 =	vld.idx.msk [tilespmem:v47+s22+$0x0], $0xffff;
	v0 =	vadd.f32 v53, v0  }
0x25b: {  	v3 =	vld.idx.msk [tilespmem:v3+s18+$0x0], $0xffff;
	v58 =	vmul.f32 v43, v36;
	v5 =	vadd.f32 v55, v5  }
0x25c: {  	v59 =	vmul.f32 v48, v46;
	v1 =	vld.idx.msk [tilespmem:v1+s22+$0x0], $0xffff;
	v0 =	vadd.f32 v57, v0  }
0x25d: {  	v60 =	vmul.f32 v50, v46;
	v5 =	vadd.f32 v58, v5  }
0x25e: {  	v61 =	vmul.f32 v54, v52;
	v0 =	vadd.f32 v59, v0  }
0x25f: {  	v62 =	vmul.f32 v56, v52;
	v5 =	vadd.f32 v60, v5  }
0x260: {  	p0 =	sne.s32 s14, $0xF0;
	v2 =	vmul.f32 v2, v3;
	v0 =	vadd.f32 v61, v0  }
.Ltmp3:
0x261: {  	v1 =	vmul.f32 v1, v3;
	v63 =	vadd.f32 v62, v5;
	(pc) =	sbr.rel @p0 .LBB2_8-.Ltmp3, $4  }
0x262: {  	v0 =	vadd.f32 v2, v0  }
0x263: {  	v1 =	vadd.f32 v1, v63  }
0x264: {  	s21 =	sadd.s32 $0x10, s21;
	s23 =	sadd.s32 $0x10, s23;
	s25 =	sadd.s32 $0x10, s25;
	[tilespmem:s19+$0x0] =	vst v0  }
0x265: {  	s14 =	sadd.s32 $0x10, s14;
	s19 =	sadd.s32 $0x10, s19;
	[tilespmem:s17+$0x0] =	vst v1;
	s17 =	sadd.s32 $0x10, s17  }
0x266: {  	s14 =	simm.s32 $0xD00  }
0x267: {  	[tilespmem:s20], [sflag:$0x2] =	stream.indirect.gather [hbm4b:s5+s16], $0x80, s14, s16, $0xb8;
	[tilespmem:$0x19400] =	vst v63  }
0x268: {  	s21 =	simm.s32 $0xD80  }
0x269: {  	[tilespmem:s26], [sflag:$0x2] =	stream.indirect.gather [hbm4b:s5+s16], $0x80, s21, s16, $0xb8;
	[tilespmem:$0x19400] =	vst v63  }
0x26a: {  	_ =	swait.ge [sflag:s30], $0x4000  }
0x26b: {  	[sflag:s30] =	ssyncset.done $0x0  }
0x26c: {  	[sflag:s30] =	ssyncadd.s32 $0xFFFFC000  }
0x26d: {  	_ =	swait.ge [sflag:s30], $0x4000  }
0x26e: {  	[sflag:s30] =	ssyncset.done $0x0  }
0x26f: {  	s23 =	simm.s32 $0x100;
	[sflag:s30] =	ssyncadd.s32 $0xFFFFC000  }
0x270: {  	v0 =	vld [tilespmem:s23+$0x0];
	_ =	sdelay $0x1  }
0x271: {  	s25 =	simm.s32 $0x0  }
0x272: {  	v1 =	vmov s25  }
0x273: {  	v1 =	vshll.u32 v1, $0x7  }
0x274: {  	s17 =	simm.s32 $0x19300;
	v1 =	vor.u32 v39, v1;
	v0 =	vand.u32 $0x7F, v0  }
0x275: {  	s14 =	simm.s32 $0x19100;
	v2 =	vld [tilespmem:s17+$0x0];
	v0 =	vor.u32 v1, v0  }
0x276: {  	v1 =	vld [tilespmem:s14+$0x0];
	_ =	sdelay $0x3  }
0x277: {  	v0 =	vld.idx.msk [tilespmem:v0+s20+$0x0], $0xffff  }
0x278: {  	v1 =	vadd.f32 v2, v1;
	_ =	sdelay $0x1  }
0x279: {  	v1 =	vmul.f32 $5.000000000e-01, v1;
	_ =	sdelay $0x1  }
0x27a: {  	v0 =	vadd.f32 v1, v0  }
0x27b: {  	s19 =	simm.s32 $0x18F00  }
0x27c: {  	s21 =	simm.s32 $0x110;
	[tilespmem:s19+$0x0] =	vst v0  }
0x27d: {  	s25 =	simm.s32 $0x20;
	s23 =	simm.s32 $0x10;
	v1 =	vld [tilespmem:s21+$0x0]  }
.LBB2_10:
0x27e: {  	p0 =	sne.s32 s25, $0xF0;
	_ =	sdelay $0x1  }
0x27f: {  	v0 =	vmov s23;
	s23 =	smov.u32 s25  }
0x280: {  	v0 =	vshll.u32 v0, $0x7  }
0x281: {  	v0 =	vor.u32 v39, v0;
	v1 =	vand.u32 $0x7F, v1  }
0x282: {  	s14 =	sadd.s32 $0x10, s14;
	v0 =	vor.u32 v0, v1  }
0x283: {  	s17 =	sadd.s32 $0x10, s17;
	v1 =	vld [tilespmem:s14+$0x0]  }
0x284: {  	v2 =	vld [tilespmem:s17+$0x0];
	_ =	sdelay $0x2  }
0x285: {  	v0 =	vld.idx.msk [tilespmem:v0+s20+$0x0], $0xffff;
	_ =	sdelay $0x1  }
0x286: {  	v1 =	vadd.f32 v2, v1;
	_ =	sdelay $0x1  }
0x287: {  	v1 =	vmul.f32 $5.000000000e-01, v1  }
.Ltmp4:
0x288: {  	(pc) =	sbr.rel @p0 .LBB2_10-.Ltmp4, $4  }
0x289: {  	v0 =	vadd.f32 v1, v0  }
0x28a: {  	s19 =	sadd.s32 $0x10, s19  }
0x28b: {  	s21 =	sadd.s32 $0x10, s21;
	[tilespmem:s19+$0x0] =	vst v0  }
0x28c: {  	s25 =	sadd.s32 $0x10, s25;
	v1 =	vld [tilespmem:s21+$0x0]  }
0x28d: {  	_ =	sdelay $0x1  }
0x28e: {  	v0 =	vmov s23  }
0x28f: {  	v0 =	vshll.u32 v0, $0x7  }
0x290: {  	s14 =	sadd.s32 $0x10, s14;
	v0 =	vor.u32 v39, v0;
	v1 =	vand.u32 $0x7F, v1  }
0x291: {  	s23 =	sadd.s32 $0x10, s17;
	v63 =	vld [tilespmem:s14+$0x0];
	v0 =	vor.u32 v0, v1  }
0x292: {  	v2 =	vld [tilespmem:s23+$0x0];
	_ =	sdelay $0x3  }
0x293: {  	v0 =	vld.idx.msk [tilespmem:v0+s20+$0x0], $0xffff  }
0x294: {  	v1 =	vadd.f32 v2, v63;
	_ =	sdelay $0x1  }
0x295: {  	v1 =	vmul.f32 $5.000000000e-01, v1;
	_ =	sdelay $0x1  }
0x296: {  	v0 =	vadd.f32 v1, v0  }
0x297: {  	s25 =	sadd.s32 $0x10, s19  }
0x298: {  	[tilespmem:s25+$0x0] =	vst v0  }
0x299: {  	[hbm4b:s9+s1] =	stream.linear.scatter [tilespmem:s28], [sflag:$0x3], $0x200, $0x38;
	[tilespmem:$0x19400] =	vst v63  }
0x29a: {  	_ =	swait.ge [sflag:s31], $0x200  }
0x29b: {  	[sflag:s31] =	ssyncset.done $0x0  }
0x29c: {  	[sflag:s31] =	ssyncadd.s32 $0xFFFFFE00  }
0x29d: {  	[hbm4b:s10+s1] =	stream.linear.scatter [tilespmem:s0], [sflag:$0x3], $0x200, $0x38;
	[tilespmem:$0x19400] =	vst v63  }
0x29e: {  	s13 =	sadd.s32 $0x1, s13;
	_ =	swait.ge [sflag:s31], $0x200  }
0x29f: {  	p0 =	sne.s32 s13, s12;
	[sflag:s31] =	ssyncset.done $0x0  }
.Ltmp5:
0x2a0: {  	[sflag:s31] =	ssyncadd.s32 $0xFFFFFE00;
	(pc) =	sbr.rel @p0 .LBB2_1-.Ltmp5, $4  }
0x2a1: {  	[hbm4b:s11+s1] =	stream.linear.scatter [tilespmem:s2], [sflag:$0x3], $0x200, $0x38;
	[tilespmem:$0x19400] =	vst v63  }
0x2a2: {  	_ =	swait.ge [sflag:s31], $0x200  }
0x2a3: {  	[sflag:s31] =	ssyncset.done $0x0  }
0x2a4: {  	[sflag:s31] =	ssyncadd.s32 $0xFFFFFE00  }
0x2a5: {  	_ =	sfence.sel $0x180000  }
0x2a6: {  	[bflag:$0x0] =	sbarrier.arrive $0xFFFF  }
0x2a7: {  	_ =	strace $0x90000047  }
0x2a8: {  	s0 =	stileid.u32;
	[bflag:$0x2] =	sbarrier.arrive $0xFFFF  }
0x2a9: {  	p0 =	sne.s32 s0, $0x0;
	s0 =	rddreg [dreg:$0x4]  }
0x2aa: {  	s0 =	sadd.s32 @!p0 $0x100000, s0  }
0x2ab: {  	[sflag:s0] =	ssyncadd.tile.s32 @!p0 $0x1;
	_ =	shalt  }
.Lfunc_end2:
_tile_overlayer_lowered:
.L_overlay_start_2:
0x2ac: {  	(tag) =	ssettag $0x2  }
0x2ad: {  	s0 =	rddreg [dreg:$0x0];
	s2 =	stileid.u32  }
0x2ae: {  	s1 =	rddreg [dreg:$0x1];
	p0 =	sne.s32 s2, $0x0  }
0x2af: {  	s3 =	rddreg [dreg:$0x2];
	[bflag:$0x3] =	sbarrier.arrive $0xFFFF;
	s2 =	simm.s32 @!p0 $0x1C03  }
0x2b0: {  	[timem:s3], [sflag:s2] =	dma.local @!p0 [hbm:s0], s1  }
0x2b1: {  	s0 =	simm.s32 @!p0 $0x3  }
0x2b2: {  	_ =	swait.ge @!p0 [sflag:s0], s1  }
0x2b3: {  	s1 =	ssub.s32 @!p0 $0x0, s1;
	[sflag:s0] =	ssyncset.done @!p0 $0x0  }
0x2b4: {  	[sflag:s0] =	ssyncadd.s32 @!p0 s1  }
0x2b5: {  	[bflag:$0x3] =	sbarrier.arrive $0xFFFF  }
0x2b6: {  	_ =	shalt  }

</sc_bundles>
